<compile_context>
chip_gen: v7x
topology: tpu7x:2x2x1
jax: 0.10.2.dev20260603
libtpu: 0.0.44.dev20260713+nightly
codegen_flags: <defaults>
</compile_context>

<pallas_src>
import functools

import jax
import jax.numpy as jnp
from jax import lax
from jax.experimental import pallas as pl
from jax.experimental.pallas import tpu as pltpu
from jax.experimental.pallas import tpu_sc as plsc

NC = 2
NS = 16
NW = NC * NS

NQ = 4
ND = 8
L = 16
BT = 128
NBUF = 2


def _embed_t(indices_t, table_t_flat, T, D, Bb):
    BQ = Bb // NQ
    NT = BQ // BT
    assert D == NW // NQ * ND

    mesh = plsc.VectorSubcoreMesh(core_axis_name="c", subcore_axis_name="s")

    @functools.partial(
        pl.kernel,
        mesh=mesh,
        out_type=jax.ShapeDtypeStruct((T, D // ND, Bb // BT, ND, BT),
                                      jnp.float32),
        scratch_types=[
            [pltpu.VMEM((BQ,), jnp.int32) for _ in range(NBUF)],
            [pltpu.VMEM((NT, ND, BT), jnp.float32) for _ in range(NBUF)],
            pltpu.VMEM((D * 128,), jnp.float32),
            [pltpu.SemaphoreType.DMA for _ in range(NBUF)],
            [pltpu.SemaphoreType.DMA for _ in range(NBUF)],
        ],
        compiler_params=pltpu.CompilerParams(
            use_tc_tiling_on_sc=False, needs_layout_passes=False
        ),
    )
    def k(idx_hbm, tab_hbm, out_hbm, idx_v, rows_v, tab_v, sem_idx, sem_out):
        wid = lax.axis_index("s") * NC + lax.axis_index("c")
        dt = wid // NQ
        q = wid % NQ
        b0 = q * BQ
        dbias = dt * (ND * 128)

        pltpu.sync_copy(tab_hbm, tab_v)

        def idx_copy(t, b):
            return pltpu.make_async_copy(
                idx_hbm.at[t, pl.ds(b0, BQ)], idx_v[b], sem_idx[b]
            )

        def out_copy(t, b):
            return pltpu.make_async_copy(
                rows_v[b],
                out_hbm.at[t, dt, pl.ds(q * NT, NT)],
                sem_out[b],
            )

        for b in range(NBUF):
            idx_copy(b, b).start()

        def body(g, _):
            for b in range(NBUF):
                t = g * NBUF + b
                idx_copy(t, b).wait()

                @pl.when(g > 0)
                def _reuse():
                    out_copy(t - NBUF, b).wait()

                @plsc.parallel_loop(0, NT)
                def gather(bt):
                    base = bt * BT
                    addr = [
                        idx_v[b][pl.ds(base + i * L, L)] + dbias
                        for i in range(BT // L)
                    ]
                    for j in range(ND):
                        for i in range(BT // L):
                            val = plsc.load_gather(tab_v, [addr[i]])
                            rows_v[b][bt, j, pl.ds(i * L, L)] = val
                            addr[i] = addr[i] + 128

                out_copy(t, b).start()
                tn = jnp.minimum(t + NBUF, T - 1)
                idx_copy(tn, b).start()
            return ()

        lax.fori_loop(0, T // NBUF, body, (), unroll=False)

        for b in range(NBUF):
            idx_copy(0, b).wait()
            out_copy(T - NBUF + b, b).wait()

    return k(indices_t, table_t_flat)


def kernel(indices, table):
    Bb, T = indices.shape
    V, D = table.shape
    indices_t = indices.T
    table_t = jnp.zeros((D, 128), table.dtype).at[:, :V].set(table.T)
    out5 = _embed_t(indices_t, table_t.reshape(-1), T, D, Bb)
    return out5.transpose(2, 4, 0, 1, 3).reshape(Bb, T, D)

# --- scband reference (transcript-rebuilt; emitter-appended) ---
"""Pipeline reference for scband-char-encoding-64544768524759 (READ-ONLY COPY).

The authoritative reference and input builder live on the scoring server;
editing this copy changes nothing except your own understanding.
"""

import jax, jax.numpy as jnp
import numpy as np

def setup_inputs(seed: int = 0) -> dict:
    key = jax.random.key(seed)
    k_idx, k_tab = jax.random.split(key)
    indices = jax.random.randint(k_idx, (16384, 200), 0, 128, dtype=jnp.int64 if jax.config.read('jax_enable_x64') else jnp.int32)
    table = jax.random.normal(k_tab, (128, 64), dtype=jnp.float32)
    return {"indices": indices, "table": table}

def reference(indices, table):
    # CharEncoding.embed_batch core: nn.Embedding lookup table[indices]
    return jnp.take(table, indices, axis=0)

if __name__ == "__main__":
    import jax
    _d = setup_inputs()
    print(jax.jit(kernel)(*tuple(_d.values())))

</pallas_src>

<mosaic_0001>
#map = affine_map<(d0, d1) -> (0, 0)>
#map1 = affine_map<(d0, d1) -> (0)>
#map2 = affine_map<(d0, d1) -> (0, 0, 0, 0, 0)>
module attributes {stable_mosaic.version = 14 : i64} {
  func.func @k(%arg0: i32, %arg1: i32, %arg2: memref<200x16384xi32, #tpu.memory_space<hbm>>, %arg3: memref<8192xf32, #tpu.memory_space<hbm>>, %arg4: memref<200x8x128x8x128xf32, #tpu.memory_space<hbm>>, %arg5: memref<4096xi32, #tpu.memory_space<vmem>>, %arg6: memref<4096xi32, #tpu.memory_space<vmem>>, %arg7: memref<32x8x128xf32, #tpu.memory_space<vmem>>, %arg8: memref<32x8x128xf32, #tpu.memory_space<vmem>>, %arg9: memref<8192xf32, #tpu.memory_space<vmem>>, %arg10: memref<!tpu.dma_semaphore, #tpu.memory_space<semaphore_mem>>, %arg11: memref<!tpu.dma_semaphore, #tpu.memory_space<semaphore_mem>>, %arg12: memref<!tpu.dma_semaphore, #tpu.memory_space<semaphore_mem>>, %arg13: memref<!tpu.dma_semaphore, #tpu.memory_space<semaphore_mem>>) attributes {dimension_semantics = [#tpu.dimension_semantics<core_parallel>, #tpu.dimension_semantics<subcore_parallel>], iteration_bounds = array<i64: 2, 16>, scalar_prefetch = 0 : i64, scratch_operands = 9 : i64, tpu.core_type = #tpu.core_type<sc_vector_subcore>, window_params = [{transform_indices = #map}, {transform_indices = #map1}, {transform_indices = #map2}]} {
    %mul3A = arith.constant 2 : i32
    %mul3A_0 = arith.muli %arg1, %mul3A : i32
    %add3A = arith.addi %mul3A_0, %arg0 : i32
    %jit3A = arith.constant 4 : i32
    %div3A = arith.divsi %add3A, %jit3A : i32
    %sign3A = arith.constant 0 : i32
    %sign3A_1 = arith.cmpi sgt, %add3A, %sign3A : i32
    %sign3A_2 = arith.extui %sign3A_1 : i1 to i32
    %sign3A_3 = arith.constant 0 : i32
    %sign3A_4 = arith.cmpi slt, %add3A, %sign3A_3 : i32
    %sign3A_5 = arith.extui %sign3A_4 : i1 to i32
    %sign3A_6 = arith.subi %sign3A_2, %sign3A_5 : i32
    %sign3A_7 = arith.constant 0 : i32
    %sign3A_8 = arith.cmpi sgt, %jit3A, %sign3A_7 : i32
    %sign3A_9 = arith.extui %sign3A_8 : i1 to i32
    %sign3A_10 = arith.constant 0 : i32
    %sign3A_11 = arith.cmpi slt, %jit3A, %sign3A_10 : i32
    %sign3A_12 = arith.extui %sign3A_11 : i1 to i32
    %sign3A_13 = arith.subi %sign3A_9, %sign3A_12 : i32
    %ne3A = arith.cmpi ne, %sign3A_6, %sign3A_13 : i32
    %rem3A = arith.remsi %add3A, %jit3A : i32
    %ne3A_14 = arith.constant 0 : i32
    %ne3A_15 = arith.cmpi ne, %rem3A, %ne3A_14 : i32
    %and3A = arith.andi %ne3A, %ne3A_15 : i1
    %sub3A = arith.constant 1 : i32
    %sub3A_16 = arith.subi %div3A, %sub3A : i32
    %select_n3A = arith.select %and3A, %sub3A_16, %div3A : i32
    %jit3A_17 = arith.constant 4 : i32
    %eq3A = arith.constant 0 : i32
    %eq3A_18 = arith.cmpi eq, %jit3A_17, %eq3A : i32
    %jit3A_19 = arith.constant 1 : i32
    %select_n3A_20 = arith.select %eq3A_18, %jit3A_19, %jit3A_17 : i32
    %rem3A_21 = arith.remsi %add3A, %select_n3A_20 : i32
    %ne3A_22 = arith.constant 0 : i32
    %ne3A_23 = arith.cmpi ne, %rem3A_21, %ne3A_22 : i32
    %lt3A = arith.constant 0 : i32
    %lt3A_24 = arith.cmpi slt, %rem3A_21, %lt3A : i32
    %lt3A_25 = arith.constant 0 : i32
    %lt3A_26 = arith.cmpi slt, %select_n3A_20, %lt3A_25 : i32
    %ne3A_27 = arith.xori %lt3A_24, %lt3A_26 : i1
    %and3A_28 = arith.andi %ne3A_27, %ne3A_23 : i1
    %add3A_29 = arith.addi %rem3A_21, %select_n3A_20 : i32
    %select_n3A_30 = arith.select %and3A_28, %add3A_29, %rem3A_21 : i32
    %mul3A_31 = arith.constant 4096 : i32
    %mul3A_32 = arith.muli %select_n3A_30, %mul3A_31 : i32
    %mul3A_33 = arith.constant 1024 : i32
    %mul3A_34 = arith.muli %select_n3A, %mul3A_33 : i32
    "tpu.region"() ({
      %run_scoped3A = tpu.sem_alloc : memref<!tpu.dma_semaphore, #tpu.memory_space<semaphore_mem>>
      tpu.enqueue_dma source(%arg3 : memref<8192xf32, #tpu.memory_space<hbm>>) target(%arg9 : memref<8192xf32, #tpu.memory_space<vmem>>) target_semaphore(%run_scoped3A : memref<!tpu.dma_semaphore, #tpu.memory_space<semaphore_mem>>)
      tpu.wait_dma2 semaphore(%run_scoped3A : memref<!tpu.dma_semaphore, #tpu.memory_space<semaphore_mem>>) src(%arg3 : memref<8192xf32, #tpu.memory_space<hbm>>) dst(%arg9 : memref<8192xf32, #tpu.memory_space<vmem>>)
      tpu.yield
    }) : () -> ()
    %dma_start3A = arith.constant 0 : i32
    %dma_start3A_35 = tpu.memref_slice %arg2[%dma_start3A, %mul3A_32] : memref<200x16384xi32, #tpu.memory_space<hbm>> -> memref<1x4096xi32, #tpu.memory_space<hbm>>
    %dma_start3A_36 = tpu.memref_squeeze %dma_start3A_35 : memref<1x4096xi32, #tpu.memory_space<hbm>> -> memref<4096xi32, #tpu.memory_space<hbm>>
    %dma_start3A_37 = tpu.memref_slice %arg2[%dma_start3A, %mul3A_32] : memref<200x16384xi32, #tpu.memory_space<hbm>> -> memref<1x4096xi32, #tpu.memory_space<hbm>>
    %dma_start3A_38 = tpu.memref_squeeze %dma_start3A_37 : memref<1x4096xi32, #tpu.memory_space<hbm>> -> memref<4096xi32, #tpu.memory_space<hbm>>
    tpu.enqueue_dma source(%dma_start3A_38 : memref<4096xi32, #tpu.memory_space<hbm>>) target(%arg5 : memref<4096xi32, #tpu.memory_space<vmem>>) target_semaphore(%arg10 : memref<!tpu.dma_semaphore, #tpu.memory_space<semaphore_mem>>)
    %dma_start3A_39 = arith.constant 1 : i32
    %dma_start3A_40 = tpu.memref_slice %arg2[%dma_start3A_39, %mul3A_32] : memref<200x16384xi32, #tpu.memory_space<hbm>> -> memref<1x4096xi32, #tpu.memory_space<hbm>>
    %dma_start3A_41 = tpu.memref_squeeze %dma_start3A_40 : memref<1x4096xi32, #tpu.memory_space<hbm>> -> memref<4096xi32, #tpu.memory_space<hbm>>
    %dma_start3A_42 = tpu.memref_slice %arg2[%dma_start3A_39, %mul3A_32] : memref<200x16384xi32, #tpu.memory_space<hbm>> -> memref<1x4096xi32, #tpu.memory_space<hbm>>
    %dma_start3A_43 = tpu.memref_squeeze %dma_start3A_42 : memref<1x4096xi32, #tpu.memory_space<hbm>> -> memref<4096xi32, #tpu.memory_space<hbm>>
    tpu.enqueue_dma source(%dma_start3A_43 : memref<4096xi32, #tpu.memory_space<hbm>>) target(%arg6 : memref<4096xi32, #tpu.memory_space<vmem>>) target_semaphore(%arg11 : memref<!tpu.dma_semaphore, #tpu.memory_space<semaphore_mem>>)
    %scan3A = arith.constant 0 : i32
    %scan3A_44 = arith.constant 100 : i32
    %scan3A_45 = arith.addi %scan3A, %scan3A_44 : i32
    %scan3A_46 = arith.constant 1 : i32
    scf.for %scan3A_79 = %scan3A to %scan3A_45 step %scan3A_46  : i32 {
      %mul3A_80 = arith.constant 2 : i32
      %mul3A_81 = arith.muli %scan3A_79, %mul3A_80 : i32
      %add3A_82 = arith.constant 0 : i32
      %add3A_83 = arith.addi %mul3A_81, %add3A_82 : i32
      %dma_wait3A_84 = tpu.memref_slice %arg2[%add3A_83, %mul3A_32] : memref<200x16384xi32, #tpu.memory_space<hbm>> -> memref<1x4096xi32, #tpu.memory_space<hbm>>
      %dma_wait3A_85 = tpu.memref_squeeze %dma_wait3A_84 : memref<1x4096xi32, #tpu.memory_space<hbm>> -> memref<4096xi32, #tpu.memory_space<hbm>>
      %dma_wait3A_86 = tpu.memref_slice %arg2[%add3A_83, %mul3A_32] : memref<200x16384xi32, #tpu.memory_space<hbm>> -> memref<1x4096xi32, #tpu.memory_space<hbm>>
      %dma_wait3A_87 = tpu.memref_squeeze %dma_wait3A_86 : memref<1x4096xi32, #tpu.memory_space<hbm>> -> memref<4096xi32, #tpu.memory_space<hbm>>
      tpu.wait_dma2 semaphore(%arg10 : memref<!tpu.dma_semaphore, #tpu.memory_space<semaphore_mem>>) src(%dma_wait3A_87 : memref<4096xi32, #tpu.memory_space<hbm>>) dst(%arg5 : memref<4096xi32, #tpu.memory_space<vmem>>)
      %gt3A = arith.constant 0 : i32
      %gt3A_88 = arith.cmpi sgt, %scan3A_79, %gt3A : i32
      %convert_element_type3A = arith.extui %gt3A_88 : i1 to i32
      %cond3A = arith.constant 0 : i32
      %cond3A_89 = arith.cmpi ne, %convert_element_type3A, %cond3A : i32
      scf.if %cond3A_89 {
        %sub3A_143 = arith.constant 2 : i32
        %sub3A_144 = arith.subi %add3A_83, %sub3A_143 : i32
        %mul3A_145 = arith.constant 32 : i32
        %mul3A_146 = arith.muli %select_n3A_30, %mul3A_145 : i32
        %dma_wait3A_147 = arith.constant 0 : i32
        %dma_wait3A_148 = arith.constant 0 : i32
        %dma_wait3A_149 = tpu.memref_slice %arg4[%sub3A_144, %select_n3A, %mul3A_146, %dma_wait3A_147, %dma_wait3A_148] : memref<200x8x128x8x128xf32, #tpu.memory_space<hbm>> -> memref<1x1x32x8x128xf32, #tpu.memory_space<hbm>>
        %dma_wait3A_150 = tpu.memref_squeeze %dma_wait3A_149 : memref<1x1x32x8x128xf32, #tpu.memory_space<hbm>> -> memref<32x8x128xf32, #tpu.memory_space<hbm>>
        %dma_wait3A_151 = arith.constant 0 : i32
        %dma_wait3A_152 = arith.constant 0 : i32
        %dma_wait3A_153 = tpu.memref_slice %arg4[%sub3A_144, %select_n3A, %mul3A_146, %dma_wait3A_151, %dma_wait3A_152] : memref<200x8x128x8x128xf32, #tpu.memory_space<hbm>> -> memref<1x1x32x8x128xf32, #tpu.memory_space<hbm>>
        %dma_wait3A_154 = tpu.memref_squeeze %dma_wait3A_153 : memref<1x1x32x8x128xf32, #tpu.memory_space<hbm>> -> memref<32x8x128xf32, #tpu.memory_space<hbm>>
        tpu.wait_dma2 semaphore(%arg12 : memref<!tpu.dma_semaphore, #tpu.memory_space<semaphore_mem>>) src(%arg7 : memref<32x8x128xf32, #tpu.memory_space<vmem>>) dst(%dma_wait3A_154 : memref<32x8x128xf32, #tpu.memory_space<hbm>>)
      } else {
      }
      %parallel_loop3A = arith.constant 0 : i32
      %parallel_loop3A_90 = arith.constant 32 : i32
      %parallel_loop3A_91 = arith.constant 1 : i32
      scf.for %parallel_loop3A_143 = %parallel_loop3A to %parallel_loop3A_90 step %parallel_loop3A_91  : i32 {
        %parallel_loop3A_144 = arith.constant 128 : i32
        %parallel_loop3A_145 = arith.muli %parallel_loop3A_143, %parallel_loop3A_144 : i32
        %parallel_loop3A_146 = arith.constant 0 : i32
        %parallel_loop3A_147 = arith.addi %parallel_loop3A_145, %parallel_loop3A_146 : i32
        %parallel_loop3A_148 = arith.index_cast %parallel_loop3A_147 : i32 to index
        %parallel_loop3A_149 = tpu.vector_load %arg5[%parallel_loop3A_148] {strides = array<i32>} : memref<4096xi32, #tpu.memory_space<vmem>>, vector<16xi32>,
        %parallel_loop3A_150 = vector.broadcast %mul3A_34 : i32 to vector<16xi32>
        %parallel_loop3A_151 = arith.addi %parallel_loop3A_149, %parallel_loop3A_150 : vector<16xi32>
        %parallel_loop3A_152 = arith.constant 16 : i32
        %parallel_loop3A_153 = arith.addi %parallel_loop3A_145, %parallel_loop3A_152 : i32
        %parallel_loop3A_154 = arith.index_cast %parallel_loop3A_153 : i32 to index
        %parallel_loop3A_155 = tpu.vector_load %arg5[%parallel_loop3A_154] {strides = array<i32>} : memref<4096xi32, #tpu.memory_space<vmem>>, vector<16xi32>,
        %parallel_loop3A_156 = vector.broadcast %mul3A_34 : i32 to vector<16xi32>
        %parallel_loop3A_157 = arith.addi %parallel_loop3A_155, %parallel_loop3A_156 : vector<16xi32>
        %parallel_loop3A_158 = arith.constant 32 : i32
        %parallel_loop3A_159 = arith.addi %parallel_loop3A_145, %parallel_loop3A_158 : i32
        %parallel_loop3A_160 = arith.index_cast %parallel_loop3A_159 : i32 to index
        %parallel_loop3A_161 = tpu.vector_load %arg5[%parallel_loop3A_160] {strides = array<i32>} : memref<4096xi32, #tpu.memory_space<vmem>>, vector<16xi32>,
        %parallel_loop3A_162 = vector.broadcast %mul3A_34 : i32 to vector<16xi32>
        %parallel_loop3A_163 = arith.addi %parallel_loop3A_161, %parallel_loop3A_162 : vector<16xi32>
        %parallel_loop3A_164 = arith.constant 48 : i32
        %parallel_loop3A_165 = arith.addi %parallel_loop3A_145, %parallel_loop3A_164 : i32
        %parallel_loop3A_166 = arith.index_cast %parallel_loop3A_165 : i32 to index
        %parallel_loop3A_167 = tpu.vector_load %arg5[%parallel_loop3A_166] {strides = array<i32>} : memref<4096xi32, #tpu.memory_space<vmem>>, vector<16xi32>,
        %parallel_loop3A_168 = vector.broadcast %mul3A_34 : i32 to vector<16xi32>
        %parallel_loop3A_169 = arith.addi %parallel_loop3A_167, %parallel_loop3A_168 : vector<16xi32>
        %parallel_loop3A_170 = arith.constant 64 : i32
        %parallel_loop3A_171 = arith.addi %parallel_loop3A_145, %parallel_loop3A_170 : i32
        %parallel_loop3A_172 = arith.index_cast %parallel_loop3A_171 : i32 to index
        %parallel_loop3A_173 = tpu.vector_load %arg5[%parallel_loop3A_172] {strides = array<i32>} : memref<4096xi32, #tpu.memory_space<vmem>>, vector<16xi32>,
        %parallel_loop3A_174 = vector.broadcast %mul3A_34 : i32 to vector<16xi32>
        %parallel_loop3A_175 = arith.addi %parallel_loop3A_173, %parallel_loop3A_174 : vector<16xi32>
        %parallel_loop3A_176 = arith.constant 80 : i32
        %parallel_loop3A_177 = arith.addi %parallel_loop3A_145, %parallel_loop3A_176 : i32
        %parallel_loop3A_178 = arith.index_cast %parallel_loop3A_177 : i32 to index
        %parallel_loop3A_179 = tpu.vector_load %arg5[%parallel_loop3A_178] {strides = array<i32>} : memref<4096xi32, #tpu.memory_space<vmem>>, vector<16xi32>,
        %parallel_loop3A_180 = vector.broadcast %mul3A_34 : i32 to vector<16xi32>
        %parallel_loop3A_181 = arith.addi %parallel_loop3A_179, %parallel_loop3A_180 : vector<16xi32>
        %parallel_loop3A_182 = arith.constant 96 : i32
        %parallel_loop3A_183 = arith.addi %parallel_loop3A_145, %parallel_loop3A_182 : i32
        %parallel_loop3A_184 = arith.index_cast %parallel_loop3A_183 : i32 to index
        %parallel_loop3A_185 = tpu.vector_load %arg5[%parallel_loop3A_184] {strides = array<i32>} : memref<4096xi32, #tpu.memory_space<vmem>>, vector<16xi32>,
        %parallel_loop3A_186 = vector.broadcast %mul3A_34 : i32 to vector<16xi32>
        %parallel_loop3A_187 = arith.addi %parallel_loop3A_185, %parallel_loop3A_186 : vector<16xi32>
        %parallel_loop3A_188 = arith.constant 112 : i32
        %parallel_loop3A_189 = arith.addi %parallel_loop3A_145, %parallel_loop3A_188 : i32
        %parallel_loop3A_190 = arith.index_cast %parallel_loop3A_189 : i32 to index
        %parallel_loop3A_191 = tpu.vector_load %arg5[%parallel_loop3A_190] {strides = array<i32>} : memref<4096xi32, #tpu.memory_space<vmem>>, vector<16xi32>,
        %parallel_loop3A_192 = vector.broadcast %mul3A_34 : i32 to vector<16xi32>
        %parallel_loop3A_193 = arith.addi %parallel_loop3A_191, %parallel_loop3A_192 : vector<16xi32>
        %parallel_loop3A_194 = tpu.vector_load_idx %arg9[%parallel_loop3A_151] : memref<8192xf32, #tpu.memory_space<vmem>>[vector<16xi32>], vector<16xf32>,
        %parallel_loop3A_195 = arith.constant 0 : i32
        %parallel_loop3A_196 = arith.index_cast %parallel_loop3A_143 : i32 to index
        %parallel_loop3A_197 = arith.index_cast %parallel_loop3A_195 : i32 to index
        %parallel_loop3A_198 = arith.constant 0 : index
        %parallel_loop3A_199 = tpu.vector_load %arg7[%parallel_loop3A_196, %parallel_loop3A_197, %parallel_loop3A_198] {strides = array<i32>} : memref<32x8x128xf32, #tpu.memory_space<vmem>>, vector<16xf32>,
        tpu.vector_store %arg7[%parallel_loop3A_196, %parallel_loop3A_197, %parallel_loop3A_198], %parallel_loop3A_194 {strides = array<i32>} : memref<32x8x128xf32, #tpu.memory_space<vmem>>, vector<16xf32>,
        %parallel_loop3A_200 = arith.constant 128 : i32
        %parallel_loop3A_201 = vector.broadcast %parallel_loop3A_200 : i32 to vector<16xi32>
        %parallel_loop3A_202 = arith.addi %parallel_loop3A_151, %parallel_loop3A_201 : vector<16xi32>
        %parallel_loop3A_203 = tpu.vector_load_idx %arg9[%parallel_loop3A_157] : memref<8192xf32, #tpu.memory_space<vmem>>[vector<16xi32>], vector<16xf32>,
        %parallel_loop3A_204 = arith.constant 0 : i32
        %parallel_loop3A_205 = arith.index_cast %parallel_loop3A_143 : i32 to index
        %parallel_loop3A_206 = arith.index_cast %parallel_loop3A_204 : i32 to index
        %parallel_loop3A_207 = arith.constant 16 : index
        %parallel_loop3A_208 = tpu.vector_load %arg7[%parallel_loop3A_205, %parallel_loop3A_206, %parallel_loop3A_207] {strides = array<i32>} : memref<32x8x128xf32, #tpu.memory_space<vmem>>, vector<16xf32>,
        tpu.vector_store %arg7[%parallel_loop3A_205, %parallel_loop3A_206, %parallel_loop3A_207], %parallel_loop3A_203 {strides = array<i32>} : memref<32x8x128xf32, #tpu.memory_space<vmem>>, vector<16xf32>,
        %parallel_loop3A_209 = arith.constant 128 : i32
        %parallel_loop3A_210 = vector.broadcast %parallel_loop3A_209 : i32 to vector<16xi32>
        %parallel_loop3A_211 = arith.addi %parallel_loop3A_157, %parallel_loop3A_210 : vector<16xi32>
        %parallel_loop3A_212 = tpu.vector_load_idx %arg9[%parallel_loop3A_163] : memref<8192xf32, #tpu.memory_space<vmem>>[vector<16xi32>], vector<16xf32>,
        %parallel_loop3A_213 = arith.constant 0 : i32
        %parallel_loop3A_214 = arith.index_cast %parallel_loop3A_143 : i32 to index
        %parallel_loop3A_215 = arith.index_cast %parallel_loop3A_213 : i32 to index
        %parallel_loop3A_216 = arith.constant 32 : index
        %parallel_loop3A_217 = tpu.vector_load %arg7[%parallel_loop3A_214, %parallel_loop3A_215, %parallel_loop3A_216] {strides = array<i32>} : memref<32x8x128xf32, #tpu.memory_space<vmem>>, vector<16xf32>,
        tpu.vector_store %arg7[%parallel_loop3A_214, %parallel_loop3A_215, %parallel_loop3A_216], %parallel_loop3A_212 {strides = array<i32>} : memref<32x8x128xf32, #tpu.memory_space<vmem>>, vector<16xf32>,
        %parallel_loop3A_218 = arith.constant 128 : i32
        %parallel_loop3A_219 = vector.broadcast %parallel_loop3A_218 : i32 to vector<16xi32>
        %parallel_loop3A_220 = arith.addi %parallel_loop3A_163, %parallel_loop3A_219 : vector<16xi32>
        %parallel_loop3A_221 = tpu.vector_load_idx %arg9[%parallel_loop3A_169] : memref<8192xf32, #tpu.memory_space<vmem>>[vector<16xi32>], vector<16xf32>,
        %parallel_loop3A_222 = arith.constant 0 : i32
        %parallel_loop3A_223 = arith.index_cast %parallel_loop3A_143 : i32 to index
        %parallel_loop3A_224 = arith.index_cast %parallel_loop3A_222 : i32 to index
        %parallel_loop3A_225 = arith.constant 48 : index
        %parallel_loop3A_226 = tpu.vector_load %arg7[%parallel_loop3A_223, %parallel_loop3A_224, %parallel_loop3A_225] {strides = array<i32>} : memref<32x8x128xf32, #tpu.memory_space<vmem>>, vector<16xf32>,
        tpu.vector_store %arg7[%parallel_loop3A_223, %parallel_loop3A_224, %parallel_loop3A_225], %parallel_loop3A_221 {strides = array<i32>} : memref<32x8x128xf32, #tpu.memory_space<vmem>>, vector<16xf32>,
        %parallel_loop3A_227 = arith.constant 128 : i32
        %parallel_loop3A_228 = vector.broadcast %parallel_loop3A_227 : i32 to vector<16xi32>
        %parallel_loop3A_229 = arith.addi %parallel_loop3A_169, %parallel_loop3A_228 : vector<16xi32>
        %parallel_loop3A_230 = tpu.vector_load_idx %arg9[%parallel_loop3A_175] : memref<8192xf32, #tpu.memory_space<vmem>>[vector<16xi32>], vector<16xf32>,
        %parallel_loop3A_231 = arith.constant 0 : i32
        %parallel_loop3A_232 = arith.index_cast %parallel_loop3A_143 : i32 to index
        %parallel_loop3A_233 = arith.index_cast %parallel_loop3A_231 : i32 to index
        %parallel_loop3A_234 = arith.constant 64 : index
        %parallel_loop3A_235 = tpu.vector_load %arg7[%parallel_loop3A_232, %parallel_loop3A_233, %parallel_loop3A_234] {strides = array<i32>} : memref<32x8x128xf32, #tpu.memory_space<vmem>>, vector<16xf32>,
        tpu.vector_store %arg7[%parallel_loop3A_232, %parallel_loop3A_233, %parallel_loop3A_234], %parallel_loop3A_230 {strides = array<i32>} : memref<32x8x128xf32, #tpu.memory_space<vmem>>, vector<16xf32>,
        %parallel_loop3A_236 = arith.constant 128 : i32
        %parallel_loop3A_237 = vector.broadcast %parallel_loop3A_236 : i32 to vector<16xi32>
        %parallel_loop3A_238 = arith.addi %parallel_loop3A_175, %parallel_loop3A_237 : vector<16xi32>
        %parallel_loop3A_239 = tpu.vector_load_idx %arg9[%parallel_loop3A_181] : memref<8192xf32, #tpu.memory_space<vmem>>[vector<16xi32>], vector<16xf32>,
        %parallel_loop3A_240 = arith.constant 0 : i32
        %parallel_loop3A_241 = arith.index_cast %parallel_loop3A_143 : i32 to index
        %parallel_loop3A_242 = arith.index_cast %parallel_loop3A_240 : i32 to index
        %parallel_loop3A_243 = arith.constant 80 : index
        %parallel_loop3A_244 = tpu.vector_load %arg7[%parallel_loop3A_241, %parallel_loop3A_242, %parallel_loop3A_243] {strides = array<i32>} : memref<32x8x128xf32, #tpu.memory_space<vmem>>, vector<16xf32>,
        tpu.vector_store %arg7[%parallel_loop3A_241, %parallel_loop3A_242, %parallel_loop3A_243], %parallel_loop3A_239 {strides = array<i32>} : memref<32x8x128xf32, #tpu.memory_space<vmem>>, vector<16xf32>,
        %parallel_loop3A_245 = arith.constant 128 : i32
        %parallel_loop3A_246 = vector.broadcast %parallel_loop3A_245 : i32 to vector<16xi32>
        %parallel_loop3A_247 = arith.addi %parallel_loop3A_181, %parallel_loop3A_246 : vector<16xi32>
        %parallel_loop3A_248 = tpu.vector_load_idx %arg9[%parallel_loop3A_187] : memref<8192xf32, #tpu.memory_space<vmem>>[vector<16xi32>], vector<16xf32>,
        %parallel_loop3A_249 = arith.constant 0 : i32
        %parallel_loop3A_250 = arith.index_cast %parallel_loop3A_143 : i32 to index
        %parallel_loop3A_251 = arith.index_cast %parallel_loop3A_249 : i32 to index
        %parallel_loop3A_252 = arith.constant 96 : index
        %parallel_loop3A_253 = tpu.vector_load %arg7[%parallel_loop3A_250, %parallel_loop3A_251, %parallel_loop3A_252] {strides = array<i32>} : memref<32x8x128xf32, #tpu.memory_space<vmem>>, vector<16xf32>,
        tpu.vector_store %arg7[%parallel_loop3A_250, %parallel_loop3A_251, %parallel_loop3A_252], %parallel_loop3A_248 {strides = array<i32>} : memref<32x8x128xf32, #tpu.memory_space<vmem>>, vector<16xf32>,
        %parallel_loop3A_254 = arith.constant 128 : i32
        %parallel_loop3A_255 = vector.broadcast %parallel_loop3A_254 : i32 to vector<16xi32>
        %parallel_loop3A_256 = arith.addi %parallel_loop3A_187, %parallel_loop3A_255 : vector<16xi32>
        %parallel_loop3A_257 = tpu.vector_load_idx %arg9[%parallel_loop3A_193] : memref<8192xf32, #tpu.memory_space<vmem>>[vector<16xi32>], vector<16xf32>,
        %parallel_loop3A_258 = arith.constant 0 : i32
        %parallel_loop3A_259 = arith.index_cast %parallel_loop3A_143 : i32 to index
        %parallel_loop3A_260 = arith.index_cast %parallel_loop3A_258 : i32 to index
        %parallel_loop3A_261 = arith.constant 112 : index
        %parallel_loop3A_262 = tpu.vector_load %arg7[%parallel_loop3A_259, %parallel_loop3A_260, %parallel_loop3A_261] {strides = array<i32>} : memref<32x8x128xf32, #tpu.memory_space<vmem>>, vector<16xf32>,
        tpu.vector_store %arg7[%parallel_loop3A_259, %parallel_loop3A_260, %parallel_loop3A_261], %parallel_loop3A_257 {strides = array<i32>} : memref<32x8x128xf32, #tpu.memory_space<vmem>>, vector<16xf32>,
        %parallel_loop3A_263 = arith.constant 128 : i32
        %parallel_loop3A_264 = vector.broadcast %parallel_loop3A_263 : i32 to vector<16xi32>
        %parallel_loop3A_265 = arith.addi %parallel_loop3A_193, %parallel_loop3A_264 : vector<16xi32>
        %parallel_loop3A_266 = tpu.vector_load_idx %arg9[%parallel_loop3A_202] : memref<8192xf32, #tpu.memory_space<vmem>>[vector<16xi32>], vector<16xf32>,
        %parallel_loop3A_267 = arith.constant 1 : i32
        %parallel_loop3A_268 = arith.index_cast %parallel_loop3A_143 : i32 to index
        %parallel_loop3A_269 = arith.index_cast %parallel_loop3A_267 : i32 to index
        %parallel_loop3A_270 = arith.constant 0 : index
        %parallel_loop3A_271 = tpu.vector_load %arg7[%parallel_loop3A_268, %parallel_loop3A_269, %parallel_loop3A_270] {strides = array<i32>} : memref<32x8x128xf32, #tpu.memory_space<vmem>>, vector<16xf32>,
        tpu.vector_store %arg7[%parallel_loop3A_268, %parallel_loop3A_269, %parallel_loop3A_270], %parallel_loop3A_266 {strides = array<i32>} : memref<32x8x128xf32, #tpu.memory_space<vmem>>, vector<16xf32>,
        %parallel_loop3A_272 = arith.constant 128 : i32
        %parallel_loop3A_273 = vector.broadcast %parallel_loop3A_272 : i32 to vector<16xi32>
        %parallel_loop3A_274 = arith.addi %parallel_loop3A_202, %parallel_loop3A_273 : vector<16xi32>
        %parallel_loop3A_275 = tpu.vector_load_idx %arg9[%parallel_loop3A_211] : memref<8192xf32, #tpu.memory_space<vmem>>[vector<16xi32>], vector<16xf32>,
        %parallel_loop3A_276 = arith.constant 1 : i32
        %parallel_loop3A_277 = arith.index_cast %parallel_loop3A_143 : i32 to index
        %parallel_loop3A_278 = arith.index_cast %parallel_loop3A_276 : i32 to index
        %parallel_loop3A_279 = arith.constant 16 : index
        %parallel_loop3A_280 = tpu.vector_load %arg7[%parallel_loop3A_277, %parallel_loop3A_278, %parallel_loop3A_279] {strides = array<i32>} : memref<32x8x128xf32, #tpu.memory_space<vmem>>, vector<16xf32>,
        tpu.vector_store %arg7[%parallel_loop3A_277, %parallel_loop3A_278, %parallel_loop3A_279], %parallel_loop3A_275 {strides = array<i32>} : memref<32x8x128xf32, #tpu.memory_space<vmem>>, vector<16xf32>,
        %parallel_loop3A_281 = arith.constant 128 : i32
        %parallel_loop3A_282 = vector.broadcast %parallel_loop3A_281 : i32 to vector<16xi32>
        %parallel_loop3A_283 = arith.addi %parallel_loop3A_211, %parallel_loop3A_282 : vector<16xi32>
        %parallel_loop3A_284 = tpu.vector_load_idx %arg9[%parallel_loop3A_220] : memref<8192xf32, #tpu.memory_space<vmem>>[vector<16xi32>], vector<16xf32>,
        %parallel_loop3A_285 = arith.constant 1 : i32
        %parallel_loop3A_286 = arith.index_cast %parallel_loop3A_143 : i32 to index
        %parallel_loop3A_287 = arith.index_cast %parallel_loop3A_285 : i32 to index
        %parallel_loop3A_288 = arith.constant 32 : index
        %parallel_loop3A_289 = tpu.vector_load %arg7[%parallel_loop3A_286, %parallel_loop3A_287, %parallel_loop3A_288] {strides = array<i32>} : memref<32x8x128xf32, #tpu.memory_space<vmem>>, vector<16xf32>,
        tpu.vector_store %arg7[%parallel_loop3A_286, %parallel_loop3A_287, %parallel_loop3A_288], %parallel_loop3A_284 {strides = array<i32>} : memref<32x8x128xf32, #tpu.memory_space<vmem>>, vector<16xf32>,
        %parallel_loop3A_290 = arith.constant 128 : i32
        %parallel_loop3A_291 = vector.broadcast %parallel_loop3A_290 : i32 to vector<16xi32>
        %parallel_loop3A_292 = arith.addi %parallel_loop3A_220, %parallel_loop3A_291 : vector<16xi32>
        %parallel_loop3A_293 = tpu.vector_load_idx %arg9[%parallel_loop3A_229] : memref<8192xf32, #tpu.memory_space<vmem>>[vector<16xi32>], vector<16xf32>,
        %parallel_loop3A_294 = arith.constant 1 : i32
        %parallel_loop3A_295 = arith.index_cast %parallel_loop3A_143 : i32 to index
        %parallel_loop3A_296 = arith.index_cast %parallel_loop3A_294 : i32 to index
        %parallel_loop3A_297 = arith.constant 48 : index
        %parallel_loop3A_298 = tpu.vector_load %arg7[%parallel_loop3A_295, %parallel_loop3A_296, %parallel_loop3A_297] {strides = array<i32>} : memref<32x8x128xf32, #tpu.memory_space<vmem>>, vector<16xf32>,
        tpu.vector_store %arg7[%parallel_loop3A_295, %parallel_loop3A_296, %parallel_loop3A_297], %parallel_loop3A_293 {strides = array<i32>} : memref<32x8x128xf32, #tpu.memory_space<vmem>>, vector<16xf32>,
        %parallel_loop3A_299 = arith.constant 128 : i32
        %parallel_loop3A_300 = vector.broadcast %parallel_loop3A_299 : i32 to vector<16xi32>
        %parallel_loop3A_301 = arith.addi %parallel_loop3A_229, %parallel_loop3A_300 : vector<16xi32>
        %parallel_loop3A_302 = tpu.vector_load_idx %arg9[%parallel_loop3A_238] : memref<8192xf32, #tpu.memory_space<vmem>>[vector<16xi32>], vector<16xf32>,
        %parallel_loop3A_303 = arith.constant 1 : i32
        %parallel_loop3A_304 = arith.index_cast %parallel_loop3A_143 : i32 to index
        %parallel_loop3A_305 = arith.index_cast %parallel_loop3A_303 : i32 to index
        %parallel_loop3A_306 = arith.constant 64 : index
        %parallel_loop3A_307 = tpu.vector_load %arg7[%parallel_loop3A_304, %parallel_loop3A_305, %parallel_loop3A_306] {strides = array<i32>} : memref<32x8x128xf32, #tpu.memory_space<vmem>>, vector<16xf32>,
        tpu.vector_store %arg7[%parallel_loop3A_304, %parallel_loop3A_305, %parallel_loop3A_306], %parallel_loop3A_302 {strides = array<i32>} : memref<32x8x128xf32, #tpu.memory_space<vmem>>, vector<16xf32>,
        %parallel_loop3A_308 = arith.constant 128 : i32
        %parallel_loop3A_309 = vector.broadcast %parallel_loop3A_308 : i32 to vector<16xi32>
        %parallel_loop3A_310 = arith.addi %parallel_loop3A_238, %parallel_loop3A_309 : vector<16xi32>
        %parallel_loop3A_311 = tpu.vector_load_idx %arg9[%parallel_loop3A_247] : memref<8192xf32, #tpu.memory_space<vmem>>[vector<16xi32>], vector<16xf32>,
        %parallel_loop3A_312 = arith.constant 1 : i32
        %parallel_loop3A_313 = arith.index_cast %parallel_loop3A_143 : i32 to index
        %parallel_loop3A_314 = arith.index_cast %parallel_loop3A_312 : i32 to index
        %parallel_loop3A_315 = arith.constant 80 : index
        %parallel_loop3A_316 = tpu.vector_load %arg7[%parallel_loop3A_313, %parallel_loop3A_314, %parallel_loop3A_315] {strides = array<i32>} : memref<32x8x128xf32, #tpu.memory_space<vmem>>, vector<16xf32>,
        tpu.vector_store %arg7[%parallel_loop3A_313, %parallel_loop3A_314, %parallel_loop3A_315], %parallel_loop3A_311 {strides = array<i32>} : memref<32x8x128xf32, #tpu.memory_space<vmem>>, vector<16xf32>,
        %parallel_loop3A_317 = arith.constant 128 : i32
        %parallel_loop3A_318 = vector.broadcast %parallel_loop3A_317 : i32 to vector<16xi32>
        %parallel_loop3A_319 = arith.addi %parallel_loop3A_247, %parallel_loop3A_318 : vector<16xi32>
        %parallel_loop3A_320 = tpu.vector_load_idx %arg9[%parallel_loop3A_256] : memref<8192xf32, #tpu.memory_space<vmem>>[vector<16xi32>], vector<16xf32>,
        %parallel_loop3A_321 = arith.constant 1 : i32
        %parallel_loop3A_322 = arith.index_cast %parallel_loop3A_143 : i32 to index
        %parallel_loop3A_323 = arith.index_cast %parallel_loop3A_321 : i32 to index
        %parallel_loop3A_324 = arith.constant 96 : index
        %parallel_loop3A_325 = tpu.vector_load %arg7[%parallel_loop3A_322, %parallel_loop3A_323, %parallel_loop3A_324] {strides = array<i32>} : memref<32x8x128xf32, #tpu.memory_space<vmem>>, vector<16xf32>,
        tpu.vector_store %arg7[%parallel_loop3A_322, %parallel_loop3A_323, %parallel_loop3A_324], %parallel_loop3A_320 {strides = array<i32>} : memref<32x8x128xf32, #tpu.memory_space<vmem>>, vector<16xf32>,
        %parallel_loop3A_326 = arith.constant 128 : i32
        %parallel_loop3A_327 = vector.broadcast %parallel_loop3A_326 : i32 to vector<16xi32>
        %parallel_loop3A_328 = arith.addi %parallel_loop3A_256, %parallel_loop3A_327 : vector<16xi32>
        %parallel_loop3A_329 = tpu.vector_load_idx %arg9[%parallel_loop3A_265] : memref<8192xf32, #tpu.memory_space<vmem>>[vector<16xi32>], vector<16xf32>,
        %parallel_loop3A_330 = arith.constant 1 : i32
        %parallel_loop3A_331 = arith.index_cast %parallel_loop3A_143 : i32 to index
        %parallel_loop3A_332 = arith.index_cast %parallel_loop3A_330 : i32 to index
        %parallel_loop3A_333 = arith.constant 112 : index
        %parallel_loop3A_334 = tpu.vector_load %arg7[%parallel_loop3A_331, %parallel_loop3A_332, %parallel_loop3A_333] {strides = array<i32>} : memref<32x8x128xf32, #tpu.memory_space<vmem>>, vector<16xf32>,
        tpu.vector_store %arg7[%parallel_loop3A_331, %parallel_loop3A_332, %parallel_loop3A_333], %parallel_loop3A_329 {strides = array<i32>} : memref<32x8x128xf32, #tpu.memory_space<vmem>>, vector<16xf32>,
        %parallel_loop3A_335 = arith.constant 128 : i32
        %parallel_loop3A_336 = vector.broadcast %parallel_loop3A_335 : i32 to vector<16xi32>
        %parallel_loop3A_337 = arith.addi %parallel_loop3A_265, %parallel_loop3A_336 : vector<16xi32>
        %parallel_loop3A_338 = tpu.vector_load_idx %arg9[%parallel_loop3A_274] : memref<8192xf32, #tpu.memory_space<vmem>>[vector<16xi32>], vector<16xf32>,
        %parallel_loop3A_339 = arith.constant 2 : i32
        %parallel_loop3A_340 = arith.index_cast %parallel_loop3A_143 : i32 to index
        %parallel_loop3A_341 = arith.index_cast %parallel_loop3A_339 : i32 to index
        %parallel_loop3A_342 = arith.constant 0 : index
        %parallel_loop3A_343 = tpu.vector_load %arg7[%parallel_loop3A_340, %parallel_loop3A_341, %parallel_loop3A_342] {strides = array<i32>} : memref<32x8x128xf32, #tpu.memory_space<vmem>>, vector<16xf32>,
        tpu.vector_store %arg7[%parallel_loop3A_340, %parallel_loop3A_341, %parallel_loop3A_342], %parallel_loop3A_338 {strides = array<i32>} : memref<32x8x128xf32, #tpu.memory_space<vmem>>, vector<16xf32>,
        %parallel_loop3A_344 = arith.constant 128 : i32
        %parallel_loop3A_345 = vector.broadcast %parallel_loop3A_344 : i32 to vector<16xi32>
        %parallel_loop3A_346 = arith.addi %parallel_loop3A_274, %parallel_loop3A_345 : vector<16xi32>
        %parallel_loop3A_347 = tpu.vector_load_idx %arg9[%parallel_loop3A_283] : memref<8192xf32, #tpu.memory_space<vmem>>[vector<16xi32>], vector<16xf32>,
        %parallel_loop3A_348 = arith.constant 2 : i32
        %parallel_loop3A_349 = arith.index_cast %parallel_loop3A_143 : i32 to index
        %parallel_loop3A_350 = arith.index_cast %parallel_loop3A_348 : i32 to index
        %parallel_loop3A_351 = arith.constant 16 : index
        %parallel_loop3A_352 = tpu.vector_load %arg7[%parallel_loop3A_349, %parallel_loop3A_350, %parallel_loop3A_351] {strides = array<i32>} : memref<32x8x128xf32, #tpu.memory_space<vmem>>, vector<16xf32>,
        tpu.vector_store %arg7[%parallel_loop3A_349, %parallel_loop3A_350, %parallel_loop3A_351], %parallel_loop3A_347 {strides = array<i32>} : memref<32x8x128xf32, #tpu.memory_space<vmem>>, vector<16xf32>,
        %parallel_loop3A_353 = arith.constant 128 : i32
        %parallel_loop3A_354 = vector.broadcast %parallel_loop3A_353 : i32 to vector<16xi32>
        %parallel_loop3A_355 = arith.addi %parallel_loop3A_283, %parallel_loop3A_354 : vector<16xi32>
        %parallel_loop3A_356 = tpu.vector_load_idx %arg9[%parallel_loop3A_292] : memref<8192xf32, #tpu.memory_space<vmem>>[vector<16xi32>], vector<16xf32>,
        %parallel_loop3A_357 = arith.constant 2 : i32
        %parallel_loop3A_358 = arith.index_cast %parallel_loop3A_143 : i32 to index
        %parallel_loop3A_359 = arith.index_cast %parallel_loop3A_357 : i32 to index
        %parallel_loop3A_360 = arith.constant 32 : index
        %parallel_loop3A_361 = tpu.vector_load %arg7[%parallel_loop3A_358, %parallel_loop3A_359, %parallel_loop3A_360] {strides = array<i32>} : memref<32x8x128xf32, #tpu.memory_space<vmem>>, vector<16xf32>,
        tpu.vector_store %arg7[%parallel_loop3A_358, %parallel_loop3A_359, %parallel_loop3A_360], %parallel_loop3A_356 {strides = array<i32>} : memref<32x8x128xf32, #tpu.memory_space<vmem>>, vector<16xf32>,
        %parallel_loop3A_362 = arith.constant 128 : i32
        %parallel_loop3A_363 = vector.broadcast %parallel_loop3A_362 : i32 to vector<16xi32>
        %parallel_loop3A_364 = arith.addi %parallel_loop3A_292, %parallel_loop3A_363 : vector<16xi32>
        %parallel_loop3A_365 = tpu.vector_load_idx %arg9[%parallel_loop3A_301] : memref<8192xf32, #tpu.memory_space<vmem>>[vector<16xi32>], vector<16xf32>,
        %parallel_loop3A_366 = arith.constant 2 : i32
        %parallel_loop3A_367 = arith.index_cast %parallel_loop3A_143 : i32 to index
        %parallel_loop3A_368 = arith.index_cast %parallel_loop3A_366 : i32 to index
        %parallel_loop3A_369 = arith.constant 48 : index
        %parallel_loop3A_370 = tpu.vector_load %arg7[%parallel_loop3A_367, %parallel_loop3A_368, %parallel_loop3A_369] {strides = array<i32>} : memref<32x8x128xf32, #tpu.memory_space<vmem>>, vector<16xf32>,
        tpu.vector_store %arg7[%parallel_loop3A_367, %parallel_loop3A_368, %parallel_loop3A_369], %parallel_loop3A_365 {strides = array<i32>} : memref<32x8x128xf32, #tpu.memory_space<vmem>>, vector<16xf32>,
        %parallel_loop3A_371 = arith.constant 128 : i32
        %parallel_loop3A_372 = vector.broadcast %parallel_loop3A_371 : i32 to vector<16xi32>
        %parallel_loop3A_373 = arith.addi %parallel_loop3A_301, %parallel_loop3A_372 : vector<16xi32>
        %parallel_loop3A_374 = tpu.vector_load_idx %arg9[%parallel_loop3A_310] : memref<8192xf32, #tpu.memory_space<vmem>>[vector<16xi32>], vector<16xf32>,
        %parallel_loop3A_375 = arith.constant 2 : i32
        %parallel_loop3A_376 = arith.index_cast %parallel_loop3A_143 : i32 to index
        %parallel_loop3A_377 = arith.index_cast %parallel_loop3A_375 : i32 to index
        %parallel_loop3A_378 = arith.constant 64 : index
        %parallel_loop3A_379 = tpu.vector_load %arg7[%parallel_loop3A_376, %parallel_loop3A_377, %parallel_loop3A_378] {strides = array<i32>} : memref<32x8x128xf32, #tpu.memory_space<vmem>>, vector<16xf32>,
        tpu.vector_store %arg7[%parallel_loop3A_376, %parallel_loop3A_377, %parallel_loop3A_378], %parallel_loop3A_374 {strides = array<i32>} : memref<32x8x128xf32, #tpu.memory_space<vmem>>, vector<16xf32>,
        %parallel_loop3A_380 = arith.constant 128 : i32
        %parallel_loop3A_381 = vector.broadcast %parallel_loop3A_380 : i32 to vector<16xi32>
        %parallel_loop3A_382 = arith.addi %parallel_loop3A_310, %parallel_loop3A_381 : vector<16xi32>
        %parallel_loop3A_383 = tpu.vector_load_idx %arg9[%parallel_loop3A_319] : memref<8192xf32, #tpu.memory_space<vmem>>[vector<16xi32>], vector<16xf32>,
        %parallel_loop3A_384 = arith.constant 2 : i32
        %parallel_loop3A_385 = arith.index_cast %parallel_loop3A_143 : i32 to index
        %parallel_loop3A_386 = arith.index_cast %parallel_loop3A_384 : i32 to index
        %parallel_loop3A_387 = arith.constant 80 : index
        %parallel_loop3A_388 = tpu.vector_load %arg7[%parallel_loop3A_385, %parallel_loop3A_386, %parallel_loop3A_387] {strides = array<i32>} : memref<32x8x128xf32, #tpu.memory_space<vmem>>, vector<16xf32>,
        tpu.vector_store %arg7[%parallel_loop3A_385, %parallel_loop3A_386, %parallel_loop3A_387], %parallel_loop3A_383 {strides = array<i32>} : memref<32x8x128xf32, #tpu.memory_space<vmem>>, vector<16xf32>,
        %parallel_loop3A_389 = arith.constant 128 : i32
        %parallel_loop3A_390 = vector.broadcast %parallel_loop3A_389 : i32 to vector<16xi32>
        %parallel_loop3A_391 = arith.addi %parallel_loop3A_319, %parallel_loop3A_390 : vector<16xi32>
        %parallel_loop3A_392 = tpu.vector_load_idx %arg9[%parallel_loop3A_328] : memref<8192xf32, #tpu.memory_space<vmem>>[vector<16xi32>], vector<16xf32>,
        %parallel_loop3A_393 = arith.constant 2 : i32
        %parallel_loop3A_394 = arith.index_cast %parallel_loop3A_143 : i32 to index
        %parallel_loop3A_395 = arith.index_cast %parallel_loop3A_393 : i32 to index
        %parallel_loop3A_396 = arith.constant 96 : index
        %parallel_loop3A_397 = tpu.vector_load %arg7[%parallel_loop3A_394, %parallel_loop3A_395, %parallel_loop3A_396] {strides = array<i32>} : memref<32x8x128xf32, #tpu.memory_space<vmem>>, vector<16xf32>,
        tpu.vector_store %arg7[%parallel_loop3A_394, %parallel_loop3A_395, %parallel_loop3A_396], %parallel_loop3A_392 {strides = array<i32>} : memref<32x8x128xf32, #tpu.memory_space<vmem>>, vector<16xf32>,
        %parallel_loop3A_398 = arith.constant 128 : i32
        %parallel_loop3A_399 = vector.broadcast %parallel_loop3A_398 : i32 to vector<16xi32>
        %parallel_loop3A_400 = arith.addi %parallel_loop3A_328, %parallel_loop3A_399 : vector<16xi32>
        %parallel_loop3A_401 = tpu.vector_load_idx %arg9[%parallel_loop3A_337] : memref<8192xf32, #tpu.memory_space<vmem>>[vector<16xi32>], vector<16xf32>,
        %parallel_loop3A_402 = arith.constant 2 : i32
        %parallel_loop3A_403 = arith.index_cast %parallel_loop3A_143 : i32 to index
        %parallel_loop3A_404 = arith.index_cast %parallel_loop3A_402 : i32 to index
        %parallel_loop3A_405 = arith.constant 112 : index
        %parallel_loop3A_406 = tpu.vector_load %arg7[%parallel_loop3A_403, %parallel_loop3A_404, %parallel_loop3A_405] {strides = array<i32>} : memref<32x8x128xf32, #tpu.memory_space<vmem>>, vector<16xf32>,
        tpu.vector_store %arg7[%parallel_loop3A_403, %parallel_loop3A_404, %parallel_loop3A_405], %parallel_loop3A_401 {strides = array<i32>} : memref<32x8x128xf32, #tpu.memory_space<vmem>>, vector<16xf32>,
        %parallel_loop3A_407 = arith.constant 128 : i32
        %parallel_loop3A_408 = vector.broadcast %parallel_loop3A_407 : i32 to vector<16xi32>
        %parallel_loop3A_409 = arith.addi %parallel_loop3A_337, %parallel_loop3A_408 : vector<16xi32>
        %parallel_loop3A_410 = tpu.vector_load_idx %arg9[%parallel_loop3A_346] : memref<8192xf32, #tpu.memory_space<vmem>>[vector<16xi32>], vector<16xf32>,
        %parallel_loop3A_411 = arith.constant 3 : i32
        %parallel_loop3A_412 = arith.index_cast %parallel_loop3A_143 : i32 to index
        %parallel_loop3A_413 = arith.index_cast %parallel_loop3A_411 : i32 to index
        %parallel_loop3A_414 = arith.constant 0 : index
        %parallel_loop3A_415 = tpu.vector_load %arg7[%parallel_loop3A_412, %parallel_loop3A_413, %parallel_loop3A_414] {strides = array<i32>} : memref<32x8x128xf32, #tpu.memory_space<vmem>>, vector<16xf32>,
        tpu.vector_store %arg7[%parallel_loop3A_412, %parallel_loop3A_413, %parallel_loop3A_414], %parallel_loop3A_410 {strides = array<i32>} : memref<32x8x128xf32, #tpu.memory_space<vmem>>, vector<16xf32>,
        %parallel_loop3A_416 = arith.constant 128 : i32
        %parallel_loop3A_417 = vector.broadcast %parallel_loop3A_416 : i32 to vector<16xi32>
        %parallel_loop3A_418 = arith.addi %parallel_loop3A_346, %parallel_loop3A_417 : vector<16xi32>
        %parallel_loop3A_419 = tpu.vector_load_idx %arg9[%parallel_loop3A_355] : memref<8192xf32, #tpu.memory_space<vmem>>[vector<16xi32>], vector<16xf32>,
        %parallel_loop3A_420 = arith.constant 3 : i32
        %parallel_loop3A_421 = arith.index_cast %parallel_loop3A_143 : i32 to index
        %parallel_loop3A_422 = arith.index_cast %parallel_loop3A_420 : i32 to index
        %parallel_loop3A_423 = arith.constant 16 : index
        %parallel_loop3A_424 = tpu.vector_load %arg7[%parallel_loop3A_421, %parallel_loop3A_422, %parallel_loop3A_423] {strides = array<i32>} : memref<32x8x128xf32, #tpu.memory_space<vmem>>, vector<16xf32>,
        tpu.vector_store %arg7[%parallel_loop3A_421, %parallel_loop3A_422, %parallel_loop3A_423], %parallel_loop3A_419 {strides = array<i32>} : memref<32x8x128xf32, #tpu.memory_space<vmem>>, vector<16xf32>,
        %parallel_loop3A_425 = arith.constant 128 : i32
        %parallel_loop3A_426 = vector.broadcast %parallel_loop3A_425 : i32 to vector<16xi32>
        %parallel_loop3A_427 = arith.addi %parallel_loop3A_355, %parallel_loop3A_426 : vector<16xi32>
        %parallel_loop3A_428 = tpu.vector_load_idx %arg9[%parallel_loop3A_364] : memref<8192xf32, #tpu.memory_space<vmem>>[vector<16xi32>], vector<16xf32>,
        %parallel_loop3A_429 = arith.constant 3 : i32
        %parallel_loop3A_430 = arith.index_cast %parallel_loop3A_143 : i32 to index
        %parallel_loop3A_431 = arith.index_cast %parallel_loop3A_429 : i32 to index
        %parallel_loop3A_432 = arith.constant 32 : index
        %parallel_loop3A_433 = tpu.vector_load %arg7[%parallel_loop3A_430, %parallel_loop3A_431, %parallel_loop3A_432] {strides = array<i32>} : memref<32x8x128xf32, #tpu.memory_space<vmem>>, vector<16xf32>,
        tpu.vector_store %arg7[%parallel_loop3A_430, %parallel_loop3A_431, %parallel_loop3A_432], %parallel_loop3A_428 {strides = array<i32>} : memref<32x8x128xf32, #tpu.memory_space<vmem>>, vector<16xf32>,
        %parallel_loop3A_434 = arith.constant 128 : i32
        %parallel_loop3A_435 = vector.broadcast %parallel_loop3A_434 : i32 to vector<16xi32>
        %parallel_loop3A_436 = arith.addi %parallel_loop3A_364, %parallel_loop3A_435 : vector<16xi32>
        %parallel_loop3A_437 = tpu.vector_load_idx %arg9[%parallel_loop3A_373] : memref<8192xf32, #tpu.memory_space<vmem>>[vector<16xi32>], vector<16xf32>,
        %parallel_loop3A_438 = arith.constant 3 : i32
        %parallel_loop3A_439 = arith.index_cast %parallel_loop3A_143 : i32 to index
        %parallel_loop3A_440 = arith.index_cast %parallel_loop3A_438 : i32 to index
        %parallel_loop3A_441 = arith.constant 48 : index
        %parallel_loop3A_442 = tpu.vector_load %arg7[%parallel_loop3A_439, %parallel_loop3A_440, %parallel_loop3A_441] {strides = array<i32>} : memref<32x8x128xf32, #tpu.memory_space<vmem>>, vector<16xf32>,
        tpu.vector_store %arg7[%parallel_loop3A_439, %parallel_loop3A_440, %parallel_loop3A_441], %parallel_loop3A_437 {strides = array<i32>} : memref<32x8x128xf32, #tpu.memory_space<vmem>>, vector<16xf32>,
        %parallel_loop3A_443 = arith.constant 128 : i32
        %parallel_loop3A_444 = vector.broadcast %parallel_loop3A_443 : i32 to vector<16xi32>
        %parallel_loop3A_445 = arith.addi %parallel_loop3A_373, %parallel_loop3A_444 : vector<16xi32>
        %parallel_loop3A_446 = tpu.vector_load_idx %arg9[%parallel_loop3A_382] : memref<8192xf32, #tpu.memory_space<vmem>>[vector<16xi32>], vector<16xf32>,
        %parallel_loop3A_447 = arith.constant 3 : i32
        %parallel_loop3A_448 = arith.index_cast %parallel_loop3A_143 : i32 to index
        %parallel_loop3A_449 = arith.index_cast %parallel_loop3A_447 : i32 to index
        %parallel_loop3A_450 = arith.constant 64 : index
        %parallel_loop3A_451 = tpu.vector_load %arg7[%parallel_loop3A_448, %parallel_loop3A_449, %parallel_loop3A_450] {strides = array<i32>} : memref<32x8x128xf32, #tpu.memory_space<vmem>>, vector<16xf32>,
        tpu.vector_store %arg7[%parallel_loop3A_448, %parallel_loop3A_449, %parallel_loop3A_450], %parallel_loop3A_446 {strides = array<i32>} : memref<32x8x128xf32, #tpu.memory_space<vmem>>, vector<16xf32>,
        %parallel_loop3A_452 = arith.constant 128 : i32
        %parallel_loop3A_453 = vector.broadcast %parallel_loop3A_452 : i32 to vector<16xi32>
        %parallel_loop3A_454 = arith.addi %parallel_loop3A_382, %parallel_loop3A_453 : vector<16xi32>
        %parallel_loop3A_455 = tpu.vector_load_idx %arg9[%parallel_loop3A_391] : memref<8192xf32, #tpu.memory_space<vmem>>[vector<16xi32>], vector<16xf32>,
        %parallel_loop3A_456 = arith.constant 3 : i32
        %parallel_loop3A_457 = arith.index_cast %parallel_loop3A_143 : i32 to index
        %parallel_loop3A_458 = arith.index_cast %parallel_loop3A_456 : i32 to index
        %parallel_loop3A_459 = arith.constant 80 : index
        %parallel_loop3A_460 = tpu.vector_load %arg7[%parallel_loop3A_457, %parallel_loop3A_458, %parallel_loop3A_459] {strides = array<i32>} : memref<32x8x128xf32, #tpu.memory_space<vmem>>, vector<16xf32>,
        tpu.vector_store %arg7[%parallel_loop3A_457, %parallel_loop3A_458, %parallel_loop3A_459], %parallel_loop3A_455 {strides = array<i32>} : memref<32x8x128xf32, #tpu.memory_space<vmem>>, vector<16xf32>,
        %parallel_loop3A_461 = arith.constant 128 : i32
        %parallel_loop3A_462 = vector.broadcast %parallel_loop3A_461 : i32 to vector<16xi32>
        %parallel_loop3A_463 = arith.addi %parallel_loop3A_391, %parallel_loop3A_462 : vector<16xi32>
        %parallel_loop3A_464 = tpu.vector_load_idx %arg9[%parallel_loop3A_400] : memref<8192xf32, #tpu.memory_space<vmem>>[vector<16xi32>], vector<16xf32>,
        %parallel_loop3A_465 = arith.constant 3 : i32
        %parallel_loop3A_466 = arith.index_cast %parallel_loop3A_143 : i32 to index
        %parallel_loop3A_467 = arith.index_cast %parallel_loop3A_465 : i32 to index
        %parallel_loop3A_468 = arith.constant 96 : index
        %parallel_loop3A_469 = tpu.vector_load %arg7[%parallel_loop3A_466, %parallel_loop3A_467, %parallel_loop3A_468] {strides = array<i32>} : memref<32x8x128xf32, #tpu.memory_space<vmem>>, vector<16xf32>,
        tpu.vector_store %arg7[%parallel_loop3A_466, %parallel_loop3A_467, %parallel_loop3A_468], %parallel_loop3A_464 {strides = array<i32>} : memref<32x8x128xf32, #tpu.memory_space<vmem>>, vector<16xf32>,
        %parallel_loop3A_470 = arith.constant 128 : i32
        %parallel_loop3A_471 = vector.broadcast %parallel_loop3A_470 : i32 to vector<16xi32>
        %parallel_loop3A_472 = arith.addi %parallel_loop3A_400, %parallel_loop3A_471 : vector<16xi32>
        %parallel_loop3A_473 = tpu.vector_load_idx %arg9[%parallel_loop3A_409] : memref<8192xf32, #tpu.memory_space<vmem>>[vector<16xi32>], vector<16xf32>,
        %parallel_loop3A_474 = arith.constant 3 : i32
        %parallel_loop3A_475 = arith.index_cast %parallel_loop3A_143 : i32 to index
        %parallel_loop3A_476 = arith.index_cast %parallel_loop3A_474 : i32 to index
        %parallel_loop3A_477 = arith.constant 112 : index
        %parallel_loop3A_478 = tpu.vector_load %arg7[%parallel_loop3A_475, %parallel_loop3A_476, %parallel_loop3A_477] {strides = array<i32>} : memref<32x8x128xf32, #tpu.memory_space<vmem>>, vector<16xf32>,
        tpu.vector_store %arg7[%parallel_loop3A_475, %parallel_loop3A_476, %parallel_loop3A_477], %parallel_loop3A_473 {strides = array<i32>} : memref<32x8x128xf32, #tpu.memory_space<vmem>>, vector<16xf32>,
        %parallel_loop3A_479 = arith.constant 128 : i32
        %parallel_loop3A_480 = vector.broadcast %parallel_loop3A_479 : i32 to vector<16xi32>
        %parallel_loop3A_481 = arith.addi %parallel_loop3A_409, %parallel_loop3A_480 : vector<16xi32>
        %parallel_loop3A_482 = tpu.vector_load_idx %arg9[%parallel_loop3A_418] : memref<8192xf32, #tpu.memory_space<vmem>>[vector<16xi32>], vector<16xf32>,
        %parallel_loop3A_483 = arith.constant 4 : i32
        %parallel_loop3A_484 = arith.index_cast %parallel_loop3A_143 : i32 to index
        %parallel_loop3A_485 = arith.index_cast %parallel_loop3A_483 : i32 to index
        %parallel_loop3A_486 = arith.constant 0 : index
        %parallel_loop3A_487 = tpu.vector_load %arg7[%parallel_loop3A_484, %parallel_loop3A_485, %parallel_loop3A_486] {strides = array<i32>} : memref<32x8x128xf32, #tpu.memory_space<vmem>>, vector<16xf32>,
        tpu.vector_store %arg7[%parallel_loop3A_484, %parallel_loop3A_485, %parallel_loop3A_486], %parallel_loop3A_482 {strides = array<i32>} : memref<32x8x128xf32, #tpu.memory_space<vmem>>, vector<16xf32>,
        %parallel_loop3A_488 = arith.constant 128 : i32
        %parallel_loop3A_489 = vector.broadcast %parallel_loop3A_488 : i32 to vector<16xi32>
        %parallel_loop3A_490 = arith.addi %parallel_loop3A_418, %parallel_loop3A_489 : vector<16xi32>
        %parallel_loop3A_491 = tpu.vector_load_idx %arg9[%parallel_loop3A_427] : memref<8192xf32, #tpu.memory_space<vmem>>[vector<16xi32>], vector<16xf32>,
        %parallel_loop3A_492 = arith.constant 4 : i32
        %parallel_loop3A_493 = arith.index_cast %parallel_loop3A_143 : i32 to index
        %parallel_loop3A_494 = arith.index_cast %parallel_loop3A_492 : i32 to index
        %parallel_loop3A_495 = arith.constant 16 : index
        %parallel_loop3A_496 = tpu.vector_load %arg7[%parallel_loop3A_493, %parallel_loop3A_494, %parallel_loop3A_495] {strides = array<i32>} : memref<32x8x128xf32, #tpu.memory_space<vmem>>, vector<16xf32>,
        tpu.vector_store %arg7[%parallel_loop3A_493, %parallel_loop3A_494, %parallel_loop3A_495], %parallel_loop3A_491 {strides = array<i32>} : memref<32x8x128xf32, #tpu.memory_space<vmem>>, vector<16xf32>,
        %parallel_loop3A_497 = arith.constant 128 : i32
        %parallel_loop3A_498 = vector.broadcast %parallel_loop3A_497 : i32 to vector<16xi32>
        %parallel_loop3A_499 = arith.addi %parallel_loop3A_427, %parallel_loop3A_498 : vector<16xi32>
        %parallel_loop3A_500 = tpu.vector_load_idx %arg9[%parallel_loop3A_436] : memref<8192xf32, #tpu.memory_space<vmem>>[vector<16xi32>], vector<16xf32>,
        %parallel_loop3A_501 = arith.constant 4 : i32
        %parallel_loop3A_502 = arith.index_cast %parallel_loop3A_143 : i32 to index
        %parallel_loop3A_503 = arith.index_cast %parallel_loop3A_501 : i32 to index
        %parallel_loop3A_504 = arith.constant 32 : index
        %parallel_loop3A_505 = tpu.vector_load %arg7[%parallel_loop3A_502, %parallel_loop3A_503, %parallel_loop3A_504] {strides = array<i32>} : memref<32x8x128xf32, #tpu.memory_space<vmem>>, vector<16xf32>,
        tpu.vector_store %arg7[%parallel_loop3A_502, %parallel_loop3A_503, %parallel_loop3A_504], %parallel_loop3A_500 {strides = array<i32>} : memref<32x8x128xf32, #tpu.memory_space<vmem>>, vector<16xf32>,
        %parallel_loop3A_506 = arith.constant 128 : i32
        %parallel_loop3A_507 = vector.broadcast %parallel_loop3A_506 : i32 to vector<16xi32>
        %parallel_loop3A_508 = arith.addi %parallel_loop3A_436, %parallel_loop3A_507 : vector<16xi32>
        %parallel_loop3A_509 = tpu.vector_load_idx %arg9[%parallel_loop3A_445] : memref<8192xf32, #tpu.memory_space<vmem>>[vector<16xi32>], vector<16xf32>,
        %parallel_loop3A_510 = arith.constant 4 : i32
        %parallel_loop3A_511 = arith.index_cast %parallel_loop3A_143 : i32 to index
        %parallel_loop3A_512 = arith.index_cast %parallel_loop3A_510 : i32 to index
        %parallel_loop3A_513 = arith.constant 48 : index
        %parallel_loop3A_514 = tpu.vector_load %arg7[%parallel_loop3A_511, %parallel_loop3A_512, %parallel_loop3A_513] {strides = array<i32>} : memref<32x8x128xf32, #tpu.memory_space<vmem>>, vector<16xf32>,
        tpu.vector_store %arg7[%parallel_loop3A_511, %parallel_loop3A_512, %parallel_loop3A_513], %parallel_loop3A_509 {strides = array<i32>} : memref<32x8x128xf32, #tpu.memory_space<vmem>>, vector<16xf32>,
        %parallel_loop3A_515 = arith.constant 128 : i32
        %parallel_loop3A_516 = vector.broadcast %parallel_loop3A_515 : i32 to vector<16xi32>
        %parallel_loop3A_517 = arith.addi %parallel_loop3A_445, %parallel_loop3A_516 : vector<16xi32>
        %parallel_loop3A_518 = tpu.vector_load_idx %arg9[%parallel_loop3A_454] : memref<8192xf32, #tpu.memory_space<vmem>>[vector<16xi32>], vector<16xf32>,
        %parallel_loop3A_519 = arith.constant 4 : i32
        %parallel_loop3A_520 = arith.index_cast %parallel_loop3A_143 : i32 to index
        %parallel_loop3A_521 = arith.index_cast %parallel_loop3A_519 : i32 to index
        %parallel_loop3A_522 = arith.constant 64 : index
        %parallel_loop3A_523 = tpu.vector_load %arg7[%parallel_loop3A_520, %parallel_loop3A_521, %parallel_loop3A_522] {strides = array<i32>} : memref<32x8x128xf32, #tpu.memory_space<vmem>>, vector<16xf32>,
        tpu.vector_store %arg7[%parallel_loop3A_520, %parallel_loop3A_521, %parallel_loop3A_522], %parallel_loop3A_518 {strides = array<i32>} : memref<32x8x128xf32, #tpu.memory_space<vmem>>, vector<16xf32>,
        %parallel_loop3A_524 = arith.constant 128 : i32
        %parallel_loop3A_525 = vector.broadcast %parallel_loop3A_524 : i32 to vector<16xi32>
        %parallel_loop3A_526 = arith.addi %parallel_loop3A_454, %parallel_loop3A_525 : vector<16xi32>
        %parallel_loop3A_527 = tpu.vector_load_idx %arg9[%parallel_loop3A_463] : memref<8192xf32, #tpu.memory_space<vmem>>[vector<16xi32>], vector<16xf32>,
        %parallel_loop3A_528 = arith.constant 4 : i32
        %parallel_loop3A_529 = arith.index_cast %parallel_loop3A_143 : i32 to index
        %parallel_loop3A_530 = arith.index_cast %parallel_loop3A_528 : i32 to index
        %parallel_loop3A_531 = arith.constant 80 : index
        %parallel_loop3A_532 = tpu.vector_load %arg7[%parallel_loop3A_529, %parallel_loop3A_530, %parallel_loop3A_531] {strides = array<i32>} : memref<32x8x128xf32, #tpu.memory_space<vmem>>, vector<16xf32>,
        tpu.vector_store %arg7[%parallel_loop3A_529, %parallel_loop3A_530, %parallel_loop3A_531], %parallel_loop3A_527 {strides = array<i32>} : memref<32x8x128xf32, #tpu.memory_space<vmem>>, vector<16xf32>,
        %parallel_loop3A_533 = arith.constant 128 : i32
        %parallel_loop3A_534 = vector.broadcast %parallel_loop3A_533 : i32 to vector<16xi32>
        %parallel_loop3A_535 = arith.addi %parallel_loop3A_463, %parallel_loop3A_534 : vector<16xi32>
        %parallel_loop3A_536 = tpu.vector_load_idx %arg9[%parallel_loop3A_472] : memref<8192xf32, #tpu.memory_space<vmem>>[vector<16xi32>], vector<16xf32>,
        %parallel_loop3A_537 = arith.constant 4 : i32
        %parallel_loop3A_538 = arith.index_cast %parallel_loop3A_143 : i32 to index
        %parallel_loop3A_539 = arith.index_cast %parallel_loop3A_537 : i32 to index
        %parallel_loop3A_540 = arith.constant 96 : index
        %parallel_loop3A_541 = tpu.vector_load %arg7[%parallel_loop3A_538, %parallel_loop3A_539, %parallel_loop3A_540] {strides = array<i32>} : memref<32x8x128xf32, #tpu.memory_space<vmem>>, vector<16xf32>,
        tpu.vector_store %arg7[%parallel_loop3A_538, %parallel_loop3A_539, %parallel_loop3A_540], %parallel_loop3A_536 {strides = array<i32>} : memref<32x8x128xf32, #tpu.memory_space<vmem>>, vector<16xf32>,
        %parallel_loop3A_542 = arith.constant 128 : i32
        %parallel_loop3A_543 = vector.broadcast %parallel_loop3A_542 : i32 to vector<16xi32>
        %parallel_loop3A_544 = arith.addi %parallel_loop3A_472, %parallel_loop3A_543 : vector<16xi32>
        %parallel_loop3A_545 = tpu.vector_load_idx %arg9[%parallel_loop3A_481] : memref<8192xf32, #tpu.memory_space<vmem>>[vector<16xi32>], vector<16xf32>,
        %parallel_loop3A_546 = arith.constant 4 : i32
        %parallel_loop3A_547 = arith.index_cast %parallel_loop3A_143 : i32 to index
        %parallel_loop3A_548 = arith.index_cast %parallel_loop3A_546 : i32 to index
        %parallel_loop3A_549 = arith.constant 112 : index
        %parallel_loop3A_550 = tpu.vector_load %arg7[%parallel_loop3A_547, %parallel_loop3A_548, %parallel_loop3A_549] {strides = array<i32>} : memref<32x8x128xf32, #tpu.memory_space<vmem>>, vector<16xf32>,
        tpu.vector_store %arg7[%parallel_loop3A_547, %parallel_loop3A_548, %parallel_loop3A_549], %parallel_loop3A_545 {strides = array<i32>} : memref<32x8x128xf32, #tpu.memory_space<vmem>>, vector<16xf32>,
        %parallel_loop3A_551 = arith.constant 128 : i32
        %parallel_loop3A_552 = vector.broadcast %parallel_loop3A_551 : i32 to vector<16xi32>
        %parallel_loop3A_553 = arith.addi %parallel_loop3A_481, %parallel_loop3A_552 : vector<16xi32>
        %parallel_loop3A_554 = tpu.vector_load_idx %arg9[%parallel_loop3A_490] : memref<8192xf32, #tpu.memory_space<vmem>>[vector<16xi32>], vector<16xf32>,
        %parallel_loop3A_555 = arith.constant 5 : i32
        %parallel_loop3A_556 = arith.index_cast %parallel_loop3A_143 : i32 to index
        %parallel_loop3A_557 = arith.index_cast %parallel_loop3A_555 : i32 to index
        %parallel_loop3A_558 = arith.constant 0 : index
        %parallel_loop3A_559 = tpu.vector_load %arg7[%parallel_loop3A_556, %parallel_loop3A_557, %parallel_loop3A_558] {strides = array<i32>} : memref<32x8x128xf32, #tpu.memory_space<vmem>>, vector<16xf32>,
        tpu.vector_store %arg7[%parallel_loop3A_556, %parallel_loop3A_557, %parallel_loop3A_558], %parallel_loop3A_554 {strides = array<i32>} : memref<32x8x128xf32, #tpu.memory_space<vmem>>, vector<16xf32>,
        %parallel_loop3A_560 = arith.constant 128 : i32
        %parallel_loop3A_561 = vector.broadcast %parallel_loop3A_560 : i32 to vector<16xi32>
        %parallel_loop3A_562 = arith.addi %parallel_loop3A_490, %parallel_loop3A_561 : vector<16xi32>
        %parallel_loop3A_563 = tpu.vector_load_idx %arg9[%parallel_loop3A_499] : memref<8192xf32, #tpu.memory_space<vmem>>[vector<16xi32>], vector<16xf32>,
        %parallel_loop3A_564 = arith.constant 5 : i32
        %parallel_loop3A_565 = arith.index_cast %parallel_loop3A_143 : i32 to index
        %parallel_loop3A_566 = arith.index_cast %parallel_loop3A_564 : i32 to index
        %parallel_loop3A_567 = arith.constant 16 : index
        %parallel_loop3A_568 = tpu.vector_load %arg7[%parallel_loop3A_565, %parallel_loop3A_566, %parallel_loop3A_567] {strides = array<i32>} : memref<32x8x128xf32, #tpu.memory_space<vmem>>, vector<16xf32>,
        tpu.vector_store %arg7[%parallel_loop3A_565, %parallel_loop3A_566, %parallel_loop3A_567], %parallel_loop3A_563 {strides = array<i32>} : memref<32x8x128xf32, #tpu.memory_space<vmem>>, vector<16xf32>,
        %parallel_loop3A_569 = arith.constant 128 : i32
        %parallel_loop3A_570 = vector.broadcast %parallel_loop3A_569 : i32 to vector<16xi32>
        %parallel_loop3A_571 = arith.addi %parallel_loop3A_499, %parallel_loop3A_570 : vector<16xi32>
        %parallel_loop3A_572 = tpu.vector_load_idx %arg9[%parallel_loop3A_508] : memref<8192xf32, #tpu.memory_space<vmem>>[vector<16xi32>], vector<16xf32>,
        %parallel_loop3A_573 = arith.constant 5 : i32
        %parallel_loop3A_574 = arith.index_cast %parallel_loop3A_143 : i32 to index
        %parallel_loop3A_575 = arith.index_cast %parallel_loop3A_573 : i32 to index
        %parallel_loop3A_576 = arith.constant 32 : index
        %parallel_loop3A_577 = tpu.vector_load %arg7[%parallel_loop3A_574, %parallel_loop3A_575, %parallel_loop3A_576] {strides = array<i32>} : memref<32x8x128xf32, #tpu.memory_space<vmem>>, vector<16xf32>,
        tpu.vector_store %arg7[%parallel_loop3A_574, %parallel_loop3A_575, %parallel_loop3A_576], %parallel_loop3A_572 {strides = array<i32>} : memref<32x8x128xf32, #tpu.memory_space<vmem>>, vector<16xf32>,
        %parallel_loop3A_578 = arith.constant 128 : i32
        %parallel_loop3A_579 = vector.broadcast %parallel_loop3A_578 : i32 to vector<16xi32>
        %parallel_loop3A_580 = arith.addi %parallel_loop3A_508, %parallel_loop3A_579 : vector<16xi32>
        %parallel_loop3A_581 = tpu.vector_load_idx %arg9[%parallel_loop3A_517] : memref<8192xf32, #tpu.memory_space<vmem>>[vector<16xi32>], vector<16xf32>,
        %parallel_loop3A_582 = arith.constant 5 : i32
        %parallel_loop3A_583 = arith.index_cast %parallel_loop3A_143 : i32 to index
        %parallel_loop3A_584 = arith.index_cast %parallel_loop3A_582 : i32 to index
        %parallel_loop3A_585 = arith.constant 48 : index
        %parallel_loop3A_586 = tpu.vector_load %arg7[%parallel_loop3A_583, %parallel_loop3A_584, %parallel_loop3A_585] {strides = array<i32>} : memref<32x8x128xf32, #tpu.memory_space<vmem>>, vector<16xf32>,
        tpu.vector_store %arg7[%parallel_loop3A_583, %parallel_loop3A_584, %parallel_loop3A_585], %parallel_loop3A_581 {strides = array<i32>} : memref<32x8x128xf32, #tpu.memory_space<vmem>>, vector<16xf32>,
        %parallel_loop3A_587 = arith.constant 128 : i32
        %parallel_loop3A_588 = vector.broadcast %parallel_loop3A_587 : i32 to vector<16xi32>
        %parallel_loop3A_589 = arith.addi %parallel_loop3A_517, %parallel_loop3A_588 : vector<16xi32>
        %parallel_loop3A_590 = tpu.vector_load_idx %arg9[%parallel_loop3A_526] : memref<8192xf32, #tpu.memory_space<vmem>>[vector<16xi32>], vector<16xf32>,
        %parallel_loop3A_591 = arith.constant 5 : i32
        %parallel_loop3A_592 = arith.index_cast %parallel_loop3A_143 : i32 to index
        %parallel_loop3A_593 = arith.index_cast %parallel_loop3A_591 : i32 to index
        %parallel_loop3A_594 = arith.constant 64 : index
        %parallel_loop3A_595 = tpu.vector_load %arg7[%parallel_loop3A_592, %parallel_loop3A_593, %parallel_loop3A_594] {strides = array<i32>} : memref<32x8x128xf32, #tpu.memory_space<vmem>>, vector<16xf32>,
        tpu.vector_store %arg7[%parallel_loop3A_592, %parallel_loop3A_593, %parallel_loop3A_594], %parallel_loop3A_590 {strides = array<i32>} : memref<32x8x128xf32, #tpu.memory_space<vmem>>, vector<16xf32>,
        %parallel_loop3A_596 = arith.constant 128 : i32
        %parallel_loop3A_597 = vector.broadcast %parallel_loop3A_596 : i32 to vector<16xi32>
        %parallel_loop3A_598 = arith.addi %parallel_loop3A_526, %parallel_loop3A_597 : vector<16xi32>
        %parallel_loop3A_599 = tpu.vector_load_idx %arg9[%parallel_loop3A_535] : memref<8192xf32, #tpu.memory_space<vmem>>[vector<16xi32>], vector<16xf32>,
        %parallel_loop3A_600 = arith.constant 5 : i32
        %parallel_loop3A_601 = arith.index_cast %parallel_loop3A_143 : i32 to index
        %parallel_loop3A_602 = arith.index_cast %parallel_loop3A_600 : i32 to index
        %parallel_loop3A_603 = arith.constant 80 : index
        %parallel_loop3A_604 = tpu.vector_load %arg7[%parallel_loop3A_601, %parallel_loop3A_602, %parallel_loop3A_603] {strides = array<i32>} : memref<32x8x128xf32, #tpu.memory_space<vmem>>, vector<16xf32>,
        tpu.vector_store %arg7[%parallel_loop3A_601, %parallel_loop3A_602, %parallel_loop3A_603], %parallel_loop3A_599 {strides = array<i32>} : memref<32x8x128xf32, #tpu.memory_space<vmem>>, vector<16xf32>,
        %parallel_loop3A_605 = arith.constant 128 : i32
        %parallel_loop3A_606 = vector.broadcast %parallel_loop3A_605 : i32 to vector<16xi32>
        %parallel_loop3A_607 = arith.addi %parallel_loop3A_535, %parallel_loop3A_606 : vector<16xi32>
        %parallel_loop3A_608 = tpu.vector_load_idx %arg9[%parallel_loop3A_544] : memref<8192xf32, #tpu.memory_space<vmem>>[vector<16xi32>], vector<16xf32>,
        %parallel_loop3A_609 = arith.constant 5 : i32
        %parallel_loop3A_610 = arith.index_cast %parallel_loop3A_143 : i32 to index
        %parallel_loop3A_611 = arith.index_cast %parallel_loop3A_609 : i32 to index
        %parallel_loop3A_612 = arith.constant 96 : index
        %parallel_loop3A_613 = tpu.vector_load %arg7[%parallel_loop3A_610, %parallel_loop3A_611, %parallel_loop3A_612] {strides = array<i32>} : memref<32x8x128xf32, #tpu.memory_space<vmem>>, vector<16xf32>,
        tpu.vector_store %arg7[%parallel_loop3A_610, %parallel_loop3A_611, %parallel_loop3A_612], %parallel_loop3A_608 {strides = array<i32>} : memref<32x8x128xf32, #tpu.memory_space<vmem>>, vector<16xf32>,
        %parallel_loop3A_614 = arith.constant 128 : i32
        %parallel_loop3A_615 = vector.broadcast %parallel_loop3A_614 : i32 to vector<16xi32>
        %parallel_loop3A_616 = arith.addi %parallel_loop3A_544, %parallel_loop3A_615 : vector<16xi32>
        %parallel_loop3A_617 = tpu.vector_load_idx %arg9[%parallel_loop3A_553] : memref<8192xf32, #tpu.memory_space<vmem>>[vector<16xi32>], vector<16xf32>,
        %parallel_loop3A_618 = arith.constant 5 : i32
        %parallel_loop3A_619 = arith.index_cast %parallel_loop3A_143 : i32 to index
        %parallel_loop3A_620 = arith.index_cast %parallel_loop3A_618 : i32 to index
        %parallel_loop3A_621 = arith.constant 112 : index
        %parallel_loop3A_622 = tpu.vector_load %arg7[%parallel_loop3A_619, %parallel_loop3A_620, %parallel_loop3A_621] {strides = array<i32>} : memref<32x8x128xf32, #tpu.memory_space<vmem>>, vector<16xf32>,
        tpu.vector_store %arg7[%parallel_loop3A_619, %parallel_loop3A_620, %parallel_loop3A_621], %parallel_loop3A_617 {strides = array<i32>} : memref<32x8x128xf32, #tpu.memory_space<vmem>>, vector<16xf32>,
        %parallel_loop3A_623 = arith.constant 128 : i32
        %parallel_loop3A_624 = vector.broadcast %parallel_loop3A_623 : i32 to vector<16xi32>
        %parallel_loop3A_625 = arith.addi %parallel_loop3A_553, %parallel_loop3A_624 : vector<16xi32>
        %parallel_loop3A_626 = tpu.vector_load_idx %arg9[%parallel_loop3A_562] : memref<8192xf32, #tpu.memory_space<vmem>>[vector<16xi32>], vector<16xf32>,
        %parallel_loop3A_627 = arith.constant 6 : i32
        %parallel_loop3A_628 = arith.index_cast %parallel_loop3A_143 : i32 to index
        %parallel_loop3A_629 = arith.index_cast %parallel_loop3A_627 : i32 to index
        %parallel_loop3A_630 = arith.constant 0 : index
        %parallel_loop3A_631 = tpu.vector_load %arg7[%parallel_loop3A_628, %parallel_loop3A_629, %parallel_loop3A_630] {strides = array<i32>} : memref<32x8x128xf32, #tpu.memory_space<vmem>>, vector<16xf32>,
        tpu.vector_store %arg7[%parallel_loop3A_628, %parallel_loop3A_629, %parallel_loop3A_630], %parallel_loop3A_626 {strides = array<i32>} : memref<32x8x128xf32, #tpu.memory_space<vmem>>, vector<16xf32>,
        %parallel_loop3A_632 = arith.constant 128 : i32
        %parallel_loop3A_633 = vector.broadcast %parallel_loop3A_632 : i32 to vector<16xi32>
        %parallel_loop3A_634 = arith.addi %parallel_loop3A_562, %parallel_loop3A_633 : vector<16xi32>
        %parallel_loop3A_635 = tpu.vector_load_idx %arg9[%parallel_loop3A_571] : memref<8192xf32, #tpu.memory_space<vmem>>[vector<16xi32>], vector<16xf32>,
        %parallel_loop3A_636 = arith.constant 6 : i32
        %parallel_loop3A_637 = arith.index_cast %parallel_loop3A_143 : i32 to index
        %parallel_loop3A_638 = arith.index_cast %parallel_loop3A_636 : i32 to index
        %parallel_loop3A_639 = arith.constant 16 : index
        %parallel_loop3A_640 = tpu.vector_load %arg7[%parallel_loop3A_637, %parallel_loop3A_638, %parallel_loop3A_639] {strides = array<i32>} : memref<32x8x128xf32, #tpu.memory_space<vmem>>, vector<16xf32>,
        tpu.vector_store %arg7[%parallel_loop3A_637, %parallel_loop3A_638, %parallel_loop3A_639], %parallel_loop3A_635 {strides = array<i32>} : memref<32x8x128xf32, #tpu.memory_space<vmem>>, vector<16xf32>,
        %parallel_loop3A_641 = arith.constant 128 : i32
        %parallel_loop3A_642 = vector.broadcast %parallel_loop3A_641 : i32 to vector<16xi32>
        %parallel_loop3A_643 = arith.addi %parallel_loop3A_571, %parallel_loop3A_642 : vector<16xi32>
        %parallel_loop3A_644 = tpu.vector_load_idx %arg9[%parallel_loop3A_580] : memref<8192xf32, #tpu.memory_space<vmem>>[vector<16xi32>], vector<16xf32>,
        %parallel_loop3A_645 = arith.constant 6 : i32
        %parallel_loop3A_646 = arith.index_cast %parallel_loop3A_143 : i32 to index
        %parallel_loop3A_647 = arith.index_cast %parallel_loop3A_645 : i32 to index
        %parallel_loop3A_648 = arith.constant 32 : index
        %parallel_loop3A_649 = tpu.vector_load %arg7[%parallel_loop3A_646, %parallel_loop3A_647, %parallel_loop3A_648] {strides = array<i32>} : memref<32x8x128xf32, #tpu.memory_space<vmem>>, vector<16xf32>,
        tpu.vector_store %arg7[%parallel_loop3A_646, %parallel_loop3A_647, %parallel_loop3A_648], %parallel_loop3A_644 {strides = array<i32>} : memref<32x8x128xf32, #tpu.memory_space<vmem>>, vector<16xf32>,
        %parallel_loop3A_650 = arith.constant 128 : i32
        %parallel_loop3A_651 = vector.broadcast %parallel_loop3A_650 : i32 to vector<16xi32>
        %parallel_loop3A_652 = arith.addi %parallel_loop3A_580, %parallel_loop3A_651 : vector<16xi32>
        %parallel_loop3A_653 = tpu.vector_load_idx %arg9[%parallel_loop3A_589] : memref<8192xf32, #tpu.memory_space<vmem>>[vector<16xi32>], vector<16xf32>,
        %parallel_loop3A_654 = arith.constant 6 : i32
        %parallel_loop3A_655 = arith.index_cast %parallel_loop3A_143 : i32 to index
        %parallel_loop3A_656 = arith.index_cast %parallel_loop3A_654 : i32 to index
        %parallel_loop3A_657 = arith.constant 48 : index
        %parallel_loop3A_658 = tpu.vector_load %arg7[%parallel_loop3A_655, %parallel_loop3A_656, %parallel_loop3A_657] {strides = array<i32>} : memref<32x8x128xf32, #tpu.memory_space<vmem>>, vector<16xf32>,
        tpu.vector_store %arg7[%parallel_loop3A_655, %parallel_loop3A_656, %parallel_loop3A_657], %parallel_loop3A_653 {strides = array<i32>} : memref<32x8x128xf32, #tpu.memory_space<vmem>>, vector<16xf32>,
        %parallel_loop3A_659 = arith.constant 128 : i32
        %parallel_loop3A_660 = vector.broadcast %parallel_loop3A_659 : i32 to vector<16xi32>
        %parallel_loop3A_661 = arith.addi %parallel_loop3A_589, %parallel_loop3A_660 : vector<16xi32>
        %parallel_loop3A_662 = tpu.vector_load_idx %arg9[%parallel_loop3A_598] : memref<8192xf32, #tpu.memory_space<vmem>>[vector<16xi32>], vector<16xf32>,
        %parallel_loop3A_663 = arith.constant 6 : i32
        %parallel_loop3A_664 = arith.index_cast %parallel_loop3A_143 : i32 to index
        %parallel_loop3A_665 = arith.index_cast %parallel_loop3A_663 : i32 to index
        %parallel_loop3A_666 = arith.constant 64 : index
        %parallel_loop3A_667 = tpu.vector_load %arg7[%parallel_loop3A_664, %parallel_loop3A_665, %parallel_loop3A_666] {strides = array<i32>} : memref<32x8x128xf32, #tpu.memory_space<vmem>>, vector<16xf32>,
        tpu.vector_store %arg7[%parallel_loop3A_664, %parallel_loop3A_665, %parallel_loop3A_666], %parallel_loop3A_662 {strides = array<i32>} : memref<32x8x128xf32, #tpu.memory_space<vmem>>, vector<16xf32>,
        %parallel_loop3A_668 = arith.constant 128 : i32
        %parallel_loop3A_669 = vector.broadcast %parallel_loop3A_668 : i32 to vector<16xi32>
        %parallel_loop3A_670 = arith.addi %parallel_loop3A_598, %parallel_loop3A_669 : vector<16xi32>
        %parallel_loop3A_671 = tpu.vector_load_idx %arg9[%parallel_loop3A_607] : memref<8192xf32, #tpu.memory_space<vmem>>[vector<16xi32>], vector<16xf32>,
        %parallel_loop3A_672 = arith.constant 6 : i32
        %parallel_loop3A_673 = arith.index_cast %parallel_loop3A_143 : i32 to index
        %parallel_loop3A_674 = arith.index_cast %parallel_loop3A_672 : i32 to index
        %parallel_loop3A_675 = arith.constant 80 : index
        %parallel_loop3A_676 = tpu.vector_load %arg7[%parallel_loop3A_673, %parallel_loop3A_674, %parallel_loop3A_675] {strides = array<i32>} : memref<32x8x128xf32, #tpu.memory_space<vmem>>, vector<16xf32>,
        tpu.vector_store %arg7[%parallel_loop3A_673, %parallel_loop3A_674, %parallel_loop3A_675], %parallel_loop3A_671 {strides = array<i32>} : memref<32x8x128xf32, #tpu.memory_space<vmem>>, vector<16xf32>,
        %parallel_loop3A_677 = arith.constant 128 : i32
        %parallel_loop3A_678 = vector.broadcast %parallel_loop3A_677 : i32 to vector<16xi32>
        %parallel_loop3A_679 = arith.addi %parallel_loop3A_607, %parallel_loop3A_678 : vector<16xi32>
        %parallel_loop3A_680 = tpu.vector_load_idx %arg9[%parallel_loop3A_616] : memref<8192xf32, #tpu.memory_space<vmem>>[vector<16xi32>], vector<16xf32>,
        %parallel_loop3A_681 = arith.constant 6 : i32
        %parallel_loop3A_682 = arith.index_cast %parallel_loop3A_143 : i32 to index
        %parallel_loop3A_683 = arith.index_cast %parallel_loop3A_681 : i32 to index
        %parallel_loop3A_684 = arith.constant 96 : index
        %parallel_loop3A_685 = tpu.vector_load %arg7[%parallel_loop3A_682, %parallel_loop3A_683, %parallel_loop3A_684] {strides = array<i32>} : memref<32x8x128xf32, #tpu.memory_space<vmem>>, vector<16xf32>,
        tpu.vector_store %arg7[%parallel_loop3A_682, %parallel_loop3A_683, %parallel_loop3A_684], %parallel_loop3A_680 {strides = array<i32>} : memref<32x8x128xf32, #tpu.memory_space<vmem>>, vector<16xf32>,
        %parallel_loop3A_686 = arith.constant 128 : i32
        %parallel_loop3A_687 = vector.broadcast %parallel_loop3A_686 : i32 to vector<16xi32>
        %parallel_loop3A_688 = arith.addi %parallel_loop3A_616, %parallel_loop3A_687 : vector<16xi32>
        %parallel_loop3A_689 = tpu.vector_load_idx %arg9[%parallel_loop3A_625] : memref<8192xf32, #tpu.memory_space<vmem>>[vector<16xi32>], vector<16xf32>,
        %parallel_loop3A_690 = arith.constant 6 : i32
        %parallel_loop3A_691 = arith.index_cast %parallel_loop3A_143 : i32 to index
        %parallel_loop3A_692 = arith.index_cast %parallel_loop3A_690 : i32 to index
        %parallel_loop3A_693 = arith.constant 112 : index
        %parallel_loop3A_694 = tpu.vector_load %arg7[%parallel_loop3A_691, %parallel_loop3A_692, %parallel_loop3A_693] {strides = array<i32>} : memref<32x8x128xf32, #tpu.memory_space<vmem>>, vector<16xf32>,
        tpu.vector_store %arg7[%parallel_loop3A_691, %parallel_loop3A_692, %parallel_loop3A_693], %parallel_loop3A_689 {strides = array<i32>} : memref<32x8x128xf32, #tpu.memory_space<vmem>>, vector<16xf32>,
        %parallel_loop3A_695 = arith.constant 128 : i32
        %parallel_loop3A_696 = vector.broadcast %parallel_loop3A_695 : i32 to vector<16xi32>
        %parallel_loop3A_697 = arith.addi %parallel_loop3A_625, %parallel_loop3A_696 : vector<16xi32>
        %parallel_loop3A_698 = tpu.vector_load_idx %arg9[%parallel_loop3A_634] : memref<8192xf32, #tpu.memory_space<vmem>>[vector<16xi32>], vector<16xf32>,
        %parallel_loop3A_699 = arith.constant 7 : i32
        %parallel_loop3A_700 = arith.index_cast %parallel_loop3A_143 : i32 to index
        %parallel_loop3A_701 = arith.index_cast %parallel_loop3A_699 : i32 to index
        %parallel_loop3A_702 = arith.constant 0 : index
        %parallel_loop3A_703 = tpu.vector_load %arg7[%parallel_loop3A_700, %parallel_loop3A_701, %parallel_loop3A_702] {strides = array<i32>} : memref<32x8x128xf32, #tpu.memory_space<vmem>>, vector<16xf32>,
        tpu.vector_store %arg7[%parallel_loop3A_700, %parallel_loop3A_701, %parallel_loop3A_702], %parallel_loop3A_698 {strides = array<i32>} : memref<32x8x128xf32, #tpu.memory_space<vmem>>, vector<16xf32>,
        %parallel_loop3A_704 = arith.constant 128 : i32
        %parallel_loop3A_705 = vector.broadcast %parallel_loop3A_704 : i32 to vector<16xi32>
        %parallel_loop3A_706 = arith.addi %parallel_loop3A_634, %parallel_loop3A_705 : vector<16xi32>
        %parallel_loop3A_707 = tpu.vector_load_idx %arg9[%parallel_loop3A_643] : memref<8192xf32, #tpu.memory_space<vmem>>[vector<16xi32>], vector<16xf32>,
        %parallel_loop3A_708 = arith.constant 7 : i32
        %parallel_loop3A_709 = arith.index_cast %parallel_loop3A_143 : i32 to index
        %parallel_loop3A_710 = arith.index_cast %parallel_loop3A_708 : i32 to index
        %parallel_loop3A_711 = arith.constant 16 : index
        %parallel_loop3A_712 = tpu.vector_load %arg7[%parallel_loop3A_709, %parallel_loop3A_710, %parallel_loop3A_711] {strides = array<i32>} : memref<32x8x128xf32, #tpu.memory_space<vmem>>, vector<16xf32>,
        tpu.vector_store %arg7[%parallel_loop3A_709, %parallel_loop3A_710, %parallel_loop3A_711], %parallel_loop3A_707 {strides = array<i32>} : memref<32x8x128xf32, #tpu.memory_space<vmem>>, vector<16xf32>,
        %parallel_loop3A_713 = arith.constant 128 : i32
        %parallel_loop3A_714 = vector.broadcast %parallel_loop3A_713 : i32 to vector<16xi32>
        %parallel_loop3A_715 = arith.addi %parallel_loop3A_643, %parallel_loop3A_714 : vector<16xi32>
        %parallel_loop3A_716 = tpu.vector_load_idx %arg9[%parallel_loop3A_652] : memref<8192xf32, #tpu.memory_space<vmem>>[vector<16xi32>], vector<16xf32>,
        %parallel_loop3A_717 = arith.constant 7 : i32
        %parallel_loop3A_718 = arith.index_cast %parallel_loop3A_143 : i32 to index
        %parallel_loop3A_719 = arith.index_cast %parallel_loop3A_717 : i32 to index
        %parallel_loop3A_720 = arith.constant 32 : index
        %parallel_loop3A_721 = tpu.vector_load %arg7[%parallel_loop3A_718, %parallel_loop3A_719, %parallel_loop3A_720] {strides = array<i32>} : memref<32x8x128xf32, #tpu.memory_space<vmem>>, vector<16xf32>,
        tpu.vector_store %arg7[%parallel_loop3A_718, %parallel_loop3A_719, %parallel_loop3A_720], %parallel_loop3A_716 {strides = array<i32>} : memref<32x8x128xf32, #tpu.memory_space<vmem>>, vector<16xf32>,
        %parallel_loop3A_722 = arith.constant 128 : i32
        %parallel_loop3A_723 = vector.broadcast %parallel_loop3A_722 : i32 to vector<16xi32>
        %parallel_loop3A_724 = arith.addi %parallel_loop3A_652, %parallel_loop3A_723 : vector<16xi32>
        %parallel_loop3A_725 = tpu.vector_load_idx %arg9[%parallel_loop3A_661] : memref<8192xf32, #tpu.memory_space<vmem>>[vector<16xi32>], vector<16xf32>,
        %parallel_loop3A_726 = arith.constant 7 : i32
        %parallel_loop3A_727 = arith.index_cast %parallel_loop3A_143 : i32 to index
        %parallel_loop3A_728 = arith.index_cast %parallel_loop3A_726 : i32 to index
        %parallel_loop3A_729 = arith.constant 48 : index
        %parallel_loop3A_730 = tpu.vector_load %arg7[%parallel_loop3A_727, %parallel_loop3A_728, %parallel_loop3A_729] {strides = array<i32>} : memref<32x8x128xf32, #tpu.memory_space<vmem>>, vector<16xf32>,
        tpu.vector_store %arg7[%parallel_loop3A_727, %parallel_loop3A_728, %parallel_loop3A_729], %parallel_loop3A_725 {strides = array<i32>} : memref<32x8x128xf32, #tpu.memory_space<vmem>>, vector<16xf32>,
        %parallel_loop3A_731 = arith.constant 128 : i32
        %parallel_loop3A_732 = vector.broadcast %parallel_loop3A_731 : i32 to vector<16xi32>
        %parallel_loop3A_733 = arith.addi %parallel_loop3A_661, %parallel_loop3A_732 : vector<16xi32>
        %parallel_loop3A_734 = tpu.vector_load_idx %arg9[%parallel_loop3A_670] : memref<8192xf32, #tpu.memory_space<vmem>>[vector<16xi32>], vector<16xf32>,
        %parallel_loop3A_735 = arith.constant 7 : i32
        %parallel_loop3A_736 = arith.index_cast %parallel_loop3A_143 : i32 to index
        %parallel_loop3A_737 = arith.index_cast %parallel_loop3A_735 : i32 to index
        %parallel_loop3A_738 = arith.constant 64 : index
        %parallel_loop3A_739 = tpu.vector_load %arg7[%parallel_loop3A_736, %parallel_loop3A_737, %parallel_loop3A_738] {strides = array<i32>} : memref<32x8x128xf32, #tpu.memory_space<vmem>>, vector<16xf32>,
        tpu.vector_store %arg7[%parallel_loop3A_736, %parallel_loop3A_737, %parallel_loop3A_738], %parallel_loop3A_734 {strides = array<i32>} : memref<32x8x128xf32, #tpu.memory_space<vmem>>, vector<16xf32>,
        %parallel_loop3A_740 = arith.constant 128 : i32
        %parallel_loop3A_741 = vector.broadcast %parallel_loop3A_740 : i32 to vector<16xi32>
        %parallel_loop3A_742 = arith.addi %parallel_loop3A_670, %parallel_loop3A_741 : vector<16xi32>
        %parallel_loop3A_743 = tpu.vector_load_idx %arg9[%parallel_loop3A_679] : memref<8192xf32, #tpu.memory_space<vmem>>[vector<16xi32>], vector<16xf32>,
        %parallel_loop3A_744 = arith.constant 7 : i32
        %parallel_loop3A_745 = arith.index_cast %parallel_loop3A_143 : i32 to index
        %parallel_loop3A_746 = arith.index_cast %parallel_loop3A_744 : i32 to index
        %parallel_loop3A_747 = arith.constant 80 : index
        %parallel_loop3A_748 = tpu.vector_load %arg7[%parallel_loop3A_745, %parallel_loop3A_746, %parallel_loop3A_747] {strides = array<i32>} : memref<32x8x128xf32, #tpu.memory_space<vmem>>, vector<16xf32>,
        tpu.vector_store %arg7[%parallel_loop3A_745, %parallel_loop3A_746, %parallel_loop3A_747], %parallel_loop3A_743 {strides = array<i32>} : memref<32x8x128xf32, #tpu.memory_space<vmem>>, vector<16xf32>,
        %parallel_loop3A_749 = arith.constant 128 : i32
        %parallel_loop3A_750 = vector.broadcast %parallel_loop3A_749 : i32 to vector<16xi32>
        %parallel_loop3A_751 = arith.addi %parallel_loop3A_679, %parallel_loop3A_750 : vector<16xi32>
        %parallel_loop3A_752 = tpu.vector_load_idx %arg9[%parallel_loop3A_688] : memref<8192xf32, #tpu.memory_space<vmem>>[vector<16xi32>], vector<16xf32>,
        %parallel_loop3A_753 = arith.constant 7 : i32
        %parallel_loop3A_754 = arith.index_cast %parallel_loop3A_143 : i32 to index
        %parallel_loop3A_755 = arith.index_cast %parallel_loop3A_753 : i32 to index
        %parallel_loop3A_756 = arith.constant 96 : index
        %parallel_loop3A_757 = tpu.vector_load %arg7[%parallel_loop3A_754, %parallel_loop3A_755, %parallel_loop3A_756] {strides = array<i32>} : memref<32x8x128xf32, #tpu.memory_space<vmem>>, vector<16xf32>,
        tpu.vector_store %arg7[%parallel_loop3A_754, %parallel_loop3A_755, %parallel_loop3A_756], %parallel_loop3A_752 {strides = array<i32>} : memref<32x8x128xf32, #tpu.memory_space<vmem>>, vector<16xf32>,
        %parallel_loop3A_758 = arith.constant 128 : i32
        %parallel_loop3A_759 = vector.broadcast %parallel_loop3A_758 : i32 to vector<16xi32>
        %parallel_loop3A_760 = arith.addi %parallel_loop3A_688, %parallel_loop3A_759 : vector<16xi32>
        %parallel_loop3A_761 = tpu.vector_load_idx %arg9[%parallel_loop3A_697] : memref<8192xf32, #tpu.memory_space<vmem>>[vector<16xi32>], vector<16xf32>,
        %parallel_loop3A_762 = arith.constant 7 : i32
        %parallel_loop3A_763 = arith.index_cast %parallel_loop3A_143 : i32 to index
        %parallel_loop3A_764 = arith.index_cast %parallel_loop3A_762 : i32 to index
        %parallel_loop3A_765 = arith.constant 112 : index
        %parallel_loop3A_766 = tpu.vector_load %arg7[%parallel_loop3A_763, %parallel_loop3A_764, %parallel_loop3A_765] {strides = array<i32>} : memref<32x8x128xf32, #tpu.memory_space<vmem>>, vector<16xf32>,
        tpu.vector_store %arg7[%parallel_loop3A_763, %parallel_loop3A_764, %parallel_loop3A_765], %parallel_loop3A_761 {strides = array<i32>} : memref<32x8x128xf32, #tpu.memory_space<vmem>>, vector<16xf32>,
        %parallel_loop3A_767 = arith.constant 128 : i32
        %parallel_loop3A_768 = vector.broadcast %parallel_loop3A_767 : i32 to vector<16xi32>
        %parallel_loop3A_769 = arith.addi %parallel_loop3A_697, %parallel_loop3A_768 : vector<16xi32>
      } {sc.loop_unroll_factor = 1 : i64, sc.parallel_access}
      %mul3A_92 = arith.constant 32 : i32
      %mul3A_93 = arith.muli %select_n3A_30, %mul3A_92 : i32
      %dma_start3A_94 = arith.constant 0 : i32
      %dma_start3A_95 = arith.constant 0 : i32
      %dma_start3A_96 = tpu.memref_slice %arg4[%add3A_83, %select_n3A, %mul3A_93, %dma_start3A_94, %dma_start3A_95] : memref<200x8x128x8x128xf32, #tpu.memory_space<hbm>> -> memref<1x1x32x8x128xf32, #tpu.memory_space<hbm>>
      %dma_start3A_97 = tpu.memref_squeeze %dma_start3A_96 : memref<1x1x32x8x128xf32, #tpu.memory_space<hbm>> -> memref<32x8x128xf32, #tpu.memory_space<hbm>>
      %dma_start3A_98 = arith.constant 0 : i32
      %dma_start3A_99 = arith.constant 0 : i32
      %dma_start3A_100 = tpu.memref_slice %arg4[%add3A_83, %select_n3A, %mul3A_93, %dma_start3A_98, %dma_start3A_99] : memref<200x8x128x8x128xf32, #tpu.memory_space<hbm>> -> memref<1x1x32x8x128xf32, #tpu.memory_space<hbm>>
      %dma_start3A_101 = tpu.memref_squeeze %dma_start3A_100 : memref<1x1x32x8x128xf32, #tpu.memory_space<hbm>> -> memref<32x8x128xf32, #tpu.memory_space<hbm>>
      tpu.enqueue_dma source(%arg7 : memref<32x8x128xf32, #tpu.memory_space<vmem>>) target(%dma_start3A_101 : memref<32x8x128xf32, #tpu.memory_space<hbm>>) target_semaphore(%arg12 : memref<!tpu.dma_semaphore, #tpu.memory_space<semaphore_mem>>)
      %add3A_102 = arith.constant 2 : i32
      %add3A_103 = arith.addi %add3A_83, %add3A_102 : i32
      %min3A = arith.constant 199 : i32
      %min3A_104 = arith.minsi %add3A_103, %min3A : i32
      %dma_start3A_105 = tpu.memref_slice %arg2[%min3A_104, %mul3A_32] : memref<200x16384xi32, #tpu.memory_space<hbm>> -> memref<1x4096xi32, #tpu.memory_space<hbm>>
      %dma_start3A_106 = tpu.memref_squeeze %dma_start3A_105 : memref<1x4096xi32, #tpu.memory_space<hbm>> -> memref<4096xi32, #tpu.memory_space<hbm>>
      %dma_start3A_107 = tpu.memref_slice %arg2[%min3A_104, %mul3A_32] : memref<200x16384xi32, #tpu.memory_space<hbm>> -> memref<1x4096xi32, #tpu.memory_space<hbm>>
      %dma_start3A_108 = tpu.memref_squeeze %dma_start3A_107 : memref<1x4096xi32, #tpu.memory_space<hbm>> -> memref<4096xi32, #tpu.memory_space<hbm>>
      tpu.enqueue_dma source(%dma_start3A_108 : memref<4096xi32, #tpu.memory_space<hbm>>) target(%arg5 : memref<4096xi32, #tpu.memory_space<vmem>>) target_semaphore(%arg10 : memref<!tpu.dma_semaphore, #tpu.memory_space<semaphore_mem>>)
      %mul3A_109 = arith.constant 2 : i32
      %mul3A_110 = arith.muli %scan3A_79, %mul3A_109 : i32
      %add3A_111 = arith.constant 1 : i32
      %add3A_112 = arith.addi %mul3A_110, %add3A_111 : i32
      %dma_wait3A_113 = tpu.memref_slice %arg2[%add3A_112, %mul3A_32] : memref<200x16384xi32, #tpu.memory_space<hbm>> -> memref<1x4096xi32, #tpu.memory_space<hbm>>
      %dma_wait3A_114 = tpu.memref_squeeze %dma_wait3A_113 : memref<1x4096xi32, #tpu.memory_space<hbm>> -> memref<4096xi32, #tpu.memory_space<hbm>>
      %dma_wait3A_115 = tpu.memref_slice %arg2[%add3A_112, %mul3A_32] : memref<200x16384xi32, #tpu.memory_space<hbm>> -> memref<1x4096xi32, #tpu.memory_space<hbm>>
      %dma_wait3A_116 = tpu.memref_squeeze %dma_wait3A_115 : memref<1x4096xi32, #tpu.memory_space<hbm>> -> memref<4096xi32, #tpu.memory_space<hbm>>
      tpu.wait_dma2 semaphore(%arg11 : memref<!tpu.dma_semaphore, #tpu.memory_space<semaphore_mem>>) src(%dma_wait3A_116 : memref<4096xi32, #tpu.memory_space<hbm>>) dst(%arg6 : memref<4096xi32, #tpu.memory_space<vmem>>)
      %gt3A_117 = arith.constant 0 : i32
      %gt3A_118 = arith.cmpi sgt, %scan3A_79, %gt3A_117 : i32
      %convert_element_type3A_119 = arith.extui %gt3A_118 : i1 to i32
      %cond3A_120 = arith.constant 0 : i32
      %cond3A_121 = arith.cmpi ne, %convert_element_type3A_119, %cond3A_120 : i32
      scf.if %cond3A_121 {
        %sub3A_143 = arith.constant 2 : i32
        %sub3A_144 = arith.subi %add3A_112, %sub3A_143 : i32
        %mul3A_145 = arith.constant 32 : i32
        %mul3A_146 = arith.muli %select_n3A_30, %mul3A_145 : i32
        %dma_wait3A_147 = arith.constant 0 : i32
        %dma_wait3A_148 = arith.constant 0 : i32
        %dma_wait3A_149 = tpu.memref_slice %arg4[%sub3A_144, %select_n3A, %mul3A_146, %dma_wait3A_147, %dma_wait3A_148] : memref<200x8x128x8x128xf32, #tpu.memory_space<hbm>> -> memref<1x1x32x8x128xf32, #tpu.memory_space<hbm>>
        %dma_wait3A_150 = tpu.memref_squeeze %dma_wait3A_149 : memref<1x1x32x8x128xf32, #tpu.memory_space<hbm>> -> memref<32x8x128xf32, #tpu.memory_space<hbm>>
        %dma_wait3A_151 = arith.constant 0 : i32
        %dma_wait3A_152 = arith.constant 0 : i32
        %dma_wait3A_153 = tpu.memref_slice %arg4[%sub3A_144, %select_n3A, %mul3A_146, %dma_wait3A_151, %dma_wait3A_152] : memref<200x8x128x8x128xf32, #tpu.memory_space<hbm>> -> memref<1x1x32x8x128xf32, #tpu.memory_space<hbm>>
        %dma_wait3A_154 = tpu.memref_squeeze %dma_wait3A_153 : memref<1x1x32x8x128xf32, #tpu.memory_space<hbm>> -> memref<32x8x128xf32, #tpu.memory_space<hbm>>
        tpu.wait_dma2 semaphore(%arg13 : memref<!tpu.dma_semaphore, #tpu.memory_space<semaphore_mem>>) src(%arg8 : memref<32x8x128xf32, #tpu.memory_space<vmem>>) dst(%dma_wait3A_154 : memref<32x8x128xf32, #tpu.memory_space<hbm>>)
      } else {
      }
      %parallel_loop3A_122 = arith.constant 0 : i32
      %parallel_loop3A_123 = arith.constant 32 : i32
      %parallel_loop3A_124 = arith.constant 1 : i32
      scf.for %parallel_loop3A_143 = %parallel_loop3A_122 to %parallel_loop3A_123 step %parallel_loop3A_124  : i32 {
        %parallel_loop3A_144 = arith.constant 128 : i32
        %parallel_loop3A_145 = arith.muli %parallel_loop3A_143, %parallel_loop3A_144 : i32
        %parallel_loop3A_146 = arith.constant 0 : i32
        %parallel_loop3A_147 = arith.addi %parallel_loop3A_145, %parallel_loop3A_146 : i32
        %parallel_loop3A_148 = arith.index_cast %parallel_loop3A_147 : i32 to index
        %parallel_loop3A_149 = tpu.vector_load %arg6[%parallel_loop3A_148] {strides = array<i32>} : memref<4096xi32, #tpu.memory_space<vmem>>, vector<16xi32>,
        %parallel_loop3A_150 = vector.broadcast %mul3A_34 : i32 to vector<16xi32>
        %parallel_loop3A_151 = arith.addi %parallel_loop3A_149, %parallel_loop3A_150 : vector<16xi32>
        %parallel_loop3A_152 = arith.constant 16 : i32
        %parallel_loop3A_153 = arith.addi %parallel_loop3A_145, %parallel_loop3A_152 : i32
        %parallel_loop3A_154 = arith.index_cast %parallel_loop3A_153 : i32 to index
        %parallel_loop3A_155 = tpu.vector_load %arg6[%parallel_loop3A_154] {strides = array<i32>} : memref<4096xi32, #tpu.memory_space<vmem>>, vector<16xi32>,
        %parallel_loop3A_156 = vector.broadcast %mul3A_34 : i32 to vector<16xi32>
        %parallel_loop3A_157 = arith.addi %parallel_loop3A_155, %parallel_loop3A_156 : vector<16xi32>
        %parallel_loop3A_158 = arith.constant 32 : i32
        %parallel_loop3A_159 = arith.addi %parallel_loop3A_145, %parallel_loop3A_158 : i32
        %parallel_loop3A_160 = arith.index_cast %parallel_loop3A_159 : i32 to index
        %parallel_loop3A_161 = tpu.vector_load %arg6[%parallel_loop3A_160] {strides = array<i32>} : memref<4096xi32, #tpu.memory_space<vmem>>, vector<16xi32>,
        %parallel_loop3A_162 = vector.broadcast %mul3A_34 : i32 to vector<16xi32>
        %parallel_loop3A_163 = arith.addi %parallel_loop3A_161, %parallel_loop3A_162 : vector<16xi32>
        %parallel_loop3A_164 = arith.constant 48 : i32
        %parallel_loop3A_165 = arith.addi %parallel_loop3A_145, %parallel_loop3A_164 : i32
        %parallel_loop3A_166 = arith.index_cast %parallel_loop3A_165 : i32 to index
        %parallel_loop3A_167 = tpu.vector_load %arg6[%parallel_loop3A_166] {strides = array<i32>} : memref<4096xi32, #tpu.memory_space<vmem>>, vector<16xi32>,
        %parallel_loop3A_168 = vector.broadcast %mul3A_34 : i32 to vector<16xi32>
        %parallel_loop3A_169 = arith.addi %parallel_loop3A_167, %parallel_loop3A_168 : vector<16xi32>
        %parallel_loop3A_170 = arith.constant 64 : i32
        %parallel_loop3A_171 = arith.addi %parallel_loop3A_145, %parallel_loop3A_170 : i32
        %parallel_loop3A_172 = arith.index_cast %parallel_loop3A_171 : i32 to index
        %parallel_loop3A_173 = tpu.vector_load %arg6[%parallel_loop3A_172] {strides = array<i32>} : memref<4096xi32, #tpu.memory_space<vmem>>, vector<16xi32>,
        %parallel_loop3A_174 = vector.broadcast %mul3A_34 : i32 to vector<16xi32>
        %parallel_loop3A_175 = arith.addi %parallel_loop3A_173, %parallel_loop3A_174 : vector<16xi32>
        %parallel_loop3A_176 = arith.constant 80 : i32
        %parallel_loop3A_177 = arith.addi %parallel_loop3A_145, %parallel_loop3A_176 : i32
        %parallel_loop3A_178 = arith.index_cast %parallel_loop3A_177 : i32 to index
        %parallel_loop3A_179 = tpu.vector_load %arg6[%parallel_loop3A_178] {strides = array<i32>} : memref<4096xi32, #tpu.memory_space<vmem>>, vector<16xi32>,
        %parallel_loop3A_180 = vector.broadcast %mul3A_34 : i32 to vector<16xi32>
        %parallel_loop3A_181 = arith.addi %parallel_loop3A_179, %parallel_loop3A_180 : vector<16xi32>
        %parallel_loop3A_182 = arith.constant 96 : i32
        %parallel_loop3A_183 = arith.addi %parallel_loop3A_145, %parallel_loop3A_182 : i32
        %parallel_loop3A_184 = arith.index_cast %parallel_loop3A_183 : i32 to index
        %parallel_loop3A_185 = tpu.vector_load %arg6[%parallel_loop3A_184] {strides = array<i32>} : memref<4096xi32, #tpu.memory_space<vmem>>, vector<16xi32>,
        %parallel_loop3A_186 = vector.broadcast %mul3A_34 : i32 to vector<16xi32>
        %parallel_loop3A_187 = arith.addi %parallel_loop3A_185, %parallel_loop3A_186 : vector<16xi32>
        %parallel_loop3A_188 = arith.constant 112 : i32
        %parallel_loop3A_189 = arith.addi %parallel_loop3A_145, %parallel_loop3A_188 : i32
        %parallel_loop3A_190 = arith.index_cast %parallel_loop3A_189 : i32 to index
        %parallel_loop3A_191 = tpu.vector_load %arg6[%parallel_loop3A_190] {strides = array<i32>} : memref<4096xi32, #tpu.memory_space<vmem>>, vector<16xi32>,
        %parallel_loop3A_192 = vector.broadcast %mul3A_34 : i32 to vector<16xi32>
        %parallel_loop3A_193 = arith.addi %parallel_loop3A_191, %parallel_loop3A_192 : vector<16xi32>
        %parallel_loop3A_194 = tpu.vector_load_idx %arg9[%parallel_loop3A_151] : memref<8192xf32, #tpu.memory_space<vmem>>[vector<16xi32>], vector<16xf32>,
        %parallel_loop3A_195 = arith.constant 0 : i32
        %parallel_loop3A_196 = arith.index_cast %parallel_loop3A_143 : i32 to index
        %parallel_loop3A_197 = arith.index_cast %parallel_loop3A_195 : i32 to index
        %parallel_loop3A_198 = arith.constant 0 : index
        %parallel_loop3A_199 = tpu.vector_load %arg8[%parallel_loop3A_196, %parallel_loop3A_197, %parallel_loop3A_198] {strides = array<i32>} : memref<32x8x128xf32, #tpu.memory_space<vmem>>, vector<16xf32>,
        tpu.vector_store %arg8[%parallel_loop3A_196, %parallel_loop3A_197, %parallel_loop3A_198], %parallel_loop3A_194 {strides = array<i32>} : memref<32x8x128xf32, #tpu.memory_space<vmem>>, vector<16xf32>,
        %parallel_loop3A_200 = arith.constant 128 : i32
        %parallel_loop3A_201 = vector.broadcast %parallel_loop3A_200 : i32 to vector<16xi32>
        %parallel_loop3A_202 = arith.addi %parallel_loop3A_151, %parallel_loop3A_201 : vector<16xi32>
        %parallel_loop3A_203 = tpu.vector_load_idx %arg9[%parallel_loop3A_157] : memref<8192xf32, #tpu.memory_space<vmem>>[vector<16xi32>], vector<16xf32>,
        %parallel_loop3A_204 = arith.constant 0 : i32
        %parallel_loop3A_205 = arith.index_cast %parallel_loop3A_143 : i32 to index
        %parallel_loop3A_206 = arith.index_cast %parallel_loop3A_204 : i32 to index
        %parallel_loop3A_207 = arith.constant 16 : index
        %parallel_loop3A_208 = tpu.vector_load %arg8[%parallel_loop3A_205, %parallel_loop3A_206, %parallel_loop3A_207] {strides = array<i32>} : memref<32x8x128xf32, #tpu.memory_space<vmem>>, vector<16xf32>,
        tpu.vector_store %arg8[%parallel_loop3A_205, %parallel_loop3A_206, %parallel_loop3A_207], %parallel_loop3A_203 {strides = array<i32>} : memref<32x8x128xf32, #tpu.memory_space<vmem>>, vector<16xf32>,
        %parallel_loop3A_209 = arith.constant 128 : i32
        %parallel_loop3A_210 = vector.broadcast %parallel_loop3A_209 : i32 to vector<16xi32>
        %parallel_loop3A_211 = arith.addi %parallel_loop3A_157, %parallel_loop3A_210 : vector<16xi32>
        %parallel_loop3A_212 = tpu.vector_load_idx %arg9[%parallel_loop3A_163] : memref<8192xf32, #tpu.memory_space<vmem>>[vector<16xi32>], vector<16xf32>,
        %parallel_loop3A_213 = arith.constant 0 : i32
        %parallel_loop3A_214 = arith.index_cast %parallel_loop3A_143 : i32 to index
        %parallel_loop3A_215 = arith.index_cast %parallel_loop3A_213 : i32 to index
        %parallel_loop3A_216 = arith.constant 32 : index
        %parallel_loop3A_217 = tpu.vector_load %arg8[%parallel_loop3A_214, %parallel_loop3A_215, %parallel_loop3A_216] {strides = array<i32>} : memref<32x8x128xf32, #tpu.memory_space<vmem>>, vector<16xf32>,
        tpu.vector_store %arg8[%parallel_loop3A_214, %parallel_loop3A_215, %parallel_loop3A_216], %parallel_loop3A_212 {strides = array<i32>} : memref<32x8x128xf32, #tpu.memory_space<vmem>>, vector<16xf32>,
        %parallel_loop3A_218 = arith.constant 128 : i32
        %parallel_loop3A_219 = vector.broadcast %parallel_loop3A_218 : i32 to vector<16xi32>
        %parallel_loop3A_220 = arith.addi %parallel_loop3A_163, %parallel_loop3A_219 : vector<16xi32>
        %parallel_loop3A_221 = tpu.vector_load_idx %arg9[%parallel_loop3A_169] : memref<8192xf32, #tpu.memory_space<vmem>>[vector<16xi32>], vector<16xf32>,
        %parallel_loop3A_222 = arith.constant 0 : i32
        %parallel_loop3A_223 = arith.index_cast %parallel_loop3A_143 : i32 to index
        %parallel_loop3A_224 = arith.index_cast %parallel_loop3A_222 : i32 to index
        %parallel_loop3A_225 = arith.constant 48 : index
        %parallel_loop3A_226 = tpu.vector_load %arg8[%parallel_loop3A_223, %parallel_loop3A_224, %parallel_loop3A_225] {strides = array<i32>} : memref<32x8x128xf32, #tpu.memory_space<vmem>>, vector<16xf32>,
        tpu.vector_store %arg8[%parallel_loop3A_223, %parallel_loop3A_224, %parallel_loop3A_225], %parallel_loop3A_221 {strides = array<i32>} : memref<32x8x128xf32, #tpu.memory_space<vmem>>, vector<16xf32>,
        %parallel_loop3A_227 = arith.constant 128 : i32
        %parallel_loop3A_228 = vector.broadcast %parallel_loop3A_227 : i32 to vector<16xi32>
        %parallel_loop3A_229 = arith.addi %parallel_loop3A_169, %parallel_loop3A_228 : vector<16xi32>
        %parallel_loop3A_230 = tpu.vector_load_idx %arg9[%parallel_loop3A_175] : memref<8192xf32, #tpu.memory_space<vmem>>[vector<16xi32>], vector<16xf32>,
        %parallel_loop3A_231 = arith.constant 0 : i32
        %parallel_loop3A_232 = arith.index_cast %parallel_loop3A_143 : i32 to index
        %parallel_loop3A_233 = arith.index_cast %parallel_loop3A_231 : i32 to index
        %parallel_loop3A_234 = arith.constant 64 : index
        %parallel_loop3A_235 = tpu.vector_load %arg8[%parallel_loop3A_232, %parallel_loop3A_233, %parallel_loop3A_234] {strides = array<i32>} : memref<32x8x128xf32, #tpu.memory_space<vmem>>, vector<16xf32>,
        tpu.vector_store %arg8[%parallel_loop3A_232, %parallel_loop3A_233, %parallel_loop3A_234], %parallel_loop3A_230 {strides = array<i32>} : memref<32x8x128xf32, #tpu.memory_space<vmem>>, vector<16xf32>,
        %parallel_loop3A_236 = arith.constant 128 : i32
        %parallel_loop3A_237 = vector.broadcast %parallel_loop3A_236 : i32 to vector<16xi32>
        %parallel_loop3A_238 = arith.addi %parallel_loop3A_175, %parallel_loop3A_237 : vector<16xi32>
        %parallel_loop3A_239 = tpu.vector_load_idx %arg9[%parallel_loop3A_181] : memref<8192xf32, #tpu.memory_space<vmem>>[vector<16xi32>], vector<16xf32>,
        %parallel_loop3A_240 = arith.constant 0 : i32
        %parallel_loop3A_241 = arith.index_cast %parallel_loop3A_143 : i32 to index
        %parallel_loop3A_242 = arith.index_cast %parallel_loop3A_240 : i32 to index
        %parallel_loop3A_243 = arith.constant 80 : index
        %parallel_loop3A_244 = tpu.vector_load %arg8[%parallel_loop3A_241, %parallel_loop3A_242, %parallel_loop3A_243] {strides = array<i32>} : memref<32x8x128xf32, #tpu.memory_space<vmem>>, vector<16xf32>,
        tpu.vector_store %arg8[%parallel_loop3A_241, %parallel_loop3A_242, %parallel_loop3A_243], %parallel_loop3A_239 {strides = array<i32>} : memref<32x8x128xf32, #tpu.memory_space<vmem>>, vector<16xf32>,
        %parallel_loop3A_245 = arith.constant 128 : i32
        %parallel_loop3A_246 = vector.broadcast %parallel_loop3A_245 : i32 to vector<16xi32>
        %parallel_loop3A_247 = arith.addi %parallel_loop3A_181, %parallel_loop3A_246 : vector<16xi32>
        %parallel_loop3A_248 = tpu.vector_load_idx %arg9[%parallel_loop3A_187] : memref<8192xf32, #tpu.memory_space<vmem>>[vector<16xi32>], vector<16xf32>,
        %parallel_loop3A_249 = arith.constant 0 : i32
        %parallel_loop3A_250 = arith.index_cast %parallel_loop3A_143 : i32 to index
        %parallel_loop3A_251 = arith.index_cast %parallel_loop3A_249 : i32 to index
        %parallel_loop3A_252 = arith.constant 96 : index
        %parallel_loop3A_253 = tpu.vector_load %arg8[%parallel_loop3A_250, %parallel_loop3A_251, %parallel_loop3A_252] {strides = array<i32>} : memref<32x8x128xf32, #tpu.memory_space<vmem>>, vector<16xf32>,
        tpu.vector_store %arg8[%parallel_loop3A_250, %parallel_loop3A_251, %parallel_loop3A_252], %parallel_loop3A_248 {strides = array<i32>} : memref<32x8x128xf32, #tpu.memory_space<vmem>>, vector<16xf32>,
        %parallel_loop3A_254 = arith.constant 128 : i32
        %parallel_loop3A_255 = vector.broadcast %parallel_loop3A_254 : i32 to vector<16xi32>
        %parallel_loop3A_256 = arith.addi %parallel_loop3A_187, %parallel_loop3A_255 : vector<16xi32>
        %parallel_loop3A_257 = tpu.vector_load_idx %arg9[%parallel_loop3A_193] : memref<8192xf32, #tpu.memory_space<vmem>>[vector<16xi32>], vector<16xf32>,
        %parallel_loop3A_258 = arith.constant 0 : i32
        %parallel_loop3A_259 = arith.index_cast %parallel_loop3A_143 : i32 to index
        %parallel_loop3A_260 = arith.index_cast %parallel_loop3A_258 : i32 to index
        %parallel_loop3A_261 = arith.constant 112 : index
        %parallel_loop3A_262 = tpu.vector_load %arg8[%parallel_loop3A_259, %parallel_loop3A_260, %parallel_loop3A_261] {strides = array<i32>} : memref<32x8x128xf32, #tpu.memory_space<vmem>>, vector<16xf32>,
        tpu.vector_store %arg8[%parallel_loop3A_259, %parallel_loop3A_260, %parallel_loop3A_261], %parallel_loop3A_257 {strides = array<i32>} : memref<32x8x128xf32, #tpu.memory_space<vmem>>, vector<16xf32>,
        %parallel_loop3A_263 = arith.constant 128 : i32
        %parallel_loop3A_264 = vector.broadcast %parallel_loop3A_263 : i32 to vector<16xi32>
        %parallel_loop3A_265 = arith.addi %parallel_loop3A_193, %parallel_loop3A_264 : vector<16xi32>
        %parallel_loop3A_266 = tpu.vector_load_idx %arg9[%parallel_loop3A_202] : memref<8192xf32, #tpu.memory_space<vmem>>[vector<16xi32>], vector<16xf32>,
        %parallel_loop3A_267 = arith.constant 1 : i32
        %parallel_loop3A_268 = arith.index_cast %parallel_loop3A_143 : i32 to index
        %parallel_loop3A_269 = arith.index_cast %parallel_loop3A_267 : i32 to index
        %parallel_loop3A_270 = arith.constant 0 : index
        %parallel_loop3A_271 = tpu.vector_load %arg8[%parallel_loop3A_268, %parallel_loop3A_269, %parallel_loop3A_270] {strides = array<i32>} : memref<32x8x128xf32, #tpu.memory_space<vmem>>, vector<16xf32>,
        tpu.vector_store %arg8[%parallel_loop3A_268, %parallel_loop3A_269, %parallel_loop3A_270], %parallel_loop3A_266 {strides = array<i32>} : memref<32x8x128xf32, #tpu.memory_space<vmem>>, vector<16xf32>,
        %parallel_loop3A_272 = arith.constant 128 : i32
        %parallel_loop3A_273 = vector.broadcast %parallel_loop3A_272 : i32 to vector<16xi32>
        %parallel_loop3A_274 = arith.addi %parallel_loop3A_202, %parallel_loop3A_273 : vector<16xi32>
        %parallel_loop3A_275 = tpu.vector_load_idx %arg9[%parallel_loop3A_211] : memref<8192xf32, #tpu.memory_space<vmem>>[vector<16xi32>], vector<16xf32>,
        %parallel_loop3A_276 = arith.constant 1 : i32
        %parallel_loop3A_277 = arith.index_cast %parallel_loop3A_143 : i32 to index
        %parallel_loop3A_278 = arith.index_cast %parallel_loop3A_276 : i32 to index
        %parallel_loop3A_279 = arith.constant 16 : index
        %parallel_loop3A_280 = tpu.vector_load %arg8[%parallel_loop3A_277, %parallel_loop3A_278, %parallel_loop3A_279] {strides = array<i32>} : memref<32x8x128xf32, #tpu.memory_space<vmem>>, vector<16xf32>,
        tpu.vector_store %arg8[%parallel_loop3A_277, %parallel_loop3A_278, %parallel_loop3A_279], %parallel_loop3A_275 {strides = array<i32>} : memref<32x8x128xf32, #tpu.memory_space<vmem>>, vector<16xf32>,
        %parallel_loop3A_281 = arith.constant 128 : i32
        %parallel_loop3A_282 = vector.broadcast %parallel_loop3A_281 : i32 to vector<16xi32>
        %parallel_loop3A_283 = arith.addi %parallel_loop3A_211, %parallel_loop3A_282 : vector<16xi32>
        %parallel_loop3A_284 = tpu.vector_load_idx %arg9[%parallel_loop3A_220] : memref<8192xf32, #tpu.memory_space<vmem>>[vector<16xi32>], vector<16xf32>,
        %parallel_loop3A_285 = arith.constant 1 : i32
        %parallel_loop3A_286 = arith.index_cast %parallel_loop3A_143 : i32 to index
        %parallel_loop3A_287 = arith.index_cast %parallel_loop3A_285 : i32 to index
        %parallel_loop3A_288 = arith.constant 32 : index
        %parallel_loop3A_289 = tpu.vector_load %arg8[%parallel_loop3A_286, %parallel_loop3A_287, %parallel_loop3A_288] {strides = array<i32>} : memref<32x8x128xf32, #tpu.memory_space<vmem>>, vector<16xf32>,
        tpu.vector_store %arg8[%parallel_loop3A_286, %parallel_loop3A_287, %parallel_loop3A_288], %parallel_loop3A_284 {strides = array<i32>} : memref<32x8x128xf32, #tpu.memory_space<vmem>>, vector<16xf32>,
        %parallel_loop3A_290 = arith.constant 128 : i32
        %parallel_loop3A_291 = vector.broadcast %parallel_loop3A_290 : i32 to vector<16xi32>
        %parallel_loop3A_292 = arith.addi %parallel_loop3A_220, %parallel_loop3A_291 : vector<16xi32>
        %parallel_loop3A_293 = tpu.vector_load_idx %arg9[%parallel_loop3A_229] : memref<8192xf32, #tpu.memory_space<vmem>>[vector<16xi32>], vector<16xf32>,
        %parallel_loop3A_294 = arith.constant 1 : i32
        %parallel_loop3A_295 = arith.index_cast %parallel_loop3A_143 : i32 to index
        %parallel_loop3A_296 = arith.index_cast %parallel_loop3A_294 : i32 to index
        %parallel_loop3A_297 = arith.constant 48 : index
        %parallel_loop3A_298 = tpu.vector_load %arg8[%parallel_loop3A_295, %parallel_loop3A_296, %parallel_loop3A_297] {strides = array<i32>} : memref<32x8x128xf32, #tpu.memory_space<vmem>>, vector<16xf32>,
        tpu.vector_store %arg8[%parallel_loop3A_295, %parallel_loop3A_296, %parallel_loop3A_297], %parallel_loop3A_293 {strides = array<i32>} : memref<32x8x128xf32, #tpu.memory_space<vmem>>, vector<16xf32>,
        %parallel_loop3A_299 = arith.constant 128 : i32
        %parallel_loop3A_300 = vector.broadcast %parallel_loop3A_299 : i32 to vector<16xi32>
        %parallel_loop3A_301 = arith.addi %parallel_loop3A_229, %parallel_loop3A_300 : vector<16xi32>
        %parallel_loop3A_302 = tpu.vector_load_idx %arg9[%parallel_loop3A_238] : memref<8192xf32, #tpu.memory_space<vmem>>[vector<16xi32>], vector<16xf32>,
        %parallel_loop3A_303 = arith.constant 1 : i32
        %parallel_loop3A_304 = arith.index_cast %parallel_loop3A_143 : i32 to index
        %parallel_loop3A_305 = arith.index_cast %parallel_loop3A_303 : i32 to index
        %parallel_loop3A_306 = arith.constant 64 : index
        %parallel_loop3A_307 = tpu.vector_load %arg8[%parallel_loop3A_304, %parallel_loop3A_305, %parallel_loop3A_306] {strides = array<i32>} : memref<32x8x128xf32, #tpu.memory_space<vmem>>, vector<16xf32>,
        tpu.vector_store %arg8[%parallel_loop3A_304, %parallel_loop3A_305, %parallel_loop3A_306], %parallel_loop3A_302 {strides = array<i32>} : memref<32x8x128xf32, #tpu.memory_space<vmem>>, vector<16xf32>,
        %parallel_loop3A_308 = arith.constant 128 : i32
        %parallel_loop3A_309 = vector.broadcast %parallel_loop3A_308 : i32 to vector<16xi32>
        %parallel_loop3A_310 = arith.addi %parallel_loop3A_238, %parallel_loop3A_309 : vector<16xi32>
        %parallel_loop3A_311 = tpu.vector_load_idx %arg9[%parallel_loop3A_247] : memref<8192xf32, #tpu.memory_space<vmem>>[vector<16xi32>], vector<16xf32>,
        %parallel_loop3A_312 = arith.constant 1 : i32
        %parallel_loop3A_313 = arith.index_cast %parallel_loop3A_143 : i32 to index
        %parallel_loop3A_314 = arith.index_cast %parallel_loop3A_312 : i32 to index
        %parallel_loop3A_315 = arith.constant 80 : index
        %parallel_loop3A_316 = tpu.vector_load %arg8[%parallel_loop3A_313, %parallel_loop3A_314, %parallel_loop3A_315] {strides = array<i32>} : memref<32x8x128xf32, #tpu.memory_space<vmem>>, vector<16xf32>,
        tpu.vector_store %arg8[%parallel_loop3A_313, %parallel_loop3A_314, %parallel_loop3A_315], %parallel_loop3A_311 {strides = array<i32>} : memref<32x8x128xf32, #tpu.memory_space<vmem>>, vector<16xf32>,
        %parallel_loop3A_317 = arith.constant 128 : i32
        %parallel_loop3A_318 = vector.broadcast %parallel_loop3A_317 : i32 to vector<16xi32>
        %parallel_loop3A_319 = arith.addi %parallel_loop3A_247, %parallel_loop3A_318 : vector<16xi32>
        %parallel_loop3A_320 = tpu.vector_load_idx %arg9[%parallel_loop3A_256] : memref<8192xf32, #tpu.memory_space<vmem>>[vector<16xi32>], vector<16xf32>,
        %parallel_loop3A_321 = arith.constant 1 : i32
        %parallel_loop3A_322 = arith.index_cast %parallel_loop3A_143 : i32 to index
        %parallel_loop3A_323 = arith.index_cast %parallel_loop3A_321 : i32 to index
        %parallel_loop3A_324 = arith.constant 96 : index
        %parallel_loop3A_325 = tpu.vector_load %arg8[%parallel_loop3A_322, %parallel_loop3A_323, %parallel_loop3A_324] {strides = array<i32>} : memref<32x8x128xf32, #tpu.memory_space<vmem>>, vector<16xf32>,
        tpu.vector_store %arg8[%parallel_loop3A_322, %parallel_loop3A_323, %parallel_loop3A_324], %parallel_loop3A_320 {strides = array<i32>} : memref<32x8x128xf32, #tpu.memory_space<vmem>>, vector<16xf32>,
        %parallel_loop3A_326 = arith.constant 128 : i32
        %parallel_loop3A_327 = vector.broadcast %parallel_loop3A_326 : i32 to vector<16xi32>
        %parallel_loop3A_328 = arith.addi %parallel_loop3A_256, %parallel_loop3A_327 : vector<16xi32>
        %parallel_loop3A_329 = tpu.vector_load_idx %arg9[%parallel_loop3A_265] : memref<8192xf32, #tpu.memory_space<vmem>>[vector<16xi32>], vector<16xf32>,
        %parallel_loop3A_330 = arith.constant 1 : i32
        %parallel_loop3A_331 = arith.index_cast %parallel_loop3A_143 : i32 to index
        %parallel_loop3A_332 = arith.index_cast %parallel_loop3A_330 : i32 to index
        %parallel_loop3A_333 = arith.constant 112 : index
        %parallel_loop3A_334 = tpu.vector_load %arg8[%parallel_loop3A_331, %parallel_loop3A_332, %parallel_loop3A_333] {strides = array<i32>} : memref<32x8x128xf32, #tpu.memory_space<vmem>>, vector<16xf32>,
        tpu.vector_store %arg8[%parallel_loop3A_331, %parallel_loop3A_332, %parallel_loop3A_333], %parallel_loop3A_329 {strides = array<i32>} : memref<32x8x128xf32, #tpu.memory_space<vmem>>, vector<16xf32>,
        %parallel_loop3A_335 = arith.constant 128 : i32
        %parallel_loop3A_336 = vector.broadcast %parallel_loop3A_335 : i32 to vector<16xi32>
        %parallel_loop3A_337 = arith.addi %parallel_loop3A_265, %parallel_loop3A_336 : vector<16xi32>
        %parallel_loop3A_338 = tpu.vector_load_idx %arg9[%parallel_loop3A_274] : memref<8192xf32, #tpu.memory_space<vmem>>[vector<16xi32>], vector<16xf32>,
        %parallel_loop3A_339 = arith.constant 2 : i32
        %parallel_loop3A_340 = arith.index_cast %parallel_loop3A_143 : i32 to index
        %parallel_loop3A_341 = arith.index_cast %parallel_loop3A_339 : i32 to index
        %parallel_loop3A_342 = arith.constant 0 : index
        %parallel_loop3A_343 = tpu.vector_load %arg8[%parallel_loop3A_340, %parallel_loop3A_341, %parallel_loop3A_342] {strides = array<i32>} : memref<32x8x128xf32, #tpu.memory_space<vmem>>, vector<16xf32>,
        tpu.vector_store %arg8[%parallel_loop3A_340, %parallel_loop3A_341, %parallel_loop3A_342], %parallel_loop3A_338 {strides = array<i32>} : memref<32x8x128xf32, #tpu.memory_space<vmem>>, vector<16xf32>,
        %parallel_loop3A_344 = arith.constant 128 : i32
        %parallel_loop3A_345 = vector.broadcast %parallel_loop3A_344 : i32 to vector<16xi32>
        %parallel_loop3A_346 = arith.addi %parallel_loop3A_274, %parallel_loop3A_345 : vector<16xi32>
        %parallel_loop3A_347 = tpu.vector_load_idx %arg9[%parallel_loop3A_283] : memref<8192xf32, #tpu.memory_space<vmem>>[vector<16xi32>], vector<16xf32>,
        %parallel_loop3A_348 = arith.constant 2 : i32
        %parallel_loop3A_349 = arith.index_cast %parallel_loop3A_143 : i32 to index
        %parallel_loop3A_350 = arith.index_cast %parallel_loop3A_348 : i32 to index
        %parallel_loop3A_351 = arith.constant 16 : index
        %parallel_loop3A_352 = tpu.vector_load %arg8[%parallel_loop3A_349, %parallel_loop3A_350, %parallel_loop3A_351] {strides = array<i32>} : memref<32x8x128xf32, #tpu.memory_space<vmem>>, vector<16xf32>,
        tpu.vector_store %arg8[%parallel_loop3A_349, %parallel_loop3A_350, %parallel_loop3A_351], %parallel_loop3A_347 {strides = array<i32>} : memref<32x8x128xf32, #tpu.memory_space<vmem>>, vector<16xf32>,
        %parallel_loop3A_353 = arith.constant 128 : i32
        %parallel_loop3A_354 = vector.broadcast %parallel_loop3A_353 : i32 to vector<16xi32>
        %parallel_loop3A_355 = arith.addi %parallel_loop3A_283, %parallel_loop3A_354 : vector<16xi32>
        %parallel_loop3A_356 = tpu.vector_load_idx %arg9[%parallel_loop3A_292] : memref<8192xf32, #tpu.memory_space<vmem>>[vector<16xi32>], vector<16xf32>,
        %parallel_loop3A_357 = arith.constant 2 : i32
        %parallel_loop3A_358 = arith.index_cast %parallel_loop3A_143 : i32 to index
        %parallel_loop3A_359 = arith.index_cast %parallel_loop3A_357 : i32 to index
        %parallel_loop3A_360 = arith.constant 32 : index
        %parallel_loop3A_361 = tpu.vector_load %arg8[%parallel_loop3A_358, %parallel_loop3A_359, %parallel_loop3A_360] {strides = array<i32>} : memref<32x8x128xf32, #tpu.memory_space<vmem>>, vector<16xf32>,
        tpu.vector_store %arg8[%parallel_loop3A_358, %parallel_loop3A_359, %parallel_loop3A_360], %parallel_loop3A_356 {strides = array<i32>} : memref<32x8x128xf32, #tpu.memory_space<vmem>>, vector<16xf32>,
        %parallel_loop3A_362 = arith.constant 128 : i32
        %parallel_loop3A_363 = vector.broadcast %parallel_loop3A_362 : i32 to vector<16xi32>
        %parallel_loop3A_364 = arith.addi %parallel_loop3A_292, %parallel_loop3A_363 : vector<16xi32>
        %parallel_loop3A_365 = tpu.vector_load_idx %arg9[%parallel_loop3A_301] : memref<8192xf32, #tpu.memory_space<vmem>>[vector<16xi32>], vector<16xf32>,
        %parallel_loop3A_366 = arith.constant 2 : i32
        %parallel_loop3A_367 = arith.index_cast %parallel_loop3A_143 : i32 to index
        %parallel_loop3A_368 = arith.index_cast %parallel_loop3A_366 : i32 to index
        %parallel_loop3A_369 = arith.constant 48 : index
        %parallel_loop3A_370 = tpu.vector_load %arg8[%parallel_loop3A_367, %parallel_loop3A_368, %parallel_loop3A_369] {strides = array<i32>} : memref<32x8x128xf32, #tpu.memory_space<vmem>>, vector<16xf32>,
        tpu.vector_store %arg8[%parallel_loop3A_367, %parallel_loop3A_368, %parallel_loop3A_369], %parallel_loop3A_365 {strides = array<i32>} : memref<32x8x128xf32, #tpu.memory_space<vmem>>, vector<16xf32>,
        %parallel_loop3A_371 = arith.constant 128 : i32
        %parallel_loop3A_372 = vector.broadcast %parallel_loop3A_371 : i32 to vector<16xi32>
        %parallel_loop3A_373 = arith.addi %parallel_loop3A_301, %parallel_loop3A_372 : vector<16xi32>
        %parallel_loop3A_374 = tpu.vector_load_idx %arg9[%parallel_loop3A_310] : memref<8192xf32, #tpu.memory_space<vmem>>[vector<16xi32>], vector<16xf32>,
        %parallel_loop3A_375 = arith.constant 2 : i32
        %parallel_loop3A_376 = arith.index_cast %parallel_loop3A_143 : i32 to index
        %parallel_loop3A_377 = arith.index_cast %parallel_loop3A_375 : i32 to index
        %parallel_loop3A_378 = arith.constant 64 : index
        %parallel_loop3A_379 = tpu.vector_load %arg8[%parallel_loop3A_376, %parallel_loop3A_377, %parallel_loop3A_378] {strides = array<i32>} : memref<32x8x128xf32, #tpu.memory_space<vmem>>, vector<16xf32>,
        tpu.vector_store %arg8[%parallel_loop3A_376, %parallel_loop3A_377, %parallel_loop3A_378], %parallel_loop3A_374 {strides = array<i32>} : memref<32x8x128xf32, #tpu.memory_space<vmem>>, vector<16xf32>,
        %parallel_loop3A_380 = arith.constant 128 : i32
        %parallel_loop3A_381 = vector.broadcast %parallel_loop3A_380 : i32 to vector<16xi32>
        %parallel_loop3A_382 = arith.addi %parallel_loop3A_310, %parallel_loop3A_381 : vector<16xi32>
        %parallel_loop3A_383 = tpu.vector_load_idx %arg9[%parallel_loop3A_319] : memref<8192xf32, #tpu.memory_space<vmem>>[vector<16xi32>], vector<16xf32>,
        %parallel_loop3A_384 = arith.constant 2 : i32
        %parallel_loop3A_385 = arith.index_cast %parallel_loop3A_143 : i32 to index
        %parallel_loop3A_386 = arith.index_cast %parallel_loop3A_384 : i32 to index
        %parallel_loop3A_387 = arith.constant 80 : index
        %parallel_loop3A_388 = tpu.vector_load %arg8[%parallel_loop3A_385, %parallel_loop3A_386, %parallel_loop3A_387] {strides = array<i32>} : memref<32x8x128xf32, #tpu.memory_space<vmem>>, vector<16xf32>,
        tpu.vector_store %arg8[%parallel_loop3A_385, %parallel_loop3A_386, %parallel_loop3A_387], %parallel_loop3A_383 {strides = array<i32>} : memref<32x8x128xf32, #tpu.memory_space<vmem>>, vector<16xf32>,
        %parallel_loop3A_389 = arith.constant 128 : i32
        %parallel_loop3A_390 = vector.broadcast %parallel_loop3A_389 : i32 to vector<16xi32>
        %parallel_loop3A_391 = arith.addi %parallel_loop3A_319, %parallel_loop3A_390 : vector<16xi32>
        %parallel_loop3A_392 = tpu.vector_load_idx %arg9[%parallel_loop3A_328] : memref<8192xf32, #tpu.memory_space<vmem>>[vector<16xi32>], vector<16xf32>,
        %parallel_loop3A_393 = arith.constant 2 : i32
        %parallel_loop3A_394 = arith.index_cast %parallel_loop3A_143 : i32 to index
        %parallel_loop3A_395 = arith.index_cast %parallel_loop3A_393 : i32 to index
        %parallel_loop3A_396 = arith.constant 96 : index
        %parallel_loop3A_397 = tpu.vector_load %arg8[%parallel_loop3A_394, %parallel_loop3A_395, %parallel_loop3A_396] {strides = array<i32>} : memref<32x8x128xf32, #tpu.memory_space<vmem>>, vector<16xf32>,
        tpu.vector_store %arg8[%parallel_loop3A_394, %parallel_loop3A_395, %parallel_loop3A_396], %parallel_loop3A_392 {strides = array<i32>} : memref<32x8x128xf32, #tpu.memory_space<vmem>>, vector<16xf32>,
        %parallel_loop3A_398 = arith.constant 128 : i32
        %parallel_loop3A_399 = vector.broadcast %parallel_loop3A_398 : i32 to vector<16xi32>
        %parallel_loop3A_400 = arith.addi %parallel_loop3A_328, %parallel_loop3A_399 : vector<16xi32>
        %parallel_loop3A_401 = tpu.vector_load_idx %arg9[%parallel_loop3A_337] : memref<8192xf32, #tpu.memory_space<vmem>>[vector<16xi32>], vector<16xf32>,
        %parallel_loop3A_402 = arith.constant 2 : i32
        %parallel_loop3A_403 = arith.index_cast %parallel_loop3A_143 : i32 to index
        %parallel_loop3A_404 = arith.index_cast %parallel_loop3A_402 : i32 to index
        %parallel_loop3A_405 = arith.constant 112 : index
        %parallel_loop3A_406 = tpu.vector_load %arg8[%parallel_loop3A_403, %parallel_loop3A_404, %parallel_loop3A_405] {strides = array<i32>} : memref<32x8x128xf32, #tpu.memory_space<vmem>>, vector<16xf32>,
        tpu.vector_store %arg8[%parallel_loop3A_403, %parallel_loop3A_404, %parallel_loop3A_405], %parallel_loop3A_401 {strides = array<i32>} : memref<32x8x128xf32, #tpu.memory_space<vmem>>, vector<16xf32>,
        %parallel_loop3A_407 = arith.constant 128 : i32
        %parallel_loop3A_408 = vector.broadcast %parallel_loop3A_407 : i32 to vector<16xi32>
        %parallel_loop3A_409 = arith.addi %parallel_loop3A_337, %parallel_loop3A_408 : vector<16xi32>
        %parallel_loop3A_410 = tpu.vector_load_idx %arg9[%parallel_loop3A_346] : memref<8192xf32, #tpu.memory_space<vmem>>[vector<16xi32>], vector<16xf32>,
        %parallel_loop3A_411 = arith.constant 3 : i32
        %parallel_loop3A_412 = arith.index_cast %parallel_loop3A_143 : i32 to index
        %parallel_loop3A_413 = arith.index_cast %parallel_loop3A_411 : i32 to index
        %parallel_loop3A_414 = arith.constant 0 : index
        %parallel_loop3A_415 = tpu.vector_load %arg8[%parallel_loop3A_412, %parallel_loop3A_413, %parallel_loop3A_414] {strides = array<i32>} : memref<32x8x128xf32, #tpu.memory_space<vmem>>, vector<16xf32>,
        tpu.vector_store %arg8[%parallel_loop3A_412, %parallel_loop3A_413, %parallel_loop3A_414], %parallel_loop3A_410 {strides = array<i32>} : memref<32x8x128xf32, #tpu.memory_space<vmem>>, vector<16xf32>,
        %parallel_loop3A_416 = arith.constant 128 : i32
        %parallel_loop3A_417 = vector.broadcast %parallel_loop3A_416 : i32 to vector<16xi32>
        %parallel_loop3A_418 = arith.addi %parallel_loop3A_346, %parallel_loop3A_417 : vector<16xi32>
        %parallel_loop3A_419 = tpu.vector_load_idx %arg9[%parallel_loop3A_355] : memref<8192xf32, #tpu.memory_space<vmem>>[vector<16xi32>], vector<16xf32>,
        %parallel_loop3A_420 = arith.constant 3 : i32
        %parallel_loop3A_421 = arith.index_cast %parallel_loop3A_143 : i32 to index
        %parallel_loop3A_422 = arith.index_cast %parallel_loop3A_420 : i32 to index
        %parallel_loop3A_423 = arith.constant 16 : index
        %parallel_loop3A_424 = tpu.vector_load %arg8[%parallel_loop3A_421, %parallel_loop3A_422, %parallel_loop3A_423] {strides = array<i32>} : memref<32x8x128xf32, #tpu.memory_space<vmem>>, vector<16xf32>,
        tpu.vector_store %arg8[%parallel_loop3A_421, %parallel_loop3A_422, %parallel_loop3A_423], %parallel_loop3A_419 {strides = array<i32>} : memref<32x8x128xf32, #tpu.memory_space<vmem>>, vector<16xf32>,
        %parallel_loop3A_425 = arith.constant 128 : i32
        %parallel_loop3A_426 = vector.broadcast %parallel_loop3A_425 : i32 to vector<16xi32>
        %parallel_loop3A_427 = arith.addi %parallel_loop3A_355, %parallel_loop3A_426 : vector<16xi32>
        %parallel_loop3A_428 = tpu.vector_load_idx %arg9[%parallel_loop3A_364] : memref<8192xf32, #tpu.memory_space<vmem>>[vector<16xi32>], vector<16xf32>,
        %parallel_loop3A_429 = arith.constant 3 : i32
        %parallel_loop3A_430 = arith.index_cast %parallel_loop3A_143 : i32 to index
        %parallel_loop3A_431 = arith.index_cast %parallel_loop3A_429 : i32 to index
        %parallel_loop3A_432 = arith.constant 32 : index
        %parallel_loop3A_433 = tpu.vector_load %arg8[%parallel_loop3A_430, %parallel_loop3A_431, %parallel_loop3A_432] {strides = array<i32>} : memref<32x8x128xf32, #tpu.memory_space<vmem>>, vector<16xf32>,
        tpu.vector_store %arg8[%parallel_loop3A_430, %parallel_loop3A_431, %parallel_loop3A_432], %parallel_loop3A_428 {strides = array<i32>} : memref<32x8x128xf32, #tpu.memory_space<vmem>>, vector<16xf32>,
        %parallel_loop3A_434 = arith.constant 128 : i32
        %parallel_loop3A_435 = vector.broadcast %parallel_loop3A_434 : i32 to vector<16xi32>
        %parallel_loop3A_436 = arith.addi %parallel_loop3A_364, %parallel_loop3A_435 : vector<16xi32>
        %parallel_loop3A_437 = tpu.vector_load_idx %arg9[%parallel_loop3A_373] : memref<8192xf32, #tpu.memory_space<vmem>>[vector<16xi32>], vector<16xf32>,
        %parallel_loop3A_438 = arith.constant 3 : i32
        %parallel_loop3A_439 = arith.index_cast %parallel_loop3A_143 : i32 to index
        %parallel_loop3A_440 = arith.index_cast %parallel_loop3A_438 : i32 to index
        %parallel_loop3A_441 = arith.constant 48 : index
        %parallel_loop3A_442 = tpu.vector_load %arg8[%parallel_loop3A_439, %parallel_loop3A_440, %parallel_loop3A_441] {strides = array<i32>} : memref<32x8x128xf32, #tpu.memory_space<vmem>>, vector<16xf32>,
        tpu.vector_store %arg8[%parallel_loop3A_439, %parallel_loop3A_440, %parallel_loop3A_441], %parallel_loop3A_437 {strides = array<i32>} : memref<32x8x128xf32, #tpu.memory_space<vmem>>, vector<16xf32>,
        %parallel_loop3A_443 = arith.constant 128 : i32
        %parallel_loop3A_444 = vector.broadcast %parallel_loop3A_443 : i32 to vector<16xi32>
        %parallel_loop3A_445 = arith.addi %parallel_loop3A_373, %parallel_loop3A_444 : vector<16xi32>
        %parallel_loop3A_446 = tpu.vector_load_idx %arg9[%parallel_loop3A_382] : memref<8192xf32, #tpu.memory_space<vmem>>[vector<16xi32>], vector<16xf32>,
        %parallel_loop3A_447 = arith.constant 3 : i32
        %parallel_loop3A_448 = arith.index_cast %parallel_loop3A_143 : i32 to index
        %parallel_loop3A_449 = arith.index_cast %parallel_loop3A_447 : i32 to index
        %parallel_loop3A_450 = arith.constant 64 : index
        %parallel_loop3A_451 = tpu.vector_load %arg8[%parallel_loop3A_448, %parallel_loop3A_449, %parallel_loop3A_450] {strides = array<i32>} : memref<32x8x128xf32, #tpu.memory_space<vmem>>, vector<16xf32>,
        tpu.vector_store %arg8[%parallel_loop3A_448, %parallel_loop3A_449, %parallel_loop3A_450], %parallel_loop3A_446 {strides = array<i32>} : memref<32x8x128xf32, #tpu.memory_space<vmem>>, vector<16xf32>,
        %parallel_loop3A_452 = arith.constant 128 : i32
        %parallel_loop3A_453 = vector.broadcast %parallel_loop3A_452 : i32 to vector<16xi32>
        %parallel_loop3A_454 = arith.addi %parallel_loop3A_382, %parallel_loop3A_453 : vector<16xi32>
        %parallel_loop3A_455 = tpu.vector_load_idx %arg9[%parallel_loop3A_391] : memref<8192xf32, #tpu.memory_space<vmem>>[vector<16xi32>], vector<16xf32>,
        %parallel_loop3A_456 = arith.constant 3 : i32
        %parallel_loop3A_457 = arith.index_cast %parallel_loop3A_143 : i32 to index
        %parallel_loop3A_458 = arith.index_cast %parallel_loop3A_456 : i32 to index
        %parallel_loop3A_459 = arith.constant 80 : index
        %parallel_loop3A_460 = tpu.vector_load %arg8[%parallel_loop3A_457, %parallel_loop3A_458, %parallel_loop3A_459] {strides = array<i32>} : memref<32x8x128xf32, #tpu.memory_space<vmem>>, vector<16xf32>,
        tpu.vector_store %arg8[%parallel_loop3A_457, %parallel_loop3A_458, %parallel_loop3A_459], %parallel_loop3A_455 {strides = array<i32>} : memref<32x8x128xf32, #tpu.memory_space<vmem>>, vector<16xf32>,
        %parallel_loop3A_461 = arith.constant 128 : i32
        %parallel_loop3A_462 = vector.broadcast %parallel_loop3A_461 : i32 to vector<16xi32>
        %parallel_loop3A_463 = arith.addi %parallel_loop3A_391, %parallel_loop3A_462 : vector<16xi32>
        %parallel_loop3A_464 = tpu.vector_load_idx %arg9[%parallel_loop3A_400] : memref<8192xf32, #tpu.memory_space<vmem>>[vector<16xi32>], vector<16xf32>,
        %parallel_loop3A_465 = arith.constant 3 : i32
        %parallel_loop3A_466 = arith.index_cast %parallel_loop3A_143 : i32 to index
        %parallel_loop3A_467 = arith.index_cast %parallel_loop3A_465 : i32 to index
        %parallel_loop3A_468 = arith.constant 96 : index
        %parallel_loop3A_469 = tpu.vector_load %arg8[%parallel_loop3A_466, %parallel_loop3A_467, %parallel_loop3A_468] {strides = array<i32>} : memref<32x8x128xf32, #tpu.memory_space<vmem>>, vector<16xf32>,
        tpu.vector_store %arg8[%parallel_loop3A_466, %parallel_loop3A_467, %parallel_loop3A_468], %parallel_loop3A_464 {strides = array<i32>} : memref<32x8x128xf32, #tpu.memory_space<vmem>>, vector<16xf32>,
        %parallel_loop3A_470 = arith.constant 128 : i32
        %parallel_loop3A_471 = vector.broadcast %parallel_loop3A_470 : i32 to vector<16xi32>
        %parallel_loop3A_472 = arith.addi %parallel_loop3A_400, %parallel_loop3A_471 : vector<16xi32>
        %parallel_loop3A_473 = tpu.vector_load_idx %arg9[%parallel_loop3A_409] : memref<8192xf32, #tpu.memory_space<vmem>>[vector<16xi32>], vector<16xf32>,
        %parallel_loop3A_474 = arith.constant 3 : i32
        %parallel_loop3A_475 = arith.index_cast %parallel_loop3A_143 : i32 to index
        %parallel_loop3A_476 = arith.index_cast %parallel_loop3A_474 : i32 to index
        %parallel_loop3A_477 = arith.constant 112 : index
        %parallel_loop3A_478 = tpu.vector_load %arg8[%parallel_loop3A_475, %parallel_loop3A_476, %parallel_loop3A_477] {strides = array<i32>} : memref<32x8x128xf32, #tpu.memory_space<vmem>>, vector<16xf32>,
        tpu.vector_store %arg8[%parallel_loop3A_475, %parallel_loop3A_476, %parallel_loop3A_477], %parallel_loop3A_473 {strides = array<i32>} : memref<32x8x128xf32, #tpu.memory_space<vmem>>, vector<16xf32>,
        %parallel_loop3A_479 = arith.constant 128 : i32
        %parallel_loop3A_480 = vector.broadcast %parallel_loop3A_479 : i32 to vector<16xi32>
        %parallel_loop3A_481 = arith.addi %parallel_loop3A_409, %parallel_loop3A_480 : vector<16xi32>
        %parallel_loop3A_482 = tpu.vector_load_idx %arg9[%parallel_loop3A_418] : memref<8192xf32, #tpu.memory_space<vmem>>[vector<16xi32>], vector<16xf32>,
        %parallel_loop3A_483 = arith.constant 4 : i32
        %parallel_loop3A_484 = arith.index_cast %parallel_loop3A_143 : i32 to index
        %parallel_loop3A_485 = arith.index_cast %parallel_loop3A_483 : i32 to index
        %parallel_loop3A_486 = arith.constant 0 : index
        %parallel_loop3A_487 = tpu.vector_load %arg8[%parallel_loop3A_484, %parallel_loop3A_485, %parallel_loop3A_486] {strides = array<i32>} : memref<32x8x128xf32, #tpu.memory_space<vmem>>, vector<16xf32>,
        tpu.vector_store %arg8[%parallel_loop3A_484, %parallel_loop3A_485, %parallel_loop3A_486], %parallel_loop3A_482 {strides = array<i32>} : memref<32x8x128xf32, #tpu.memory_space<vmem>>, vector<16xf32>,
        %parallel_loop3A_488 = arith.constant 128 : i32
        %parallel_loop3A_489 = vector.broadcast %parallel_loop3A_488 : i32 to vector<16xi32>
        %parallel_loop3A_490 = arith.addi %parallel_loop3A_418, %parallel_loop3A_489 : vector<16xi32>
        %parallel_loop3A_491 = tpu.vector_load_idx %arg9[%parallel_loop3A_427] : memref<8192xf32, #tpu.memory_space<vmem>>[vector<16xi32>], vector<16xf32>,
        %parallel_loop3A_492 = arith.constant 4 : i32
        %parallel_loop3A_493 = arith.index_cast %parallel_loop3A_143 : i32 to index
        %parallel_loop3A_494 = arith.index_cast %parallel_loop3A_492 : i32 to index
        %parallel_loop3A_495 = arith.constant 16 : index
        %parallel_loop3A_496 = tpu.vector_load %arg8[%parallel_loop3A_493, %parallel_loop3A_494, %parallel_loop3A_495] {strides = array<i32>} : memref<32x8x128xf32, #tpu.memory_space<vmem>>, vector<16xf32>,
        tpu.vector_store %arg8[%parallel_loop3A_493, %parallel_loop3A_494, %parallel_loop3A_495], %parallel_loop3A_491 {strides = array<i32>} : memref<32x8x128xf32, #tpu.memory_space<vmem>>, vector<16xf32>,
        %parallel_loop3A_497 = arith.constant 128 : i32
        %parallel_loop3A_498 = vector.broadcast %parallel_loop3A_497 : i32 to vector<16xi32>
        %parallel_loop3A_499 = arith.addi %parallel_loop3A_427, %parallel_loop3A_498 : vector<16xi32>
        %parallel_loop3A_500 = tpu.vector_load_idx %arg9[%parallel_loop3A_436] : memref<8192xf32, #tpu.memory_space<vmem>>[vector<16xi32>], vector<16xf32>,
        %parallel_loop3A_501 = arith.constant 4 : i32
        %parallel_loop3A_502 = arith.index_cast %parallel_loop3A_143 : i32 to index
        %parallel_loop3A_503 = arith.index_cast %parallel_loop3A_501 : i32 to index
        %parallel_loop3A_504 = arith.constant 32 : index
        %parallel_loop3A_505 = tpu.vector_load %arg8[%parallel_loop3A_502, %parallel_loop3A_503, %parallel_loop3A_504] {strides = array<i32>} : memref<32x8x128xf32, #tpu.memory_space<vmem>>, vector<16xf32>,
        tpu.vector_store %arg8[%parallel_loop3A_502, %parallel_loop3A_503, %parallel_loop3A_504], %parallel_loop3A_500 {strides = array<i32>} : memref<32x8x128xf32, #tpu.memory_space<vmem>>, vector<16xf32>,
        %parallel_loop3A_506 = arith.constant 128 : i32
        %parallel_loop3A_507 = vector.broadcast %parallel_loop3A_506 : i32 to vector<16xi32>
        %parallel_loop3A_508 = arith.addi %parallel_loop3A_436, %parallel_loop3A_507 : vector<16xi32>
        %parallel_loop3A_509 = tpu.vector_load_idx %arg9[%parallel_loop3A_445] : memref<8192xf32, #tpu.memory_space<vmem>>[vector<16xi32>], vector<16xf32>,
        %parallel_loop3A_510 = arith.constant 4 : i32
        %parallel_loop3A_511 = arith.index_cast %parallel_loop3A_143 : i32 to index
        %parallel_loop3A_512 = arith.index_cast %parallel_loop3A_510 : i32 to index
        %parallel_loop3A_513 = arith.constant 48 : index
        %parallel_loop3A_514 = tpu.vector_load %arg8[%parallel_loop3A_511, %parallel_loop3A_512, %parallel_loop3A_513] {strides = array<i32>} : memref<32x8x128xf32, #tpu.memory_space<vmem>>, vector<16xf32>,
        tpu.vector_store %arg8[%parallel_loop3A_511, %parallel_loop3A_512, %parallel_loop3A_513], %parallel_loop3A_509 {strides = array<i32>} : memref<32x8x128xf32, #tpu.memory_space<vmem>>, vector<16xf32>,
        %parallel_loop3A_515 = arith.constant 128 : i32
        %parallel_loop3A_516 = vector.broadcast %parallel_loop3A_515 : i32 to vector<16xi32>
        %parallel_loop3A_517 = arith.addi %parallel_loop3A_445, %parallel_loop3A_516 : vector<16xi32>
        %parallel_loop3A_518 = tpu.vector_load_idx %arg9[%parallel_loop3A_454] : memref<8192xf32, #tpu.memory_space<vmem>>[vector<16xi32>], vector<16xf32>,
        %parallel_loop3A_519 = arith.constant 4 : i32
        %parallel_loop3A_520 = arith.index_cast %parallel_loop3A_143 : i32 to index
        %parallel_loop3A_521 = arith.index_cast %parallel_loop3A_519 : i32 to index
        %parallel_loop3A_522 = arith.constant 64 : index
        %parallel_loop3A_523 = tpu.vector_load %arg8[%parallel_loop3A_520, %parallel_loop3A_521, %parallel_loop3A_522] {strides = array<i32>} : memref<32x8x128xf32, #tpu.memory_space<vmem>>, vector<16xf32>,
        tpu.vector_store %arg8[%parallel_loop3A_520, %parallel_loop3A_521, %parallel_loop3A_522], %parallel_loop3A_518 {strides = array<i32>} : memref<32x8x128xf32, #tpu.memory_space<vmem>>, vector<16xf32>,
        %parallel_loop3A_524 = arith.constant 128 : i32
        %parallel_loop3A_525 = vector.broadcast %parallel_loop3A_524 : i32 to vector<16xi32>
        %parallel_loop3A_526 = arith.addi %parallel_loop3A_454, %parallel_loop3A_525 : vector<16xi32>
        %parallel_loop3A_527 = tpu.vector_load_idx %arg9[%parallel_loop3A_463] : memref<8192xf32, #tpu.memory_space<vmem>>[vector<16xi32>], vector<16xf32>,
        %parallel_loop3A_528 = arith.constant 4 : i32
        %parallel_loop3A_529 = arith.index_cast %parallel_loop3A_143 : i32 to index
        %parallel_loop3A_530 = arith.index_cast %parallel_loop3A_528 : i32 to index
        %parallel_loop3A_531 = arith.constant 80 : index
        %parallel_loop3A_532 = tpu.vector_load %arg8[%parallel_loop3A_529, %parallel_loop3A_530, %parallel_loop3A_531] {strides = array<i32>} : memref<32x8x128xf32, #tpu.memory_space<vmem>>, vector<16xf32>,
        tpu.vector_store %arg8[%parallel_loop3A_529, %parallel_loop3A_530, %parallel_loop3A_531], %parallel_loop3A_527 {strides = array<i32>} : memref<32x8x128xf32, #tpu.memory_space<vmem>>, vector<16xf32>,
        %parallel_loop3A_533 = arith.constant 128 : i32
        %parallel_loop3A_534 = vector.broadcast %parallel_loop3A_533 : i32 to vector<16xi32>
        %parallel_loop3A_535 = arith.addi %parallel_loop3A_463, %parallel_loop3A_534 : vector<16xi32>
        %parallel_loop3A_536 = tpu.vector_load_idx %arg9[%parallel_loop3A_472] : memref<8192xf32, #tpu.memory_space<vmem>>[vector<16xi32>], vector<16xf32>,
        %parallel_loop3A_537 = arith.constant 4 : i32
        %parallel_loop3A_538 = arith.index_cast %parallel_loop3A_143 : i32 to index
        %parallel_loop3A_539 = arith.index_cast %parallel_loop3A_537 : i32 to index
        %parallel_loop3A_540 = arith.constant 96 : index
        %parallel_loop3A_541 = tpu.vector_load %arg8[%parallel_loop3A_538, %parallel_loop3A_539, %parallel_loop3A_540] {strides = array<i32>} : memref<32x8x128xf32, #tpu.memory_space<vmem>>, vector<16xf32>,
        tpu.vector_store %arg8[%parallel_loop3A_538, %parallel_loop3A_539, %parallel_loop3A_540], %parallel_loop3A_536 {strides = array<i32>} : memref<32x8x128xf32, #tpu.memory_space<vmem>>, vector<16xf32>,
        %parallel_loop3A_542 = arith.constant 128 : i32
        %parallel_loop3A_543 = vector.broadcast %parallel_loop3A_542 : i32 to vector<16xi32>
        %parallel_loop3A_544 = arith.addi %parallel_loop3A_472, %parallel_loop3A_543 : vector<16xi32>
        %parallel_loop3A_545 = tpu.vector_load_idx %arg9[%parallel_loop3A_481] : memref<8192xf32, #tpu.memory_space<vmem>>[vector<16xi32>], vector<16xf32>,
        %parallel_loop3A_546 = arith.constant 4 : i32
        %parallel_loop3A_547 = arith.index_cast %parallel_loop3A_143 : i32 to index
        %parallel_loop3A_548 = arith.index_cast %parallel_loop3A_546 : i32 to index
        %parallel_loop3A_549 = arith.constant 112 : index
        %parallel_loop3A_550 = tpu.vector_load %arg8[%parallel_loop3A_547, %parallel_loop3A_548, %parallel_loop3A_549] {strides = array<i32>} : memref<32x8x128xf32, #tpu.memory_space<vmem>>, vector<16xf32>,
        tpu.vector_store %arg8[%parallel_loop3A_547, %parallel_loop3A_548, %parallel_loop3A_549], %parallel_loop3A_545 {strides = array<i32>} : memref<32x8x128xf32, #tpu.memory_space<vmem>>, vector<16xf32>,
        %parallel_loop3A_551 = arith.constant 128 : i32
        %parallel_loop3A_552 = vector.broadcast %parallel_loop3A_551 : i32 to vector<16xi32>
        %parallel_loop3A_553 = arith.addi %parallel_loop3A_481, %parallel_loop3A_552 : vector<16xi32>
        %parallel_loop3A_554 = tpu.vector_load_idx %arg9[%parallel_loop3A_490] : memref<8192xf32, #tpu.memory_space<vmem>>[vector<16xi32>], vector<16xf32>,
        %parallel_loop3A_555 = arith.constant 5 : i32
        %parallel_loop3A_556 = arith.index_cast %parallel_loop3A_143 : i32 to index
        %parallel_loop3A_557 = arith.index_cast %parallel_loop3A_555 : i32 to index
        %parallel_loop3A_558 = arith.constant 0 : index
        %parallel_loop3A_559 = tpu.vector_load %arg8[%parallel_loop3A_556, %parallel_loop3A_557, %parallel_loop3A_558] {strides = array<i32>} : memref<32x8x128xf32, #tpu.memory_space<vmem>>, vector<16xf32>,
        tpu.vector_store %arg8[%parallel_loop3A_556, %parallel_loop3A_557, %parallel_loop3A_558], %parallel_loop3A_554 {strides = array<i32>} : memref<32x8x128xf32, #tpu.memory_space<vmem>>, vector<16xf32>,
        %parallel_loop3A_560 = arith.constant 128 : i32
        %parallel_loop3A_561 = vector.broadcast %parallel_loop3A_560 : i32 to vector<16xi32>
        %parallel_loop3A_562 = arith.addi %parallel_loop3A_490, %parallel_loop3A_561 : vector<16xi32>
        %parallel_loop3A_563 = tpu.vector_load_idx %arg9[%parallel_loop3A_499] : memref<8192xf32, #tpu.memory_space<vmem>>[vector<16xi32>], vector<16xf32>,
        %parallel_loop3A_564 = arith.constant 5 : i32
        %parallel_loop3A_565 = arith.index_cast %parallel_loop3A_143 : i32 to index
        %parallel_loop3A_566 = arith.index_cast %parallel_loop3A_564 : i32 to index
        %parallel_loop3A_567 = arith.constant 16 : index
        %parallel_loop3A_568 = tpu.vector_load %arg8[%parallel_loop3A_565, %parallel_loop3A_566, %parallel_loop3A_567] {strides = array<i32>} : memref<32x8x128xf32, #tpu.memory_space<vmem>>, vector<16xf32>,
        tpu.vector_store %arg8[%parallel_loop3A_565, %parallel_loop3A_566, %parallel_loop3A_567], %parallel_loop3A_563 {strides = array<i32>} : memref<32x8x128xf32, #tpu.memory_space<vmem>>, vector<16xf32>,
        %parallel_loop3A_569 = arith.constant 128 : i32
        %parallel_loop3A_570 = vector.broadcast %parallel_loop3A_569 : i32 to vector<16xi32>
        %parallel_loop3A_571 = arith.addi %parallel_loop3A_499, %parallel_loop3A_570 : vector<16xi32>
        %parallel_loop3A_572 = tpu.vector_load_idx %arg9[%parallel_loop3A_508] : memref<8192xf32, #tpu.memory_space<vmem>>[vector<16xi32>], vector<16xf32>,
        %parallel_loop3A_573 = arith.constant 5 : i32
        %parallel_loop3A_574 = arith.index_cast %parallel_loop3A_143 : i32 to index
        %parallel_loop3A_575 = arith.index_cast %parallel_loop3A_573 : i32 to index
        %parallel_loop3A_576 = arith.constant 32 : index
        %parallel_loop3A_577 = tpu.vector_load %arg8[%parallel_loop3A_574, %parallel_loop3A_575, %parallel_loop3A_576] {strides = array<i32>} : memref<32x8x128xf32, #tpu.memory_space<vmem>>, vector<16xf32>,
        tpu.vector_store %arg8[%parallel_loop3A_574, %parallel_loop3A_575, %parallel_loop3A_576], %parallel_loop3A_572 {strides = array<i32>} : memref<32x8x128xf32, #tpu.memory_space<vmem>>, vector<16xf32>,
        %parallel_loop3A_578 = arith.constant 128 : i32
        %parallel_loop3A_579 = vector.broadcast %parallel_loop3A_578 : i32 to vector<16xi32>
        %parallel_loop3A_580 = arith.addi %parallel_loop3A_508, %parallel_loop3A_579 : vector<16xi32>
        %parallel_loop3A_581 = tpu.vector_load_idx %arg9[%parallel_loop3A_517] : memref<8192xf32, #tpu.memory_space<vmem>>[vector<16xi32>], vector<16xf32>,
        %parallel_loop3A_582 = arith.constant 5 : i32
        %parallel_loop3A_583 = arith.index_cast %parallel_loop3A_143 : i32 to index
        %parallel_loop3A_584 = arith.index_cast %parallel_loop3A_582 : i32 to index
        %parallel_loop3A_585 = arith.constant 48 : index
        %parallel_loop3A_586 = tpu.vector_load %arg8[%parallel_loop3A_583, %parallel_loop3A_584, %parallel_loop3A_585] {strides = array<i32>} : memref<32x8x128xf32, #tpu.memory_space<vmem>>, vector<16xf32>,
        tpu.vector_store %arg8[%parallel_loop3A_583, %parallel_loop3A_584, %parallel_loop3A_585], %parallel_loop3A_581 {strides = array<i32>} : memref<32x8x128xf32, #tpu.memory_space<vmem>>, vector<16xf32>,
        %parallel_loop3A_587 = arith.constant 128 : i32
        %parallel_loop3A_588 = vector.broadcast %parallel_loop3A_587 : i32 to vector<16xi32>
        %parallel_loop3A_589 = arith.addi %parallel_loop3A_517, %parallel_loop3A_588 : vector<16xi32>
        %parallel_loop3A_590 = tpu.vector_load_idx %arg9[%parallel_loop3A_526] : memref<8192xf32, #tpu.memory_space<vmem>>[vector<16xi32>], vector<16xf32>,
        %parallel_loop3A_591 = arith.constant 5 : i32
        %parallel_loop3A_592 = arith.index_cast %parallel_loop3A_143 : i32 to index
        %parallel_loop3A_593 = arith.index_cast %parallel_loop3A_591 : i32 to index
        %parallel_loop3A_594 = arith.constant 64 : index
        %parallel_loop3A_595 = tpu.vector_load %arg8[%parallel_loop3A_592, %parallel_loop3A_593, %parallel_loop3A_594] {strides = array<i32>} : memref<32x8x128xf32, #tpu.memory_space<vmem>>, vector<16xf32>,
        tpu.vector_store %arg8[%parallel_loop3A_592, %parallel_loop3A_593, %parallel_loop3A_594], %parallel_loop3A_590 {strides = array<i32>} : memref<32x8x128xf32, #tpu.memory_space<vmem>>, vector<16xf32>,
        %parallel_loop3A_596 = arith.constant 128 : i32
        %parallel_loop3A_597 = vector.broadcast %parallel_loop3A_596 : i32 to vector<16xi32>
        %parallel_loop3A_598 = arith.addi %parallel_loop3A_526, %parallel_loop3A_597 : vector<16xi32>
        %parallel_loop3A_599 = tpu.vector_load_idx %arg9[%parallel_loop3A_535] : memref<8192xf32, #tpu.memory_space<vmem>>[vector<16xi32>], vector<16xf32>,
        %parallel_loop3A_600 = arith.constant 5 : i32
        %parallel_loop3A_601 = arith.index_cast %parallel_loop3A_143 : i32 to index
        %parallel_loop3A_602 = arith.index_cast %parallel_loop3A_600 : i32 to index
        %parallel_loop3A_603 = arith.constant 80 : index
        %parallel_loop3A_604 = tpu.vector_load %arg8[%parallel_loop3A_601, %parallel_loop3A_602, %parallel_loop3A_603] {strides = array<i32>} : memref<32x8x128xf32, #tpu.memory_space<vmem>>, vector<16xf32>,
        tpu.vector_store %arg8[%parallel_loop3A_601, %parallel_loop3A_602, %parallel_loop3A_603], %parallel_loop3A_599 {strides = array<i32>} : memref<32x8x128xf32, #tpu.memory_space<vmem>>, vector<16xf32>,
        %parallel_loop3A_605 = arith.constant 128 : i32
        %parallel_loop3A_606 = vector.broadcast %parallel_loop3A_605 : i32 to vector<16xi32>
        %parallel_loop3A_607 = arith.addi %parallel_loop3A_535, %parallel_loop3A_606 : vector<16xi32>
        %parallel_loop3A_608 = tpu.vector_load_idx %arg9[%parallel_loop3A_544] : memref<8192xf32, #tpu.memory_space<vmem>>[vector<16xi32>], vector<16xf32>,
        %parallel_loop3A_609 = arith.constant 5 : i32
        %parallel_loop3A_610 = arith.index_cast %parallel_loop3A_143 : i32 to index
        %parallel_loop3A_611 = arith.index_cast %parallel_loop3A_609 : i32 to index
        %parallel_loop3A_612 = arith.constant 96 : index
        %parallel_loop3A_613 = tpu.vector_load %arg8[%parallel_loop3A_610, %parallel_loop3A_611, %parallel_loop3A_612] {strides = array<i32>} : memref<32x8x128xf32, #tpu.memory_space<vmem>>, vector<16xf32>,
        tpu.vector_store %arg8[%parallel_loop3A_610, %parallel_loop3A_611, %parallel_loop3A_612], %parallel_loop3A_608 {strides = array<i32>} : memref<32x8x128xf32, #tpu.memory_space<vmem>>, vector<16xf32>,
        %parallel_loop3A_614 = arith.constant 128 : i32
        %parallel_loop3A_615 = vector.broadcast %parallel_loop3A_614 : i32 to vector<16xi32>
        %parallel_loop3A_616 = arith.addi %parallel_loop3A_544, %parallel_loop3A_615 : vector<16xi32>
        %parallel_loop3A_617 = tpu.vector_load_idx %arg9[%parallel_loop3A_553] : memref<8192xf32, #tpu.memory_space<vmem>>[vector<16xi32>], vector<16xf32>,
        %parallel_loop3A_618 = arith.constant 5 : i32
        %parallel_loop3A_619 = arith.index_cast %parallel_loop3A_143 : i32 to index
        %parallel_loop3A_620 = arith.index_cast %parallel_loop3A_618 : i32 to index
        %parallel_loop3A_621 = arith.constant 112 : index
        %parallel_loop3A_622 = tpu.vector_load %arg8[%parallel_loop3A_619, %parallel_loop3A_620, %parallel_loop3A_621] {strides = array<i32>} : memref<32x8x128xf32, #tpu.memory_space<vmem>>, vector<16xf32>,
        tpu.vector_store %arg8[%parallel_loop3A_619, %parallel_loop3A_620, %parallel_loop3A_621], %parallel_loop3A_617 {strides = array<i32>} : memref<32x8x128xf32, #tpu.memory_space<vmem>>, vector<16xf32>,
        %parallel_loop3A_623 = arith.constant 128 : i32
        %parallel_loop3A_624 = vector.broadcast %parallel_loop3A_623 : i32 to vector<16xi32>
        %parallel_loop3A_625 = arith.addi %parallel_loop3A_553, %parallel_loop3A_624 : vector<16xi32>
        %parallel_loop3A_626 = tpu.vector_load_idx %arg9[%parallel_loop3A_562] : memref<8192xf32, #tpu.memory_space<vmem>>[vector<16xi32>], vector<16xf32>,
        %parallel_loop3A_627 = arith.constant 6 : i32
        %parallel_loop3A_628 = arith.index_cast %parallel_loop3A_143 : i32 to index
        %parallel_loop3A_629 = arith.index_cast %parallel_loop3A_627 : i32 to index
        %parallel_loop3A_630 = arith.constant 0 : index
        %parallel_loop3A_631 = tpu.vector_load %arg8[%parallel_loop3A_628, %parallel_loop3A_629, %parallel_loop3A_630] {strides = array<i32>} : memref<32x8x128xf32, #tpu.memory_space<vmem>>, vector<16xf32>,
        tpu.vector_store %arg8[%parallel_loop3A_628, %parallel_loop3A_629, %parallel_loop3A_630], %parallel_loop3A_626 {strides = array<i32>} : memref<32x8x128xf32, #tpu.memory_space<vmem>>, vector<16xf32>,
        %parallel_loop3A_632 = arith.constant 128 : i32
        %parallel_loop3A_633 = vector.broadcast %parallel_loop3A_632 : i32 to vector<16xi32>
        %parallel_loop3A_634 = arith.addi %parallel_loop3A_562, %parallel_loop3A_633 : vector<16xi32>
        %parallel_loop3A_635 = tpu.vector_load_idx %arg9[%parallel_loop3A_571] : memref<8192xf32, #tpu.memory_space<vmem>>[vector<16xi32>], vector<16xf32>,
        %parallel_loop3A_636 = arith.constant 6 : i32
        %parallel_loop3A_637 = arith.index_cast %parallel_loop3A_143 : i32 to index
        %parallel_loop3A_638 = arith.index_cast %parallel_loop3A_636 : i32 to index
        %parallel_loop3A_639 = arith.constant 16 : index
        %parallel_loop3A_640 = tpu.vector_load %arg8[%parallel_loop3A_637, %parallel_loop3A_638, %parallel_loop3A_639] {strides = array<i32>} : memref<32x8x128xf32, #tpu.memory_space<vmem>>, vector<16xf32>,
        tpu.vector_store %arg8[%parallel_loop3A_637, %parallel_loop3A_638, %parallel_loop3A_639], %parallel_loop3A_635 {strides = array<i32>} : memref<32x8x128xf32, #tpu.memory_space<vmem>>, vector<16xf32>,
        %parallel_loop3A_641 = arith.constant 128 : i32
        %parallel_loop3A_642 = vector.broadcast %parallel_loop3A_641 : i32 to vector<16xi32>
        %parallel_loop3A_643 = arith.addi %parallel_loop3A_571, %parallel_loop3A_642 : vector<16xi32>
        %parallel_loop3A_644 = tpu.vector_load_idx %arg9[%parallel_loop3A_580] : memref<8192xf32, #tpu.memory_space<vmem>>[vector<16xi32>], vector<16xf32>,
        %parallel_loop3A_645 = arith.constant 6 : i32
        %parallel_loop3A_646 = arith.index_cast %parallel_loop3A_143 : i32 to index
        %parallel_loop3A_647 = arith.index_cast %parallel_loop3A_645 : i32 to index
        %parallel_loop3A_648 = arith.constant 32 : index
        %parallel_loop3A_649 = tpu.vector_load %arg8[%parallel_loop3A_646, %parallel_loop3A_647, %parallel_loop3A_648] {strides = array<i32>} : memref<32x8x128xf32, #tpu.memory_space<vmem>>, vector<16xf32>,
        tpu.vector_store %arg8[%parallel_loop3A_646, %parallel_loop3A_647, %parallel_loop3A_648], %parallel_loop3A_644 {strides = array<i32>} : memref<32x8x128xf32, #tpu.memory_space<vmem>>, vector<16xf32>,
        %parallel_loop3A_650 = arith.constant 128 : i32
        %parallel_loop3A_651 = vector.broadcast %parallel_loop3A_650 : i32 to vector<16xi32>
        %parallel_loop3A_652 = arith.addi %parallel_loop3A_580, %parallel_loop3A_651 : vector<16xi32>
        %parallel_loop3A_653 = tpu.vector_load_idx %arg9[%parallel_loop3A_589] : memref<8192xf32, #tpu.memory_space<vmem>>[vector<16xi32>], vector<16xf32>,
        %parallel_loop3A_654 = arith.constant 6 : i32
        %parallel_loop3A_655 = arith.index_cast %parallel_loop3A_143 : i32 to index
        %parallel_loop3A_656 = arith.index_cast %parallel_loop3A_654 : i32 to index
        %parallel_loop3A_657 = arith.constant 48 : index
        %parallel_loop3A_658 = tpu.vector_load %arg8[%parallel_loop3A_655, %parallel_loop3A_656, %parallel_loop3A_657] {strides = array<i32>} : memref<32x8x128xf32, #tpu.memory_space<vmem>>, vector<16xf32>,
        tpu.vector_store %arg8[%parallel_loop3A_655, %parallel_loop3A_656, %parallel_loop3A_657], %parallel_loop3A_653 {strides = array<i32>} : memref<32x8x128xf32, #tpu.memory_space<vmem>>, vector<16xf32>,
        %parallel_loop3A_659 = arith.constant 128 : i32
        %parallel_loop3A_660 = vector.broadcast %parallel_loop3A_659 : i32 to vector<16xi32>
        %parallel_loop3A_661 = arith.addi %parallel_loop3A_589, %parallel_loop3A_660 : vector<16xi32>
        %parallel_loop3A_662 = tpu.vector_load_idx %arg9[%parallel_loop3A_598] : memref<8192xf32, #tpu.memory_space<vmem>>[vector<16xi32>], vector<16xf32>,
        %parallel_loop3A_663 = arith.constant 6 : i32
        %parallel_loop3A_664 = arith.index_cast %parallel_loop3A_143 : i32 to index
        %parallel_loop3A_665 = arith.index_cast %parallel_loop3A_663 : i32 to index
        %parallel_loop3A_666 = arith.constant 64 : index
        %parallel_loop3A_667 = tpu.vector_load %arg8[%parallel_loop3A_664, %parallel_loop3A_665, %parallel_loop3A_666] {strides = array<i32>} : memref<32x8x128xf32, #tpu.memory_space<vmem>>, vector<16xf32>,
        tpu.vector_store %arg8[%parallel_loop3A_664, %parallel_loop3A_665, %parallel_loop3A_666], %parallel_loop3A_662 {strides = array<i32>} : memref<32x8x128xf32, #tpu.memory_space<vmem>>, vector<16xf32>,
        %parallel_loop3A_668 = arith.constant 128 : i32
        %parallel_loop3A_669 = vector.broadcast %parallel_loop3A_668 : i32 to vector<16xi32>
        %parallel_loop3A_670 = arith.addi %parallel_loop3A_598, %parallel_loop3A_669 : vector<16xi32>
        %parallel_loop3A_671 = tpu.vector_load_idx %arg9[%parallel_loop3A_607] : memref<8192xf32, #tpu.memory_space<vmem>>[vector<16xi32>], vector<16xf32>,
        %parallel_loop3A_672 = arith.constant 6 : i32
        %parallel_loop3A_673 = arith.index_cast %parallel_loop3A_143 : i32 to index
        %parallel_loop3A_674 = arith.index_cast %parallel_loop3A_672 : i32 to index
        %parallel_loop3A_675 = arith.constant 80 : index
        %parallel_loop3A_676 = tpu.vector_load %arg8[%parallel_loop3A_673, %parallel_loop3A_674, %parallel_loop3A_675] {strides = array<i32>} : memref<32x8x128xf32, #tpu.memory_space<vmem>>, vector<16xf32>,
        tpu.vector_store %arg8[%parallel_loop3A_673, %parallel_loop3A_674, %parallel_loop3A_675], %parallel_loop3A_671 {strides = array<i32>} : memref<32x8x128xf32, #tpu.memory_space<vmem>>, vector<16xf32>,
        %parallel_loop3A_677 = arith.constant 128 : i32
        %parallel_loop3A_678 = vector.broadcast %parallel_loop3A_677 : i32 to vector<16xi32>
        %parallel_loop3A_679 = arith.addi %parallel_loop3A_607, %parallel_loop3A_678 : vector<16xi32>
        %parallel_loop3A_680 = tpu.vector_load_idx %arg9[%parallel_loop3A_616] : memref<8192xf32, #tpu.memory_space<vmem>>[vector<16xi32>], vector<16xf32>,
        %parallel_loop3A_681 = arith.constant 6 : i32
        %parallel_loop3A_682 = arith.index_cast %parallel_loop3A_143 : i32 to index
        %parallel_loop3A_683 = arith.index_cast %parallel_loop3A_681 : i32 to index
        %parallel_loop3A_684 = arith.constant 96 : index
        %parallel_loop3A_685 = tpu.vector_load %arg8[%parallel_loop3A_682, %parallel_loop3A_683, %parallel_loop3A_684] {strides = array<i32>} : memref<32x8x128xf32, #tpu.memory_space<vmem>>, vector<16xf32>,
        tpu.vector_store %arg8[%parallel_loop3A_682, %parallel_loop3A_683, %parallel_loop3A_684], %parallel_loop3A_680 {strides = array<i32>} : memref<32x8x128xf32, #tpu.memory_space<vmem>>, vector<16xf32>,
        %parallel_loop3A_686 = arith.constant 128 : i32
        %parallel_loop3A_687 = vector.broadcast %parallel_loop3A_686 : i32 to vector<16xi32>
        %parallel_loop3A_688 = arith.addi %parallel_loop3A_616, %parallel_loop3A_687 : vector<16xi32>
        %parallel_loop3A_689 = tpu.vector_load_idx %arg9[%parallel_loop3A_625] : memref<8192xf32, #tpu.memory_space<vmem>>[vector<16xi32>], vector<16xf32>,
        %parallel_loop3A_690 = arith.constant 6 : i32
        %parallel_loop3A_691 = arith.index_cast %parallel_loop3A_143 : i32 to index
        %parallel_loop3A_692 = arith.index_cast %parallel_loop3A_690 : i32 to index
        %parallel_loop3A_693 = arith.constant 112 : index
        %parallel_loop3A_694 = tpu.vector_load %arg8[%parallel_loop3A_691, %parallel_loop3A_692, %parallel_loop3A_693] {strides = array<i32>} : memref<32x8x128xf32, #tpu.memory_space<vmem>>, vector<16xf32>,
        tpu.vector_store %arg8[%parallel_loop3A_691, %parallel_loop3A_692, %parallel_loop3A_693], %parallel_loop3A_689 {strides = array<i32>} : memref<32x8x128xf32, #tpu.memory_space<vmem>>, vector<16xf32>,
        %parallel_loop3A_695 = arith.constant 128 : i32
        %parallel_loop3A_696 = vector.broadcast %parallel_loop3A_695 : i32 to vector<16xi32>
        %parallel_loop3A_697 = arith.addi %parallel_loop3A_625, %parallel_loop3A_696 : vector<16xi32>
        %parallel_loop3A_698 = tpu.vector_load_idx %arg9[%parallel_loop3A_634] : memref<8192xf32, #tpu.memory_space<vmem>>[vector<16xi32>], vector<16xf32>,
        %parallel_loop3A_699 = arith.constant 7 : i32
        %parallel_loop3A_700 = arith.index_cast %parallel_loop3A_143 : i32 to index
        %parallel_loop3A_701 = arith.index_cast %parallel_loop3A_699 : i32 to index
        %parallel_loop3A_702 = arith.constant 0 : index
        %parallel_loop3A_703 = tpu.vector_load %arg8[%parallel_loop3A_700, %parallel_loop3A_701, %parallel_loop3A_702] {strides = array<i32>} : memref<32x8x128xf32, #tpu.memory_space<vmem>>, vector<16xf32>,
        tpu.vector_store %arg8[%parallel_loop3A_700, %parallel_loop3A_701, %parallel_loop3A_702], %parallel_loop3A_698 {strides = array<i32>} : memref<32x8x128xf32, #tpu.memory_space<vmem>>, vector<16xf32>,
        %parallel_loop3A_704 = arith.constant 128 : i32
        %parallel_loop3A_705 = vector.broadcast %parallel_loop3A_704 : i32 to vector<16xi32>
        %parallel_loop3A_706 = arith.addi %parallel_loop3A_634, %parallel_loop3A_705 : vector<16xi32>
        %parallel_loop3A_707 = tpu.vector_load_idx %arg9[%parallel_loop3A_643] : memref<8192xf32, #tpu.memory_space<vmem>>[vector<16xi32>], vector<16xf32>,
        %parallel_loop3A_708 = arith.constant 7 : i32
        %parallel_loop3A_709 = arith.index_cast %parallel_loop3A_143 : i32 to index
        %parallel_loop3A_710 = arith.index_cast %parallel_loop3A_708 : i32 to index
        %parallel_loop3A_711 = arith.constant 16 : index
        %parallel_loop3A_712 = tpu.vector_load %arg8[%parallel_loop3A_709, %parallel_loop3A_710, %parallel_loop3A_711] {strides = array<i32>} : memref<32x8x128xf32, #tpu.memory_space<vmem>>, vector<16xf32>,
        tpu.vector_store %arg8[%parallel_loop3A_709, %parallel_loop3A_710, %parallel_loop3A_711], %parallel_loop3A_707 {strides = array<i32>} : memref<32x8x128xf32, #tpu.memory_space<vmem>>, vector<16xf32>,
        %parallel_loop3A_713 = arith.constant 128 : i32
        %parallel_loop3A_714 = vector.broadcast %parallel_loop3A_713 : i32 to vector<16xi32>
        %parallel_loop3A_715 = arith.addi %parallel_loop3A_643, %parallel_loop3A_714 : vector<16xi32>
        %parallel_loop3A_716 = tpu.vector_load_idx %arg9[%parallel_loop3A_652] : memref<8192xf32, #tpu.memory_space<vmem>>[vector<16xi32>], vector<16xf32>,
        %parallel_loop3A_717 = arith.constant 7 : i32
        %parallel_loop3A_718 = arith.index_cast %parallel_loop3A_143 : i32 to index
        %parallel_loop3A_719 = arith.index_cast %parallel_loop3A_717 : i32 to index
        %parallel_loop3A_720 = arith.constant 32 : index
        %parallel_loop3A_721 = tpu.vector_load %arg8[%parallel_loop3A_718, %parallel_loop3A_719, %parallel_loop3A_720] {strides = array<i32>} : memref<32x8x128xf32, #tpu.memory_space<vmem>>, vector<16xf32>,
        tpu.vector_store %arg8[%parallel_loop3A_718, %parallel_loop3A_719, %parallel_loop3A_720], %parallel_loop3A_716 {strides = array<i32>} : memref<32x8x128xf32, #tpu.memory_space<vmem>>, vector<16xf32>,
        %parallel_loop3A_722 = arith.constant 128 : i32
        %parallel_loop3A_723 = vector.broadcast %parallel_loop3A_722 : i32 to vector<16xi32>
        %parallel_loop3A_724 = arith.addi %parallel_loop3A_652, %parallel_loop3A_723 : vector<16xi32>
        %parallel_loop3A_725 = tpu.vector_load_idx %arg9[%parallel_loop3A_661] : memref<8192xf32, #tpu.memory_space<vmem>>[vector<16xi32>], vector<16xf32>,
        %parallel_loop3A_726 = arith.constant 7 : i32
        %parallel_loop3A_727 = arith.index_cast %parallel_loop3A_143 : i32 to index
        %parallel_loop3A_728 = arith.index_cast %parallel_loop3A_726 : i32 to index
        %parallel_loop3A_729 = arith.constant 48 : index
        %parallel_loop3A_730 = tpu.vector_load %arg8[%parallel_loop3A_727, %parallel_loop3A_728, %parallel_loop3A_729] {strides = array<i32>} : memref<32x8x128xf32, #tpu.memory_space<vmem>>, vector<16xf32>,
        tpu.vector_store %arg8[%parallel_loop3A_727, %parallel_loop3A_728, %parallel_loop3A_729], %parallel_loop3A_725 {strides = array<i32>} : memref<32x8x128xf32, #tpu.memory_space<vmem>>, vector<16xf32>,
        %parallel_loop3A_731 = arith.constant 128 : i32
        %parallel_loop3A_732 = vector.broadcast %parallel_loop3A_731 : i32 to vector<16xi32>
        %parallel_loop3A_733 = arith.addi %parallel_loop3A_661, %parallel_loop3A_732 : vector<16xi32>
        %parallel_loop3A_734 = tpu.vector_load_idx %arg9[%parallel_loop3A_670] : memref<8192xf32, #tpu.memory_space<vmem>>[vector<16xi32>], vector<16xf32>,
        %parallel_loop3A_735 = arith.constant 7 : i32
        %parallel_loop3A_736 = arith.index_cast %parallel_loop3A_143 : i32 to index
        %parallel_loop3A_737 = arith.index_cast %parallel_loop3A_735 : i32 to index
        %parallel_loop3A_738 = arith.constant 64 : index
        %parallel_loop3A_739 = tpu.vector_load %arg8[%parallel_loop3A_736, %parallel_loop3A_737, %parallel_loop3A_738] {strides = array<i32>} : memref<32x8x128xf32, #tpu.memory_space<vmem>>, vector<16xf32>,
        tpu.vector_store %arg8[%parallel_loop3A_736, %parallel_loop3A_737, %parallel_loop3A_738], %parallel_loop3A_734 {strides = array<i32>} : memref<32x8x128xf32, #tpu.memory_space<vmem>>, vector<16xf32>,
        %parallel_loop3A_740 = arith.constant 128 : i32
        %parallel_loop3A_741 = vector.broadcast %parallel_loop3A_740 : i32 to vector<16xi32>
        %parallel_loop3A_742 = arith.addi %parallel_loop3A_670, %parallel_loop3A_741 : vector<16xi32>
        %parallel_loop3A_743 = tpu.vector_load_idx %arg9[%parallel_loop3A_679] : memref<8192xf32, #tpu.memory_space<vmem>>[vector<16xi32>], vector<16xf32>,
        %parallel_loop3A_744 = arith.constant 7 : i32
        %parallel_loop3A_745 = arith.index_cast %parallel_loop3A_143 : i32 to index
        %parallel_loop3A_746 = arith.index_cast %parallel_loop3A_744 : i32 to index
        %parallel_loop3A_747 = arith.constant 80 : index
        %parallel_loop3A_748 = tpu.vector_load %arg8[%parallel_loop3A_745, %parallel_loop3A_746, %parallel_loop3A_747] {strides = array<i32>} : memref<32x8x128xf32, #tpu.memory_space<vmem>>, vector<16xf32>,
        tpu.vector_store %arg8[%parallel_loop3A_745, %parallel_loop3A_746, %parallel_loop3A_747], %parallel_loop3A_743 {strides = array<i32>} : memref<32x8x128xf32, #tpu.memory_space<vmem>>, vector<16xf32>,
        %parallel_loop3A_749 = arith.constant 128 : i32
        %parallel_loop3A_750 = vector.broadcast %parallel_loop3A_749 : i32 to vector<16xi32>
        %parallel_loop3A_751 = arith.addi %parallel_loop3A_679, %parallel_loop3A_750 : vector<16xi32>
        %parallel_loop3A_752 = tpu.vector_load_idx %arg9[%parallel_loop3A_688] : memref<8192xf32, #tpu.memory_space<vmem>>[vector<16xi32>], vector<16xf32>,
        %parallel_loop3A_753 = arith.constant 7 : i32
        %parallel_loop3A_754 = arith.index_cast %parallel_loop3A_143 : i32 to index
        %parallel_loop3A_755 = arith.index_cast %parallel_loop3A_753 : i32 to index
        %parallel_loop3A_756 = arith.constant 96 : index
        %parallel_loop3A_757 = tpu.vector_load %arg8[%parallel_loop3A_754, %parallel_loop3A_755, %parallel_loop3A_756] {strides = array<i32>} : memref<32x8x128xf32, #tpu.memory_space<vmem>>, vector<16xf32>,
        tpu.vector_store %arg8[%parallel_loop3A_754, %parallel_loop3A_755, %parallel_loop3A_756], %parallel_loop3A_752 {strides = array<i32>} : memref<32x8x128xf32, #tpu.memory_space<vmem>>, vector<16xf32>,
        %parallel_loop3A_758 = arith.constant 128 : i32
        %parallel_loop3A_759 = vector.broadcast %parallel_loop3A_758 : i32 to vector<16xi32>
        %parallel_loop3A_760 = arith.addi %parallel_loop3A_688, %parallel_loop3A_759 : vector<16xi32>
        %parallel_loop3A_761 = tpu.vector_load_idx %arg9[%parallel_loop3A_697] : memref<8192xf32, #tpu.memory_space<vmem>>[vector<16xi32>], vector<16xf32>,
        %parallel_loop3A_762 = arith.constant 7 : i32
        %parallel_loop3A_763 = arith.index_cast %parallel_loop3A_143 : i32 to index
        %parallel_loop3A_764 = arith.index_cast %parallel_loop3A_762 : i32 to index
        %parallel_loop3A_765 = arith.constant 112 : index
        %parallel_loop3A_766 = tpu.vector_load %arg8[%parallel_loop3A_763, %parallel_loop3A_764, %parallel_loop3A_765] {strides = array<i32>} : memref<32x8x128xf32, #tpu.memory_space<vmem>>, vector<16xf32>,
        tpu.vector_store %arg8[%parallel_loop3A_763, %parallel_loop3A_764, %parallel_loop3A_765], %parallel_loop3A_761 {strides = array<i32>} : memref<32x8x128xf32, #tpu.memory_space<vmem>>, vector<16xf32>,
        %parallel_loop3A_767 = arith.constant 128 : i32
        %parallel_loop3A_768 = vector.broadcast %parallel_loop3A_767 : i32 to vector<16xi32>
        %parallel_loop3A_769 = arith.addi %parallel_loop3A_697, %parallel_loop3A_768 : vector<16xi32>
      } {sc.loop_unroll_factor = 1 : i64, sc.parallel_access}
      %mul3A_125 = arith.constant 32 : i32
      %mul3A_126 = arith.muli %select_n3A_30, %mul3A_125 : i32
      %dma_start3A_127 = arith.constant 0 : i32
      %dma_start3A_128 = arith.constant 0 : i32
      %dma_start3A_129 = tpu.memref_slice %arg4[%add3A_112, %select_n3A, %mul3A_126, %dma_start3A_127, %dma_start3A_128] : memref<200x8x128x8x128xf32, #tpu.memory_space<hbm>> -> memref<1x1x32x8x128xf32, #tpu.memory_space<hbm>>
      %dma_start3A_130 = tpu.memref_squeeze %dma_start3A_129 : memref<1x1x32x8x128xf32, #tpu.memory_space<hbm>> -> memref<32x8x128xf32, #tpu.memory_space<hbm>>
      %dma_start3A_131 = arith.constant 0 : i32
      %dma_start3A_132 = arith.constant 0 : i32
      %dma_start3A_133 = tpu.memref_slice %arg4[%add3A_112, %select_n3A, %mul3A_126, %dma_start3A_131, %dma_start3A_132] : memref<200x8x128x8x128xf32, #tpu.memory_space<hbm>> -> memref<1x1x32x8x128xf32, #tpu.memory_space<hbm>>
      %dma_start3A_134 = tpu.memref_squeeze %dma_start3A_133 : memref<1x1x32x8x128xf32, #tpu.memory_space<hbm>> -> memref<32x8x128xf32, #tpu.memory_space<hbm>>
      tpu.enqueue_dma source(%arg8 : memref<32x8x128xf32, #tpu.memory_space<vmem>>) target(%dma_start3A_134 : memref<32x8x128xf32, #tpu.memory_space<hbm>>) target_semaphore(%arg13 : memref<!tpu.dma_semaphore, #tpu.memory_space<semaphore_mem>>)
      %add3A_135 = arith.constant 2 : i32
      %add3A_136 = arith.addi %add3A_112, %add3A_135 : i32
      %min3A_137 = arith.constant 199 : i32
      %min3A_138 = arith.minsi %add3A_136, %min3A_137 : i32
      %dma_start3A_139 = tpu.memref_slice %arg2[%min3A_138, %mul3A_32] : memref<200x16384xi32, #tpu.memory_space<hbm>> -> memref<1x4096xi32, #tpu.memory_space<hbm>>
      %dma_start3A_140 = tpu.memref_squeeze %dma_start3A_139 : memref<1x4096xi32, #tpu.memory_space<hbm>> -> memref<4096xi32, #tpu.memory_space<hbm>>
      %dma_start3A_141 = tpu.memref_slice %arg2[%min3A_138, %mul3A_32] : memref<200x16384xi32, #tpu.memory_space<hbm>> -> memref<1x4096xi32, #tpu.memory_space<hbm>>
      %dma_start3A_142 = tpu.memref_squeeze %dma_start3A_141 : memref<1x4096xi32, #tpu.memory_space<hbm>> -> memref<4096xi32, #tpu.memory_space<hbm>>
      tpu.enqueue_dma source(%dma_start3A_142 : memref<4096xi32, #tpu.memory_space<hbm>>) target(%arg6 : memref<4096xi32, #tpu.memory_space<vmem>>) target_semaphore(%arg11 : memref<!tpu.dma_semaphore, #tpu.memory_space<semaphore_mem>>)
    }
    %scan3A_47 = arith.constant 100 : i32
    %dma_wait3A = arith.constant 0 : i32
    %dma_wait3A_48 = tpu.memref_slice %arg2[%dma_wait3A, %mul3A_32] : memref<200x16384xi32, #tpu.memory_space<hbm>> -> memref<1x4096xi32, #tpu.memory_space<hbm>>
    %dma_wait3A_49 = tpu.memref_squeeze %dma_wait3A_48 : memref<1x4096xi32, #tpu.memory_space<hbm>> -> memref<4096xi32, #tpu.memory_space<hbm>>
    %dma_wait3A_50 = tpu.memref_slice %arg2[%dma_wait3A, %mul3A_32] : memref<200x16384xi32, #tpu.memory_space<hbm>> -> memref<1x4096xi32, #tpu.memory_space<hbm>>
    %dma_wait3A_51 = tpu.memref_squeeze %dma_wait3A_50 : memref<1x4096xi32, #tpu.memory_space<hbm>> -> memref<4096xi32, #tpu.memory_space<hbm>>
    tpu.wait_dma2 semaphore(%arg10 : memref<!tpu.dma_semaphore, #tpu.memory_space<semaphore_mem>>) src(%dma_wait3A_51 : memref<4096xi32, #tpu.memory_space<hbm>>) dst(%arg5 : memref<4096xi32, #tpu.memory_space<vmem>>)
    %mul3A_52 = arith.constant 32 : i32
    %mul3A_53 = arith.muli %select_n3A_30, %mul3A_52 : i32
    %dma_wait3A_54 = arith.constant 198 : i32
    %dma_wait3A_55 = arith.constant 0 : i32
    %dma_wait3A_56 = arith.constant 0 : i32
    %dma_wait3A_57 = tpu.memref_slice %arg4[%dma_wait3A_54, %select_n3A, %mul3A_53, %dma_wait3A_55, %dma_wait3A_56] : memref<200x8x128x8x128xf32, #tpu.memory_space<hbm>> -> memref<1x1x32x8x128xf32, #tpu.memory_space<hbm>>
    %dma_wait3A_58 = tpu.memref_squeeze %dma_wait3A_57 : memref<1x1x32x8x128xf32, #tpu.memory_space<hbm>> -> memref<32x8x128xf32, #tpu.memory_space<hbm>>
    %dma_wait3A_59 = arith.constant 0 : i32
    %dma_wait3A_60 = arith.constant 0 : i32
    %dma_wait3A_61 = tpu.memref_slice %arg4[%dma_wait3A_54, %select_n3A, %mul3A_53, %dma_wait3A_59, %dma_wait3A_60] : memref<200x8x128x8x128xf32, #tpu.memory_space<hbm>> -> memref<1x1x32x8x128xf32, #tpu.memory_space<hbm>>
    %dma_wait3A_62 = tpu.memref_squeeze %dma_wait3A_61 : memref<1x1x32x8x128xf32, #tpu.memory_space<hbm>> -> memref<32x8x128xf32, #tpu.memory_space<hbm>>
    tpu.wait_dma2 semaphore(%arg12 : memref<!tpu.dma_semaphore, #tpu.memory_space<semaphore_mem>>) src(%arg7 : memref<32x8x128xf32, #tpu.memory_space<vmem>>) dst(%dma_wait3A_62 : memref<32x8x128xf32, #tpu.memory_space<hbm>>)
    %dma_wait3A_63 = arith.constant 0 : i32
    %dma_wait3A_64 = tpu.memref_slice %arg2[%dma_wait3A_63, %mul3A_32] : memref<200x16384xi32, #tpu.memory_space<hbm>> -> memref<1x4096xi32, #tpu.memory_space<hbm>>
    %dma_wait3A_65 = tpu.memref_squeeze %dma_wait3A_64 : memref<1x4096xi32, #tpu.memory_space<hbm>> -> memref<4096xi32, #tpu.memory_space<hbm>>
    %dma_wait3A_66 = tpu.memref_slice %arg2[%dma_wait3A_63, %mul3A_32] : memref<200x16384xi32, #tpu.memory_space<hbm>> -> memref<1x4096xi32, #tpu.memory_space<hbm>>
    %dma_wait3A_67 = tpu.memref_squeeze %dma_wait3A_66 : memref<1x4096xi32, #tpu.memory_space<hbm>> -> memref<4096xi32, #tpu.memory_space<hbm>>
    tpu.wait_dma2 semaphore(%arg11 : memref<!tpu.dma_semaphore, #tpu.memory_space<semaphore_mem>>) src(%dma_wait3A_67 : memref<4096xi32, #tpu.memory_space<hbm>>) dst(%arg6 : memref<4096xi32, #tpu.memory_space<vmem>>)
    %mul3A_68 = arith.constant 32 : i32
    %mul3A_69 = arith.muli %select_n3A_30, %mul3A_68 : i32
    %dma_wait3A_70 = arith.constant 199 : i32
    %dma_wait3A_71 = arith.constant 0 : i32
    %dma_wait3A_72 = arith.constant 0 : i32
    %dma_wait3A_73 = tpu.memref_slice %arg4[%dma_wait3A_70, %select_n3A, %mul3A_69, %dma_wait3A_71, %dma_wait3A_72] : memref<200x8x128x8x128xf32, #tpu.memory_space<hbm>> -> memref<1x1x32x8x128xf32, #tpu.memory_space<hbm>>
    %dma_wait3A_74 = tpu.memref_squeeze %dma_wait3A_73 : memref<1x1x32x8x128xf32, #tpu.memory_space<hbm>> -> memref<32x8x128xf32, #tpu.memory_space<hbm>>
    %dma_wait3A_75 = arith.constant 0 : i32
    %dma_wait3A_76 = arith.constant 0 : i32
    %dma_wait3A_77 = tpu.memref_slice %arg4[%dma_wait3A_70, %select_n3A, %mul3A_69, %dma_wait3A_75, %dma_wait3A_76] : memref<200x8x128x8x128xf32, #tpu.memory_space<hbm>> -> memref<1x1x32x8x128xf32, #tpu.memory_space<hbm>>
    %dma_wait3A_78 = tpu.memref_squeeze %dma_wait3A_77 : memref<1x1x32x8x128xf32, #tpu.memory_space<hbm>> -> memref<32x8x128xf32, #tpu.memory_space<hbm>>
    tpu.wait_dma2 semaphore(%arg13 : memref<!tpu.dma_semaphore, #tpu.memory_space<semaphore_mem>>) src(%arg8 : memref<32x8x128xf32, #tpu.memory_space<vmem>>) dst(%dma_wait3A_78 : memref<32x8x128xf32, #tpu.memory_space<hbm>>)
    return
  }
}

</mosaic_0001>

<sc_bundles>
// kernel: kernel.3.cloned.1.call-start
scs
__scs_entry_jumppad:
0x0: {  	(pc) =	sbr.rel $0x88, $3  }
0x1: {  	(tag) =	ssettag $0x0;
	lr =	simm.s32 $0x1  }
0x2: {  	[smem:$0x3F9F] =	sst lr;
	_ =	strace $0xD0000000  }
0x3: {  	_ = 	snop  }
0x4: {  	_ = 	snop  }
0x5: {  	_ = 	snop  }
0x6: {  	_ = 	snop  }
0x7: {  	_ = 	snop  }
__scs_overlays_trampoline_lowered:
0x8: {  	[smem:$0x3FAE] =	sst s0  }
0x9: {  	[smem:$0x3FAF] =	sst s1  }
0xa: {  	[smem:$0x3FB0] =	sst s2  }
0xb: {  	[smem:$0x3FB1] =	sst s3  }
0xc: {  	[smem:$0x3FB2] =	sst s4  }
0xd: {  	[smem:$0x3FB3] =	sst s5  }
0xe: {  	[smem:$0x3FB4] =	sst s6  }
0xf: {  	[smem:$0x3FB5] =	sst s7  }
0x10: {  	[smem:$0x3FB6] =	sst s8  }
0x11: {  	[smem:$0x3FB7] =	sst s9;
	s0 =	simm.s32 @!p0 $0x0  }
0x12: {  	s1 =	sld [smem:$0x3F9D];
	s0 =	simm.s32 @p0 $0x1  }
0x13: {  	[smem:$0x3FB8] =	sst s0;
	s0 =	simm.s32 @!p1 $0x0  }
0x14: {  	s2 =	sld [smem:$0x3F9C];
	s0 =	simm.s32 @p1 $0x1  }
0x15: {  	[smem:$0x3FB9] =	sst s0;
	s0 =	simm.s32 @!p2 $0x0  }
0x16: {  	s3 =	sld [smem:$0x3FDB];
	s0 =	simm.s32 @p2 $0x1  }
0x17: {  	s4 =	simm.s32 $0x1BF5;
	[smem:$0x3FBB] =	sst s0  }
0x18: {  	s0 =	sld [smem:$0x3F9E];
	_ =	swait.ge [sflag:s4], $0x0  }
0x19: {  	s7 =	sld [smem:$0x3F9F]  }
0x1a: {  	s8 =	sadd.s32 $0xFFFFE003, lr  }
0x1b: {  	s9 =	sadd.s32 $0xFFFFFEF7, lr;
	s5 =	simm.s32 $0xFFFFFFFF;
	p2 =	slt.u32 s8, $0xFFFFF086  }
0x1c: {  	p1 =	slt.u32 s9, $0xF7A;
	s5 =	simm.s32 @!p2 $0x0  }
0x1d: {  	s5 =	simm.s32 @p1 $0x1;
	p0 =	seq.s32 s7, s2  }
0x1e: {  	s7 =	smul.u32 @!p0 $0xF7A, s2;
	p2 =	seq.s32 @!p0 s5, $0x0  }
0x1f: {  	s9 =	smul.u32 $0xF7A, s1;
	s8 =	simm.s32 @!p0 $0x1BF5;
	p2 =	por !p2, p0  }
0x20: {  	[sflag:s8] =	ssyncset.s32 @!p0 $0xFFFFF086;
	s6 =	sadd.s32 @!p0 s3, s7;
	s7 =	simm.s32 @!p0 $0x108  }
0x21: {  	s3 =	sadd.s32 s3, s9;
	s6 =	sadd.s32 @!p0 $0x88, s6;
	s7 =	simm.s32 @p2 $0x1082  }
0x22: {  	[simem:s7], [sflag:s8] =	dma.local @!p0 [hbm:s6], $0xF7A  }
0x23: {  	s9 =	sor.u32 $0xD0000000, s2;
	s6 =	simm.s32 $0x108;
	_ =	swait.ge @!p0 [sflag:s8], $0x0  }
0x24: {  	s3 =	sadd.s32 $0x88, s3;
	s6 =	simm.s32 @!p1 $0x1082;
	[sflag:s4] =	ssyncset.s32 $0xFFFFF086  }
0x25: {  	[simem:s6], [sflag:s4] =	dma.local [hbm:s3], $0xF7A  }
0x26: {  	[smem:$0x3F9F] =	sst s1;
	(tag) =	ssettag s2;
	_ =	strace s9  }
0x27: {  	s1 =	sld [smem:$0x3FAF]  }
0x28: {  	s2 =	sld [smem:$0x3FB0]  }
0x29: {  	s4 =	sld [smem:$0x3FB2]  }
0x2a: {  	p0 =	seq.s32 s5, $0x0;
	s5 =	sld [smem:$0x3FB3]  }
0x2b: {  	s6 =	sld [smem:$0x3FB4]  }
0x2c: {  	s7 =	sld [smem:$0x3FB5]  }
0x2d: {  	s3 =	simm.s32 $0x108;
	s8 =	sld [smem:$0x3FB6]  }
0x2e: {  	s3 =	simm.s32 @!p0 $0x1082;
	s9 =	sld [smem:$0x3FB7]  }
0x2f: {  	lr =	sadd.s32 s0, s3;
	s0 =	sld [smem:$0x3FAE]  }
0x30: {  	s3 =	sld [smem:$0x3FB1]  }
0x31: {  	[smem:$0x3FBA] =	sst s10  }
0x32: {  	s10 =	sld [smem:$0x3FB8];
	_ =	sdelay $0x3  }
0x33: {  	p0 =	seq.s32 s10, $0x1;
	s10 =	sld [smem:$0x3FBA];
	_ =	sdelay $0x3  }
0x34: {  	[smem:$0x3FBA] =	sst s10  }
0x35: {  	s10 =	sld [smem:$0x3FB9];
	_ =	sdelay $0x3  }
0x36: {  	p1 =	seq.s32 s10, $0x1;
	s10 =	sld [smem:$0x3FBA];
	_ =	sdelay $0x3  }
0x37: {  	[smem:$0x3FBA] =	sst s10  }
0x38: {  	s10 =	sld [smem:$0x3FBB]  }
0x39: {  	_ = 	snop;
	(pc) =	sbr.ind lr, $3  }
0x3a: {  	_ = 	snop  }
0x3b: {  	_ = 	snop  }
0x3c: {  	p2 =	seq.s32 s10, $0x1;
	s10 =	sld [smem:$0x3FBA]  }
0x3d: {  	_ =	shalt  }
0x3e: {  	_ =	shalt  }
0x3f: {  	_ =	shalt  }
0x40: {  	_ =	shalt  }
0x41: {  	_ =	shalt  }
0x42: {  	_ =	shalt  }
0x43: {  	_ =	shalt  }
0x44: {  	_ =	shalt  }
0x45: {  	_ =	shalt  }
0x46: {  	_ =	shalt  }
0x47: {  	_ =	shalt  }
0x48: {  	_ =	shalt  }
0x49: {  	_ =	shalt  }
0x4a: {  	_ =	shalt  }
0x4b: {  	_ =	shalt  }
0x4c: {  	_ =	shalt  }
0x4d: {  	_ =	shalt  }
0x4e: {  	_ =	shalt  }
0x4f: {  	_ =	shalt  }
0x50: {  	_ =	shalt  }
0x51: {  	_ =	shalt  }
0x52: {  	_ =	shalt  }
0x53: {  	_ =	shalt  }
0x54: {  	_ =	shalt  }
0x55: {  	_ =	shalt  }
0x56: {  	_ =	shalt  }
0x57: {  	_ =	shalt  }
0x58: {  	_ =	shalt  }
0x59: {  	_ =	shalt  }
0x5a: {  	_ =	shalt  }
0x5b: {  	_ =	shalt  }
0x5c: {  	_ =	shalt  }
0x5d: {  	_ =	shalt  }
0x5e: {  	_ =	shalt  }
0x5f: {  	_ =	shalt  }
0x60: {  	_ =	shalt  }
0x61: {  	_ =	shalt  }
0x62: {  	_ =	shalt  }
0x63: {  	_ =	shalt  }
0x64: {  	_ =	shalt  }
0x65: {  	_ =	shalt  }
0x66: {  	_ =	shalt  }
0x67: {  	_ =	shalt  }
0x68: {  	_ =	shalt  }
0x69: {  	_ =	shalt  }
0x6a: {  	_ =	shalt  }
0x6b: {  	_ =	shalt  }
0x6c: {  	_ =	shalt  }
0x6d: {  	_ =	shalt  }
0x6e: {  	_ =	shalt  }
0x6f: {  	_ =	shalt  }
0x70: {  	_ =	shalt  }
0x71: {  	_ =	shalt  }
0x72: {  	_ =	shalt  }
0x73: {  	_ =	shalt  }
0x74: {  	_ =	shalt  }
0x75: {  	_ =	shalt  }
0x76: {  	_ =	shalt  }
0x77: {  	_ =	shalt  }
0x78: {  	_ =	shalt  }
0x79: {  	_ =	shalt  }
0x7a: {  	_ =	shalt  }
0x7b: {  	_ =	shalt  }
0x7c: {  	_ =	shalt  }
0x7d: {  	_ =	shalt  }
0x7e: {  	_ =	shalt  }
0x7f: {  	_ =	shalt  }
0x80: {  	_ =	shalt  }
0x81: {  	_ =	shalt  }
0x82: {  	_ =	shalt  }
0x83: {  	_ =	shalt  }
0x84: {  	_ =	shalt  }
0x85: {  	_ =	shalt  }
0x86: {  	_ =	shalt  }
0x87: {  	_ =	shalt  }
.Lfunc_end0:
.L_simem_size_0:
called_computation_lowered:
.L_overlay_start_0:
0x88: {  	s2 =	sld [smem:$0x3FD9]  }
0x89: {  	s3 =	sld [smem:$0x3FFE];
	_ =	sdelay $0x1  }
0x8a: {  	s1 =	srdreg.scid  }
0x8b: {  	s0 =	sand.u32 $0x1, s1  }
0x8c: {  	s17 =	sshll.u32 s0, $0xA;
	s2 =	sadd.s32 s3, s2  }
0x8d: {  	s2 =	sadd.s32 s2, s17  }
0x8e: {  	[smem:$0x3FC6] =	sst s2  }
0x8f: {  	_ = 	snop  }
0x90: {  	s2 =	sld [smem:$0x3FC8]  }
0x91: {  	s18 =	sld [smem:$0x3FD0];
	(tm) =	ssettm $0x1  }
0x92: {  	s4 =	sld [smem:$0x3FFB];
	_ =	sdelay $0x3  }
0x93: {  	_ =	strace s4  }
0x94: {  	s4 =	sld [smem:$0x3FFC];
	_ =	sdelay $0x3  }
0x95: {  	_ =	strace s4  }
0x96: {  	s4 =	sld [smem:$0x3FFD];
	_ =	sdelay $0x3  }
0x97: {  	_ =	strace s4  }
0x98: {  	_ =	strace $0x8FFFFFFF  }
0x99: {  	s19 =	sld [smem:$0x3FDB];
	_ =	sdelay $0x1  }
0x9a: {  	s5 =	simm.s32 $_scs_section_size  }
0x9b: {  	s6 =	simm.s32 $_size__tile_overlayer_lowered;
	s7 =	simm.s32 $_tile_overlayer_lowered  }
0x9c: {  	s22 =	simm.s32 $0x1BFF;
	s21 =	sshll.u32 s7, $0x1;
	s4 =	sadd.s32 s5, s19  }
0x9d: {  	s8 =	simm.s32 $0x0;
	s20 =	sshll.u32 s6, $0x1;
	s6 =	sadd.s32 s21, s4  }
0x9e: {  	[timem:s8], [sflag:s22] =	dma.local [hbm:s6], s20  }
0x9f: {  	_ =	swait.ge [sflag:s22], s20  }
0xa0: {  	s5 =	ssub.s32 $0x0, s20;
	[sflag:s22] =	ssyncset.done $0x0  }
0xa1: {  	[sflag:s22] =	ssyncadd.s32 s5;
	_ =	sdelay $0x1  }
0xa2: {  	s23 =	simm.s32 $0x1B8B  }
0xa3: {  	_ =	swait.ge [sflag:s23], $0x1  }
0xa4: {  	[sflag:s23] =	ssyncset.done $0x0  }
0xa5: {  	s25 =	simm.s32 $0x1B8E;
	s24 =	sld [smem:$0x3FFE];
	[sflag:s23] =	ssyncadd.s32 $0xFFFFFFFF  }
0xa6: {  	s26 =	simm.s32 $execute0_lowered;
	[smem:$0x3FD2] =	sst s25  }
0xa7: {  	s6 =	sshll.u32 s26, $0x1;
	_ =	strace $0x80000046;
	[dreg:$0x1] =	wrdreg $0xFFFFFFFF  }
0xa8: {  	s28 =	simm.s32 $_size_execute0_lowered;
	s4 =	sadd.s32 s4, s6;
	[dreg:$0x0] =	wrdreg $0x0  }
0xa9: {  	s6 =	sshll.u32 s28, $0x1;
	[dreg:$0x2] =	wrdreg s4  }
0xaa: {  	[dreg:$0x3] =	wrdreg s6  }
0xab: {  	[dreg:$0x4] =	wrdreg $0xC0  }
0xac: {  	_ =	task [dreg:s8], $0x5FFFF  }
0xad: {  	[dreg:$0x1] =	wrdreg $0xFFFFFFFF  }
0xae: {  	[dreg:$0x0] =	wrdreg $0x60  }
0xaf: {  	[dreg:$0x2] =	wrdreg s24  }
0xb0: {  	[dreg:$0x3] =	wrdreg s2  }
0xb1: {  	[dreg:$0x4] =	wrdreg s18  }
0xb2: {  	[dreg:$0x5] =	wrdreg $0x9  }
0xb3: {  	_ =	task.clear_ibuf [dreg:s8], $0x6FFFF;
	_ =	strace $0x90000046  }
0xb4: {  	s29 =	simm.s32 $0x9;
	_ =	strace $0x80000048  }
0xb5: {  	_ =	swait.ge [sflag:s29], $0x1  }
0xb6: {  	[sflag:s29] =	ssyncadd.s32 $0xFFFFFFFF  }
0xb7: {  	_ =	strace $0x90000048  }
0xb8: {  	_ =	sfence  }
0xb9: {  	s30 =	sld [smem:$0x0];
	_ =	sdelay $0x2  }
0xba: {  	s31 =	sshll.u32 s1, $0xD;
	s1 =	sshrl.u32 s1, $0x2  }
0xbb: {  	s3 =	sand.u32 $0x4000, s31;
	s1 =	sadd.s32 s1, s30  }
0xbc: {  	s0 =	sor.u32 s3, s0;
	s1 =	sshll.u32 s1, $0x11  }
0xbd: {  	s0 =	sor.u32 s1, s0  }
0xbe: {  	s0 =	sadd.s32 $0x8F2B, s0  }
0xbf: {  	[sflag:s0] =	ssyncadd.remote.s32 $0x1  }
0xc0: {  	_ =	sfence.sel $0xFFFF  }
0xc1: {  	[dreg:$0x0] =	wrdreg $0xFFFFFFFF;
	(pc) =	sbr.abs _section_cstart, $3  }
0xc2: {  	[dreg:$0x1] =	wrdreg $0xFFFFFFFF  }
0xc3: {  	_ =	task.clear_ibuf [dreg:s8], $0x2FFFF;
	_ =	strace $0x9FFFFFFF  }
0xc4: {  	(tm) =	ssettm $0x7FFFFFFF  }
0xc5: {  	_ =	shalt  }
tec
execute0_lowered:
.L_overlay_start_1:
0x0: {  	(tag) =	ssettag $0x1  }
0x1: {  	s0 =	rddreg [dreg:$0x0]  }
0x2: {  	s3 =	rddreg [dreg:$0x2]  }
0x3: {  	s7 =	stileid.u32;
	s4 =	simm.s32 $0x0;
	s1 =	srdreg.scid  }
0x4: {  	s14 =	simm.s32 $0x12000;
	s15 =	simm.s32 $0x5;
	s16 =	simm.s32 $0x1000  }
0x5: {  	s17 =	simm.s32 $0x1;
	s18 =	simm.s32 $0x2000;
	s19 =	simm.s32 $0x2  }
0x6: {  	s20 =	simm.s32 $0xA000;
	s21 =	simm.s32 $0x3;
	s22 =	simm.s32 $0x4  }
0x7: {  	s23 =	simm.s32 $0x0;
	s2 =	sshll.u32 s7, $0x1;
	[smem:$0x7FF] =	sst s4  }
0x8: {  	s1 =	sand.u32 $0x1, s1;
	s5 =	sadd.s32 $0x400, s0;
	s8 =	sshrl.u32 s7, $0x1  }
0x9: {  	s12 =	sadd.s32 $0x20000, s3;
	s2 =	sand.u32 $0x2, s2;
	s6 =	ssub.s32 $0x2, s1  }
0xa: {  	_ =	strace $0x80000047;
	s1 =	sor.u32 s1, s2;
	s29 =	sshrl.u32 s6, $0x1  }
0xb: {  	s30 =	sshll.u32 s8, $0xA;
	s2 =	sshll.u32 s1, $0x9;
	s0 =	ssub.s32 s6, s29  }
0xc: {  	s11 =	sshll.u32 s8, $0xE;
	s6 =	sadd.s32 s5, s2;
	s0 =	smax.u32 s0, $0x1  }
0xd: {  	v37 =	vmov s30;
	s7 =	sshll.u32 s1, $0xC;
	s31 =	sadd.s32 $0x800, s6;
	[dreg:$0x5] =	wrdreg s0  }
0xe: {  	[tilespmem:$0x1FFF0] =	vst v37;
	s9 =	sor.u32 $0x8000, s7;
	s10 =	sor.u32 $0xC000, s7;
	[dreg:$0x4] =	wrdreg s31  }
.LBB2_1:
0xf: {  	s0 =	rddreg [dreg:$0x1]  }
0x10: {  	[tilespmem:s14], [sflag:$0x5] =	stream.linear.gather [hbm4b:s0+s4], $0x2000, $0x38;
	[tilespmem:$0x14000] =	vst v63  }
0x11: {  	_ =	swait.ge [sflag:s15], $0x2000  }
0x12: {  	[sflag:s15] =	ssyncset.done $0x0  }
0x13: {  	[sflag:s15] =	ssyncadd.s32 $0xFFFFE000  }
0x14: {  	[tilespmem:s4], [sflag:$0x1] =	stream.linear.gather [hbm4b:s6+s4], $0x1000, $0x38;
	[tilespmem:$0x14000] =	vst v63  }
0x15: {  	s24 =	simm.s32 $0x0;
	s31 =	rddreg [dreg:$0x4]  }
0x16: {  	[tilespmem:s16], [sflag:$0x2] =	stream.linear.gather [hbm4b:s31+s4], $0x1000, $0x38;
	[tilespmem:$0x14000] =	vst v63  }
.LBB2_2:
0x17: {  	_ =	swait.ge [sflag:s17], $0x1000  }
0x18: {  	p0 =	seq.s32 s24, $0x0;
	[sflag:s17] =	ssyncset.done $0x0  }
0x19: {  	s0 =	simm.s32 @!p0 $0x3;
	[sflag:s17] =	ssyncadd.s32 $0xFFFFF000  }
0x1a: {  	_ =	swait.ge @!p0 [sflag:s0], $0x8000  }
0x1b: {  	[sflag:s0] =	ssyncset.done @!p0 $0x0  }
0x1c: {  	s1 =	simm.s32 $0x0;
	[sflag:s0] =	ssyncadd.s32 @!p0 $0xFFFF8000  }
0x1d: {  	v1 =	vld [tilespmem:s1+$0x0];
	_ =	sdelay $0x4  }
0x1e: {  	v2 =	vadd.s32 v37, v1  }
0x1f: {  	v3 =	vld [tilespmem:s1+$0x10];
	_ =	sdelay $0x2  }
0x20: {  	v4 =	vld [tilespmem:s1+$0x30]  }
0x21: {  	v6 =	vld.idx.msk [tilespmem:v2+s14+$0x0], $0xffff  }
0x22: {  	v5 =	vld [tilespmem:s1+$0x40];
	v8 =	vadd.s32 v37, v3  }
0x23: {  	v9 =	vld [tilespmem:s1+$0x20]  }
0x24: {  	v7 =	vld [tilespmem:s1+$0x50]  }
0x25: {  	s29 =	simm.s32 $0x2200;
	v10 =	vld [tilespmem:s1+$0x60]  }
0x26: {  	v11 =	vld [tilespmem:s1+$0x70];
	[tilespmem:s29+$0xFFFFFE00] =	vst v6  }
0x27: {  	v6 =	vld.idx.msk [tilespmem:v8+s14+$0x0], $0xffff  }
0x28: {  	v12 =	vadd.s32 v37, v9;
	_ =	sdelay $0x3  }
0x29: {  	[tilespmem:s29+$0xFFFFFE10] =	vst v6  }
0x2a: {  	v6 =	vld.idx.msk [tilespmem:v12+s14+$0x0], $0xffff  }
0x2b: {  	v13 =	vadd.s32 v37, v4;
	_ =	sdelay $0x3  }
0x2c: {  	[tilespmem:s29+$0xFFFFFE20] =	vst v6  }
0x2d: {  	v6 =	vld.idx.msk [tilespmem:v13+s14+$0x0], $0xffff  }
0x2e: {  	v14 =	vadd.s32 v37, v5;
	_ =	sdelay $0x3  }
0x2f: {  	[tilespmem:s29+$0xFFFFFE30] =	vst v6  }
0x30: {  	v6 =	vld.idx.msk [tilespmem:v14+s14+$0x0], $0xffff  }
0x31: {  	v15 =	vadd.s32 v37, v7;
	_ =	sdelay $0x3  }
0x32: {  	[tilespmem:s29+$0xFFFFFE40] =	vst v6  }
0x33: {  	v6 =	vld.idx.msk [tilespmem:v15+s14+$0x0], $0xffff  }
0x34: {  	v16 =	vadd.s32 v37, v10;
	_ =	sdelay $0x3  }
0x35: {  	[tilespmem:s29+$0xFFFFFE50] =	vst v6  }
0x36: {  	v6 =	vld.idx.msk [tilespmem:v16+s14+$0x0], $0xffff  }
0x37: {  	v17 =	vadd.s32 v37, v11;
	_ =	sdelay $0x3  }
0x38: {  	v1 =	vand.u32 $0x7, v1;
	v2 =	vand.u32 $0xFFFFFFF8, v2;
	[tilespmem:s29+$0xFFFFFE60] =	vst v6  }
0x39: {  	v32 =	vor.u32 v1, v2;
	v6 =	vld.idx.msk [tilespmem:v17+s14+$0x0], $0xffff  }
0x3a: {  	v1 =	vadd.s32 $0x80, v32;
	_ =	sdelay $0x3  }
0x3b: {  	v3 =	vand.u32 $0x7, v3;
	v2 =	vand.u32 $0xFFFFFFF8, v8;
	[tilespmem:s29+$0xFFFFFE70] =	vst v6  }
0x3c: {  	v33 =	vor.u32 v3, v2;
	v1 =	vld.idx.msk [tilespmem:v1+s14+$0x0], $0xffff  }
0x3d: {  	v2 =	vadd.s32 $0x80, v33;
	_ =	sdelay $0x1  }
0x3e: {  	s2 =	simm.s32 $0x80  }
0x3f: {  	v3 =	vld [tilespmem:s2+$0x0]  }
0x40: {  	v45 =	vand.u32 $0x7, v9;
	[tilespmem:s29+$0xFFFFFE80] =	vst v1;
	v1 =	vand.u32 $0xFFFFFFF8, v12  }
0x41: {  	v2 =	vld.idx.msk [tilespmem:v2+s14+$0x0], $0xffff;
	v43 =	vor.u32 v45, v1  }
0x42: {  	v1 =	vadd.s32 $0x80, v43;
	_ =	sdelay $0x1  }
0x43: {  	v46 =	vadd.s32 v37, v3  }
0x44: {  	v18 =	vld [tilespmem:s2+$0x10]  }
0x45: {  	v19 =	vld [tilespmem:s2+$0x40];
	v4 =	vand.u32 $0x7, v4;
	[tilespmem:s29+$0xFFFFFE90] =	vst v2;
	v2 =	vand.u32 $0xFFFFFFF8, v13  }
0x46: {  	v8 =	vld.idx.msk [tilespmem:v1+s14+$0x0], $0xffff;
	v27 =	vor.u32 v4, v2  }
0x47: {  	v20 =	vld [tilespmem:s2+$0x50];
	v4 =	vadd.s32 $0x80, v27  }
0x48: {  	v9 =	vld.idx.msk [tilespmem:v46+s14+$0x0], $0xffff  }
0x49: {  	v22 =	vld [tilespmem:s2+$0x20];
	v21 =	vadd.s32 v37, v18  }
0x4a: {  	v12 =	vld [tilespmem:s2+$0x30]  }
0x4b: {  	v5 =	vand.u32 $0x7, v5;
	v2 =	vld [tilespmem:s2+$0x60];
	[tilespmem:s29+$0xFFFFFEA0] =	vst v8;
	v8 =	vand.u32 $0xFFFFFFF8, v14  }
0x4c: {  	s26 =	simm.s32 $0x2600;
	v4 =	vld.idx.msk [tilespmem:v4+s14+$0x0], $0xffff;
	v53 =	vor.u32 v5, v8  }
0x4d: {  	v1 =	vld [tilespmem:s2+$0x70];
	[tilespmem:s26+$0xFFFFFE00] =	vst v9;
	v5 =	vadd.s32 $0x80, v53  }
0x4e: {  	v8 =	vld.idx.msk [tilespmem:v21+s14+$0x0], $0xffff  }
0x4f: {  	v14 =	vadd.s32 v37, v22;
	_ =	sdelay $0x1  }
0x50: {  	v7 =	vand.u32 $0x7, v7;
	v47 =	vand.u32 $0xFFFFFFF8, v15;
	[tilespmem:s29+$0xFFFFFEB0] =	vst v4  }
0x51: {  	v38 =	vor.u32 v7, v47;
	v5 =	vld.idx.msk [tilespmem:v5+s14+$0x0], $0xffff  }
0x52: {  	[tilespmem:s26+$0xFFFFFE10] =	vst v8;
	v4 =	vadd.s32 $0x80, v38  }
0x53: {  	v48 =	vld.idx.msk [tilespmem:v14+s14+$0x0], $0xffff  }
0x54: {  	v23 =	vadd.s32 v37, v12;
	_ =	sdelay $0x1  }
0x55: {  	v49 =	vand.u32 $0xFFFFFFF8, v16;
	v8 =	vand.u32 $0x7, v10;
	[tilespmem:s29+$0xFFFFFEC0] =	vst v5  }
0x56: {  	v36 =	vor.u32 v8, v49;
	v4 =	vld.idx.msk [tilespmem:v4+s14+$0x0], $0xffff  }
0x57: {  	[tilespmem:s26+$0xFFFFFE20] =	vst v48;
	v5 =	vadd.s32 $0x80, v36  }
0x58: {  	v7 =	vld.idx.msk [tilespmem:v23+s14+$0x0], $0xffff  }
0x59: {  	v24 =	vadd.s32 v37, v19;
	_ =	sdelay $0x1  }
0x5a: {  	v50 =	vand.u32 $0xFFFFFFF8, v17;
	v8 =	vand.u32 $0x7, v11;
	[tilespmem:s29+$0xFFFFFED0] =	vst v4  }
0x5b: {  	v13 =	vor.u32 v8, v50;
	v5 =	vld.idx.msk [tilespmem:v5+s14+$0x0], $0xffff  }
0x5c: {  	[tilespmem:s26+$0xFFFFFE30] =	vst v7;
	v4 =	vadd.s32 $0x80, v13  }
0x5d: {  	v7 =	vld.idx.msk [tilespmem:v24+s14+$0x0], $0xffff  }
0x5e: {  	v17 =	vadd.s32 v37, v20;
	_ =	sdelay $0x1  }
0x5f: {  	[tilespmem:s29+$0xFFFFFEE0] =	vst v5  }
0x60: {  	v4 =	vld.idx.msk [tilespmem:v4+s14+$0x0], $0xffff  }
0x61: {  	v51 =	vadd.s32 $0x100, v32;
	[tilespmem:s26+$0xFFFFFE40] =	vst v7  }
0x62: {  	v7 =	vld.idx.msk [tilespmem:v17+s14+$0x0], $0xffff  }
0x63: {  	v25 =	vadd.s32 v37, v2;
	_ =	sdelay $0x1  }
0x64: {  	[tilespmem:s29+$0xFFFFFEF0] =	vst v4  }
0x65: {  	v4 =	vld.idx.msk [tilespmem:v51+s14+$0x0], $0xffff  }
0x66: {  	v52 =	vadd.s32 $0x100, v33;
	[tilespmem:s26+$0xFFFFFE50] =	vst v7  }
0x67: {  	v7 =	vld.idx.msk [tilespmem:v25+s14+$0x0], $0xffff  }
0x68: {  	v26 =	vadd.s32 v37, v1;
	_ =	sdelay $0x1  }
0x69: {  	[tilespmem:s29+$0xFFFFFF00] =	vst v4  }
0x6a: {  	v4 =	vld.idx.msk [tilespmem:v52+s14+$0x0], $0xffff  }
0x6b: {  	v3 =	vand.u32 $0x7, v3;
	v54 =	vand.u32 $0xFFFFFFF8, v46;
	v55 =	vadd.s32 $0x100, v43;
	[tilespmem:s26+$0xFFFFFE60] =	vst v7  }
0x6c: {  	v10 =	vor.u32 v3, v54;
	v7 =	vld.idx.msk [tilespmem:v26+s14+$0x0], $0xffff  }
0x6d: {  	v3 =	vadd.s32 $0x80, v10;
	_ =	sdelay $0x1  }
0x6e: {  	[tilespmem:s29+$0xFFFFFF10] =	vst v4  }
0x6f: {  	v4 =	vld.idx.msk [tilespmem:v55+s14+$0x0], $0xffff  }
0x70: {  	v57 =	vand.u32 $0x7, v18;
	v56 =	vand.u32 $0xFFFFFFF8, v21;
	v11 =	vadd.s32 $0x100, v27;
	[tilespmem:s26+$0xFFFFFE70] =	vst v7  }
0x71: {  	v9 =	vor.u32 v57, v56;
	v3 =	vld.idx.msk [tilespmem:v3+s14+$0x0], $0xffff  }
0x72: {  	v5 =	vadd.s32 $0x80, v9  }
0x73: {  	s8 =	simm.s32 $0x100  }
0x74: {  	v18 =	vld [tilespmem:s8+$0x0];
	[tilespmem:s29+$0xFFFFFF20] =	vst v4  }
0x75: {  	v4 =	vld.idx.msk [tilespmem:v11+s14+$0x0], $0xffff  }
0x76: {  	v58 =	vand.u32 $0x7, v22;
	[tilespmem:s26+$0xFFFFFE80] =	vst v3;
	v3 =	vand.u32 $0xFFFFFFF8, v14;
	v11 =	vadd.s32 $0x100, v53  }
0x77: {  	v5 =	vld.idx.msk [tilespmem:v5+s14+$0x0], $0xffff;
	v6 =	vor.u32 v58, v3  }
0x78: {  	v3 =	vadd.s32 $0x80, v6  }
0x79: {  	v29 =	vld [tilespmem:s8+$0x20]  }
0x7a: {  	v22 =	vadd.s32 v37, v18;
	v21 =	vld [tilespmem:s8+$0x10];
	[tilespmem:s29+$0xFFFFFF30] =	vst v4  }
0x7b: {  	v4 =	vld.idx.msk [tilespmem:v11+s14+$0x0], $0xffff  }
0x7c: {  	v15 =	vld [tilespmem:s8+$0x30];
	v59 =	vand.u32 $0xFFFFFFF8, v23;
	v23 =	vadd.s32 $0x100, v38;
	[tilespmem:s26+$0xFFFFFE90] =	vst v5;
	v11 =	vand.u32 $0x7, v12  }
0x7d: {  	v3 =	vld.idx.msk [tilespmem:v3+s14+$0x0], $0xffff;
	v39 =	vor.u32 v11, v59  }
0x7e: {  	v16 =	vld [tilespmem:s8+$0x40];
	v8 =	vmov v27;
	v27 =	vadd.s32 $0x80, v39  }
0x7f: {  	v28 =	vld.idx.msk [tilespmem:v22+s14+$0x0], $0xffff  }
0x80: {  	v30 =	vadd.s32 v37, v21;
	v14 =	vld [tilespmem:s8+$0x50];
	[tilespmem:s29+$0xFFFFFF40] =	vst v4  }
0x81: {  	v23 =	vld.idx.msk [tilespmem:v23+s14+$0x0], $0xffff  }
0x82: {  	v60 =	vand.u32 $0x7, v19;
	v19 =	vadd.s32 $0x100, v36;
	v12 =	vld [tilespmem:s8+$0x60];
	[tilespmem:s26+$0xFFFFFEA0] =	vst v3;
	v3 =	vand.u32 $0xFFFFFFF8, v24  }
0x83: {  	s28 =	simm.s32 $0x2A00;
	v63 =	vor.u32 v60, v3;
	v24 =	vld.idx.msk [tilespmem:v27+s14+$0x0], $0xffff  }
0x84: {  	v11 =	vld [tilespmem:s8+$0x70];
	[tilespmem:s28+$0xFFFFFE00] =	vst v28;
	v3 =	vadd.s32 $0x80, v63  }
0x85: {  	v27 =	vld.idx.msk [tilespmem:v30+s14+$0x0], $0xffff  }
0x86: {  	v28 =	vadd.s32 v37, v29;
	[tilespmem:s29+$0xFFFFFF50] =	vst v23  }
0x87: {  	v19 =	vld.idx.msk [tilespmem:v19+s14+$0x0], $0xffff  }
0x88: {  	v20 =	vand.u32 $0x7, v20;
	v17 =	vand.u32 $0xFFFFFFF8, v17;
	v23 =	vadd.s32 $0x100, v13;
	[tilespmem:s26+$0xFFFFFEB0] =	vst v24  }
0x89: {  	v41 =	vor.u32 v20, v17;
	v24 =	vld.idx.msk [tilespmem:v3+s14+$0x0], $0xffff  }
0x8a: {  	v17 =	vadd.s32 $0x80, v41;
	[tilespmem:s28+$0xFFFFFE10] =	vst v27  }
0x8b: {  	v20 =	vld.idx.msk [tilespmem:v28+s14+$0x0], $0xffff  }
0x8c: {  	v31 =	vadd.s32 v37, v15;
	[tilespmem:s29+$0xFFFFFF60] =	vst v19  }
0x8d: {  	v19 =	vld.idx.msk [tilespmem:v23+s14+$0x0], $0xffff  }
0x8e: {  	v2 =	vand.u32 $0x7, v2;
	[tilespmem:s26+$0xFFFFFEC0] =	vst v24;
	v23 =	vand.u32 $0xFFFFFFF8, v25;
	v24 =	vadd.s32 $0x180, v32  }
0x8f: {  	v17 =	vld.idx.msk [tilespmem:v17+s14+$0x0], $0xffff;
	v44 =	vor.u32 v2, v23  }
0x90: {  	[tilespmem:s28+$0xFFFFFE20] =	vst v20;
	v2 =	vadd.s32 $0x80, v44  }
0x91: {  	v20 =	vld.idx.msk [tilespmem:v31+s14+$0x0], $0xffff  }
0x92: {  	v61 =	vadd.s32 v37, v16;
	[tilespmem:s29+$0xFFFFFF70] =	vst v19  }
0x93: {  	v19 =	vld.idx.msk [tilespmem:v24+s14+$0x0], $0xffff  }
0x94: {  	v1 =	vand.u32 $0x7, v1;
	v23 =	vadd.s32 $0x180, v33;
	[tilespmem:s26+$0xFFFFFED0] =	vst v17;
	v17 =	vand.u32 $0xFFFFFFF8, v26  }
0x95: {  	v2 =	vld.idx.msk [tilespmem:v2+s14+$0x0], $0xffff;
	v51 =	vor.u32 v1, v17  }
0x96: {  	[tilespmem:s28+$0xFFFFFE30] =	vst v20;
	v1 =	vadd.s32 $0x80, v51  }
0x97: {  	v17 =	vld.idx.msk [tilespmem:v61+s14+$0x0], $0xffff  }
0x98: {  	v62 =	vadd.s32 v37, v14;
	[tilespmem:s29+$0xFFFFFF80] =	vst v19  }
0x99: {  	v19 =	vld.idx.msk [tilespmem:v23+s14+$0x0], $0xffff  }
0x9a: {  	[tilespmem:s26+$0xFFFFFEE0] =	vst v2;
	v2 =	vadd.s32 $0x180, v43  }
0x9b: {  	v1 =	vld.idx.msk [tilespmem:v1+s14+$0x0], $0xffff  }
0x9c: {  	[tilespmem:s28+$0xFFFFFE40] =	vst v17;
	v17 =	vadd.s32 $0x100, v10  }
0x9d: {  	v20 =	vld.idx.msk [tilespmem:v62+s14+$0x0], $0xffff  }
0x9e: {  	v34 =	vadd.s32 v37, v12;
	[tilespmem:s29+$0xFFFFFF90] =	vst v19  }
0x9f: {  	v2 =	vld.idx.msk [tilespmem:v2+s14+$0x0], $0xffff  }
0xa0: {  	[tilespmem:s26+$0xFFFFFEF0] =	vst v1;
	v1 =	vadd.s32 $0x180, v8  }
0xa1: {  	v17 =	vld.idx.msk [tilespmem:v17+s14+$0x0], $0xffff  }
0xa2: {  	v19 =	vadd.s32 $0x100, v9;
	[tilespmem:s28+$0xFFFFFE50] =	vst v20  }
0xa3: {  	v20 =	vld.idx.msk [tilespmem:v34+s14+$0x0], $0xffff  }
0xa4: {  	v35 =	vadd.s32 v37, v11;
	[tilespmem:s29+$0xFFFFFFA0] =	vst v2  }
0xa5: {  	v1 =	vld.idx.msk [tilespmem:v1+s14+$0x0], $0xffff  }
0xa6: {  	v2 =	vadd.s32 $0x180, v53;
	[tilespmem:s26+$0xFFFFFF00] =	vst v17  }
0xa7: {  	v17 =	vld.idx.msk [tilespmem:v19+s14+$0x0], $0xffff  }
0xa8: {  	v18 =	vand.u32 $0x7, v18;
	[tilespmem:s28+$0xFFFFFE60] =	vst v20;
	v20 =	vadd.s32 $0x100, v6;
	v19 =	vand.u32 $0xFFFFFFF8, v22  }
0xa9: {  	v22 =	vld.idx.msk [tilespmem:v35+s14+$0x0], $0xffff;
	v46 =	vor.u32 v18, v19  }
0xaa: {  	v18 =	vadd.s32 $0x80, v46;
	[tilespmem:s29+$0xFFFFFFB0] =	vst v1  }
0xab: {  	v1 =	vld.idx.msk [tilespmem:v2+s14+$0x0], $0xffff  }
0xac: {  	[tilespmem:s26+$0xFFFFFF10] =	vst v17;
	v2 =	vadd.s32 $0x180, v38  }
0xad: {  	v17 =	vld.idx.msk [tilespmem:v20+s14+$0x0], $0xffff  }
0xae: {  	v21 =	vand.u32 $0x7, v21;
	[tilespmem:s28+$0xFFFFFE70] =	vst v22;
	v22 =	vadd.s32 $0x100, v39;
	v20 =	vand.u32 $0xFFFFFFF8, v30  }
0xaf: {  	s13 =	simm.s32 $0x180;
	v23 =	vld.idx.msk [tilespmem:v18+s14+$0x0], $0xffff;
	v5 =	vor.u32 v21, v20  }
0xb0: {  	v49 =	vld [tilespmem:s13+$0x10];
	v20 =	vadd.s32 $0x80, v5;
	[tilespmem:s29+$0xFFFFFFC0] =	vst v1  }
0xb1: {  	v1 =	vld.idx.msk [tilespmem:v2+s14+$0x0], $0xffff  }
0xb2: {  	v27 =	vld [tilespmem:s13+$0x0];
	[tilespmem:s26+$0xFFFFFF20] =	vst v17;
	v2 =	vadd.s32 $0x180, v36  }
0xb3: {  	v25 =	vld.idx.msk [tilespmem:v22+s14+$0x0], $0xffff  }
0xb4: {  	v24 =	vld [tilespmem:s13+$0x40];
	v26 =	vadd.s32 $0x100, v63;
	v17 =	vand.u32 $0xFFFFFFF8, v28;
	[tilespmem:s28+$0xFFFFFE80] =	vst v23;
	v22 =	vand.u32 $0x7, v29  }
0xb5: {  	v45 =	vld.idx.msk [tilespmem:v20+s14+$0x0], $0xffff;
	v19 =	vor.u32 v22, v17  }
0xb6: {  	v21 =	vld [tilespmem:s13+$0x30];
	v28 =	vadd.s32 $0x80, v19;
	[tilespmem:s29+$0xFFFFFFD0] =	vst v1  }
0xb7: {  	v1 =	vld.idx.msk [tilespmem:v2+s14+$0x0], $0xffff;
	v2 =	vadd.s32 v37, v27  }
0xb8: {  	v29 =	vadd.s32 $0x180, v13;
	v22 =	vld [tilespmem:s13+$0x50];
	[tilespmem:s26+$0xFFFFFF30] =	vst v25  }
0xb9: {  	v26 =	vld.idx.msk [tilespmem:v26+s14+$0x0], $0xffff  }
0xba: {  	v15 =	vand.u32 $0x7, v15;
	v52 =	vand.u32 $0xFFFFFFF8, v31;
	v30 =	vadd.s32 $0x100, v41;
	v17 =	vld [tilespmem:s13+$0x20];
	[tilespmem:s28+$0xFFFFFE90] =	vst v45  }
0xbb: {  	v23 =	vor.u32 v15, v52;
	v28 =	vld.idx.msk [tilespmem:v28+s14+$0x0], $0xffff  }
0xbc: {  	v40 =	vadd.s32 $0x80, v23;
	v31 =	vld.idx.msk [tilespmem:v2+s14+$0x0], $0xffff;
	[tilespmem:s29+$0xFFFFFFE0] =	vst v1  }
0xbd: {  	v7 =	vmov v32;
	v1 =	vld.idx.msk [tilespmem:v29+s14+$0x0], $0xffff;
	v29 =	vadd.s32 v37, v49  }
0xbe: {  	v42 =	vadd.s32 $0x200, v7;
	v25 =	vld [tilespmem:s13+$0x60];
	[tilespmem:s26+$0xFFFFFF40] =	vst v26  }
0xbf: {  	v30 =	vld.idx.msk [tilespmem:v30+s14+$0x0], $0xffff  }
0xc0: {  	s30 =	simm.s32 $0x2E00;
	v16 =	vand.u32 $0x7, v16;
	v55 =	vadd.s32 $0x100, v44;
	v26 =	vld [tilespmem:s13+$0x70];
	[tilespmem:s28+$0xFFFFFEA0] =	vst v28;
	v28 =	vand.u32 $0xFFFFFFF8, v61  }
0xc1: {  	v18 =	vmov v36;
	v40 =	vld.idx.msk [tilespmem:v40+s14+$0x0], $0xffff;
	v36 =	vor.u32 v16, v28;
	[tilespmem:s30+$0xFFFFFE00] =	vst v31  }
0xc2: {  	v31 =	vadd.s32 $0x80, v36;
	v28 =	vld.idx.msk [tilespmem:v29+s14+$0x0], $0xffff;
	[tilespmem:s29+$0xFFFFFFF0] =	vst v1  }
0xc3: {  	v47 =	vmov v33;
	v0 =	vmov v44;
	v44 =	vadd.s32 v37, v17;
	v1 =	vld.idx.msk [tilespmem:v42+s14+$0x0], $0xffff  }
0xc4: {  	[tilespmem:s26+$0xFFFFFF50] =	vst v30;
	v30 =	vadd.s32 $0x200, v47  }
0xc5: {  	v32 =	vld.idx.msk [tilespmem:v55+s14+$0x0], $0xffff  }
0xc6: {  	v14 =	vand.u32 $0x7, v14;
	v33 =	vand.u32 $0xFFFFFFF8, v62;
	v56 =	vadd.s32 $0x100, v51;
	[tilespmem:s28+$0xFFFFFEB0] =	vst v40  }
0xc7: {  	v14 =	vor.u32 v14, v33;
	v31 =	vld.idx.msk [tilespmem:v31+s14+$0x0], $0xffff;
	[tilespmem:s30+$0xFFFFFE10] =	vst v28  }
0xc8: {  	v33 =	vadd.s32 $0x80, v14;
	v28 =	vld.idx.msk [tilespmem:v44+s14+$0x0], $0xffff;
	[tilespmem:s29+$0x0] =	vst v1  }
0xc9: {  	v1 =	vld.idx.msk [tilespmem:v30+s14+$0x0], $0xffff;
	v30 =	vadd.s32 v37, v21  }
0xca: {  	v57 =	vadd.s32 $0x200, v43;
	[tilespmem:s26+$0xFFFFFF60] =	vst v32  }
0xcb: {  	v40 =	vld.idx.msk [tilespmem:v56+s14+$0x0], $0xffff  }
0xcc: {  	v58 =	vadd.s32 $0x180, v10;
	v12 =	vand.u32 $0x7, v12;
	[tilespmem:s28+$0xFFFFFEC0] =	vst v31;
	v31 =	vand.u32 $0xFFFFFFF8, v34  }
0xcd: {  	v33 =	vld.idx.msk [tilespmem:v33+s14+$0x0], $0xffff;
	v16 =	vor.u32 v12, v31;
	[tilespmem:s30+$0xFFFFFE20] =	vst v28  }
0xce: {  	v31 =	vadd.s32 $0x80, v16;
	v28 =	vld.idx.msk [tilespmem:v30+s14+$0x0], $0xffff;
	[tilespmem:s29+$0x10] =	vst v1  }
0xcf: {  	v45 =	vadd.s32 v37, v24;
	v1 =	vld.idx.msk [tilespmem:v57+s14+$0x0], $0xffff  }
0xd0: {  	v59 =	vadd.s32 $0x200, v8;
	[tilespmem:s26+$0xFFFFFF70] =	vst v40  }
0xd1: {  	v34 =	vld.idx.msk [tilespmem:v58+s14+$0x0], $0xffff  }
0xd2: {  	v11 =	vand.u32 $0x7, v11;
	v60 =	vand.u32 $0xFFFFFFF8, v35;
	v61 =	vadd.s32 $0x180, v9;
	[tilespmem:s28+$0xFFFFFED0] =	vst v33  }
0xd3: {  	v54 =	vmov v8;
	v8 =	vor.u32 v11, v60;
	v31 =	vld.idx.msk [tilespmem:v31+s14+$0x0], $0xffff;
	[tilespmem:s30+$0xFFFFFE30] =	vst v28  }
0xd4: {  	v33 =	vadd.s32 $0x80, v8;
	v28 =	vld.idx.msk [tilespmem:v45+s14+$0x0], $0xffff;
	[tilespmem:s29+$0x20] =	vst v1  }
0xd5: {  	v40 =	vadd.s32 v37, v22;
	v1 =	vld.idx.msk [tilespmem:v59+s14+$0x0], $0xffff  }
0xd6: {  	v62 =	vadd.s32 $0x200, v53;
	[tilespmem:s26+$0xFFFFFF80] =	vst v34  }
0xd7: {  	v3 =	vmov v6;
	v34 =	vld.idx.msk [tilespmem:v61+s14+$0x0], $0xffff  }
0xd8: {  	[tilespmem:s28+$0xFFFFFEE0] =	vst v31;
	v31 =	vadd.s32 $0x180, v3  }
0xd9: {  	v33 =	vld.idx.msk [tilespmem:v33+s14+$0x0], $0xffff;
	[tilespmem:s30+$0xFFFFFE40] =	vst v28  }
0xda: {  	v42 =	vadd.s32 $0x100, v46;
	v28 =	vld.idx.msk [tilespmem:v40+s14+$0x0], $0xffff;
	[tilespmem:s29+$0x30] =	vst v1  }
0xdb: {  	v56 =	vadd.s32 v37, v25;
	v1 =	vld.idx.msk [tilespmem:v62+s14+$0x0], $0xffff  }
0xdc: {  	v15 =	vmov v43;
	v43 =	vadd.s32 $0x200, v38;
	[tilespmem:s26+$0xFFFFFF90] =	vst v34  }
0xdd: {  	v31 =	vld.idx.msk [tilespmem:v31+s14+$0x0], $0xffff  }
0xde: {  	v12 =	vmov v46;
	v46 =	vadd.s32 $0x180, v39;
	[tilespmem:s28+$0xFFFFFEF0] =	vst v33  }
0xdf: {  	v50 =	vmov v47;
	v47 =	vld.idx.msk [tilespmem:v42+s14+$0x0], $0xffff;
	[tilespmem:s30+$0xFFFFFE50] =	vst v28  }
0xe0: {  	v48 =	vadd.s32 $0x100, v5;
	v28 =	vld.idx.msk [tilespmem:v56+s14+$0x0], $0xffff;
	[tilespmem:s29+$0x40] =	vst v1  }
0xe1: {  	s25 =	simm.s32 $0x200;
	v1 =	vld.idx.msk [tilespmem:v43+s14+$0x0], $0xffff;
	v43 =	vadd.s32 v37, v26  }
0xe2: {  	v52 =	vadd.s32 $0x200, v18;
	v32 =	vld [tilespmem:s25+$0x40];
	[tilespmem:s26+$0xFFFFFFA0] =	vst v31  }
0xe3: {  	v33 =	vld.idx.msk [tilespmem:v46+s14+$0x0], $0xffff  }
0xe4: {  	v60 =	vadd.s32 $0x180, v63;
	v57 =	vld [tilespmem:s25+$0x30];
	[tilespmem:s28+$0xFFFFFF00] =	vst v47  }
0xe5: {  	v27 =	vand.u32 $0x7, v27;
	v2 =	vand.u32 $0xFFFFFFF8, v2;
	v35 =	vld.idx.msk [tilespmem:v48+s14+$0x0], $0xffff;
	[tilespmem:s30+$0xFFFFFE60] =	vst v28  }
0xe6: {  	v55 =	vmov v3;
	v61 =	vadd.s32 $0x100, v19;
	v3 =	vor.u32 v27, v2;
	v28 =	vld.idx.msk [tilespmem:v43+s14+$0x0], $0xffff;
	[tilespmem:s29+$0x50] =	vst v1  }
0xe7: {  	v2 =	vadd.s32 $0x80, v3;
	v1 =	vld.idx.msk [tilespmem:v52+s14+$0x0], $0xffff  }
0xe8: {  	v58 =	vld [tilespmem:s25+$0x60];
	v62 =	vadd.s32 $0x200, v13;
	[tilespmem:s26+$0xFFFFFFB0] =	vst v33  }
0xe9: {  	v34 =	vld.idx.msk [tilespmem:v60+s14+$0x0], $0xffff  }
0xea: {  	v33 =	vld [tilespmem:s25+$0x50];
	[tilespmem:s28+$0xFFFFFF10] =	vst v35  }
0xeb: {  	v48 =	vadd.s32 $0x180, v41;
	v46 =	vld.idx.msk [tilespmem:v61+s14+$0x0], $0xffff;
	[tilespmem:s30+$0xFFFFFE70] =	vst v28  }
0xec: {  	v2 =	vld.idx.msk [tilespmem:v2+s14+$0x0], $0xffff;
	[tilespmem:s29+$0x60] =	vst v1  }
0xed: {  	v4 =	vmovc v9;
	v9 =	vand.u32 $0x7, v49;
	v28 =	vand.u32 $0xFFFFFFF8, v29;
	v29 =	vadd.s32 $0x100, v23;
	v1 =	vld.idx.msk [tilespmem:v62+s14+$0x0], $0xffff;
	[tilespmem:$0x1FEE0] =	vst v58  }
0xee: {  	v11 =	vor.u32 v9, v28;
	[tilespmem:s26+$0xFFFFFFC0] =	vst v34  }
0xef: {  	v42 =	vadd.s32 $0x80, v11;
	[tilespmem:$0x1FF20] =	vst v7  }
0xf0: {  	v52 =	vadd.s32 $0x280, v7;
	v48 =	vld.idx.msk [tilespmem:v48+s14+$0x0], $0xffff;
	[tilespmem:s28+$0xFFFFFF20] =	vst v46  }
0xf1: {  	v28 =	vld [tilespmem:s25+$0x0];
	[tilespmem:$0x1FF30] =	vst v0  }
0xf2: {  	v59 =	vadd.s32 $0x180, v0;
	v62 =	vld.idx.msk [tilespmem:v29+s14+$0x0], $0xffff  }
0xf3: {  	[tilespmem:s30+$0xFFFFFE80] =	vst v2  }
0xf4: {  	v35 =	vadd.s32 $0x100, v36;
	v2 =	vand.u32 $0xFFFFFFF8, v44;
	[tilespmem:s29+$0x70] =	vst v1;
	v44 =	vld.idx.msk [tilespmem:v42+s14+$0x0], $0xffff  }
0xf5: {  	v6 =	vmov v10;
	v10 =	vand.u32 $0x7, v17;
	v1 =	vld.idx.msk [tilespmem:v52+s14+$0x0], $0xffff;
	[tilespmem:s26+$0xFFFFFFD0] =	vst v48  }
0xf6: {  	v17 =	vor.u32 v10, v2;
	v42 =	vld [tilespmem:s25+$0x70];
	[tilespmem:$0x1FF40] =	vst v50  }
0xf7: {  	v20 =	vmovc v13;
	v13 =	vmov v50;
	v52 =	vadd.s32 $0x280, v50;
	v2 =	vadd.s32 $0x80, v17;
	v50 =	vld.idx.msk [tilespmem:v59+s14+$0x0], $0xffff;
	[tilespmem:s28+$0xFFFFFF30] =	vst v62  }
0xf8: {  	v29 =	vld [tilespmem:s25+$0x10];
	[tilespmem:$0x1FF60] =	vst v51  }
0xf9: {  	v46 =	vadd.s32 v37, v28;
	v47 =	vld.idx.msk [tilespmem:v35+s14+$0x0], $0xffff  }
0xfa: {  	v21 =	vand.u32 $0x7, v21;
	v30 =	vand.u32 $0xFFFFFFF8, v30;
	v59 =	vadd.s32 $0x180, v51  }
0xfb: {  	v27 =	vor.u32 v21, v30;
	v34 =	vadd.s32 $0x100, v14;
	[tilespmem:s30+$0xFFFFFE90] =	vst v44;
	v30 =	vld [tilespmem:s25+$0x20]  }
0xfc: {  	[tilespmem:s29+$0x80] =	vst v1;
	v2 =	vld.idx.msk [tilespmem:v2+s14+$0x0], $0xffff  }
0xfd: {  	v35 =	vadd.s32 $0x80, v27;
	v1 =	vld.idx.msk [tilespmem:v52+s14+$0x0], $0xffff;
	[tilespmem:s26+$0xFFFFFFE0] =	vst v50  }
0xfe: {  	v21 =	vmov v36;
	v36 =	vadd.s32 $0x280, v15;
	v52 =	vld.idx.msk [tilespmem:v46+s14+$0x0], $0xffff;
	[tilespmem:s28+$0xFFFFFF40] =	vst v47  }
0xff: {  	v48 =	vadd.s32 v37, v29;
	v49 =	vld.idx.msk [tilespmem:v59+s14+$0x0], $0xffff;
	[tilespmem:$0x1FF80] =	vst v6  }
0x100: {  	v62 =	vadd.s32 $0x200, v6;
	v44 =	vld.idx.msk [tilespmem:v34+s14+$0x0], $0xffff  }
0x101: {  	[tilespmem:s30+$0xFFFFFEA0] =	vst v2  }
0x102: {  	s0 =	simm.s32 $0x3200;
	v24 =	vand.u32 $0x7, v24;
	v59 =	vadd.s32 $0x100, v16;
	v2 =	vand.u32 $0xFFFFFFF8, v45;
	[tilespmem:s29+$0x90] =	vst v1;
	v45 =	vld.idx.msk [tilespmem:v35+s14+$0x0], $0xffff  }
0x103: {  	[tilespmem:s0+$0xFFFFFE00] =	vst v52;
	v10 =	vor.u32 v24, v2;
	v1 =	vld.idx.msk [tilespmem:v36+s14+$0x0], $0xffff  }
0x104: {  	v34 =	vld.idx.msk [tilespmem:v48+s14+$0x0], $0xffff;
	v2 =	vadd.s32 $0x80, v10;
	[tilespmem:s26+$0xFFFFFFF0] =	vst v49  }
0x105: {  	v35 =	vadd.s32 $0x280, v54;
	v47 =	vld.idx.msk [tilespmem:v62+s14+$0x0], $0xffff;
	[tilespmem:s28+$0xFFFFFF50] =	vst v44  }
0x106: {  	v36 =	vmov v54;
	v54 =	vadd.s32 v37, v30;
	[tilespmem:$0x1FFA0] =	vst v4  }
0x107: {  	v61 =	vmov v51;
	v44 =	vadd.s32 $0x200, v4;
	v51 =	vld.idx.msk [tilespmem:v59+s14+$0x0], $0xffff;
	[tilespmem:s30+$0xFFFFFEB0] =	vst v45  }
0x108: {  	v22 =	vand.u32 $0x7, v22;
	v40 =	vand.u32 $0xFFFFFFF8, v40;
	[tilespmem:s29+$0xA0] =	vst v1  }
0x109: {  	v31 =	vmov v8;
	v59 =	vadd.s32 $0x100, v8;
	v8 =	vor.u32 v22, v40;
	[tilespmem:s0+$0xFFFFFE10] =	vst v34;
	v2 =	vld.idx.msk [tilespmem:v2+s14+$0x0], $0xffff  }
0x10a: {  	v62 =	vmov v4;
	v1 =	vld.idx.msk [tilespmem:v35+s14+$0x0], $0xffff;
	v4 =	vadd.s32 $0x80, v8;
	[tilespmem:s26+$0x0] =	vst v47  }
0x10b: {  	v50 =	vld.idx.msk [tilespmem:v54+s14+$0x0], $0xffff;
	[tilespmem:$0x1FFC0] =	vst v53  }
0x10c: {  	s1 =	simm.s32 $0x280;
	v34 =	vadd.s32 $0x280, v53;
	v44 =	vld.idx.msk [tilespmem:v44+s14+$0x0], $0xffff;
	[tilespmem:s28+$0xFFFFFF60] =	vst v51  }
0x10d: {  	v35 =	vmov v53;
	v53 =	vadd.s32 v37, v57;
	v9 =	vld [tilespmem:s1+$0x30];
	[tilespmem:$0x1FFD0] =	vst v55  }
0x10e: {  	v40 =	vmov v57;
	v57 =	vadd.s32 $0x200, v55;
	v45 =	vld.idx.msk [tilespmem:v59+s14+$0x0], $0xffff;
	[tilespmem:s30+$0xFFFFFEC0] =	vst v2  }
0x10f: {  	v25 =	vand.u32 $0x7, v25;
	v2 =	vand.u32 $0xFFFFFFF8, v56;
	v49 =	vld.idx.msk [tilespmem:v4+s14+$0x0], $0xffff;
	[tilespmem:$0x1FFE0] =	vst v12  }
0x110: {  	v59 =	vadd.s32 $0x180, v12;
	v24 =	vor.u32 v25, v2;
	[tilespmem:s29+$0xB0] =	vst v1  }
0x111: {  	[tilespmem:s0+$0xFFFFFE20] =	vst v50;
	v2 =	vadd.s32 $0x80, v24;
	v1 =	vld.idx.msk [tilespmem:v34+s14+$0x0], $0xffff  }
0x112: {  	v4 =	vadd.s32 $0x280, v38;
	[tilespmem:s26+$0x10] =	vst v44;
	v50 =	vld.idx.msk [tilespmem:v53+s14+$0x0], $0xffff  }
0x113: {  	v47 =	vadd.s32 v37, v32;
	v51 =	vld.idx.msk [tilespmem:v57+s14+$0x0], $0xffff  }
0x114: {  	[tilespmem:s28+$0xFFFFFF70] =	vst v45;
	v45 =	vadd.s32 $0x200, v39  }
0x115: {  	v26 =	vand.u32 $0x7, v26;
	v43 =	vand.u32 $0xFFFFFFF8, v43;
	v52 =	vld.idx.msk [tilespmem:v59+s14+$0x0], $0xffff;
	[tilespmem:s30+$0xFFFFFED0] =	vst v49  }
0x116: {  	v60 =	vmovc v0;
	v0 =	vmov v12;
	v12 =	vor.u32 v26, v43;
	v57 =	vadd.s32 $0x180, v5;
	v2 =	vld.idx.msk [tilespmem:v2+s14+$0x0], $0xffff;
	[tilespmem:s29+$0xC0] =	vst v1  }
0x117: {  	v59 =	vadd.s32 $0x80, v12;
	[tilespmem:s0+$0xFFFFFE30] =	vst v50;
	v1 =	vld.idx.msk [tilespmem:v4+s14+$0x0], $0xffff  }
0x118: {  	[tilespmem:s26+$0x20] =	vst v51;
	v50 =	vld.idx.msk [tilespmem:v47+s14+$0x0], $0xffff;
	v4 =	vadd.s32 $0x280, v18  }
0x119: {  	v49 =	vadd.s32 v37, v33;
	v45 =	vld.idx.msk [tilespmem:v45+s14+$0x0], $0xffff  }
0x11a: {  	v43 =	vadd.s32 $0x200, v63;
	v26 =	vld [tilespmem:s1+$0x50];
	[tilespmem:s28+$0xFFFFFF80] =	vst v52  }
0x11b: {  	v22 =	vmov v55;
	v55 =	vld.idx.msk [tilespmem:v57+s14+$0x0], $0xffff;
	[tilespmem:s30+$0xFFFFFEE0] =	vst v2  }
0x11c: {  	v56 =	vadd.s32 $0x180, v19;
	v2 =	vld.idx.msk [tilespmem:v59+s14+$0x0], $0xffff;
	[tilespmem:s29+$0xD0] =	vst v1  }
0x11d: {  	v51 =	vadd.s32 $0x100, v3;
	[tilespmem:s0+$0xFFFFFE40] =	vst v50;
	v1 =	vld.idx.msk [tilespmem:v4+s14+$0x0], $0xffff  }
0x11e: {  	v57 =	vld.idx.msk [tilespmem:v49+s14+$0x0], $0xffff;
	[tilespmem:s26+$0x30] =	vst v45;
	v45 =	vadd.s32 $0x280, v20  }
0x11f: {  	v50 =	vadd.s32 v37, v58;
	v52 =	vld.idx.msk [tilespmem:v43+s14+$0x0], $0xffff  }
0x120: {  	v44 =	vld [tilespmem:s1+$0x70];
	v4 =	vadd.s32 $0x200, v41;
	[tilespmem:s28+$0xFFFFFF90] =	vst v55  }
0x121: {  	v56 =	vld.idx.msk [tilespmem:v56+s14+$0x0], $0xffff;
	[tilespmem:s30+$0xFFFFFEF0] =	vst v2  }
0x122: {  	v58 =	vadd.s32 $0x180, v23;
	v2 =	vld.idx.msk [tilespmem:v51+s14+$0x0], $0xffff;
	[tilespmem:s29+$0xE0] =	vst v1  }
0x123: {  	[tilespmem:s0+$0xFFFFFE50] =	vst v57;
	v57 =	vadd.s32 $0x100, v11;
	v1 =	vld.idx.msk [tilespmem:v45+s14+$0x0], $0xffff  }
0x124: {  	v7 =	vadd.s32 $0x300, v7;
	v59 =	vld.idx.msk [tilespmem:v50+s14+$0x0], $0xffff;
	[tilespmem:s26+$0x40] =	vst v52  }
0x125: {  	v51 =	vadd.s32 v37, v42;
	v55 =	vld.idx.msk [tilespmem:v4+s14+$0x0], $0xffff  }
0x126: {  	v34 =	vld [tilespmem:s1+$0x40];
	v4 =	vadd.s32 $0x200, v60;
	[tilespmem:s28+$0xFFFFFFA0] =	vst v56  }
0x127: {  	v58 =	vld.idx.msk [tilespmem:v58+s14+$0x0], $0xffff;
	[tilespmem:s30+$0xFFFFFF00] =	vst v2  }
0x128: {  	v2 =	vld.idx.msk [tilespmem:v57+s14+$0x0], $0xffff;
	v57 =	vadd.s32 $0x180, v21;
	[tilespmem:s29+$0xF0] =	vst v1  }
0x129: {  	v28 =	vand.u32 $0x7, v28;
	v46 =	vand.u32 $0xFFFFFFF8, v46;
	[tilespmem:s0+$0xFFFFFE60] =	vst v59;
	v1 =	vld.idx.msk [tilespmem:v7+s14+$0x0], $0xffff;
	v7 =	vadd.s32 $0x100, v17  }
0x12a: {  	v25 =	vor.u32 v28, v46;
	v45 =	vadd.s32 $0x300, v13;
	v59 =	vld.idx.msk [tilespmem:v51+s14+$0x0], $0xffff;
	[tilespmem:s26+$0x50] =	vst v55  }
0x12b: {  	v46 =	vadd.s32 $0x80, v25;
	v56 =	vld.idx.msk [tilespmem:v4+s14+$0x0], $0xffff  }
0x12c: {  	v43 =	vld [tilespmem:s1+$0x60];
	v4 =	vadd.s32 $0x200, v61;
	[tilespmem:s28+$0xFFFFFFB0] =	vst v58  }
0x12d: {  	v57 =	vld.idx.msk [tilespmem:v57+s14+$0x0], $0xffff;
	[tilespmem:s30+$0xFFFFFF10] =	vst v2  }
0x12e: {  	v61 =	vadd.s32 $0x180, v14;
	v2 =	vld.idx.msk [tilespmem:v7+s14+$0x0], $0xffff;
	[tilespmem:s29+$0x100] =	vst v1  }
0x12f: {  	v29 =	vand.u32 $0x7, v29;
	v48 =	vand.u32 $0xFFFFFFF8, v48;
	v55 =	vadd.s32 $0x100, v27;
	[tilespmem:s0+$0xFFFFFE70] =	vst v59;
	v1 =	vld.idx.msk [tilespmem:v45+s14+$0x0], $0xffff  }
0x130: {  	v28 =	vmov v10;
	v10 =	vor.u32 v29, v48;
	v7 =	vadd.s32 $0x300, v15;
	v59 =	vld.idx.msk [tilespmem:v46+s14+$0x0], $0xffff;
	[tilespmem:s26+$0x60] =	vst v56  }
0x131: {  	v56 =	vld.idx.msk [tilespmem:v4+s14+$0x0], $0xffff;
	v4 =	vadd.s32 $0x80, v10  }
0x132: {  	v52 =	vld [tilespmem:s1+$0x0];
	[tilespmem:s28+$0xFFFFFFC0] =	vst v57;
	v57 =	vadd.s32 $0x280, v6  }
0x133: {  	v60 =	vld.idx.msk [tilespmem:v61+s14+$0x0], $0xffff;
	[tilespmem:s30+$0xFFFFFF20] =	vst v2  }
0x134: {  	v2 =	vld.idx.msk [tilespmem:v55+s14+$0x0], $0xffff;
	v55 =	vadd.s32 $0x180, v16;
	[tilespmem:s29+$0x110] =	vst v1  }
0x135: {  	v30 =	vand.u32 $0x7, v30;
	[tilespmem:s0+$0xFFFFFE80] =	vst v59;
	v1 =	vld.idx.msk [tilespmem:v7+s14+$0x0], $0xffff;
	v7 =	vand.u32 $0xFFFFFFF8, v54;
	v54 =	vadd.s32 $0x100, v28  }
0x136: {  	v46 =	vadd.s32 $0x300, v36;
	v58 =	vld.idx.msk [tilespmem:v4+s14+$0x0], $0xffff;
	[tilespmem:s26+$0x70] =	vst v56;
	v4 =	vor.u32 v30, v7  }
0x137: {  	v57 =	vld.idx.msk [tilespmem:v57+s14+$0x0], $0xffff;
	v59 =	vadd.s32 $0x80, v4  }
0x138: {  	v7 =	vld [tilespmem:s1+$0x10];
	[tilespmem:s28+$0xFFFFFFD0] =	vst v60;
	v60 =	vadd.s32 $0x280, v62  }
0x139: {  	v61 =	vld.idx.msk [tilespmem:v55+s14+$0x0], $0xffff;
	[tilespmem:s30+$0xFFFFFF30] =	vst v2  }
0x13a: {  	v55 =	vadd.s32 v37, v52;
	v2 =	vld.idx.msk [tilespmem:v54+s14+$0x0], $0xffff;
	[tilespmem:s29+$0x120] =	vst v1  }
0x13b: {  	v48 =	vmov v36;
	v36 =	vadd.s32 $0x180, v31;
	[tilespmem:s0+$0xFFFFFE90] =	vst v58;
	v1 =	vld.idx.msk [tilespmem:v46+s14+$0x0], $0xffff  }
0x13c: {  	v53 =	vand.u32 $0xFFFFFFF8, v53;
	v6 =	vmovc v31;
	v31 =	vand.u32 $0x7, v40;
	v46 =	vadd.s32 $0x100, v8;
	[tilespmem:s26+$0x80] =	vst v57;
	v58 =	vld.idx.msk [tilespmem:v59+s14+$0x0], $0xffff  }
0x13d: {  	v35 =	vadd.s32 $0x300, v35;
	v40 =	vor.u32 v31, v53;
	v57 =	vld.idx.msk [tilespmem:v60+s14+$0x0], $0xffff  }
0x13e: {  	v13 =	vld [tilespmem:s1+$0x20];
	v59 =	vadd.s32 $0x80, v40;
	[tilespmem:s28+$0xFFFFFFE0] =	vst v61  }
0x13f: {  	v60 =	vld.idx.msk [tilespmem:v55+s14+$0x0], $0xffff;
	v61 =	vadd.s32 $0x280, v22;
	[tilespmem:s30+$0xFFFFFF40] =	vst v2  }
0x140: {  	v45 =	vmov v15;
	v15 =	vadd.s32 v37, v7;
	v36 =	vld.idx.msk [tilespmem:v36+s14+$0x0], $0xffff;
	[tilespmem:s29+$0x130] =	vst v1  }
0x141: {  	v56 =	vadd.s32 $0x200, v0;
	v2 =	vld.idx.msk [tilespmem:v46+s14+$0x0], $0xffff;
	[tilespmem:s0+$0xFFFFFEA0] =	vst v58  }
0x142: {  	v53 =	vadd.s32 $0x100, v24;
	v1 =	vld.idx.msk [tilespmem:v35+s14+$0x0], $0xffff;
	[tilespmem:s26+$0x90] =	vst v57  }
0x143: {  	v32 =	vand.u32 $0x7, v32;
	v47 =	vand.u32 $0xFFFFFFF8, v47;
	s1 =	simm.s32 $0x3600;
	v58 =	vld.idx.msk [tilespmem:v59+s14+$0x0], $0xffff;
	[tilespmem:$0x1FE90] =	vst v38  }
0x144: {  	v22 =	vmov v7;
	v7 =	vadd.s32 $0x300, v38;
	v46 =	vor.u32 v32, v47;
	[tilespmem:s1+$0xFFFFFE00] =	vst v60;
	v59 =	vld.idx.msk [tilespmem:v61+s14+$0x0], $0xffff  }
0x145: {  	v35 =	vadd.s32 $0x80, v46;
	v61 =	vld.idx.msk [tilespmem:v15+s14+$0x0], $0xffff;
	[tilespmem:s28+$0xFFFFFFF0] =	vst v36  }
0x146: {  	v56 =	vld.idx.msk [tilespmem:v56+s14+$0x0], $0xffff;
	[tilespmem:s30+$0xFFFFFF50] =	vst v2  }
0x147: {  	v32 =	vmov v13;
	v36 =	vadd.s32 $0x280, v39;
	v2 =	vld.idx.msk [tilespmem:v53+s14+$0x0], $0xffff;
	[tilespmem:$0x1FEA0] =	vst v5  }
0x148: {  	v47 =	vadd.s32 v37, v32;
	[tilespmem:s29+$0x140] =	vst v1  }
0x149: {  	[tilespmem:s0+$0xFFFFFEB0] =	vst v58;
	v1 =	vld.idx.msk [tilespmem:v7+s14+$0x0], $0xffff  }
0x14a: {  	v13 =	vmov v39;
	v39 =	vld.idx.msk [tilespmem:v35+s14+$0x0], $0xffff;
	[tilespmem:$0x1FEB0] =	vst v12  }
0x14b: {  	v33 =	vand.u32 $0x7, v33;
	v49 =	vand.u32 $0xFFFFFFF8, v49;
	[tilespmem:s26+$0xA0] =	vst v59  }
0x14c: {  	v0 =	vor.u32 v33, v49;
	[tilespmem:s1+$0xFFFFFE10] =	vst v61;
	v59 =	vld.idx.msk [tilespmem:v36+s14+$0x0], $0xffff  }
0x14d: {  	s2 =	simm.s32 $0x300;
	v61 =	vld.idx.msk [tilespmem:v47+s14+$0x0], $0xffff;
	[tilespmem:$0x1FEC0] =	vst v0  }
0x14e: {  	v38 =	vadd.s32 $0x200, v5;
	v36 =	vadd.s32 $0x80, v0;
	v0 =	vld [tilespmem:s2+$0x30];
	_ =	sdelay $0x1  }
0x14f: {  	v7 =	vadd.s32 $0x100, v12  }
0x150: {  	v35 =	vadd.s32 $0x300, v18  }
0x151: {  	[tilespmem:s28+$0x0] =	vst v56  }
0x152: {  	v53 =	vld.idx.msk [tilespmem:v38+s14+$0x0], $0xffff;
	[tilespmem:$0x1FED0] =	vst v0  }
0x153: {  	v12 =	vmov v63;
	v63 =	vadd.s32 $0x280, v63;
	[tilespmem:s30+$0xFFFFFF60] =	vst v2  }
0x154: {  	v56 =	vadd.s32 v37, v9;
	[tilespmem:s29+$0x150] =	vst v1;
	v7 =	vld.idx.msk [tilespmem:v7+s14+$0x0], $0xffff  }
0x155: {  	v2 =	vadd.s32 $0x200, v19;
	[tilespmem:s0+$0xFFFFFEC0] =	vst v39;
	v58 =	vld.idx.msk [tilespmem:v35+s14+$0x0], $0xffff  }
0x156: {  	v60 =	vld.idx.msk [tilespmem:v36+s14+$0x0], $0xffff;
	[tilespmem:$0x1FEF0] =	vst v3  }
0x157: {  	v1 =	vld [tilespmem:$0x1FEE0];
	[tilespmem:s26+$0xB0] =	vst v59  }
0x158: {  	[tilespmem:s1+$0xFFFFFE20] =	vst v61;
	v59 =	vld.idx.msk [tilespmem:v63+s14+$0x0], $0xffff  }
0x159: {  	[tilespmem:s28+$0x10] =	vst v53;
	v39 =	vld.idx.msk [tilespmem:v56+s14+$0x0], $0xffff  }
0x15a: {  	v2 =	vld.idx.msk [tilespmem:v2+s14+$0x0], $0xffff;
	[tilespmem:$0x1FF00] =	vst v41  }
0x15b: {  	v38 =	vadd.s32 $0x180, v3;
	v3 =	vld [tilespmem:s2+$0x40]  }
0x15c: {  	v50 =	vand.u32 $0xFFFFFFF8, v50;
	v1 =	vand.u32 $0x7, v1  }
0x15d: {  	v61 =	vadd.s32 $0x300, v20;
	v1 =	vor.u32 v1, v50  }
0x15e: {  	v35 =	vmov v1;
	v1 =	vadd.s32 $0x80, v1  }
0x15f: {  	v36 =	vadd.s32 $0x280, v41;
	[tilespmem:s30+$0xFFFFFF70] =	vst v7  }
0x160: {  	[tilespmem:$0x1FF10] =	vst v3  }
0x161: {  	[tilespmem:s29+$0x160] =	vst v58;
	v58 =	vld.idx.msk [tilespmem:v38+s14+$0x0], $0xffff  }
0x162: {  	[tilespmem:s0+$0xFFFFFED0] =	vst v60;
	v60 =	vld.idx.msk [tilespmem:v61+s14+$0x0], $0xffff  }
0x163: {  	[tilespmem:s26+$0xC0] =	vst v59;
	v1 =	vld.idx.msk [tilespmem:v1+s14+$0x0], $0xffff  }
0x164: {  	v42 =	vand.u32 $0x7, v42;
	v41 =	vand.u32 $0xFFFFFFF8, v51;
	[tilespmem:s1+$0xFFFFFE30] =	vst v39;
	v53 =	vld.idx.msk [tilespmem:v36+s14+$0x0], $0xffff  }
0x165: {  	v57 =	vadd.s32 v37, v34;
	v3 =	vor.u32 v42, v41;
	v51 =	vld [tilespmem:$0x1FF20];
	[tilespmem:s28+$0x20] =	vst v2  }
0x166: {  	v50 =	vmovc v34;
	v38 =	vadd.s32 $0x200, v23;
	v34 =	vmov v3;
	v36 =	vadd.s32 $0x80, v3;
	v3 =	vld [tilespmem:$0x1FF30]  }
0x167: {  	v59 =	vadd.s32 $0x180, v11;
	_ =	sdelay $0x1  }
0x168: {  	v30 =	vld [tilespmem:s2+$0x50];
	[tilespmem:s30+$0xFFFFFF80] =	vst v58  }
0x169: {  	v61 =	vld.idx.msk [tilespmem:v57+s14+$0x0], $0xffff;
	v54 =	vadd.s32 $0x380, v51;
	[tilespmem:s29+$0x170] =	vst v60  }
0x16a: {  	v2 =	vld.idx.msk [tilespmem:v38+s14+$0x0], $0xffff;
	[tilespmem:s0+$0xFFFFFEE0] =	vst v1;
	v38 =	vadd.s32 $0x280, v3  }
0x16b: {  	v59 =	vld.idx.msk [tilespmem:v59+s14+$0x0], $0xffff;
	[tilespmem:s26+$0xD0] =	vst v53  }
0x16c: {  	v3 =	vld [tilespmem:$0x1FF40]  }
0x16d: {  	v53 =	vld.idx.msk [tilespmem:v36+s14+$0x0], $0xffff  }
0x16e: {  	[tilespmem:s1+$0xFFFFFE40] =	vst v61;
	v1 =	vld.idx.msk [tilespmem:v54+s14+$0x0], $0xffff  }
0x16f: {  	v61 =	vld.idx.msk [tilespmem:v38+s14+$0x0], $0xffff;
	[tilespmem:$0x1FF50] =	vst v25  }
0x170: {  	v58 =	vadd.s32 v37, v26;
	[tilespmem:s28+$0x30] =	vst v2  }
0x171: {  	v54 =	vadd.s32 $0x380, v3;
	v3 =	vld [tilespmem:$0x1FF60]  }
0x172: {  	v7 =	vadd.s32 $0x200, v21  }
0x173: {  	v41 =	vadd.s32 $0x180, v17  }
0x174: {  	v33 =	vadd.s32 $0x100, v25  }
0x175: {  	v2 =	vld.idx.msk [tilespmem:v58+s14+$0x0], $0xffff  }
0x176: {  	[tilespmem:s30+$0xFFFFFF90] =	vst v59;
	v5 =	vadd.s32 $0x280, v3  }
0x177: {  	v7 =	vld.idx.msk [tilespmem:v7+s14+$0x0], $0xffff;
	[tilespmem:s0+$0xFFFFFEF0] =	vst v53  }
0x178: {  	[tilespmem:s29+$0x180] =	vst v1;
	v1 =	vld.idx.msk [tilespmem:v41+s14+$0x0], $0xffff  }
0x179: {  	v33 =	vld.idx.msk [tilespmem:v33+s14+$0x0], $0xffff;
	[tilespmem:s26+$0xE0] =	vst v61  }
0x17a: {  	v53 =	vld.idx.msk [tilespmem:v54+s14+$0x0], $0xffff;
	[tilespmem:s1+$0xFFFFFE50] =	vst v2  }
0x17b: {  	v2 =	vld.idx.msk [tilespmem:v5+s14+$0x0], $0xffff;
	[tilespmem:$0x1FF70] =	vst v10  }
0x17c: {  	v39 =	vadd.s32 v37, v43;
	[tilespmem:s28+$0x40] =	vst v7  }
0x17d: {  	v41 =	vadd.s32 $0x200, v14;
	[tilespmem:s30+$0xFFFFFFA0] =	vst v1  }
0x17e: {  	v60 =	vadd.s32 $0x180, v27;
	v1 =	vld [tilespmem:$0x1FF80];
	_ =	sdelay $0x1  }
0x17f: {  	v54 =	vadd.s32 $0x380, v45  }
0x180: {  	v5 =	vadd.s32 $0x100, v10;
	v7 =	vld.idx.msk [tilespmem:v39+s14+$0x0], $0xffff  }
0x181: {  	v38 =	vadd.s32 v37, v44;
	v41 =	vld.idx.msk [tilespmem:v41+s14+$0x0], $0xffff  }
0x182: {  	v49 =	vmovc v9;
	v9 =	vmov v17;
	[tilespmem:s29+$0x190] =	vst v53;
	v60 =	vld.idx.msk [tilespmem:v60+s14+$0x0], $0xffff;
	v17 =	vmov v1;
	v1 =	vadd.s32 $0x300, v1  }
0x183: {  	[tilespmem:s0+$0xFFFFFF00] =	vst v33;
	v33 =	vadd.s32 $0x200, v16;
	v53 =	vld [tilespmem:s2+$0x60]  }
0x184: {  	v62 =	vld.idx.msk [tilespmem:v54+s14+$0x0], $0xffff;
	[tilespmem:s26+$0xF0] =	vst v2  }
0x185: {  	v42 =	vmov v43;
	v43 =	vmov v44;
	v45 =	vadd.s32 $0x180, v28;
	v44 =	vld.idx.msk [tilespmem:v5+s14+$0x0], $0xffff;
	[tilespmem:s1+$0xFFFFFE60] =	vst v7  }
0x186: {  	v2 =	vadd.s32 $0x380, v48;
	[tilespmem:s28+$0x50] =	vst v41;
	v54 =	vld.idx.msk [tilespmem:v38+s14+$0x0], $0xffff  }
0x187: {  	v52 =	vand.u32 $0x7, v52;
	v7 =	vand.u32 $0xFFFFFFF8, v55;
	v48 =	vld.idx.msk [tilespmem:v1+s14+$0x0], $0xffff;
	[tilespmem:$0x1FF90] =	vst v4  }
0x188: {  	v1 =	vor.u32 v52, v7;
	v52 =	vld.idx.msk [tilespmem:v33+s14+$0x0], $0xffff;
	[tilespmem:s30+$0xFFFFFFB0] =	vst v60  }
0x189: {  	v3 =	vld [tilespmem:$0x1FFA0]  }
0x18a: {  	[tilespmem:s29+$0x1A0] =	vst v62;
	v41 =	vld.idx.msk [tilespmem:v45+s14+$0x0], $0xffff  }
0x18b: {  	v59 =	vadd.s32 $0x100, v4;
	v62 =	vld.idx.msk [tilespmem:v2+s14+$0x0], $0xffff;
	[tilespmem:$0x1FFB0] =	vst v6  }
0x18c: {  	v36 =	vmov v1;
	v7 =	vadd.s32 $0x80, v1;
	v1 =	vadd.s32 $0x200, v6;
	[tilespmem:s0+$0xFFFFFF10] =	vst v44  }
0x18d: {  	v37 =	vadd.s32 $0x180, v8;
	[tilespmem:s1+$0xFFFFFE70] =	vst v54  }
0x18e: {  	[tilespmem:s26+$0x100] =	vst v48;
	v33 =	vadd.s32 $0x300, v3  }
0x18f: {  	v2 =	vld [tilespmem:$0x1FFC0]  }
0x190: {  	[tilespmem:s28+$0x60] =	vst v52;
	v3 =	vld.idx.msk [tilespmem:v59+s14+$0x0], $0xffff  }
0x191: {  	v59 =	vld.idx.msk [tilespmem:v1+s14+$0x0], $0xffff;
	[tilespmem:s30+$0xFFFFFFC0] =	vst v41  }
0x192: {  	v61 =	vld.idx.msk [tilespmem:v37+s14+$0x0], $0xffff  }
0x193: {  	v45 =	vmovc v40;
	v1 =	vand.u32 $0xFFFFFFF8, v15;
	[tilespmem:s29+$0x1B0] =	vst v62;
	v60 =	vld.idx.msk [tilespmem:v33+s14+$0x0], $0xffff;
	v33 =	vadd.s32 $0x100, v40;
	v40 =	vmovc v46;
	v46 =	vand.u32 $0x7, v22  }
0x194: {  	v37 =	vor.u32 v46, v1;
	v1 =	vld [tilespmem:$0x1FFD0];
	_ =	sdelay $0x2  }
0x195: {  	[tilespmem:s0+$0xFFFFFF20] =	vst v3  }
0x196: {  	v44 =	vld [tilespmem:s2+$0x70];
	v48 =	vadd.s32 $0x380, v2;
	[tilespmem:s26+$0x110] =	vst v60  }
0x197: {  	v54 =	vadd.s32 $0x300, v1;
	v1 =	vld [tilespmem:$0x1FFE0]  }
0x198: {  	v63 =	vld [tilespmem:s2+$0x20]  }
0x199: {  	v41 =	vld [tilespmem:s2+$0x0]  }
0x19a: {  	v29 =	vmov v11;
	v2 =	vld.idx.msk [tilespmem:v7+s14+$0x0], $0xffff  }
0x19b: {  	v31 =	vmovc v24;
	v24 =	vmovc v16;
	v0 =	vmov v19;
	v11 =	vmov v27;
	v51 =	vmov v26;
	v52 =	vld.idx.msk [tilespmem:v48+s14+$0x0], $0xffff  }
0x19c: {  	s31 =	simm.s32 $0x3600;
	s8 =	simm.s32 $0xE00;
	s25 =	sshll.u32 s24, $0x1;
	v26 =	vmovc v14;
	v55 =	vmovc v8;
	v62 =	vadd.s32 $0x180, v31;
	v48 =	vadd.s32 $0x80, v37;
	v60 =	vadd.s32 $0x280, v1;
	v1 =	vld.idx.msk [tilespmem:v33+s14+$0x0], $0xffff  }
.LBB2_3:
0x19d: {  	v3 =	vld [tilespmem:$0x1FE90];
	_ =	sdelay $0x2  }
0x19e: {  	[tilespmem:s1+$0xFFFFFE80] =	vst v2  }
0x19f: {  	v2 =	vld.idx.msk [tilespmem:v54+s14+$0x0], $0xffff  }
0x1a0: {  	v54 =	vadd.s32 $0x380, v3;
	v3 =	vld [tilespmem:$0x1FF00];
	_ =	sdelay $0x3  }
0x1a1: {  	v8 =	vmov v26;
	v26 =	vld [tilespmem:$0x1FEA0]  }
0x1a2: {  	v27 =	vmov v3;
	v3 =	vld [tilespmem:$0x1FEC0]  }
0x1a3: {  	v6 =	vand.u32 $0x7, v32;
	v32 =	vld [tilespmem:$0x1FEB0]  }
0x1a4: {  	v4 =	vld [tilespmem:$0x1FF30]  }
0x1a5: {  	v47 =	vand.u32 $0xFFFFFFF8, v47;
	v33 =	vld.idx.msk [tilespmem:v48+s14+$0x0], $0xffff;
	[tilespmem:s28+$0x70] =	vst v59  }
0x1a6: {  	v59 =	vor.u32 v6, v47;
	v47 =	vld.idx.msk [tilespmem:v60+s14+$0x0], $0xffff  }
0x1a7: {  	v16 =	vmov v28;
	v48 =	vld [tilespmem:s2+$0x10];
	v28 =	vmov v3;
	v3 =	vadd.s32 $0x100, v40  }
0x1a8: {  	v46 =	vmov v40;
	[tilespmem:s30+$0xFFFFFFD0] =	vst v61;
	v40 =	vld [tilespmem:$0x1FFF0]  }
0x1a9: {  	v7 =	vadd.s32 $0x300, v13;
	v61 =	vld.idx.msk [tilespmem:v62+s14+$0x0], $0xffff;
	[tilespmem:s29+$0x1C0] =	vst v52  }
0x1aa: {  	v10 =	vmov v63;
	v15 =	vld [tilespmem:$0x1FFB0];
	v63 =	vadd.s32 $0x80, v59;
	[tilespmem:s0+$0xFFFFFF30] =	vst v1  }
0x1ab: {  	v1 =	vld.idx.msk [tilespmem:v54+s14+$0x0], $0xffff  }
0x1ac: {  	v62 =	vadd.s32 $0x280, v26;
	v3 =	vld.idx.msk [tilespmem:v3+s14+$0x0], $0xffff;
	[tilespmem:s26+$0x120] =	vst v2  }
0x1ad: {  	v60 =	vand.u32 $0x7, v49;
	v49 =	vld [tilespmem:$0x1FED0];
	v52 =	vadd.s32 v40, v41;
	[tilespmem:s1+$0xFFFFFE90] =	vst v33  }
0x1ae: {  	v54 =	vadd.s32 $0x180, v32;
	v2 =	vld.idx.msk [tilespmem:v7+s14+$0x0], $0xffff  }
0x1af: {  	v22 =	vmov v23;
	v23 =	vmov v31;
	v31 =	vmov v35;
	v35 =	vld.idx.msk [tilespmem:v63+s14+$0x0], $0xffff  }
0x1b0: {  	v5 =	vadd.s32 $0x280, v0;
	v33 =	vadd.s32 $0x380, v18;
	v7 =	vmovc v24;
	[tilespmem:s28+$0x80] =	vst v47;
	v24 =	vmov v0;
	v0 =	vld [tilespmem:$0x1FEF0]  }
0x1b1: {  	v56 =	vand.u32 $0xFFFFFFF8, v56;
	v63 =	vadd.s32 $0x100, v28;
	v47 =	vld.idx.msk [tilespmem:v62+s14+$0x0], $0xffff  }
0x1b2: {  	v60 =	vor.u32 v60, v56;
	v56 =	vld.idx.msk [tilespmem:v52+s14+$0x0], $0xffff;
	[tilespmem:s30+$0xFFFFFFE0] =	vst v61  }
0x1b3: {  	v25 =	vmovc v55;
	v19 =	vmov v4;
	v55 =	vmov v49;
	v49 =	vadd.s32 $0x300, v12;
	v4 =	vld.idx.msk [tilespmem:v54+s14+$0x0], $0xffff;
	[tilespmem:s29+$0x1D0] =	vst v1  }
0x1b4: {  	v6 =	vld [tilespmem:$0x1FF60];
	v62 =	vadd.s32 $0x80, v60;
	[tilespmem:s0+$0xFFFFFF40] =	vst v3  }
0x1b5: {  	v1 =	vld.idx.msk [tilespmem:v33+s14+$0x0], $0xffff  }
0x1b6: {  	v3 =	vld.idx.msk [tilespmem:v63+s14+$0x0], $0xffff;
	[tilespmem:s26+$0x130] =	vst v2  }
0x1b7: {  	v54 =	vadd.s32 v40, v48;
	[tilespmem:s1+$0xFFFFFEA0] =	vst v35  }
0x1b8: {  	v33 =	vadd.s32 $0x200, v0;
	v2 =	vld.idx.msk [tilespmem:v49+s14+$0x0], $0xffff  }
0x1b9: {  	v18 =	vmov v6;
	v6 =	vmov v15;
	v15 =	vmov v34;
	s1 =	sadd.s32 $0x400, s1;
	v34 =	vld.idx.msk [tilespmem:v62+s14+$0x0], $0xffff;
	[tilespmem:s28+$0x90] =	vst v47  }
0x1ba: {  	v35 =	vadd.s32 $0x380, v20;
	[tilespmem:s1+$0xFFFFFE00] =	vst v56  }
0x1bb: {  	v50 =	vand.u32 $0x7, v50;
	v20 =	vmovc v32;
	v32 =	vadd.s32 $0x100, v31;
	v49 =	vand.u32 $0xFFFFFFF8, v57;
	v5 =	vld.idx.msk [tilespmem:v5+s14+$0x0], $0xffff  }
0x1bc: {  	v61 =	vor.u32 v50, v49;
	v50 =	vld.idx.msk [tilespmem:v54+s14+$0x0], $0xffff;
	[tilespmem:s30+$0xFFFFFFF0] =	vst v4  }
0x1bd: {  	v49 =	vadd.s32 $0x300, v27;
	v4 =	vld.idx.msk [tilespmem:v33+s14+$0x0], $0xffff;
	[tilespmem:s29+$0x1E0] =	vst v1  }
0x1be: {  	v56 =	vadd.s32 $0x80, v61;
	[tilespmem:s0+$0xFFFFFF50] =	vst v3  }
0x1bf: {  	v1 =	vld.idx.msk [tilespmem:v35+s14+$0x0], $0xffff  }
0x1c0: {  	v57 =	vadd.s32 $0x280, v22;
	v3 =	vld.idx.msk [tilespmem:v32+s14+$0x0], $0xffff;
	[tilespmem:s26+$0x140] =	vst v2  }
0x1c1: {  	v47 =	vadd.s32 v40, v10;
	[tilespmem:s31+$0xFFFFFEB0] =	vst v34  }
0x1c2: {  	v35 =	vadd.s32 $0x200, v29;
	v2 =	vld.idx.msk [tilespmem:v49+s14+$0x0], $0xffff  }
0x1c3: {  	v34 =	vld.idx.msk [tilespmem:v56+s14+$0x0], $0xffff;
	[tilespmem:s28+$0xA0] =	vst v5  }
0x1c4: {  	[tilespmem:s1+$0xFFFFFE10] =	vst v50  }
0x1c5: {  	v5 =	vld.idx.msk [tilespmem:v57+s14+$0x0], $0xffff  }
0x1c6: {  	v62 =	vand.u32 $0x7, v51;
	v51 =	vld.idx.msk [tilespmem:v47+s14+$0x0], $0xffff;
	[tilespmem:s30+$0x0] =	vst v4  }
0x1c7: {  	s2 =	sshra.s32 s8, $0x2;
	v4 =	vld.idx.msk [tilespmem:v35+s14+$0x0], $0xffff;
	[tilespmem:s29+$0x1F0] =	vst v1  }
0x1c8: {  	v1 =	vld [tilespmem:s2+$0x30]  }
0x1c9: {  	v33 =	vand.u32 $0xFFFFFFF8, v58;
	v58 =	vadd.s32 $0x100, v15;
	_ =	sdelay $0x1  }
0x1ca: {  	[tilespmem:$0x1FEB0] =	vst v15;
	v15 =	vor.u32 v62, v33;
	v32 =	vadd.s32 $0x300, v19  }
0x1cb: {  	v33 =	vadd.s32 $0x80, v15;
	[tilespmem:s0+$0xFFFFFF60] =	vst v3  }
0x1cc: {  	v49 =	vmov v55;
	v56 =	vadd.s32 v40, v55;
	v55 =	vand.u32 $0x7, v42;
	v42 =	vld [tilespmem:$0x1FF50];
	s29 =	smov.u32 s26;
	s26 =	smov.u32 s28;
	[tilespmem:$0x1FED0] =	vst v1  }
0x1cd: {  	v62 =	vadd.s32 $0x280, v21;
	s28 =	smov.u32 s30;
	s30 =	smov.u32 s0;
	s0 =	smov.u32 s31;
	v1 =	vld.idx.msk [tilespmem:v58+s14+$0x0], $0xffff;
	[tilespmem:s29+$0x150] =	vst v2  }
0x1ce: {  	[tilespmem:s0+$0xFFFFFEC0] =	vst v34  }
0x1cf: {  	[tilespmem:$0x1FE90] =	vst v27;
	v3 =	vadd.s32 $0x200, v9;
	v2 =	vld.idx.msk [tilespmem:v32+s14+$0x0], $0xffff  }
0x1d0: {  	v34 =	vld.idx.msk [tilespmem:v33+s14+$0x0], $0xffff;
	[tilespmem:s26+$0xB0] =	vst v5  }
0x1d1: {  	v14 =	vld [tilespmem:$0x1FF10];
	v58 =	vadd.s32 $0x180, v42;
	[tilespmem:s1+$0xFFFFFE20] =	vst v51  }
0x1d2: {  	v27 =	vand.u32 $0xFFFFFFF8, v39;
	[tilespmem:$0x1FEC0] =	vst v15;
	v5 =	vld.idx.msk [tilespmem:v62+s14+$0x0], $0xffff  }
0x1d3: {  	v39 =	vadd.s32 $0x300, v18;
	v15 =	vor.u32 v55, v27;
	v51 =	vld.idx.msk [tilespmem:v56+s14+$0x0], $0xffff;
	[tilespmem:s28+$0x10] =	vst v4  }
0x1d4: {  	[tilespmem:$0x1FF00] =	vst v8;
	v62 =	vadd.s32 $0x80, v15;
	v3 =	vld.idx.msk [tilespmem:v3+s14+$0x0], $0xffff  }
0x1d5: {  	v33 =	vadd.s32 $0x280, v8;
	v8 =	vld [tilespmem:s2+$0x40];
	[tilespmem:s30+$0xFFFFFF70] =	vst v1  }
0x1d6: {  	v1 =	vld.idx.msk [tilespmem:v58+s14+$0x0], $0xffff;
	[tilespmem:s29+$0x160] =	vst v2  }
0x1d7: {  	[tilespmem:s0+$0xFFFFFED0] =	vst v34  }
0x1d8: {  	v2 =	vld.idx.msk [tilespmem:v39+s14+$0x0], $0xffff  }
0x1d9: {  	v39 =	vld.idx.msk [tilespmem:v62+s14+$0x0], $0xffff  }
0x1da: {  	v62 =	vand.u32 $0x7, v43;
	v43 =	vld [tilespmem:$0x1FF70]  }
0x1db: {  	v63 =	vmov v14  }
0x1dc: {  	v57 =	vadd.s32 v40, v63;
	_ =	sdelay $0x1  }
0x1dd: {  	v58 =	vadd.s32 $0x200, v11;
	[tilespmem:s26+$0xC0] =	vst v5  }
0x1de: {  	v50 =	vmov v63;
	[tilespmem:s1+$0xFFFFFE30] =	vst v51;
	v63 =	vadd.s32 $0x180, v43  }
0x1df: {  	v14 =	vmov v37;
	v37 =	vmov v30;
	v30 =	vand.u32 $0xFFFFFFF8, v38;
	[tilespmem:$0x1FF10] =	vst v8;
	v4 =	vld.idx.msk [tilespmem:v33+s14+$0x0], $0xffff  }
0x1e0: {  	v5 =	vadd.s32 $0x380, v17;
	v8 =	vor.u32 v62, v30;
	v38 =	vld.idx.msk [tilespmem:v57+s14+$0x0], $0xffff;
	[tilespmem:s28+$0x20] =	vst v3  }
0x1e1: {  	v35 =	vmov v15;
	v15 =	vmov v44;
	v44 =	vadd.s32 $0x80, v8;
	v30 =	vld [tilespmem:s2+$0x50]  }
0x1e2: {  	v3 =	vld.idx.msk [tilespmem:v58+s14+$0x0], $0xffff;
	[tilespmem:s30+$0xFFFFFF80] =	vst v1  }
0x1e3: {  	v1 =	vld.idx.msk [tilespmem:v63+s14+$0x0], $0xffff;
	[tilespmem:s29+$0x170] =	vst v2  }
0x1e4: {  	v27 =	vld [tilespmem:$0x1FFE0];
	[tilespmem:s0+$0xFFFFFEE0] =	vst v39  }
0x1e5: {  	v2 =	vld.idx.msk [tilespmem:v5+s14+$0x0], $0xffff  }
0x1e6: {  	v5 =	vld.idx.msk [tilespmem:v44+s14+$0x0], $0xffff  }
0x1e7: {  	v44 =	vld [tilespmem:$0x1FF90]  }
0x1e8: {  	v62 =	vadd.s32 $0x280, v7  }
0x1e9: {  	v17 =	vmovc v27;
	v27 =	vmov v0;
	v0 =	vmov v42;
	v42 =	vld [tilespmem:$0x1FFA0];
	v58 =	vadd.s32 v40, v37;
	_ =	sdelay $0x1  }
0x1ea: {  	v63 =	vadd.s32 $0x200, v16;
	[tilespmem:s26+$0xD0] =	vst v4  }
0x1eb: {  	[tilespmem:s1+$0xFFFFFE40] =	vst v38;
	v55 =	vadd.s32 $0x180, v44  }
0x1ec: {  	[tilespmem:$0x1FEF0] =	vst v0;
	v4 =	vld.idx.msk [tilespmem:v62+s14+$0x0], $0xffff  }
0x1ed: {  	v51 =	vmov v37;
	v0 =	vmov v36;
	v36 =	vadd.s32 $0x380, v42;
	v37 =	vld.idx.msk [tilespmem:v58+s14+$0x0], $0xffff;
	[tilespmem:s28+$0x30] =	vst v3  }
0x1ee: {  	v32 =	vmov v53;
	v38 =	vadd.s32 $0x100, v0;
	v53 =	vld [tilespmem:s2+$0x60]  }
0x1ef: {  	v3 =	vld.idx.msk [tilespmem:v63+s14+$0x0], $0xffff;
	[tilespmem:s30+$0xFFFFFF90] =	vst v1  }
0x1f0: {  	v62 =	vadd.s32 $0x280, v6;
	v1 =	vld.idx.msk [tilespmem:v55+s14+$0x0], $0xffff;
	[tilespmem:s29+$0x180] =	vst v2  }
0x1f1: {  	v34 =	vmovc v8;
	v8 =	vmov v29;
	v29 =	vmov v43;
	v43 =	vld [tilespmem:$0x1FFD0];
	v39 =	vadd.s32 v40, v32;
	[tilespmem:s0+$0xFFFFFEF0] =	vst v5  }
0x1f2: {  	[tilespmem:$0x1FF30] =	vst v7;
	v2 =	vld.idx.msk [tilespmem:v36+s14+$0x0], $0xffff  }
0x1f3: {  	v55 =	vadd.s32 $0x200, v25;
	v5 =	vld.idx.msk [tilespmem:v38+s14+$0x0], $0xffff;
	[tilespmem:s26+$0xE0] =	vst v4  }
0x1f4: {  	v36 =	vadd.s32 $0x180, v45;
	[tilespmem:s1+$0xFFFFFE50] =	vst v37  }
0x1f5: {  	[tilespmem:$0x1FEA0] =	vst v8;
	v4 =	vld.idx.msk [tilespmem:v62+s14+$0x0], $0xffff  }
0x1f6: {  	v7 =	vmov v14;
	v8 =	vmov v59;
	v37 =	vadd.s32 $0x380, v43;
	v59 =	vld.idx.msk [tilespmem:v39+s14+$0x0], $0xffff;
	[tilespmem:s28+$0x40] =	vst v3  }
0x1f7: {  	[tilespmem:$0x1FF50] =	vst v0;
	v0 =	vmov v9;
	v9 =	vmov v44;
	v62 =	vadd.s32 $0x100, v7;
	v44 =	vld [tilespmem:s2+$0x70]  }
0x1f8: {  	v3 =	vld.idx.msk [tilespmem:v55+s14+$0x0], $0xffff;
	[tilespmem:s30+$0xFFFFFFA0] =	vst v1  }
0x1f9: {  	v38 =	vadd.s32 v40, v15;
	v1 =	vld.idx.msk [tilespmem:v36+s14+$0x0], $0xffff;
	[tilespmem:s29+$0x190] =	vst v2  }
0x1fa: {  	v55 =	vadd.s32 $0x300, v17;
	[tilespmem:s0+$0xFFFFFF00] =	vst v5  }
0x1fb: {  	[tilespmem:$0x1FF60] =	vst v6;
	v6 =	vadd.s32 $0x200, v23;
	v2 =	vld.idx.msk [tilespmem:v37+s14+$0x0], $0xffff  }
0x1fc: {  	v5 =	vld.idx.msk [tilespmem:v62+s14+$0x0], $0xffff;
	[tilespmem:s26+$0xF0] =	vst v4  }
0x1fd: {  	v37 =	vadd.s32 $0x180, v46;
	[tilespmem:s1+$0xFFFFFE60] =	vst v59  }
0x1fe: {  	[tilespmem:$0x1FFB0] =	vst v20;
	v33 =	vmovc v16;
	v16 =	vmov v26;
	v26 =	vmov v25;
	v25 =	vmov v60;
	v60 =	vld.idx.msk [tilespmem:v38+s14+$0x0], $0xffff  }
0x1ff: {  	v59 =	vadd.s32 $0x380, v13;
	v4 =	vld.idx.msk [tilespmem:v55+s14+$0x0], $0xffff;
	[tilespmem:s28+$0x50] =	vst v3  }
0x200: {  	[tilespmem:$0x1FFE0] =	vst v27;
	v42 =	vmovc v32;
	v32 =	vmovc v10;
	v10 =	vand.u32 $0xFFFFFFF8, v52;
	v52 =	vadd.s32 $0x100, v8;
	v36 =	vand.u32 $0x7, v41;
	v3 =	vld.idx.msk [tilespmem:v6+s14+$0x0], $0xffff  }
0x201: {  	v14 =	vmov v24;
	v24 =	vmov v23;
	v63 =	vld [tilespmem:s2+$0x20];
	[tilespmem:s30+$0xFFFFFFB0] =	vst v1  }
0x202: {  	v23 =	vmovc v11;
	v11 =	vmov v45;
	v45 =	vadd.s32 $0x300, v16;
	v41 =	vor.u32 v36, v10;
	v1 =	vld.idx.msk [tilespmem:v37+s14+$0x0], $0xffff;
	[tilespmem:s29+$0x1A0] =	vst v2  }
0x203: {  	v36 =	vmov v41;
	v41 =	vadd.s32 $0x80, v41;
	[tilespmem:s0+$0xFFFFFF10] =	vst v5  }
0x204: {  	[tilespmem:$0x1FF70] =	vst v7;
	v62 =	vadd.s32 $0x200, v20;
	v5 =	vld.idx.msk [tilespmem:v59+s14+$0x0], $0xffff  }
0x205: {  	v52 =	vld.idx.msk [tilespmem:v52+s14+$0x0], $0xffff;
	[tilespmem:s1+$0xFFFFFE70] =	vst v60  }
0x206: {  	v7 =	vadd.s32 $0x180, v28;
	[tilespmem:s26+$0x100] =	vst v4  }
0x207: {  	[tilespmem:$0x1FFD0] =	vst v14;
	v4 =	vld.idx.msk [tilespmem:v45+s14+$0x0], $0xffff  }
0x208: {  	v6 =	vadd.s32 $0x380, v12;
	v2 =	vld.idx.msk [tilespmem:v41+s14+$0x0], $0xffff;
	[tilespmem:s28+$0x60] =	vst v3  }
0x209: {  	p1 =	sne.s32 s8, $0x3E00;
	[tilespmem:$0x1FF90] =	vst v8;
	v8 =	vadd.s32 $0x100, v25;
	v59 =	vld.idx.msk [tilespmem:v62+s14+$0x0], $0xffff  }
.Ltmp0:
0x20a: {  	v40 =	vmov v61;
	v61 =	vand.u32 $0x7, v48;
	v60 =	vand.u32 $0xFFFFFFF8, v54;
	v41 =	vld [tilespmem:s2+$0x0];
	[tilespmem:s30+$0xFFFFFFC0] =	vst v1;
	(pc) =	sbr.rel @p1 .LBB2_3-.Ltmp0, $4  }
0x20b: {  	v37 =	vor.u32 v61, v60;
	v61 =	vld.idx.msk [tilespmem:v7+s14+$0x0], $0xffff;
	[tilespmem:s29+$0x1B0] =	vst v5  }
0x20c: {  	v43 =	vmov v15;
	v13 =	vmov v22;
	v20 =	vmov v18;
	[tilespmem:s0+$0xFFFFFF20] =	vst v52  }
0x20d: {  	[tilespmem:$0x1FFA0] =	vst v16;
	v18 =	vmovc v19;
	v55 =	vmovc v28;
	v28 =	vmov v46;
	v12 =	vmov v21;
	v54 =	vadd.s32 $0x300, v14;
	v52 =	vld.idx.msk [tilespmem:v6+s14+$0x0], $0xffff  }
0x20e: {  	s8 =	sadd.s32 $0x200, s8;
	s31 =	smov.u32 s1;
	v21 =	vmovc v33;
	v60 =	vadd.s32 $0x280, v27;
	v48 =	vadd.s32 $0x80, v37;
	v45 =	vmovc v25;
	v62 =	vadd.s32 $0x180, v31;
	v1 =	vld.idx.msk [tilespmem:v8+s14+$0x0], $0xffff;
	[tilespmem:s26+$0x110] =	vst v4  }
0x20f: {  	[tilespmem:s1+$0xFFFFFE80] =	vst v2  }
0x210: {  	v46 =	vld [tilespmem:$0x1FFF0];
	_ =	sdelay $0x1  }
0x211: {  	v2 =	vand.u32 $0xFFFFFFF8, v47;
	v3 =	vand.u32 $0x7, v32  }
0x212: {  	v4 =	vld.idx.msk [tilespmem:v48+s14+$0x0], $0xffff;
	v48 =	vor.u32 v3, v2  }
0x213: {  	v2 =	vadd.s32 $0x80, v48  }
0x214: {  	v3 =	vadd.s32 v46, v41  }
0x215: {  	v5 =	vld [tilespmem:s2+$0x10];
	_ =	sdelay $0x1  }
0x216: {  	v32 =	vand.u32 $0xFFFFFFF8, v56;
	v6 =	vand.u32 $0x7, v49;
	[tilespmem:s1+$0xFFFFFE90] =	vst v4  }
0x217: {  	v47 =	vor.u32 v6, v32;
	v2 =	vld.idx.msk [tilespmem:v2+s14+$0x0], $0xffff  }
0x218: {  	v4 =	vadd.s32 $0x80, v47;
	v33 =	vld.idx.msk [tilespmem:v3+s14+$0x0], $0xffff  }
0x219: {  	v7 =	vadd.s32 v46, v5;
	_ =	sdelay $0x2  }
0x21a: {  	v8 =	vand.u32 $0x7, v50;
	s13 =	sadd.s32 $0x400, s1;
	[tilespmem:s1+$0xFFFFFEA0] =	vst v2;
	v2 =	vand.u32 $0xFFFFFFF8, v57  }
0x21b: {  	v25 =	vor.u32 v8, v2;
	v2 =	vld.idx.msk [tilespmem:v4+s14+$0x0], $0xffff;
	[tilespmem:s13+$0xFFFFFE00] =	vst v33  }
0x21c: {  	v49 =	vadd.s32 $0x80, v25;
	v6 =	vld.idx.msk [tilespmem:v7+s14+$0x0], $0xffff  }
0x21d: {  	v8 =	vadd.s32 v46, v63;
	_ =	sdelay $0x2  }
0x21e: {  	v50 =	vand.u32 $0x7, v51;
	[tilespmem:s31+$0xFFFFFEB0] =	vst v2;
	v2 =	vand.u32 $0xFFFFFFF8, v58  }
0x21f: {  	v15 =	vor.u32 v50, v2;
	v2 =	vld.idx.msk [tilespmem:v49+s14+$0x0], $0xffff;
	[tilespmem:s13+$0xFFFFFE10] =	vst v6  }
0x220: {  	v6 =	vld.idx.msk [tilespmem:v8+s14+$0x0], $0xffff  }
0x221: {  	v19 =	vmov v31;
	v31 =	vld [tilespmem:$0x1FED0];
	_ =	sdelay $0x3  }
0x222: {  	v51 =	vadd.s32 $0x80, v15;
	[tilespmem:s31+$0xFFFFFEC0] =	vst v2  }
0x223: {  	v56 =	vadd.s32 v46, v31;
	[tilespmem:s13+$0xFFFFFE20] =	vst v6  }
0x224: {  	v32 =	vld [tilespmem:$0x1FF10];
	_ =	sdelay $0x1  }
0x225: {  	v33 =	vand.u32 $0x7, v42;
	v2 =	vand.u32 $0xFFFFFFF8, v39  }
0x226: {  	v42 =	vor.u32 v33, v2;
	v2 =	vld.idx.msk [tilespmem:v51+s14+$0x0], $0xffff  }
0x227: {  	v10 =	vmov v40;
	v40 =	vadd.s32 $0x80, v42;
	v6 =	vld.idx.msk [tilespmem:v56+s14+$0x0], $0xffff  }
0x228: {  	v57 =	vadd.s32 v46, v32;
	_ =	sdelay $0x2  }
0x229: {  	v49 =	vand.u32 $0x7, v43;
	[tilespmem:s31+$0xFFFFFED0] =	vst v2;
	v2 =	vand.u32 $0xFFFFFFF8, v38  }
0x22a: {  	v14 =	vor.u32 v49, v2;
	v2 =	vld.idx.msk [tilespmem:v40+s14+$0x0], $0xffff;
	[tilespmem:s13+$0xFFFFFE30] =	vst v6  }
0x22b: {  	v50 =	vadd.s32 $0x80, v14;
	v6 =	vld.idx.msk [tilespmem:v57+s14+$0x0], $0xffff  }
0x22c: {  	v58 =	vadd.s32 v46, v30;
	_ =	sdelay $0x2  }
0x22d: {  	[tilespmem:s31+$0xFFFFFEE0] =	vst v2  }
0x22e: {  	v2 =	vld.idx.msk [tilespmem:v50+s14+$0x0], $0xffff;
	[tilespmem:s13+$0xFFFFFE40] =	vst v6  }
0x22f: {  	v51 =	vadd.s32 $0x100, v36;
	v6 =	vld.idx.msk [tilespmem:v58+s14+$0x0], $0xffff  }
0x230: {  	v38 =	vadd.s32 v46, v53;
	_ =	sdelay $0x2  }
0x231: {  	[tilespmem:s31+$0xFFFFFEF0] =	vst v2  }
0x232: {  	v2 =	vld.idx.msk [tilespmem:v51+s14+$0x0], $0xffff;
	[tilespmem:s13+$0xFFFFFE50] =	vst v6  }
0x233: {  	v33 =	vadd.s32 $0x100, v37;
	v6 =	vld.idx.msk [tilespmem:v38+s14+$0x0], $0xffff  }
0x234: {  	v39 =	vadd.s32 v46, v44;
	_ =	sdelay $0x2  }
0x235: {  	[tilespmem:s31+$0xFFFFFF00] =	vst v2  }
0x236: {  	v3 =	vand.u32 $0xFFFFFFF8, v3;
	v49 =	vand.u32 $0x7, v41;
	v2 =	vld.idx.msk [tilespmem:v33+s14+$0x0], $0xffff;
	[tilespmem:s13+$0xFFFFFE60] =	vst v6  }
0x237: {  	v27 =	vmov v36;
	v36 =	vor.u32 v49, v3;
	v50 =	vadd.s32 $0x100, v48;
	v3 =	vld.idx.msk [tilespmem:v39+s14+$0x0], $0xffff  }
0x238: {  	v4 =	vadd.s32 $0x80, v36;
	_ =	sdelay $0x2  }
0x239: {  	[tilespmem:s31+$0xFFFFFF10] =	vst v2  }
0x23a: {  	v5 =	vand.u32 $0x7, v5;
	v2 =	vld.idx.msk [tilespmem:v50+s14+$0x0], $0xffff;
	[tilespmem:s13+$0xFFFFFE70] =	vst v3;
	v3 =	vand.u32 $0xFFFFFFF8, v7  }
0x23b: {  	v41 =	vor.u32 v5, v3;
	v3 =	vld.idx.msk [tilespmem:v4+s14+$0x0], $0xffff;
	_ =	sdelay $0x2  }
0x23c: {  	[tilespmem:s0+$0xFFFFFF30] =	vst v1;
	v51 =	vadd.s32 $0x100, v47  }
0x23d: {  	[tilespmem:s31+$0xFFFFFF20] =	vst v2;
	v5 =	vadd.s32 $0x80, v41  }
0x23e: {  	v40 =	vand.u32 $0x7, v63;
	v33 =	vadd.s32 $0x100, v10;
	[tilespmem:s13+$0xFFFFFE80] =	vst v3;
	v3 =	vand.u32 $0xFFFFFFF8, v8  }
0x23f: {  	v63 =	vor.u32 v40, v3;
	v40 =	vld [tilespmem:$0x1FEC0];
	_ =	sdelay $0x1  }
0x240: {  	v1 =	vld.idx.msk [tilespmem:v51+s14+$0x0], $0xffff  }
0x241: {  	v49 =	vadd.s32 $0x100, v25;
	v3 =	vld.idx.msk [tilespmem:v5+s14+$0x0], $0xffff  }
0x242: {  	v2 =	vld.idx.msk [tilespmem:v33+s14+$0x0], $0xffff;
	v51 =	vadd.s32 $0x80, v63  }
0x243: {  	v50 =	vadd.s32 $0x100, v40;
	_ =	sdelay $0x1  }
0x244: {  	[tilespmem:s31+$0xFFFFFF30] =	vst v1  }
0x245: {  	v33 =	vand.u32 $0x7, v31;
	v1 =	vld.idx.msk [tilespmem:v49+s14+$0x0], $0xffff;
	[tilespmem:s13+$0xFFFFFE90] =	vst v3;
	v3 =	vand.u32 $0xFFFFFFF8, v56  }
0x246: {  	[tilespmem:s0+$0xFFFFFF40] =	vst v2;
	v49 =	vadd.s32 $0x100, v15;
	v56 =	vor.u32 v33, v3;
	v3 =	vld.idx.msk [tilespmem:v51+s14+$0x0], $0xffff  }
0x247: {  	v51 =	vadd.s32 $0x80, v56;
	v2 =	vld.idx.msk [tilespmem:v50+s14+$0x0], $0xffff  }
0x248: {  	v50 =	vadd.s32 $0x100, v35;
	_ =	sdelay $0x1  }
0x249: {  	[tilespmem:s31+$0xFFFFFF40] =	vst v1  }
0x24a: {  	v1 =	vld.idx.msk [tilespmem:v49+s14+$0x0], $0xffff;
	v49 =	vand.u32 $0x7, v32;
	[tilespmem:s13+$0xFFFFFEA0] =	vst v3;
	v3 =	vand.u32 $0xFFFFFFF8, v57  }
0x24b: {  	v43 =	vmov v30;
	v30 =	vor.u32 v49, v3;
	v3 =	vld.idx.msk [tilespmem:v51+s14+$0x0], $0xffff;
	[tilespmem:s0+$0xFFFFFF50] =	vst v2  }
0x24c: {  	v2 =	vld.idx.msk [tilespmem:v50+s14+$0x0], $0xffff;
	_ =	sdelay $0x1  }
0x24d: {  	v50 =	vadd.s32 $0x100, v42  }
0x24e: {  	[tilespmem:s31+$0xFFFFFF50] =	vst v1;
	v57 =	vadd.s32 $0x80, v30  }
0x24f: {  	v51 =	vadd.s32 $0x100, v34;
	[tilespmem:s13+$0xFFFFFEB0] =	vst v3  }
0x250: {  	[tilespmem:s0+$0xFFFFFF60] =	vst v2  }
0x251: {  	v22 =	vmov v42;
	v42 =	vld [tilespmem:$0x1FF50]  }
0x252: {  	v3 =	vand.u32 $0xFFFFFFF8, v58;
	v58 =	vand.u32 $0x7, v43;
	v1 =	vld.idx.msk [tilespmem:v50+s14+$0x0], $0xffff  }
0x253: {  	v32 =	vadd.s32 $0x100, v14;
	v49 =	vor.u32 v58, v3;
	v50 =	vld.idx.msk [tilespmem:v57+s14+$0x0], $0xffff  }
0x254: {  	v2 =	vld.idx.msk [tilespmem:v51+s14+$0x0], $0xffff;
	v51 =	vadd.s32 $0x80, v49;
	_ =	sdelay $0x1  }
0x255: {  	v3 =	vadd.s32 $0x180, v42  }
0x256: {  	[tilespmem:s31+$0xFFFFFF60] =	vst v1  }
0x257: {  	[tilespmem:s13+$0xFFFFFEC0] =	vst v50;
	v1 =	vld.idx.msk [tilespmem:v32+s14+$0x0], $0xffff  }
0x258: {  	[tilespmem:s0+$0xFFFFFF70] =	vst v2;
	v5 =	vld.idx.msk [tilespmem:v51+s14+$0x0], $0xffff  }
0x259: {  	v43 =	vld [tilespmem:$0x1FF70]  }
0x25a: {  	v2 =	vld.idx.msk [tilespmem:v3+s14+$0x0], $0xffff;
	_ =	sdelay $0x2  }
0x25b: {  	v53 =	vand.u32 $0x7, v53;
	v57 =	vadd.s32 $0x180, v27;
	v3 =	vand.u32 $0xFFFFFFF8, v38;
	[tilespmem:s31+$0xFFFFFF70] =	vst v1  }
0x25c: {  	[tilespmem:s13+$0xFFFFFED0] =	vst v5;
	v58 =	vadd.s32 $0x180, v43;
	v50 =	vor.u32 v53, v3  }
0x25d: {  	v3 =	vadd.s32 $0x80, v50;
	[tilespmem:s0+$0xFFFFFF80] =	vst v2  }
0x25e: {  	v38 =	vand.u32 $0x7, v44;
	v44 =	vld [tilespmem:$0x1FF90];
	_ =	sdelay $0x1  }
0x25f: {  	v1 =	vld.idx.msk [tilespmem:v57+s14+$0x0], $0xffff  }
0x260: {  	v32 =	vand.u32 $0xFFFFFFF8, v39;
	v39 =	vadd.s32 $0x180, v37;
	v2 =	vld.idx.msk [tilespmem:v58+s14+$0x0], $0xffff  }
0x261: {  	v3 =	vld.idx.msk [tilespmem:v3+s14+$0x0], $0xffff  }
0x262: {  	v57 =	vadd.s32 $0x180, v44;
	_ =	sdelay $0x1  }
0x263: {  	v51 =	vor.u32 v38, v32;
	[tilespmem:s31+$0xFFFFFF80] =	vst v1  }
0x264: {  	v4 =	vadd.s32 $0x80, v51;
	v1 =	vld.idx.msk [tilespmem:v39+s14+$0x0], $0xffff;
	[tilespmem:s0+$0xFFFFFF90] =	vst v2  }
0x265: {  	[tilespmem:s13+$0xFFFFFEE0] =	vst v3;
	v3 =	vadd.s32 $0x180, v48  }
0x266: {  	v2 =	vld.idx.msk [tilespmem:v57+s14+$0x0], $0xffff  }
0x267: {  	v58 =	vadd.s32 $0x180, v45;
	_ =	sdelay $0x1  }
0x268: {  	[tilespmem:s31+$0xFFFFFF90] =	vst v1;
	v4 =	vld.idx.msk [tilespmem:v4+s14+$0x0], $0xffff  }
0x269: {  	v32 =	vadd.s32 $0x100, v36;
	v1 =	vld.idx.msk [tilespmem:v3+s14+$0x0], $0xffff  }
0x26a: {  	v3 =	vadd.s32 $0x180, v47;
	[tilespmem:s0+$0xFFFFFFA0] =	vst v2  }
0x26b: {  	v2 =	vld.idx.msk [tilespmem:v58+s14+$0x0], $0xffff  }
0x26c: {  	v38 =	vadd.s32 $0x180, v10  }
0x26d: {  	[tilespmem:s13+$0xFFFFFEF0] =	vst v4  }
0x26e: {  	v39 =	vld.idx.msk [tilespmem:v32+s14+$0x0], $0xffff;
	[tilespmem:s31+$0xFFFFFFA0] =	vst v1  }
0x26f: {  	v57 =	vmov v45;
	v45 =	vadd.s32 $0x100, v41;
	v1 =	vld.idx.msk [tilespmem:v3+s14+$0x0], $0xffff  }
0x270: {  	v3 =	vadd.s32 $0x180, v25;
	[tilespmem:s0+$0xFFFFFFB0] =	vst v2  }
0x271: {  	v2 =	vld.idx.msk [tilespmem:v38+s14+$0x0], $0xffff  }
0x272: {  	v53 =	vadd.s32 $0x180, v40  }
0x273: {  	[tilespmem:s13+$0xFFFFFF00] =	vst v39  }
0x274: {  	v5 =	vld.idx.msk [tilespmem:v45+s14+$0x0], $0xffff;
	[tilespmem:s31+$0xFFFFFFB0] =	vst v1  }
0x275: {  	v32 =	vadd.s32 $0x100, v63;
	v1 =	vld.idx.msk [tilespmem:v3+s14+$0x0], $0xffff  }
0x276: {  	[tilespmem:s0+$0xFFFFFFC0] =	vst v2  }
0x277: {  	v3 =	vadd.s32 $0x180, v15;
	v2 =	vld.idx.msk [tilespmem:v53+s14+$0x0], $0xffff  }
0x278: {  	[tilespmem:s30+$0xFFFFFFD0] =	vst v61  }
0x279: {  	v45 =	vld.idx.msk [tilespmem:v62+s14+$0x0], $0xffff;
	[tilespmem:s13+$0xFFFFFF10] =	vst v5  }
0x27a: {  	v5 =	vld.idx.msk [tilespmem:v32+s14+$0x0], $0xffff;
	[tilespmem:s31+$0xFFFFFFC0] =	vst v1  }
0x27b: {  	v32 =	vld [tilespmem:$0x1FEB0]  }
0x27c: {  	[tilespmem:s0+$0xFFFFFFD0] =	vst v2;
	v2 =	vld.idx.msk [tilespmem:v3+s14+$0x0], $0xffff;
	_ =	sdelay $0x2  }
0x27d: {  	v38 =	vadd.s32 $0x180, v35;
	[tilespmem:s30+$0xFFFFFFE0] =	vst v45  }
0x27e: {  	v39 =	vadd.s32 $0x100, v56;
	[tilespmem:s13+$0xFFFFFF20] =	vst v5  }
0x27f: {  	v1 =	vadd.s32 $0x180, v32;
	[tilespmem:s31+$0xFFFFFFD0] =	vst v2  }
0x280: {  	v31 =	vld [tilespmem:$0x1FEF0];
	_ =	sdelay $0x1  }
0x281: {  	v53 =	vadd.s32 $0x180, v22;
	v3 =	vld.idx.msk [tilespmem:v38+s14+$0x0], $0xffff  }
0x282: {  	v61 =	vadd.s32 $0x180, v34;
	v6 =	vld.idx.msk [tilespmem:v39+s14+$0x0], $0xffff  }
0x283: {  	v8 =	vadd.s32 $0x100, v30;
	v1 =	vld.idx.msk [tilespmem:v1+s14+$0x0], $0xffff  }
0x284: {  	v2 =	vadd.s32 $0x200, v31;
	_ =	sdelay $0x1  }
0x285: {  	[tilespmem:s0+$0xFFFFFFE0] =	vst v3;
	v3 =	vld.idx.msk [tilespmem:v53+s14+$0x0], $0xffff  }
0x286: {  	v39 =	vadd.s32 $0x180, v14;
	[tilespmem:s13+$0xFFFFFF30] =	vst v6;
	v38 =	vld.idx.msk [tilespmem:v61+s14+$0x0], $0xffff  }
0x287: {  	v45 =	vadd.s32 $0x200, v42;
	v53 =	vld.idx.msk [tilespmem:v8+s14+$0x0], $0xffff;
	[tilespmem:s30+$0xFFFFFFF0] =	vst v1  }
0x288: {  	v8 =	vadd.s32 $0x100, v49;
	v1 =	vld.idx.msk [tilespmem:v2+s14+$0x0], $0xffff  }
0x289: {  	v2 =	vadd.s32 $0x200, v29  }
0x28a: {  	[tilespmem:s31+$0xFFFFFFE0] =	vst v3  }
0x28b: {  	[tilespmem:s0+$0xFFFFFFF0] =	vst v38;
	v3 =	vld.idx.msk [tilespmem:v39+s14+$0x0], $0xffff  }
0x28c: {  	v61 =	vadd.s32 $0x200, v27;
	[tilespmem:s13+$0xFFFFFF40] =	vst v53;
	v4 =	vld.idx.msk [tilespmem:v45+s14+$0x0], $0xffff  }
0x28d: {  	v38 =	vadd.s32 $0x200, v43;
	v7 =	vld.idx.msk [tilespmem:v8+s14+$0x0], $0xffff;
	[tilespmem:s30+$0x0] =	vst v1  }
0x28e: {  	v8 =	vadd.s32 $0x100, v50;
	v1 =	vld.idx.msk [tilespmem:v2+s14+$0x0], $0xffff  }
0x28f: {  	v2 =	vadd.s32 $0x200, v9  }
0x290: {  	[tilespmem:s31+$0xFFFFFFF0] =	vst v3  }
0x291: {  	[tilespmem:s0+$0x0] =	vst v4;
	v3 =	vld.idx.msk [tilespmem:v61+s14+$0x0], $0xffff  }
0x292: {  	v39 =	vadd.s32 $0x200, v37;
	[tilespmem:s13+$0xFFFFFF50] =	vst v7;
	v4 =	vld.idx.msk [tilespmem:v38+s14+$0x0], $0xffff  }
0x293: {  	v53 =	vadd.s32 $0x200, v44;
	v7 =	vld.idx.msk [tilespmem:v8+s14+$0x0], $0xffff;
	[tilespmem:s30+$0x10] =	vst v1  }
0x294: {  	v8 =	vadd.s32 $0x100, v51;
	v1 =	vld.idx.msk [tilespmem:v2+s14+$0x0], $0xffff  }
0x295: {  	v2 =	vadd.s32 $0x200, v11  }
0x296: {  	[tilespmem:s31+$0x0] =	vst v3  }
0x297: {  	[tilespmem:s0+$0x10] =	vst v4;
	v3 =	vld.idx.msk [tilespmem:v39+s14+$0x0], $0xffff  }
0x298: {  	v61 =	vadd.s32 $0x200, v48;
	[tilespmem:s13+$0xFFFFFF60] =	vst v7;
	v4 =	vld.idx.msk [tilespmem:v53+s14+$0x0], $0xffff  }
0x299: {  	v38 =	vadd.s32 $0x200, v57;
	v7 =	vld.idx.msk [tilespmem:v8+s14+$0x0], $0xffff;
	[tilespmem:s30+$0x20] =	vst v1  }
0x29a: {  	v8 =	vadd.s32 $0x180, v36;
	v1 =	vld.idx.msk [tilespmem:v2+s14+$0x0], $0xffff  }
0x29b: {  	v2 =	vadd.s32 $0x200, v28  }
0x29c: {  	[tilespmem:s31+$0x10] =	vst v3  }
0x29d: {  	[tilespmem:s0+$0x20] =	vst v4;
	v3 =	vld.idx.msk [tilespmem:v61+s14+$0x0], $0xffff  }
0x29e: {  	v39 =	vadd.s32 $0x200, v47;
	[tilespmem:s13+$0xFFFFFF70] =	vst v7;
	v4 =	vld.idx.msk [tilespmem:v38+s14+$0x0], $0xffff  }
0x29f: {  	v53 =	vadd.s32 $0x200, v10;
	v7 =	vld.idx.msk [tilespmem:v8+s14+$0x0], $0xffff;
	[tilespmem:s30+$0x30] =	vst v1  }
0x2a0: {  	v8 =	vadd.s32 $0x180, v41;
	v1 =	vld.idx.msk [tilespmem:v2+s14+$0x0], $0xffff  }
0x2a1: {  	v2 =	vadd.s32 $0x200, v55  }
0x2a2: {  	[tilespmem:s31+$0x20] =	vst v3  }
0x2a3: {  	[tilespmem:s0+$0x30] =	vst v4;
	v3 =	vld.idx.msk [tilespmem:v39+s14+$0x0], $0xffff  }
0x2a4: {  	v38 =	vadd.s32 $0x200, v25;
	[tilespmem:s13+$0xFFFFFF80] =	vst v7;
	v4 =	vld.idx.msk [tilespmem:v53+s14+$0x0], $0xffff  }
0x2a5: {  	v39 =	vadd.s32 $0x200, v40;
	v7 =	vld.idx.msk [tilespmem:v8+s14+$0x0], $0xffff;
	[tilespmem:s30+$0x40] =	vst v1  }
0x2a6: {  	v8 =	vadd.s32 $0x180, v63;
	v1 =	vld.idx.msk [tilespmem:v2+s14+$0x0], $0xffff  }
0x2a7: {  	v2 =	vadd.s32 $0x200, v19  }
0x2a8: {  	[tilespmem:s31+$0x30] =	vst v3  }
0x2a9: {  	[tilespmem:s0+$0x40] =	vst v4;
	v3 =	vld.idx.msk [tilespmem:v38+s14+$0x0], $0xffff  }
0x2aa: {  	v53 =	vadd.s32 $0x200, v15;
	[tilespmem:s13+$0xFFFFFF90] =	vst v7;
	v4 =	vld.idx.msk [tilespmem:v39+s14+$0x0], $0xffff  }
0x2ab: {  	v33 =	vmov v35;
	v35 =	vadd.s32 $0x200, v35;
	v7 =	vld.idx.msk [tilespmem:v8+s14+$0x0], $0xffff;
	[tilespmem:s30+$0x50] =	vst v1  }
0x2ac: {  	v8 =	vadd.s32 $0x180, v56;
	v1 =	vld.idx.msk [tilespmem:v2+s14+$0x0], $0xffff  }
0x2ad: {  	v2 =	vadd.s32 $0x200, v32  }
0x2ae: {  	[tilespmem:s31+$0x40] =	vst v3  }
0x2af: {  	[tilespmem:s0+$0x50] =	vst v4;
	v3 =	vld.idx.msk [tilespmem:v53+s14+$0x0], $0xffff  }
0x2b0: {  	[tilespmem:s13+$0xFFFFFFA0] =	vst v7;
	v4 =	vld.idx.msk [tilespmem:v35+s14+$0x0], $0xffff  }
0x2b1: {  	v62 =	vmov v22;
	v7 =	vld.idx.msk [tilespmem:v8+s14+$0x0], $0xffff;
	[tilespmem:s30+$0x60] =	vst v1  }
0x2b2: {  	v38 =	vadd.s32 $0x200, v62;
	v1 =	vld.idx.msk [tilespmem:v2+s14+$0x0], $0xffff  }
0x2b3: {  	[tilespmem:s28+$0x70] =	vst v59  }
0x2b4: {  	v39 =	vadd.s32 $0x200, v34;
	[tilespmem:s31+$0x50] =	vst v3  }
0x2b5: {  	[tilespmem:s0+$0x60] =	vst v4  }
0x2b6: {  	v8 =	vadd.s32 $0x180, v30;
	[tilespmem:s13+$0xFFFFFFB0] =	vst v7  }
0x2b7: {  	v3 =	vld.idx.msk [tilespmem:v38+s14+$0x0], $0xffff;
	[tilespmem:s30+$0x70] =	vst v1  }
0x2b8: {  	v2 =	vadd.s32 $0x280, v31;
	v35 =	vld [tilespmem:$0x1FEA0]  }
0x2b9: {  	v5 =	vadd.s32 $0x200, v14;
	v4 =	vld.idx.msk [tilespmem:v39+s14+$0x0], $0xffff  }
0x2ba: {  	v53 =	vadd.s32 $0x280, v42  }
0x2bb: {  	v7 =	vld.idx.msk [tilespmem:v8+s14+$0x0], $0xffff  }
0x2bc: {  	v38 =	vld.idx.msk [tilespmem:v60+s14+$0x0], $0xffff;
	v8 =	vadd.s32 $0x180, v49  }
0x2bd: {  	v2 =	vld.idx.msk [tilespmem:v2+s14+$0x0], $0xffff;
	[tilespmem:s31+$0x60] =	vst v3;
	v1 =	vadd.s32 $0x280, v35  }
0x2be: {  	v3 =	vadd.s32 $0x280, v29;
	[tilespmem:s0+$0x70] =	vst v4;
	v4 =	vld.idx.msk [tilespmem:v5+s14+$0x0], $0xffff  }
0x2bf: {  	v60 =	vld.idx.msk [tilespmem:v53+s14+$0x0], $0xffff;
	v53 =	vadd.s32 $0x280, v27  }
0x2c0: {  	v59 =	vadd.s32 $0x280, v43;
	[tilespmem:s13+$0xFFFFFFC0] =	vst v7  }
0x2c1: {  	[tilespmem:s28+$0x80] =	vst v38;
	v8 =	vld.idx.msk [tilespmem:v8+s14+$0x0], $0xffff  }
0x2c2: {  	v38 =	vadd.s32 $0x180, v50;
	[tilespmem:s30+$0x80] =	vst v2;
	v1 =	vld.idx.msk [tilespmem:v1+s14+$0x0], $0xffff  }
0x2c3: {  	v22 =	vmov v9;
	v2 =	vadd.s32 $0x280, v0;
	v3 =	vld.idx.msk [tilespmem:v3+s14+$0x0], $0xffff;
	[tilespmem:s31+$0x70] =	vst v4  }
0x2c4: {  	v4 =	vadd.s32 $0x280, v22;
	[tilespmem:s0+$0x80] =	vst v60;
	v60 =	vld.idx.msk [tilespmem:v53+s14+$0x0], $0xffff  }
0x2c5: {  	v53 =	vld.idx.msk [tilespmem:v59+s14+$0x0], $0xffff;
	v59 =	vadd.s32 $0x280, v37  }
0x2c6: {  	[tilespmem:s13+$0xFFFFFFD0] =	vst v8;
	v8 =	vadd.s32 $0x280, v44  }
0x2c7: {  	v38 =	vld.idx.msk [tilespmem:v38+s14+$0x0], $0xffff;
	[tilespmem:s28+$0x90] =	vst v1  }
0x2c8: {  	[tilespmem:s30+$0x90] =	vst v3;
	v1 =	vadd.s32 $0x180, v51;
	v2 =	vld.idx.msk [tilespmem:v2+s14+$0x0], $0xffff  }
0x2c9: {  	v3 =	vadd.s32 $0x280, v23;
	v4 =	vld.idx.msk [tilespmem:v4+s14+$0x0], $0xffff;
	[tilespmem:s31+$0x80] =	vst v60  }
0x2ca: {  	v5 =	vadd.s32 $0x280, v11;
	[tilespmem:s0+$0x90] =	vst v53;
	v6 =	vld.idx.msk [tilespmem:v59+s14+$0x0], $0xffff  }
0x2cb: {  	v60 =	vld.idx.msk [tilespmem:v8+s14+$0x0], $0xffff;
	v8 =	vadd.s32 $0x280, v48  }
0x2cc: {  	[tilespmem:s13+$0xFFFFFFE0] =	vst v38;
	v53 =	vadd.s32 $0x280, v57  }
0x2cd: {  	v1 =	vld.idx.msk [tilespmem:v1+s14+$0x0], $0xffff;
	[tilespmem:s28+$0xA0] =	vst v2  }
0x2ce: {  	[tilespmem:s30+$0xA0] =	vst v4;
	v2 =	vadd.s32 $0x200, v36;
	v3 =	vld.idx.msk [tilespmem:v3+s14+$0x0], $0xffff  }
0x2cf: {  	v59 =	vadd.s32 $0x280, v21;
	v5 =	vld.idx.msk [tilespmem:v5+s14+$0x0], $0xffff;
	[tilespmem:s31+$0x90] =	vst v6  }
0x2d0: {  	v6 =	vadd.s32 $0x280, v28;
	[tilespmem:s0+$0xA0] =	vst v60;
	v60 =	vld.idx.msk [tilespmem:v8+s14+$0x0], $0xffff  }
0x2d1: {  	v61 =	vmov v10;
	v8 =	vld.idx.msk [tilespmem:v53+s14+$0x0], $0xffff  }
0x2d2: {  	v53 =	vadd.s32 $0x280, v61;
	[tilespmem:s13+$0xFFFFFFF0] =	vst v1  }
0x2d3: {  	v1 =	vadd.s32 $0x280, v47;
	v2 =	vld.idx.msk [tilespmem:v2+s14+$0x0], $0xffff;
	[tilespmem:s28+$0xB0] =	vst v3  }
0x2d4: {  	[tilespmem:s30+$0xB0] =	vst v5;
	v3 =	vadd.s32 $0x200, v41;
	v4 =	vld.idx.msk [tilespmem:v59+s14+$0x0], $0xffff  }
0x2d5: {  	v6 =	vld.idx.msk [tilespmem:v6+s14+$0x0], $0xffff;
	v59 =	vadd.s32 $0x280, v26  }
0x2d6: {  	v7 =	vadd.s32 $0x280, v55;
	[tilespmem:s0+$0xB0] =	vst v8  }
0x2d7: {  	[tilespmem:s31+$0xA0] =	vst v60;
	v8 =	vld.idx.msk [tilespmem:v53+s14+$0x0], $0xffff  }
0x2d8: {  	v58 =	vmov v25;
	v60 =	vadd.s32 $0x280, v40;
	v1 =	vld.idx.msk [tilespmem:v1+s14+$0x0], $0xffff;
	[tilespmem:s13+$0x0] =	vst v2  }
0x2d9: {  	v2 =	vadd.s32 $0x280, v58;
	v3 =	vld.idx.msk [tilespmem:v3+s14+$0x0], $0xffff;
	[tilespmem:s28+$0xC0] =	vst v4  }
0x2da: {  	v53 =	vadd.s32 $0x200, v63;
	[tilespmem:s30+$0xC0] =	vst v6;
	v5 =	vld.idx.msk [tilespmem:v59+s14+$0x0], $0xffff  }
0x2db: {  	v7 =	vld.idx.msk [tilespmem:v7+s14+$0x0], $0xffff;
	v59 =	vadd.s32 $0x280, v24  }
0x2dc: {  	[tilespmem:s0+$0xC0] =	vst v8  }
0x2dd: {  	v8 =	vld.idx.msk [tilespmem:v60+s14+$0x0], $0xffff;
	[tilespmem:s31+$0xB0] =	vst v1;
	v1 =	vadd.s32 $0x280, v19  }
0x2de: {  	v2 =	vld.idx.msk [tilespmem:v2+s14+$0x0], $0xffff;
	[tilespmem:s13+$0x10] =	vst v3  }
0x2df: {  	v3 =	vadd.s32 $0x280, v15;
	v4 =	vld.idx.msk [tilespmem:v53+s14+$0x0], $0xffff;
	[tilespmem:s28+$0xD0] =	vst v5  }
0x2e0: {  	v60 =	vadd.s32 $0x280, v33;
	[tilespmem:s30+$0xD0] =	vst v7;
	v6 =	vld.idx.msk [tilespmem:v59+s14+$0x0], $0xffff  }
0x2e1: {  	v10 =	vmovc v34;
	v34 =	vmov v0;
	v0 =	vmov v19;
	v53 =	vadd.s32 $0x200, v56;
	v19 =	vld [tilespmem:$0x1FFB0]  }
0x2e2: {  	v1 =	vld.idx.msk [tilespmem:v1+s14+$0x0], $0xffff;
	[tilespmem:s0+$0xD0] =	vst v8  }
0x2e3: {  	[tilespmem:s31+$0xC0] =	vst v2  }
0x2e4: {  	[tilespmem:s29+$0x1C0] =	vst v52;
	v2 =	vadd.s32 $0x280, v32;
	v3 =	vld.idx.msk [tilespmem:v3+s14+$0x0], $0xffff  }
0x2e5: {  	v8 =	vld.idx.msk [tilespmem:v60+s14+$0x0], $0xffff;
	[tilespmem:s13+$0x20] =	vst v4;
	v4 =	vadd.s32 $0x280, v62  }
0x2e6: {  	v38 =	vadd.s32 $0x280, v10;
	v5 =	vld.idx.msk [tilespmem:v53+s14+$0x0], $0xffff;
	[tilespmem:s28+$0xE0] =	vst v6  }
0x2e7: {  	v25 =	vmov v26;
	v26 =	vmov v15;
	v7 =	vadd.s32 $0x280, v19;
	v15 =	vld [tilespmem:$0x1FE90];
	[tilespmem:s30+$0xE0] =	vst v1  }
0x2e8: {  	v9 =	vmov v14;
	v6 =	vadd.s32 $0x200, v30;
	v14 =	vld [tilespmem:$0x1FFE0]  }
0x2e9: {  	v2 =	vld.idx.msk [tilespmem:v2+s14+$0x0], $0xffff;
	[tilespmem:s31+$0xD0] =	vst v3  }
0x2ea: {  	[tilespmem:s0+$0xE0] =	vst v8;
	v4 =	vld.idx.msk [tilespmem:v4+s14+$0x0], $0xffff  }
0x2eb: {  	v3 =	vadd.s32 $0x300, v31;
	v8 =	vld.idx.msk [tilespmem:v38+s14+$0x0], $0xffff  }
0x2ec: {  	[tilespmem:s13+$0x30] =	vst v5;
	v5 =	vadd.s32 $0x280, v9;
	v7 =	vld.idx.msk [tilespmem:v7+s14+$0x0], $0xffff  }
0x2ed: {  	v6 =	vld.idx.msk [tilespmem:v6+s14+$0x0], $0xffff;
	v1 =	vadd.s32 $0x300, v14  }
0x2ee: {  	v39 =	vld.idx.msk [tilespmem:v54+s14+$0x0], $0xffff;
	v38 =	vadd.s32 $0x300, v42;
	[tilespmem:s30+$0xF0] =	vst v2  }
0x2ef: {  	v54 =	vadd.s32 $0x300, v13;
	[tilespmem:s31+$0xE0] =	vst v4  }
0x2f0: {  	v60 =	vadd.s32 $0x380, v15;
	v3 =	vld.idx.msk [tilespmem:v3+s14+$0x0], $0xffff;
	[tilespmem:s0+$0xF0] =	vst v8  }
0x2f1: {  	v5 =	vld.idx.msk [tilespmem:v5+s14+$0x0], $0xffff;
	[tilespmem:s28+$0xF0] =	vst v7;
	v7 =	vadd.s32 $0x200, v49  }
0x2f2: {  	[tilespmem:s13+$0x40] =	vst v6;
	v6 =	vadd.s32 $0x300, v27;
	v1 =	vld.idx.msk [tilespmem:v1+s14+$0x0], $0xffff  }
0x2f3: {  	[tilespmem:s26+$0x120] =	vst v39;
	v2 =	vadd.s32 $0x300, v35;
	v8 =	vld.idx.msk [tilespmem:v38+s14+$0x0], $0xffff  }
0x2f4: {  	v53 =	vmov v13;
	v13 =	vadd.s32 $0x300, v43;
	v38 =	vld.idx.msk [tilespmem:v54+s14+$0x0], $0xffff  }
0x2f5: {  	v52 =	vld.idx.msk [tilespmem:v60+s14+$0x0], $0xffff;
	v60 =	vadd.s32 $0x300, v29  }
0x2f6: {  	[tilespmem:s31+$0xF0] =	vst v5;
	v7 =	vld.idx.msk [tilespmem:v7+s14+$0x0], $0xffff  }
0x2f7: {  	v54 =	vadd.s32 $0x380, v18;
	v6 =	vld.idx.msk [tilespmem:v6+s14+$0x0], $0xffff;
	[tilespmem:s28+$0x100] =	vst v1  }
0x2f8: {  	[tilespmem:s0+$0x100] =	vst v8;
	v1 =	vadd.s32 $0x200, v50;
	v2 =	vld.idx.msk [tilespmem:v2+s14+$0x0], $0xffff  }
0x2f9: {  	[tilespmem:s30+$0x100] =	vst v3;
	v3 =	vadd.s32 $0x300, v34;
	v8 =	vld.idx.msk [tilespmem:v13+s14+$0x0], $0xffff  }
0x2fa: {  	[tilespmem:s29+$0x1D0] =	vst v52;
	v4 =	vld.idx.msk [tilespmem:v60+s14+$0x0], $0xffff;
	v52 =	vadd.s32 $0x300, v37  }
0x2fb: {  	v13 =	vadd.s32 $0x300, v44;
	[tilespmem:s13+$0x50] =	vst v7  }
0x2fc: {  	v60 =	vadd.s32 $0x300, v22;
	v39 =	vld.idx.msk [tilespmem:v54+s14+$0x0], $0xffff;
	[tilespmem:s31+$0x100] =	vst v6  }
0x2fd: {  	v54 =	vadd.s32 $0x300, v12;
	v1 =	vld.idx.msk [tilespmem:v1+s14+$0x0], $0xffff;
	[tilespmem:s28+$0x110] =	vst v2  }
0x2fe: {  	[tilespmem:s0+$0x110] =	vst v8;
	v2 =	vadd.s32 $0x200, v51;
	v3 =	vld.idx.msk [tilespmem:v3+s14+$0x0], $0xffff  }
0x2ff: {  	[tilespmem:s30+$0x110] =	vst v4;
	v4 =	vadd.s32 $0x300, v23;
	v7 =	vld.idx.msk [tilespmem:v52+s14+$0x0], $0xffff  }
0x300: {  	[tilespmem:s26+$0x130] =	vst v38;
	v8 =	vld.idx.msk [tilespmem:v13+s14+$0x0], $0xffff  }
0x301: {  	v52 =	vadd.s32 $0x300, v57;
	v5 =	vld.idx.msk [tilespmem:v60+s14+$0x0], $0xffff;
	[tilespmem:s29+$0x1E0] =	vst v39  }
0x302: {  	v60 =	vadd.s32 $0x300, v11;
	v13 =	vld.idx.msk [tilespmem:v54+s14+$0x0], $0xffff;
	[tilespmem:s13+$0x60] =	vst v1  }
0x303: {  	v54 =	vadd.s32 $0x380, v20;
	v2 =	vld.idx.msk [tilespmem:v2+s14+$0x0], $0xffff;
	[tilespmem:s28+$0x120] =	vst v3  }
0x304: {  	[tilespmem:s31+$0x110] =	vst v7;
	v1 =	vadd.s32 $0x300, v48;
	v4 =	vld.idx.msk [tilespmem:v4+s14+$0x0], $0xffff  }
0x305: {  	[tilespmem:s0+$0x120] =	vst v8  }
0x306: {  	[tilespmem:s30+$0x120] =	vst v5;
	v8 =	vld.idx.msk [tilespmem:v52+s14+$0x0], $0xffff;
	v3 =	vadd.s32 $0x280, v36  }
0x307: {  	v5 =	vadd.s32 $0x300, v21;
	[tilespmem:s26+$0x140] =	vst v13;
	v6 =	vld.idx.msk [tilespmem:v60+s14+$0x0], $0xffff  }
0x308: {  	v38 =	vld.idx.msk [tilespmem:v54+s14+$0x0], $0xffff;
	[tilespmem:s13+$0x70] =	vst v2  }
0x309: {  	v60 =	vadd.s32 $0x300, v28;
	v1 =	vld.idx.msk [tilespmem:v1+s14+$0x0], $0xffff;
	[tilespmem:s28+$0x130] =	vst v4  }
0x30a: {  	v45 =	vmov v11;
	v52 =	vadd.s32 $0x300, v61;
	v11 =	vld [tilespmem:$0x1FF00]  }
0x30b: {  	v2 =	vadd.s32 $0x300, v47;
	v3 =	vld.idx.msk [tilespmem:v3+s14+$0x0], $0xffff  }
0x30c: {  	v54 =	vadd.s32 $0x280, v41;
	v5 =	vld.idx.msk [tilespmem:v5+s14+$0x0], $0xffff;
	[tilespmem:s30+$0x130] =	vst v6  }
0x30d: {  	[tilespmem:s0+$0x130] =	vst v8  }
0x30e: {  	v6 =	vadd.s32 $0x300, v25;
	[tilespmem:s29+$0x1F0] =	vst v38;
	v7 =	vld.idx.msk [tilespmem:v60+s14+$0x0], $0xffff  }
0x30f: {  	[tilespmem:s31+$0x120] =	vst v1;
	v8 =	vld.idx.msk [tilespmem:v52+s14+$0x0], $0xffff;
	v13 =	vadd.s32 $0x300, v11  }
0x310: {  	v2 =	vld.idx.msk [tilespmem:v2+s14+$0x0], $0xffff;
	[tilespmem:s13+$0x80] =	vst v3  }
0x311: {  	v4 =	vld.idx.msk [tilespmem:v54+s14+$0x0], $0xffff;
	[tilespmem:s28+$0x140] =	vst v5  }
0x312: {  	v52 =	vld [tilespmem:$0x1FF30]  }
0x313: {  	v1 =	vadd.s32 $0x300, v55;
	v6 =	vld.idx.msk [tilespmem:v6+s14+$0x0], $0xffff  }
0x314: {  	v38 =	vadd.s32 $0x300, v40;
	[tilespmem:s30+$0x140] =	vst v7;
	v39 =	vld.idx.msk [tilespmem:v13+s14+$0x0], $0xffff  }
0x315: {  	[tilespmem:s0+$0x140] =	vst v8  }
0x316: {  	v3 =	vadd.s32 $0x300, v58;
	[tilespmem:s31+$0x130] =	vst v2  }
0x317: {  	[tilespmem:s13+$0x90] =	vst v4  }
0x318: {  	v60 =	vadd.s32 $0x280, v63;
	v1 =	vld.idx.msk [tilespmem:v1+s14+$0x0], $0xffff;
	[tilespmem:s28+$0x150] =	vst v6  }
0x319: {  	v8 =	vld.idx.msk [tilespmem:v38+s14+$0x0], $0xffff;
	v13 =	vadd.s32 $0x300, v52;
	[tilespmem:s26+$0x150] =	vst v39  }
0x31a: {  	v7 =	vadd.s32 $0x300, v24;
	v38 =	vld [tilespmem:$0x1FF60]  }
0x31b: {  	v2 =	vadd.s32 $0x300, v0;
	v3 =	vld.idx.msk [tilespmem:v3+s14+$0x0], $0xffff  }
0x31c: {  	v4 =	vadd.s32 $0x300, v26  }
0x31d: {  	v54 =	vadd.s32 $0x300, v33;
	v5 =	vld.idx.msk [tilespmem:v60+s14+$0x0], $0xffff  }
0x31e: {  	v59 =	vmov v10;
	v60 =	vadd.s32 $0x280, v56;
	v10 =	vld.idx.msk [tilespmem:v13+s14+$0x0], $0xffff  }
0x31f: {  	v7 =	vld.idx.msk [tilespmem:v7+s14+$0x0], $0xffff;
	[tilespmem:s30+$0x150] =	vst v1;
	v13 =	vadd.s32 $0x300, v38  }
0x320: {  	v1 =	vadd.s32 $0x300, v19;
	[tilespmem:s31+$0x140] =	vst v3;
	v2 =	vld.idx.msk [tilespmem:v2+s14+$0x0], $0xffff  }
0x321: {  	[tilespmem:s0+$0x150] =	vst v8;
	v4 =	vld.idx.msk [tilespmem:v4+s14+$0x0], $0xffff  }
0x322: {  	[tilespmem:s13+$0xA0] =	vst v5;
	v8 =	vld.idx.msk [tilespmem:v54+s14+$0x0], $0xffff  }
0x323: {  	v6 =	vld.idx.msk [tilespmem:v60+s14+$0x0], $0xffff;
	[tilespmem:s26+$0x160] =	vst v10  }
0x324: {  	v3 =	vadd.s32 $0x300, v32;
	[tilespmem:s28+$0x160] =	vst v7;
	v10 =	vld.idx.msk [tilespmem:v13+s14+$0x0], $0xffff  }
0x325: {  	v1 =	vld.idx.msk [tilespmem:v1+s14+$0x0], $0xffff;
	[tilespmem:s30+$0x160] =	vst v2;
	v13 =	vadd.s32 $0x380, v17  }
0x326: {  	[tilespmem:s31+$0x150] =	vst v4  }
0x327: {  	v39 =	vadd.s32 $0x300, v62;
	[tilespmem:s0+$0x160] =	vst v8  }
0x328: {  	v54 =	vadd.s32 $0x280, v30;
	[tilespmem:s13+$0xB0] =	vst v6  }
0x329: {  	v2 =	vadd.s32 $0x380, v14;
	v3 =	vld.idx.msk [tilespmem:v3+s14+$0x0], $0xffff;
	[tilespmem:s26+$0x170] =	vst v10  }
0x32a: {  	[tilespmem:s28+$0x170] =	vst v1;
	v10 =	vld.idx.msk [tilespmem:v13+s14+$0x0], $0xffff  }
0x32b: {  	v15 =	vmov v9;
	v9 =	vadd.s32 $0x300, v59;
	v13 =	vld [tilespmem:$0x1FFA0]  }
0x32c: {  	v60 =	vadd.s32 $0x380, v31;
	v5 =	vld.idx.msk [tilespmem:v39+s14+$0x0], $0xffff  }
0x32d: {  	v39 =	vadd.s32 $0x300, v15;
	v7 =	vld.idx.msk [tilespmem:v54+s14+$0x0], $0xffff  }
0x32e: {  	v1 =	vadd.s32 $0x280, v49;
	v2 =	vld.idx.msk [tilespmem:v2+s14+$0x0], $0xffff  }
0x32f: {  	[tilespmem:s30+$0x170] =	vst v3;
	v3 =	vadd.s32 $0x380, v35  }
0x330: {  	v8 =	vld.idx.msk [tilespmem:v9+s14+$0x0], $0xffff;
	v13 =	vadd.s32 $0x380, v13  }
0x331: {  	[tilespmem:s31+$0x160] =	vst v5;
	v4 =	vld.idx.msk [tilespmem:v60+s14+$0x0], $0xffff  }
0x332: {  	v54 =	vadd.s32 $0x380, v29;
	[tilespmem:s13+$0xC0] =	vst v7;
	v6 =	vld.idx.msk [tilespmem:v39+s14+$0x0], $0xffff  }
0x333: {  	[tilespmem:s28+$0x180] =	vst v2;
	v60 =	vadd.s32 $0x380, v27;
	v1 =	vld.idx.msk [tilespmem:v1+s14+$0x0], $0xffff  }
0x334: {  	v2 =	vadd.s32 $0x280, v50;
	[tilespmem:s26+$0x180] =	vst v10;
	v3 =	vld.idx.msk [tilespmem:v3+s14+$0x0], $0xffff  }
0x335: {  	[tilespmem:s0+$0x170] =	vst v8;
	v10 =	vld.idx.msk [tilespmem:v13+s14+$0x0], $0xffff  }
0x336: {  	v34 =	vadd.s32 $0x380, v34;
	v13 =	vld [tilespmem:$0x1FFD0];
	[tilespmem:s30+$0x180] =	vst v4  }
0x337: {  	v9 =	vadd.s32 $0x380, v42;
	[tilespmem:s31+$0x170] =	vst v6;
	v5 =	vld.idx.msk [tilespmem:v54+s14+$0x0], $0xffff  }
0x338: {  	v35 =	vadd.s32 $0x380, v22;
	[tilespmem:s13+$0xD0] =	vst v1;
	v7 =	vld.idx.msk [tilespmem:v60+s14+$0x0], $0xffff  }
0x339: {  	v1 =	vadd.s32 $0x380, v37;
	v2 =	vld.idx.msk [tilespmem:v2+s14+$0x0], $0xffff  }
0x33a: {  	[tilespmem:s28+$0x190] =	vst v3;
	v3 =	vadd.s32 $0x280, v51  }
0x33b: {  	v4 =	vld.idx.msk [tilespmem:v34+s14+$0x0], $0xffff  }
0x33c: {  	v8 =	vld.idx.msk [tilespmem:v9+s14+$0x0], $0xffff;
	v39 =	vadd.s32 $0x380, v23;
	[tilespmem:s30+$0x190] =	vst v5  }
0x33d: {  	v9 =	vadd.s32 $0x380, v43;
	[tilespmem:s31+$0x180] =	vst v7;
	v6 =	vld.idx.msk [tilespmem:v35+s14+$0x0], $0xffff  }
0x33e: {  	v42 =	vadd.s32 $0x380, v45;
	[tilespmem:s13+$0xE0] =	vst v2;
	v1 =	vld.idx.msk [tilespmem:v1+s14+$0x0], $0xffff  }
0x33f: {  	v2 =	vadd.s32 $0x380, v48;
	v3 =	vld.idx.msk [tilespmem:v3+s14+$0x0], $0xffff  }
0x340: {  	v43 =	vadd.s32 $0x300, v36;
	[tilespmem:s28+$0x1A0] =	vst v4  }
0x341: {  	[tilespmem:s0+$0x180] =	vst v8;
	v5 =	vld.idx.msk [tilespmem:v39+s14+$0x0], $0xffff  }
0x342: {  	v8 =	vld.idx.msk [tilespmem:v9+s14+$0x0], $0xffff;
	v9 =	vadd.s32 $0x380, v44;
	v44 =	vadd.s32 $0x380, v21;
	[tilespmem:s30+$0x1A0] =	vst v6  }
0x343: {  	[tilespmem:s31+$0x190] =	vst v1;
	v7 =	vld.idx.msk [tilespmem:v42+s14+$0x0], $0xffff  }
0x344: {  	v1 =	vadd.s32 $0x380, v28;
	[tilespmem:s13+$0xF0] =	vst v3;
	v2 =	vld.idx.msk [tilespmem:v2+s14+$0x0], $0xffff  }
0x345: {  	v4 =	vld.idx.msk [tilespmem:v43+s14+$0x0], $0xffff  }
0x346: {  	v45 =	vadd.s32 $0x300, v41;
	[tilespmem:s28+$0x1B0] =	vst v5  }
0x347: {  	v13 =	vadd.s32 $0x380, v13;
	v6 =	vld.idx.msk [tilespmem:v44+s14+$0x0], $0xffff  }
0x348: {  	v3 =	vadd.s32 $0x380, v47;
	v47 =	vadd.s32 $0x380, v25;
	[tilespmem:s30+$0x1B0] =	vst v7  }
0x349: {  	[tilespmem:s31+$0x1A0] =	vst v2;
	v1 =	vld.idx.msk [tilespmem:v1+s14+$0x0], $0xffff  }
0x34a: {  	v2 =	vadd.s32 $0x380, v55;
	[tilespmem:s13+$0x100] =	vst v4  }
0x34b: {  	[tilespmem:s26+$0x190] =	vst v10;
	v5 =	vld.idx.msk [tilespmem:v45+s14+$0x0], $0xffff  }
0x34c: {  	v10 =	vld.idx.msk [tilespmem:v13+s14+$0x0], $0xffff;
	v13 =	vadd.s32 $0x380, v53;
	v53 =	vadd.s32 $0x300, v63;
	[tilespmem:s28+$0x1C0] =	vst v6  }
0x34d: {  	v7 =	vld.idx.msk [tilespmem:v47+s14+$0x0], $0xffff  }
0x34e: {  	[tilespmem:s30+$0x1C0] =	vst v1;
	v1 =	vadd.s32 $0x380, v24  }
0x34f: {  	v2 =	vld.idx.msk [tilespmem:v2+s14+$0x0], $0xffff  }
0x350: {  	[tilespmem:s13+$0x110] =	vst v5  }
0x351: {  	v6 =	vld.idx.msk [tilespmem:v53+s14+$0x0], $0xffff  }
0x352: {  	v55 =	vadd.s32 $0x300, v56;
	[tilespmem:s28+$0x1D0] =	vst v7  }
0x353: {  	v1 =	vld.idx.msk [tilespmem:v1+s14+$0x0], $0xffff  }
0x354: {  	[tilespmem:s30+$0x1D0] =	vst v2;
	v2 =	vadd.s32 $0x380, v19;
	_ =	sdelay $0x1  }
0x355: {  	[tilespmem:s13+$0x120] =	vst v6  }
0x356: {  	v7 =	vld.idx.msk [tilespmem:v55+s14+$0x0], $0xffff  }
0x357: {  	[tilespmem:s28+$0x1E0] =	vst v1;
	v1 =	vadd.s32 $0x300, v30  }
0x358: {  	v2 =	vld.idx.msk [tilespmem:v2+s14+$0x0], $0xffff;
	_ =	sdelay $0x2  }
0x359: {  	[tilespmem:s13+$0x130] =	vst v7  }
0x35a: {  	v1 =	vld.idx.msk [tilespmem:v1+s14+$0x0], $0xffff  }
0x35b: {  	[tilespmem:s28+$0x1F0] =	vst v2;
	v2 =	vadd.s32 $0x300, v49;
	_ =	sdelay $0x3  }
0x35c: {  	[tilespmem:s13+$0x140] =	vst v1  }
0x35d: {  	v1 =	vld.idx.msk [tilespmem:v2+s14+$0x0], $0xffff  }
0x35e: {  	v2 =	vadd.s32 $0x300, v50;
	_ =	sdelay $0x3  }
0x35f: {  	[tilespmem:s13+$0x150] =	vst v1  }
0x360: {  	v1 =	vld.idx.msk [tilespmem:v2+s14+$0x0], $0xffff  }
0x361: {  	v2 =	vadd.s32 $0x300, v51;
	_ =	sdelay $0x3  }
0x362: {  	[tilespmem:s13+$0x160] =	vst v1  }
0x363: {  	v1 =	vld.idx.msk [tilespmem:v2+s14+$0x0], $0xffff  }
0x364: {  	v2 =	vadd.s32 $0x380, v36;
	_ =	sdelay $0x3  }
0x365: {  	[tilespmem:s13+$0x170] =	vst v1  }
0x366: {  	v1 =	vld.idx.msk [tilespmem:v2+s14+$0x0], $0xffff  }
0x367: {  	v2 =	vadd.s32 $0x380, v41;
	_ =	sdelay $0x3  }
0x368: {  	[tilespmem:s13+$0x180] =	vst v1  }
0x369: {  	v1 =	vld.idx.msk [tilespmem:v2+s14+$0x0], $0xffff  }
0x36a: {  	[tilespmem:s0+$0x190] =	vst v8;
	v2 =	vadd.s32 $0x380, v63  }
0x36b: {  	v8 =	vld.idx.msk [tilespmem:v9+s14+$0x0], $0xffff  }
0x36c: {  	v9 =	vadd.s32 $0x380, v57;
	_ =	sdelay $0x1  }
0x36d: {  	[tilespmem:s13+$0x190] =	vst v1  }
0x36e: {  	v1 =	vld.idx.msk [tilespmem:v2+s14+$0x0], $0xffff  }
0x36f: {  	[tilespmem:s0+$0x1A0] =	vst v8;
	v2 =	vadd.s32 $0x380, v56  }
0x370: {  	v8 =	vld.idx.msk [tilespmem:v9+s14+$0x0], $0xffff;
	[tilespmem:s26+$0x1A0] =	vst v10  }
0x371: {  	v9 =	vadd.s32 $0x380, v61;
	v10 =	vld.idx.msk [tilespmem:v13+s14+$0x0], $0xffff  }
0x372: {  	v13 =	vadd.s32 $0x380, v12  }
0x373: {  	v3 =	vld.idx.msk [tilespmem:v3+s14+$0x0], $0xffff;
	[tilespmem:s13+$0x1A0] =	vst v1  }
0x374: {  	v48 =	vadd.s32 $0x380, v58;
	v1 =	vld.idx.msk [tilespmem:v2+s14+$0x0], $0xffff  }
0x375: {  	[tilespmem:s0+$0x1B0] =	vst v8;
	v2 =	vadd.s32 $0x380, v30  }
0x376: {  	v8 =	vld.idx.msk [tilespmem:v9+s14+$0x0], $0xffff;
	[tilespmem:s26+$0x1B0] =	vst v10  }
0x377: {  	v9 =	vadd.s32 $0x380, v40;
	v10 =	vld.idx.msk [tilespmem:v13+s14+$0x0], $0xffff  }
0x378: {  	v13 =	vadd.s32 $0x380, v11;
	[tilespmem:s31+$0x1B0] =	vst v3  }
0x379: {  	v3 =	vadd.s32 $0x380, v0;
	v4 =	vld.idx.msk [tilespmem:v48+s14+$0x0], $0xffff;
	[tilespmem:s13+$0x1B0] =	vst v1  }
0x37a: {  	v54 =	vadd.s32 $0x380, v26;
	v1 =	vld.idx.msk [tilespmem:v2+s14+$0x0], $0xffff  }
0x37b: {  	[tilespmem:s0+$0x1C0] =	vst v8;
	v2 =	vadd.s32 $0x380, v49  }
0x37c: {  	v8 =	vld.idx.msk [tilespmem:v9+s14+$0x0], $0xffff;
	[tilespmem:s26+$0x1C0] =	vst v10  }
0x37d: {  	v9 =	vadd.s32 $0x380, v33;
	v10 =	vld.idx.msk [tilespmem:v13+s14+$0x0], $0xffff  }
0x37e: {  	v13 =	vadd.s32 $0x380, v52;
	[tilespmem:s31+$0x1C0] =	vst v4;
	v3 =	vld.idx.msk [tilespmem:v3+s14+$0x0], $0xffff  }
0x37f: {  	v57 =	vadd.s32 $0x380, v32;
	v5 =	vld.idx.msk [tilespmem:v54+s14+$0x0], $0xffff;
	[tilespmem:s13+$0x1C0] =	vst v1  }
0x380: {  	v58 =	vadd.s32 $0x380, v62;
	v1 =	vld.idx.msk [tilespmem:v2+s14+$0x0], $0xffff  }
0x381: {  	[tilespmem:s0+$0x1D0] =	vst v8;
	v2 =	vadd.s32 $0x380, v50  }
0x382: {  	v8 =	vld.idx.msk [tilespmem:v9+s14+$0x0], $0xffff;
	[tilespmem:s26+$0x1D0] =	vst v10  }
0x383: {  	v10 =	vld.idx.msk [tilespmem:v13+s14+$0x0], $0xffff;
	[tilespmem:s30+$0x1E0] =	vst v3  }
0x384: {  	v12 =	vadd.s32 $0x380, v38;
	[tilespmem:s31+$0x1D0] =	vst v5;
	v3 =	vld.idx.msk [tilespmem:v57+s14+$0x0], $0xffff  }
0x385: {  	v9 =	vadd.s32 $0x380, v59;
	v60 =	vld.idx.msk [tilespmem:v58+s14+$0x0], $0xffff;
	[tilespmem:s13+$0x1D0] =	vst v1  }
0x386: {  	v62 =	vadd.s32 $0x380, v15;
	v1 =	vld.idx.msk [tilespmem:v2+s14+$0x0], $0xffff  }
0x387: {  	[tilespmem:s0+$0x1E0] =	vst v8;
	v2 =	vadd.s32 $0x380, v51  }
0x388: {  	[tilespmem:s26+$0x1E0] =	vst v10  }
0x389: {  	v10 =	vld.idx.msk [tilespmem:v12+s14+$0x0], $0xffff;
	[tilespmem:s30+$0x1F0] =	vst v3  }
0x38a: {  	v61 =	vld.idx.msk [tilespmem:v9+s14+$0x0], $0xffff;
	[tilespmem:s31+$0x1E0] =	vst v60  }
0x38b: {  	v3 =	vld.idx.msk [tilespmem:v62+s14+$0x0], $0xffff;
	[tilespmem:s13+$0x1E0] =	vst v1  }
0x38c: {  	v1 =	vld.idx.msk [tilespmem:v2+s14+$0x0], $0xffff;
	_ =	sdelay $0x1  }
0x38d: {  	[tilespmem:s26+$0x1F0] =	vst v10;
	s26 =	sshll.u32 s24, $0x12  }
0x38e: {  	[tilespmem:s0+$0x1F0] =	vst v61;
	s0 =	sor.u32 s26, s11  }
0x38f: {  	s26 =	sor.u32 s7, s0;
	[tilespmem:s31+$0x1F0] =	vst v3  }
0x390: {  	s2 =	smin.u32 s25, $0xC5;
	s0 =	sadd.s32 s3, s26;
	[tilespmem:s13+$0x1F0] =	vst v1  }
0x391: {  	[hbm4b:s0+s4] =	stream.linear.scatter [tilespmem:s18], [sflag:$0x3], $0x8000, $0x38;
	[tilespmem:$0x14000] =	vst v63  }
0x392: {  	s0 =	sshll.u32 s2, $0xE  }
0x393: {  	s0 =	sadd.s32 s9, s0  }
0x394: {  	s0 =	sshrl.u32 s0, $0x3  }
0x395: {  	s0 =	sadd.s32 s5, s0  }
0x396: {  	[tilespmem:s4], [sflag:$0x1] =	stream.linear.gather [hbm4b:s0+s4], $0x1000, $0x38;
	[tilespmem:$0x14000] =	vst v63  }
0x397: {  	_ =	swait.ge [sflag:s19], $0x1000  }
0x398: {  	[sflag:s19] =	ssyncset.done $0x0  }
0x399: {  	s0 =	simm.s32 @!p0 $0x4;
	[sflag:s19] =	ssyncadd.s32 $0xFFFFF000  }
0x39a: {  	_ =	swait.ge @!p0 [sflag:s0], $0x8000  }
0x39b: {  	[sflag:s0] =	ssyncset.done @!p0 $0x0  }
0x39c: {  	s8 =	simm.s32 $0x0;
	[sflag:s0] =	ssyncadd.s32 @!p0 $0xFFFF8000  }
0x39d: {  	v1 =	vld [tilespmem:s8+$0x1000];
	_ =	sdelay $0x4  }
0x39e: {  	v2 =	vadd.s32 v46, v1  }
0x39f: {  	v3 =	vld [tilespmem:s8+$0x1010];
	_ =	sdelay $0x2  }
0x3a0: {  	v63 =	vld [tilespmem:s8+$0x1030]  }
0x3a1: {  	v37 =	vld.idx.msk [tilespmem:v2+s14+$0x0], $0xffff  }
0x3a2: {  	v36 =	vld [tilespmem:s8+$0x1040];
	v8 =	vadd.s32 v46, v3  }
0x3a3: {  	v9 =	vld [tilespmem:s8+$0x1020]  }
0x3a4: {  	v38 =	vld [tilespmem:s8+$0x1050]  }
0x3a5: {  	s30 =	simm.s32 $0xA200;
	v10 =	vld [tilespmem:s8+$0x1060]  }
0x3a6: {  	v11 =	vld [tilespmem:s8+$0x1070];
	[tilespmem:s30+$0xFFFFFE00] =	vst v37  }
0x3a7: {  	v6 =	vld.idx.msk [tilespmem:v8+s14+$0x0], $0xffff  }
0x3a8: {  	v12 =	vadd.s32 v46, v9;
	_ =	sdelay $0x3  }
0x3a9: {  	[tilespmem:s30+$0xFFFFFE10] =	vst v6  }
0x3aa: {  	v6 =	vld.idx.msk [tilespmem:v12+s14+$0x0], $0xffff  }
0x3ab: {  	v13 =	vadd.s32 v46, v63;
	_ =	sdelay $0x3  }
0x3ac: {  	[tilespmem:s30+$0xFFFFFE20] =	vst v6  }
0x3ad: {  	v6 =	vld.idx.msk [tilespmem:v13+s14+$0x0], $0xffff  }
0x3ae: {  	v14 =	vadd.s32 v46, v36;
	_ =	sdelay $0x3  }
0x3af: {  	[tilespmem:s30+$0xFFFFFE30] =	vst v6  }
0x3b0: {  	v6 =	vld.idx.msk [tilespmem:v14+s14+$0x0], $0xffff  }
0x3b1: {  	v15 =	vadd.s32 v46, v38;
	_ =	sdelay $0x3  }
0x3b2: {  	[tilespmem:s30+$0xFFFFFE40] =	vst v6  }
0x3b3: {  	v6 =	vld.idx.msk [tilespmem:v15+s14+$0x0], $0xffff  }
0x3b4: {  	v16 =	vadd.s32 v46, v10;
	_ =	sdelay $0x3  }
0x3b5: {  	[tilespmem:s30+$0xFFFFFE50] =	vst v6  }
0x3b6: {  	v6 =	vld.idx.msk [tilespmem:v16+s14+$0x0], $0xffff  }
0x3b7: {  	v17 =	vadd.s32 v46, v11;
	_ =	sdelay $0x3  }
0x3b8: {  	v1 =	vand.u32 $0x7, v1;
	v2 =	vand.u32 $0xFFFFFFF8, v2;
	[tilespmem:s30+$0xFFFFFE60] =	vst v6  }
0x3b9: {  	v45 =	vor.u32 v1, v2;
	v6 =	vld.idx.msk [tilespmem:v17+s14+$0x0], $0xffff  }
0x3ba: {  	v1 =	vadd.s32 $0x80, v45;
	_ =	sdelay $0x3  }
0x3bb: {  	v3 =	vand.u32 $0x7, v3;
	v2 =	vand.u32 $0xFFFFFFF8, v8;
	[tilespmem:s30+$0xFFFFFE70] =	vst v6  }
0x3bc: {  	v33 =	vor.u32 v3, v2;
	v1 =	vld.idx.msk [tilespmem:v1+s14+$0x0], $0xffff  }
0x3bd: {  	v2 =	vadd.s32 $0x80, v33;
	_ =	sdelay $0x1  }
0x3be: {  	s13 =	simm.s32 $0x80  }
0x3bf: {  	v3 =	vld [tilespmem:s13+$0x1000]  }
0x3c0: {  	v40 =	vand.u32 $0x7, v9;
	[tilespmem:s30+$0xFFFFFE80] =	vst v1;
	v1 =	vand.u32 $0xFFFFFFF8, v12  }
0x3c1: {  	v2 =	vld.idx.msk [tilespmem:v2+s14+$0x0], $0xffff;
	v40 =	vor.u32 v40, v1  }
0x3c2: {  	v1 =	vadd.s32 $0x80, v40;
	_ =	sdelay $0x1  }
0x3c3: {  	v41 =	vadd.s32 v46, v3  }
0x3c4: {  	v18 =	vld [tilespmem:s13+$0x1010]  }
0x3c5: {  	v19 =	vld [tilespmem:s13+$0x1040];
	v4 =	vand.u32 $0x7, v63;
	[tilespmem:s30+$0xFFFFFE90] =	vst v2;
	v2 =	vand.u32 $0xFFFFFFF8, v13  }
0x3c6: {  	v8 =	vld.idx.msk [tilespmem:v1+s14+$0x0], $0xffff;
	v35 =	vor.u32 v4, v2  }
0x3c7: {  	v20 =	vld [tilespmem:s13+$0x1050];
	v4 =	vadd.s32 $0x80, v35  }
0x3c8: {  	v9 =	vld.idx.msk [tilespmem:v41+s14+$0x0], $0xffff  }
0x3c9: {  	v22 =	vld [tilespmem:s13+$0x1020];
	v21 =	vadd.s32 v46, v18  }
0x3ca: {  	v12 =	vld [tilespmem:s13+$0x1030]  }
0x3cb: {  	v5 =	vand.u32 $0x7, v36;
	v2 =	vld [tilespmem:s13+$0x1060];
	[tilespmem:s30+$0xFFFFFEA0] =	vst v8;
	v8 =	vand.u32 $0xFFFFFFF8, v14  }
0x3cc: {  	s28 =	simm.s32 $0xA600;
	v4 =	vld.idx.msk [tilespmem:v4+s14+$0x0], $0xffff;
	v0 =	vor.u32 v5, v8  }
0x3cd: {  	v1 =	vld [tilespmem:s13+$0x1070];
	[tilespmem:s28+$0xFFFFFE00] =	vst v9;
	v5 =	vadd.s32 $0x80, v0  }
0x3ce: {  	v8 =	vld.idx.msk [tilespmem:v21+s14+$0x0], $0xffff  }
0x3cf: {  	v14 =	vadd.s32 v46, v22;
	_ =	sdelay $0x1  }
0x3d0: {  	v7 =	vand.u32 $0x7, v38;
	v47 =	vand.u32 $0xFFFFFFF8, v15;
	[tilespmem:s30+$0xFFFFFEB0] =	vst v4  }
0x3d1: {  	v62 =	vor.u32 v7, v47;
	v5 =	vld.idx.msk [tilespmem:v5+s14+$0x0], $0xffff  }
0x3d2: {  	[tilespmem:s28+$0xFFFFFE10] =	vst v8;
	v4 =	vadd.s32 $0x80, v62  }
0x3d3: {  	v48 =	vld.idx.msk [tilespmem:v14+s14+$0x0], $0xffff  }
0x3d4: {  	v23 =	vadd.s32 v46, v12;
	_ =	sdelay $0x1  }
0x3d5: {  	v49 =	vand.u32 $0xFFFFFFF8, v16;
	v8 =	vand.u32 $0x7, v10;
	[tilespmem:s30+$0xFFFFFEC0] =	vst v5  }
0x3d6: {  	v10 =	vor.u32 v8, v49;
	v4 =	vld.idx.msk [tilespmem:v4+s14+$0x0], $0xffff  }
0x3d7: {  	[tilespmem:s28+$0xFFFFFE20] =	vst v48;
	v5 =	vadd.s32 $0x80, v10  }
0x3d8: {  	v7 =	vld.idx.msk [tilespmem:v23+s14+$0x0], $0xffff  }
0x3d9: {  	v24 =	vadd.s32 v46, v19;
	_ =	sdelay $0x1  }
0x3da: {  	v50 =	vand.u32 $0xFFFFFFF8, v17;
	v8 =	vand.u32 $0x7, v11;
	[tilespmem:s30+$0xFFFFFED0] =	vst v4  }
0x3db: {  	v44 =	vor.u32 v8, v50;
	v5 =	vld.idx.msk [tilespmem:v5+s14+$0x0], $0xffff  }
0x3dc: {  	[tilespmem:s28+$0xFFFFFE30] =	vst v7;
	v4 =	vadd.s32 $0x80, v44  }
0x3dd: {  	v7 =	vld.idx.msk [tilespmem:v24+s14+$0x0], $0xffff  }
0x3de: {  	v17 =	vadd.s32 v46, v20;
	_ =	sdelay $0x1  }
0x3df: {  	[tilespmem:s30+$0xFFFFFEE0] =	vst v5  }
0x3e0: {  	v4 =	vld.idx.msk [tilespmem:v4+s14+$0x0], $0xffff  }
0x3e1: {  	v51 =	vadd.s32 $0x100, v45;
	[tilespmem:s28+$0xFFFFFE40] =	vst v7  }
0x3e2: {  	v7 =	vld.idx.msk [tilespmem:v17+s14+$0x0], $0xffff  }
0x3e3: {  	v25 =	vadd.s32 v46, v2;
	_ =	sdelay $0x1  }
0x3e4: {  	[tilespmem:s30+$0xFFFFFEF0] =	vst v4  }
0x3e5: {  	v4 =	vld.idx.msk [tilespmem:v51+s14+$0x0], $0xffff  }
0x3e6: {  	v52 =	vadd.s32 $0x100, v33;
	[tilespmem:s28+$0xFFFFFE50] =	vst v7  }
0x3e7: {  	v7 =	vld.idx.msk [tilespmem:v25+s14+$0x0], $0xffff  }
0x3e8: {  	v26 =	vadd.s32 v46, v1;
	_ =	sdelay $0x1  }
0x3e9: {  	[tilespmem:s30+$0xFFFFFF00] =	vst v4  }
0x3ea: {  	v4 =	vld.idx.msk [tilespmem:v52+s14+$0x0], $0xffff  }
0x3eb: {  	v3 =	vand.u32 $0x7, v3;
	v53 =	vand.u32 $0xFFFFFFF8, v41;
	v54 =	vadd.s32 $0x100, v40;
	[tilespmem:s28+$0xFFFFFE60] =	vst v7  }
0x3ec: {  	v39 =	vor.u32 v3, v53;
	v7 =	vld.idx.msk [tilespmem:v26+s14+$0x0], $0xffff  }
0x3ed: {  	v3 =	vadd.s32 $0x80, v39;
	_ =	sdelay $0x1  }
0x3ee: {  	[tilespmem:s30+$0xFFFFFF10] =	vst v4  }
0x3ef: {  	v4 =	vld.idx.msk [tilespmem:v54+s14+$0x0], $0xffff  }
0x3f0: {  	v56 =	vand.u32 $0x7, v18;
	v55 =	vand.u32 $0xFFFFFFF8, v21;
	v11 =	vadd.s32 $0x100, v35;
	[tilespmem:s28+$0xFFFFFE70] =	vst v7  }
0x3f1: {  	v53 =	vor.u32 v56, v55;
	v3 =	vld.idx.msk [tilespmem:v3+s14+$0x0], $0xffff  }
0x3f2: {  	v5 =	vadd.s32 $0x80, v53  }
0x3f3: {  	s1 =	simm.s32 $0x100  }
0x3f4: {  	v18 =	vld [tilespmem:s1+$0x1000];
	[tilespmem:s30+$0xFFFFFF20] =	vst v4  }
0x3f5: {  	v4 =	vld.idx.msk [tilespmem:v11+s14+$0x0], $0xffff  }
0x3f6: {  	v57 =	vand.u32 $0x7, v22;
	[tilespmem:s28+$0xFFFFFE80] =	vst v3;
	v3 =	vand.u32 $0xFFFFFFF8, v14;
	v11 =	vadd.s32 $0x100, v0  }
0x3f7: {  	v13 =	vmov v0;
	v5 =	vld.idx.msk [tilespmem:v5+s14+$0x0], $0xffff;
	v0 =	vor.u32 v57, v3  }
0x3f8: {  	v29 =	vld [tilespmem:s1+$0x1020];
	v3 =	vadd.s32 $0x80, v0  }
0x3f9: {  	v15 =	vld [tilespmem:s1+$0x1030];
	v22 =	vadd.s32 v46, v18  }
0x3fa: {  	v21 =	vld [tilespmem:s1+$0x1010];
	[tilespmem:s30+$0xFFFFFF30] =	vst v4  }
0x3fb: {  	v4 =	vld.idx.msk [tilespmem:v11+s14+$0x0], $0xffff  }
0x3fc: {  	v16 =	vld [tilespmem:s1+$0x1040];
	v58 =	vand.u32 $0xFFFFFFF8, v23;
	v23 =	vadd.s32 $0x100, v62;
	[tilespmem:s28+$0xFFFFFE90] =	vst v5;
	v11 =	vand.u32 $0x7, v12  }
0x3fd: {  	v3 =	vld.idx.msk [tilespmem:v3+s14+$0x0], $0xffff;
	v7 =	vor.u32 v11, v58  }
0x3fe: {  	v28 =	vld.idx.msk [tilespmem:v22+s14+$0x0], $0xffff;
	v27 =	vadd.s32 $0x80, v7  }
0x3ff: {  	v30 =	vadd.s32 v46, v21;
	v14 =	vld [tilespmem:s1+$0x1050]  }
0x400: {  	v12 =	vld [tilespmem:s1+$0x1060];
	[tilespmem:s30+$0xFFFFFF40] =	vst v4  }
0x401: {  	v23 =	vld.idx.msk [tilespmem:v23+s14+$0x0], $0xffff  }
0x402: {  	s29 =	simm.s32 $0xAA00;
	v59 =	vand.u32 $0x7, v19;
	v19 =	vadd.s32 $0x100, v10;
	v11 =	vld [tilespmem:s1+$0x1070];
	[tilespmem:s28+$0xFFFFFEA0] =	vst v3;
	v3 =	vand.u32 $0xFFFFFFF8, v24  }
0x403: {  	[tilespmem:s29+$0xFFFFFE00] =	vst v28;
	v36 =	vor.u32 v59, v3;
	v24 =	vld.idx.msk [tilespmem:v27+s14+$0x0], $0xffff  }
0x404: {  	v3 =	vadd.s32 $0x80, v36;
	v27 =	vld.idx.msk [tilespmem:v30+s14+$0x0], $0xffff  }
0x405: {  	v28 =	vadd.s32 v46, v29  }
0x406: {  	[tilespmem:s30+$0xFFFFFF50] =	vst v23  }
0x407: {  	v19 =	vld.idx.msk [tilespmem:v19+s14+$0x0], $0xffff  }
0x408: {  	v20 =	vand.u32 $0x7, v20;
	v17 =	vand.u32 $0xFFFFFFF8, v17;
	v23 =	vadd.s32 $0x100, v44;
	[tilespmem:s28+$0xFFFFFEB0] =	vst v24  }
0x409: {  	v42 =	vor.u32 v20, v17;
	[tilespmem:s29+$0xFFFFFE10] =	vst v27;
	v24 =	vld.idx.msk [tilespmem:v3+s14+$0x0], $0xffff  }
0x40a: {  	v17 =	vadd.s32 $0x80, v42;
	v20 =	vld.idx.msk [tilespmem:v28+s14+$0x0], $0xffff  }
0x40b: {  	v31 =	vadd.s32 v46, v15  }
0x40c: {  	[tilespmem:s30+$0xFFFFFF60] =	vst v19  }
0x40d: {  	v19 =	vld.idx.msk [tilespmem:v23+s14+$0x0], $0xffff  }
0x40e: {  	v2 =	vand.u32 $0x7, v2;
	[tilespmem:s28+$0xFFFFFEC0] =	vst v24;
	v23 =	vand.u32 $0xFFFFFFF8, v25;
	v24 =	vadd.s32 $0x180, v45  }
0x40f: {  	[tilespmem:s29+$0xFFFFFE20] =	vst v20;
	v17 =	vld.idx.msk [tilespmem:v17+s14+$0x0], $0xffff;
	v9 =	vor.u32 v2, v23  }
0x410: {  	v20 =	vld.idx.msk [tilespmem:v31+s14+$0x0], $0xffff;
	v2 =	vadd.s32 $0x80, v9  }
0x411: {  	v60 =	vadd.s32 v46, v16  }
0x412: {  	[tilespmem:s30+$0xFFFFFF70] =	vst v19  }
0x413: {  	v19 =	vld.idx.msk [tilespmem:v24+s14+$0x0], $0xffff  }
0x414: {  	v1 =	vand.u32 $0x7, v1;
	v23 =	vadd.s32 $0x180, v33;
	[tilespmem:s28+$0xFFFFFED0] =	vst v17;
	v17 =	vand.u32 $0xFFFFFFF8, v26  }
0x415: {  	[tilespmem:s29+$0xFFFFFE30] =	vst v20;
	v2 =	vld.idx.msk [tilespmem:v2+s14+$0x0], $0xffff;
	v50 =	vor.u32 v1, v17  }
0x416: {  	v17 =	vld.idx.msk [tilespmem:v60+s14+$0x0], $0xffff;
	v1 =	vadd.s32 $0x80, v50  }
0x417: {  	v63 =	vadd.s32 v46, v14  }
0x418: {  	[tilespmem:s30+$0xFFFFFF80] =	vst v19  }
0x419: {  	v19 =	vld.idx.msk [tilespmem:v23+s14+$0x0], $0xffff  }
0x41a: {  	[tilespmem:s28+$0xFFFFFEE0] =	vst v2;
	v2 =	vadd.s32 $0x180, v40  }
0x41b: {  	[tilespmem:s29+$0xFFFFFE40] =	vst v17;
	v1 =	vld.idx.msk [tilespmem:v1+s14+$0x0], $0xffff  }
0x41c: {  	v17 =	vadd.s32 $0x100, v39;
	v20 =	vld.idx.msk [tilespmem:v63+s14+$0x0], $0xffff  }
0x41d: {  	v54 =	vadd.s32 v46, v12  }
0x41e: {  	[tilespmem:s30+$0xFFFFFF90] =	vst v19  }
0x41f: {  	v2 =	vld.idx.msk [tilespmem:v2+s14+$0x0], $0xffff  }
0x420: {  	[tilespmem:s28+$0xFFFFFEF0] =	vst v1;
	v1 =	vadd.s32 $0x180, v35  }
0x421: {  	[tilespmem:s29+$0xFFFFFE50] =	vst v20;
	v17 =	vld.idx.msk [tilespmem:v17+s14+$0x0], $0xffff  }
0x422: {  	v19 =	vadd.s32 $0x100, v53;
	v20 =	vld.idx.msk [tilespmem:v54+s14+$0x0], $0xffff  }
0x423: {  	v55 =	vmov v35;
	v35 =	vadd.s32 v46, v11  }
0x424: {  	[tilespmem:s30+$0xFFFFFFA0] =	vst v2  }
0x425: {  	v1 =	vld.idx.msk [tilespmem:v1+s14+$0x0], $0xffff  }
0x426: {  	v2 =	vadd.s32 $0x180, v13;
	[tilespmem:s28+$0xFFFFFF00] =	vst v17  }
0x427: {  	v18 =	vand.u32 $0x7, v18;
	[tilespmem:s29+$0xFFFFFE60] =	vst v20;
	v17 =	vld.idx.msk [tilespmem:v19+s14+$0x0], $0xffff;
	v19 =	vand.u32 $0xFFFFFFF8, v22  }
0x428: {  	v20 =	vadd.s32 $0x100, v0;
	v22 =	vld.idx.msk [tilespmem:v35+s14+$0x0], $0xffff;
	v43 =	vor.u32 v18, v19  }
0x429: {  	v18 =	vadd.s32 $0x80, v43  }
0x42a: {  	[tilespmem:s30+$0xFFFFFFB0] =	vst v1  }
0x42b: {  	v1 =	vld.idx.msk [tilespmem:v2+s14+$0x0], $0xffff  }
0x42c: {  	[tilespmem:s28+$0xFFFFFF10] =	vst v17;
	v2 =	vadd.s32 $0x180, v62  }
0x42d: {  	v21 =	vand.u32 $0x7, v21;
	[tilespmem:s29+$0xFFFFFE70] =	vst v22;
	v17 =	vld.idx.msk [tilespmem:v20+s14+$0x0], $0xffff;
	v20 =	vand.u32 $0xFFFFFFF8, v30  }
0x42e: {  	v22 =	vadd.s32 $0x100, v7;
	v23 =	vld.idx.msk [tilespmem:v18+s14+$0x0], $0xffff;
	v18 =	vor.u32 v21, v20  }
0x42f: {  	s2 =	simm.s32 $0x180;
	v20 =	vadd.s32 $0x80, v18  }
0x430: {  	v27 =	vld [tilespmem:s2+$0x1000];
	[tilespmem:s30+$0xFFFFFFC0] =	vst v1  }
0x431: {  	v1 =	vld.idx.msk [tilespmem:v2+s14+$0x0], $0xffff  }
0x432: {  	v24 =	vld [tilespmem:s2+$0x1040];
	[tilespmem:s28+$0xFFFFFF20] =	vst v17;
	v2 =	vadd.s32 $0x180, v10  }
0x433: {  	v17 =	vand.u32 $0xFFFFFFF8, v28;
	v25 =	vld.idx.msk [tilespmem:v22+s14+$0x0], $0xffff;
	[tilespmem:s29+$0xFFFFFE80] =	vst v23;
	v22 =	vand.u32 $0x7, v29  }
0x434: {  	v26 =	vadd.s32 $0x100, v36;
	v20 =	vld.idx.msk [tilespmem:v20+s14+$0x0], $0xffff;
	v17 =	vor.u32 v22, v17  }
0x435: {  	v21 =	vld [tilespmem:s2+$0x1030];
	v28 =	vadd.s32 $0x80, v17  }
0x436: {  	v23 =	vld [tilespmem:s2+$0x1010];
	[tilespmem:s30+$0xFFFFFFD0] =	vst v1  }
0x437: {  	v1 =	vld.idx.msk [tilespmem:v2+s14+$0x0], $0xffff;
	v2 =	vadd.s32 v46, v27  }
0x438: {  	v22 =	vld [tilespmem:s2+$0x1050];
	[tilespmem:s28+$0xFFFFFF30] =	vst v25  }
0x439: {  	v15 =	vand.u32 $0x7, v15;
	v29 =	vadd.s32 $0x180, v44;
	v26 =	vld.idx.msk [tilespmem:v26+s14+$0x0], $0xffff;
	[tilespmem:s29+$0xFFFFFE90] =	vst v20;
	v20 =	vand.u32 $0xFFFFFFF8, v31  }
0x43a: {  	v30 =	vadd.s32 $0x100, v42;
	v28 =	vld.idx.msk [tilespmem:v28+s14+$0x0], $0xffff;
	v15 =	vor.u32 v15, v20  }
0x43b: {  	v25 =	vld [tilespmem:s2+$0x1060];
	v56 =	vadd.s32 $0x80, v15  }
0x43c: {  	v31 =	vld.idx.msk [tilespmem:v2+s14+$0x0], $0xffff  }
0x43d: {  	v20 =	vld [tilespmem:s2+$0x1020];
	[tilespmem:s30+$0xFFFFFFE0] =	vst v1  }
0x43e: {  	v1 =	vld.idx.msk [tilespmem:v29+s14+$0x0], $0xffff;
	v29 =	vadd.s32 v46, v23;
	[tilespmem:s28+$0xFFFFFF40] =	vst v26  }
0x43f: {  	v16 =	vand.u32 $0x7, v16;
	v57 =	vadd.s32 $0x200, v45;
	v30 =	vld.idx.msk [tilespmem:v30+s14+$0x0], $0xffff;
	[tilespmem:s29+$0xFFFFFEA0] =	vst v28;
	v28 =	vand.u32 $0xFFFFFFF8, v60  }
0x440: {  	s31 =	simm.s32 $0xAE00;
	v3 =	vmovc v0;
	v58 =	vadd.s32 $0x100, v9;
	v0 =	vmov v9;
	v37 =	vld.idx.msk [tilespmem:v56+s14+$0x0], $0xffff;
	v9 =	vor.u32 v16, v28  }
0x441: {  	v26 =	vld [tilespmem:s2+$0x1070];
	[tilespmem:s31+$0xFFFFFE00] =	vst v31;
	v31 =	vadd.s32 $0x80, v9;
	_ =	sdelay $0x1  }
0x442: {  	v28 =	vld.idx.msk [tilespmem:v29+s14+$0x0], $0xffff;
	[tilespmem:s30+$0xFFFFFFF0] =	vst v1  }
0x443: {  	v61 =	vmov v33;
	v38 =	vadd.s32 v46, v20;
	v1 =	vld.idx.msk [tilespmem:v57+s14+$0x0], $0xffff;
	[tilespmem:s28+$0xFFFFFF50] =	vst v30  }
0x444: {  	v14 =	vand.u32 $0x7, v14;
	v33 =	vand.u32 $0xFFFFFFF8, v63;
	v30 =	vadd.s32 $0x200, v61;
	v32 =	vld.idx.msk [tilespmem:v58+s14+$0x0], $0xffff;
	[tilespmem:s29+$0xFFFFFEB0] =	vst v37  }
0x445: {  	v59 =	vadd.s32 $0x100, v50;
	v19 =	vor.u32 v14, v33;
	v31 =	vld.idx.msk [tilespmem:v31+s14+$0x0], $0xffff  }
0x446: {  	v33 =	vadd.s32 $0x80, v19  }
0x447: {  	[tilespmem:s31+$0xFFFFFE10] =	vst v28  }
0x448: {  	v28 =	vld.idx.msk [tilespmem:v38+s14+$0x0], $0xffff;
	[tilespmem:s30+$0x0] =	vst v1  }
0x449: {  	v1 =	vld.idx.msk [tilespmem:v30+s14+$0x0], $0xffff;
	v30 =	vadd.s32 v46, v21;
	[tilespmem:s28+$0xFFFFFF60] =	vst v32  }
0x44a: {  	v51 =	vmovc v61;
	v12 =	vand.u32 $0x7, v12;
	v61 =	vadd.s32 $0x200, v40;
	v37 =	vld.idx.msk [tilespmem:v59+s14+$0x0], $0xffff;
	[tilespmem:s29+$0xFFFFFEC0] =	vst v31;
	v31 =	vand.u32 $0xFFFFFFF8, v54  }
0x44b: {  	v6 =	vadd.s32 $0x180, v39;
	v4 =	vmov v13;
	v33 =	vld.idx.msk [tilespmem:v33+s14+$0x0], $0xffff;
	v13 =	vor.u32 v12, v31  }
0x44c: {  	v31 =	vadd.s32 $0x80, v13  }
0x44d: {  	[tilespmem:s31+$0xFFFFFE20] =	vst v28  }
0x44e: {  	v28 =	vld.idx.msk [tilespmem:v30+s14+$0x0], $0xffff;
	[tilespmem:s30+$0x10] =	vst v1  }
0x44f: {  	v41 =	vadd.s32 v46, v24;
	v1 =	vld.idx.msk [tilespmem:v61+s14+$0x0], $0xffff;
	[tilespmem:s28+$0xFFFFFF70] =	vst v37  }
0x450: {  	v11 =	vand.u32 $0x7, v11;
	v47 =	vand.u32 $0xFFFFFFF8, v35;
	v16 =	vmovc v40;
	v40 =	vadd.s32 $0x200, v55;
	v34 =	vld.idx.msk [tilespmem:v6+s14+$0x0], $0xffff;
	[tilespmem:s29+$0xFFFFFED0] =	vst v33  }
0x451: {  	v48 =	vadd.s32 $0x180, v53;
	v54 =	vor.u32 v11, v47;
	v31 =	vld.idx.msk [tilespmem:v31+s14+$0x0], $0xffff  }
0x452: {  	v33 =	vadd.s32 $0x80, v54  }
0x453: {  	[tilespmem:s31+$0xFFFFFE30] =	vst v28  }
0x454: {  	v28 =	vld.idx.msk [tilespmem:v41+s14+$0x0], $0xffff;
	[tilespmem:s30+$0x20] =	vst v1  }
0x455: {  	v37 =	vadd.s32 v46, v22;
	v1 =	vld.idx.msk [tilespmem:v40+s14+$0x0], $0xffff;
	[tilespmem:s28+$0xFFFFFF80] =	vst v34  }
0x456: {  	v49 =	vadd.s32 $0x200, v4;
	v34 =	vld.idx.msk [tilespmem:v48+s14+$0x0], $0xffff;
	[tilespmem:s29+$0xFFFFFEE0] =	vst v31  }
0x457: {  	v31 =	vadd.s32 $0x180, v3;
	v33 =	vld.idx.msk [tilespmem:v33+s14+$0x0], $0xffff  }
0x458: {  	v52 =	vmov v55;
	v55 =	vadd.s32 $0x100, v43  }
0x459: {  	[tilespmem:s31+$0xFFFFFE40] =	vst v28  }
0x45a: {  	v28 =	vld.idx.msk [tilespmem:v37+s14+$0x0], $0xffff;
	[tilespmem:s30+$0x30] =	vst v1  }
0x45b: {  	v14 =	vmov v39;
	v39 =	vadd.s32 v46, v25;
	v1 =	vld.idx.msk [tilespmem:v49+s14+$0x0], $0xffff;
	[tilespmem:s28+$0xFFFFFF90] =	vst v34  }
0x45c: {  	v56 =	vadd.s32 $0x200, v62;
	v31 =	vld.idx.msk [tilespmem:v31+s14+$0x0], $0xffff;
	[tilespmem:s29+$0xFFFFFEF0] =	vst v33  }
0x45d: {  	v57 =	vadd.s32 $0x180, v7;
	v58 =	vld.idx.msk [tilespmem:v55+s14+$0x0], $0xffff  }
0x45e: {  	v59 =	vadd.s32 $0x100, v18  }
0x45f: {  	[tilespmem:s31+$0xFFFFFE50] =	vst v28  }
0x460: {  	v28 =	vld.idx.msk [tilespmem:v39+s14+$0x0], $0xffff;
	[tilespmem:s30+$0x40] =	vst v1  }
0x461: {  	v40 =	vadd.s32 v46, v26;
	v1 =	vld.idx.msk [tilespmem:v56+s14+$0x0], $0xffff;
	[tilespmem:s28+$0xFFFFFFA0] =	vst v31  }
0x462: {  	v60 =	vadd.s32 $0x200, v10;
	v33 =	vld.idx.msk [tilespmem:v57+s14+$0x0], $0xffff;
	[tilespmem:s29+$0xFFFFFF00] =	vst v58  }
0x463: {  	s8 =	simm.s32 $0x200;
	v61 =	vadd.s32 $0x180, v36;
	v35 =	vld.idx.msk [tilespmem:v59+s14+$0x0], $0xffff  }
0x464: {  	v32 =	vld [tilespmem:s8+$0x1040];
	v48 =	vadd.s32 $0x100, v17  }
0x465: {  	v27 =	vand.u32 $0x7, v27;
	v2 =	vand.u32 $0xFFFFFFF8, v2;
	v55 =	vld [tilespmem:s8+$0x1050];
	[tilespmem:s31+$0xFFFFFE60] =	vst v28  }
0x466: {  	v6 =	vor.u32 v27, v2;
	v28 =	vld.idx.msk [tilespmem:v40+s14+$0x0], $0xffff;
	[tilespmem:s30+$0x50] =	vst v1  }
0x467: {  	v2 =	vadd.s32 $0x80, v6;
	v1 =	vld.idx.msk [tilespmem:v60+s14+$0x0], $0xffff;
	[tilespmem:s28+$0xFFFFFFB0] =	vst v33  }
0x468: {  	v34 =	vld.idx.msk [tilespmem:v61+s14+$0x0], $0xffff;
	[tilespmem:s29+$0xFFFFFF10] =	vst v35  }
0x469: {  	v11 =	vmov v43;
	v49 =	vadd.s32 $0x200, v44;
	v43 =	vld.idx.msk [tilespmem:v48+s14+$0x0], $0xffff  }
0x46a: {  	v31 =	vld [tilespmem:s8+$0x1030];
	v57 =	vadd.s32 $0x180, v42  }
0x46b: {  	v35 =	vld [tilespmem:s8+$0x1060];
	[tilespmem:s31+$0xFFFFFE70] =	vst v28  }
0x46c: {  	v23 =	vand.u32 $0x7, v23;
	v28 =	vand.u32 $0xFFFFFFF8, v29;
	v2 =	vld.idx.msk [tilespmem:v2+s14+$0x0], $0xffff;
	[tilespmem:s30+$0x60] =	vst v1  }
0x46d: {  	v8 =	vor.u32 v23, v28;
	v28 =	vld [tilespmem:s8+$0x1000];
	[tilespmem:s28+$0xFFFFFFC0] =	vst v34  }
0x46e: {  	v29 =	vadd.s32 $0x100, v15;
	v1 =	vld.idx.msk [tilespmem:v49+s14+$0x0], $0xffff;
	[tilespmem:s29+$0xFFFFFF20] =	vst v43  }
0x46f: {  	v58 =	vadd.s32 $0x80, v8;
	v47 =	vld.idx.msk [tilespmem:v57+s14+$0x0], $0xffff;
	[tilespmem:$0x1FDB0] =	vst v0  }
0x470: {  	v59 =	vadd.s32 $0x280, v45;
	v60 =	vadd.s32 $0x180, v0;
	v23 =	vmov v0;
	v0 =	vld [tilespmem:s8+$0x1070];
	_ =	sdelay $0x2  }
0x471: {  	v61 =	vld.idx.msk [tilespmem:v29+s14+$0x0], $0xffff;
	[tilespmem:s31+$0xFFFFFE80] =	vst v2  }
0x472: {  	v2 =	vand.u32 $0xFFFFFFF8, v38;
	v38 =	vld.idx.msk [tilespmem:v58+s14+$0x0], $0xffff;
	[tilespmem:s30+$0x70] =	vst v1  }
0x473: {  	v49 =	vadd.s32 $0x100, v9;
	v1 =	vld.idx.msk [tilespmem:v59+s14+$0x0], $0xffff;
	[tilespmem:$0x1FDA0] =	vst v0  }
0x474: {  	v63 =	vmov v46;
	v20 =	vand.u32 $0x7, v20;
	[tilespmem:s28+$0xFFFFFFD0] =	vst v47  }
0x475: {  	v46 =	vadd.s32 v63, v28;
	v27 =	vor.u32 v20, v2;
	[tilespmem:$0x1FDC0] =	vst v51  }
0x476: {  	v2 =	vadd.s32 $0x80, v27;
	v43 =	vld.idx.msk [tilespmem:v60+s14+$0x0], $0xffff;
	[tilespmem:s29+$0xFFFFFF30] =	vst v61  }
0x477: {  	v5 =	vadd.s32 $0x280, v51;
	v29 =	vld [tilespmem:s8+$0x1010];
	[tilespmem:$0x1FDE0] =	vst v50  }
0x478: {  	v33 =	vadd.s32 $0x180, v50;
	v60 =	vmov v50;
	v50 =	vld.idx.msk [tilespmem:v49+s14+$0x0], $0xffff  }
0x479: {  	[tilespmem:s31+$0xFFFFFE90] =	vst v38  }
0x47a: {  	v21 =	vand.u32 $0x7, v21;
	v30 =	vand.u32 $0xFFFFFFF8, v30;
	v34 =	vadd.s32 $0x100, v19;
	v59 =	vmovc v51;
	[tilespmem:s30+$0x80] =	vst v1;
	v51 =	vld.idx.msk [tilespmem:v46+s14+$0x0], $0xffff  }
0x47b: {  	v21 =	vor.u32 v21, v30;
	v2 =	vld.idx.msk [tilespmem:v2+s14+$0x0], $0xffff;
	[tilespmem:s28+$0xFFFFFFE0] =	vst v43  }
0x47c: {  	v57 =	vadd.s32 $0x80, v21;
	v1 =	vld.idx.msk [tilespmem:v5+s14+$0x0], $0xffff;
	[tilespmem:$0x1FDF0] =	vst v16  }
0x47d: {  	v48 =	vld.idx.msk [tilespmem:v33+s14+$0x0], $0xffff;
	[tilespmem:s29+$0xFFFFFF40] =	vst v50  }
0x47e: {  	v58 =	vadd.s32 $0x280, v16;
	v30 =	vld [tilespmem:s8+$0x1020];
	[tilespmem:$0x1FE10] =	vst v14  }
0x47f: {  	v49 =	vadd.s32 v63, v29;
	v38 =	vld.idx.msk [tilespmem:v34+s14+$0x0], $0xffff  }
0x480: {  	v24 =	vand.u32 $0x7, v24;
	v56 =	vadd.s32 $0x200, v14;
	[tilespmem:s31+$0xFFFFFEA0] =	vst v2;
	v2 =	vand.u32 $0xFFFFFFF8, v41  }
0x481: {  	s0 =	simm.s32 $0xB200;
	v33 =	vmov v13;
	[tilespmem:s30+$0x90] =	vst v1;
	v41 =	vld.idx.msk [tilespmem:v57+s14+$0x0], $0xffff;
	v57 =	vadd.s32 $0x100, v13;
	v13 =	vor.u32 v24, v2  }
0x482: {  	[tilespmem:s0+$0xFFFFFE00] =	vst v51;
	v2 =	vadd.s32 $0x80, v13  }
0x483: {  	v1 =	vld.idx.msk [tilespmem:v58+s14+$0x0], $0xffff;
	[tilespmem:s28+$0xFFFFFFF0] =	vst v48  }
0x484: {  	v43 =	vld.idx.msk [tilespmem:v49+s14+$0x0], $0xffff;
	[tilespmem:s29+$0xFFFFFF50] =	vst v38  }
0x485: {  	v58 =	vadd.s32 $0x280, v52;
	v50 =	vld.idx.msk [tilespmem:v56+s14+$0x0], $0xffff;
	[tilespmem:$0x1FE30] =	vst v53  }
0x486: {  	v34 =	vmov v52;
	v52 =	vadd.s32 v63, v30;
	v47 =	vld.idx.msk [tilespmem:v57+s14+$0x0], $0xffff;
	[tilespmem:s31+$0xFFFFFEB0] =	vst v41  }
0x487: {  	v56 =	vadd.s32 $0x200, v53;
	v2 =	vld.idx.msk [tilespmem:v2+s14+$0x0], $0xffff;
	[tilespmem:$0x1FE40] =	vst v54  }
0x488: {  	v22 =	vand.u32 $0x7, v22;
	v37 =	vand.u32 $0xFFFFFFF8, v37;
	[tilespmem:s30+$0xA0] =	vst v1  }
0x489: {  	v24 =	vor.u32 v22, v37;
	v57 =	vadd.s32 $0x100, v54;
	[tilespmem:s0+$0xFFFFFE10] =	vst v43  }
0x48a: {  	v37 =	vadd.s32 $0x80, v24;
	[tilespmem:s28+$0x0] =	vst v50;
	v1 =	vld.idx.msk [tilespmem:v58+s14+$0x0], $0xffff  }
0x48b: {  	v43 =	vld.idx.msk [tilespmem:v52+s14+$0x0], $0xffff;
	[tilespmem:$0x1FE50] =	vst v4  }
0x48c: {  	s13 =	simm.s32 $0x280;
	v12 =	vmov v3;
	v58 =	vadd.s32 $0x280, v4;
	v50 =	vld.idx.msk [tilespmem:v56+s14+$0x0], $0xffff;
	[tilespmem:s29+$0xFFFFFF60] =	vst v47  }
0x48d: {  	v5 =	vmov v16;
	v16 =	vmov v4;
	v51 =	vadd.s32 v63, v31;
	v4 =	vld [tilespmem:s13+$0x1030];
	[tilespmem:$0x1FE70] =	vst v12  }
0x48e: {  	v56 =	vadd.s32 $0x200, v12;
	v41 =	vld.idx.msk [tilespmem:v57+s14+$0x0], $0xffff;
	[tilespmem:s31+$0xFFFFFEC0] =	vst v2  }
0x48f: {  	v25 =	vand.u32 $0x7, v25;
	v2 =	vand.u32 $0xFFFFFFF8, v39;
	v37 =	vld.idx.msk [tilespmem:v37+s14+$0x0], $0xffff;
	[tilespmem:$0x1FE80] =	vst v11  }
0x490: {  	v57 =	vadd.s32 $0x180, v11;
	v39 =	vmov v11;
	v11 =	vor.u32 v25, v2;
	[tilespmem:s30+$0xB0] =	vst v1;
	v25 =	vld [tilespmem:s13+$0x1040]  }
0x491: {  	[tilespmem:s0+$0xFFFFFE20] =	vst v43;
	v2 =	vadd.s32 $0x80, v11;
	v1 =	vld.idx.msk [tilespmem:v58+s14+$0x0], $0xffff  }
0x492: {  	v48 =	vadd.s32 $0x280, v62;
	[tilespmem:s28+$0x10] =	vst v50;
	v43 =	vld.idx.msk [tilespmem:v51+s14+$0x0], $0xffff  }
0x493: {  	v47 =	vadd.s32 v63, v32;
	v50 =	vld.idx.msk [tilespmem:v56+s14+$0x0], $0xffff  }
0x494: {  	v38 =	vld [tilespmem:s13+$0x1050];
	[tilespmem:s29+$0xFFFFFF70] =	vst v41;
	v41 =	vadd.s32 $0x200, v7  }
0x495: {  	v26 =	vand.u32 $0x7, v26;
	v20 =	vmov v53;
	v58 =	vand.u32 $0xFFFFFFF8, v40;
	v53 =	vld.idx.msk [tilespmem:v57+s14+$0x0], $0xffff;
	[tilespmem:s31+$0xFFFFFED0] =	vst v37  }
0x496: {  	v22 =	vor.u32 v26, v58;
	v57 =	vadd.s32 $0x180, v18;
	v2 =	vld.idx.msk [tilespmem:v2+s14+$0x0], $0xffff;
	[tilespmem:s30+$0xC0] =	vst v1  }
0x497: {  	v37 =	vadd.s32 $0x80, v22;
	[tilespmem:s0+$0xFFFFFE30] =	vst v43;
	v1 =	vld.idx.msk [tilespmem:v48+s14+$0x0], $0xffff  }
0x498: {  	v58 =	vadd.s32 $0x280, v10;
	[tilespmem:s28+$0x20] =	vst v50;
	v43 =	vld.idx.msk [tilespmem:v47+s14+$0x0], $0xffff  }
0x499: {  	v48 =	vadd.s32 v63, v55;
	v41 =	vld.idx.msk [tilespmem:v41+s14+$0x0], $0xffff  }
0x49a: {  	v61 =	vmov v14;
	v14 =	vld [tilespmem:s13+$0x1070];
	[tilespmem:s29+$0xFFFFFF80] =	vst v53;
	v53 =	vadd.s32 $0x200, v36  }
0x49b: {  	v26 =	vmov v55;
	v55 =	vld.idx.msk [tilespmem:v57+s14+$0x0], $0xffff;
	[tilespmem:s31+$0xFFFFFEE0] =	vst v2  }
0x49c: {  	v2 =	vld.idx.msk [tilespmem:v37+s14+$0x0], $0xffff;
	v37 =	vadd.s32 $0x180, v17;
	[tilespmem:s30+$0xD0] =	vst v1  }
0x49d: {  	[tilespmem:s0+$0xFFFFFE40] =	vst v43;
	v43 =	vadd.s32 $0x100, v6;
	v1 =	vld.idx.msk [tilespmem:v58+s14+$0x0], $0xffff  }
0x49e: {  	v40 =	vmov v4;
	v4 =	vadd.s32 $0x280, v44;
	v50 =	vld.idx.msk [tilespmem:v48+s14+$0x0], $0xffff;
	[tilespmem:s28+$0x30] =	vst v41  }
0x49f: {  	v3 =	vmov v54;
	v54 =	vadd.s32 v63, v35;
	v53 =	vld.idx.msk [tilespmem:v53+s14+$0x0], $0xffff  }
0x4a0: {  	v41 =	vld [tilespmem:s13+$0x1060];
	[tilespmem:s29+$0xFFFFFF90] =	vst v55;
	v55 =	vadd.s32 $0x200, v42  }
0x4a1: {  	v37 =	vld.idx.msk [tilespmem:v37+s14+$0x0], $0xffff;
	[tilespmem:s31+$0xFFFFFEF0] =	vst v2  }
0x4a2: {  	v57 =	vadd.s32 $0x180, v15;
	v2 =	vld.idx.msk [tilespmem:v43+s14+$0x0], $0xffff;
	[tilespmem:s30+$0xE0] =	vst v1  }
0x4a3: {  	[tilespmem:s0+$0xFFFFFE50] =	vst v50;
	v50 =	vadd.s32 $0x100, v8;
	v1 =	vld.idx.msk [tilespmem:v4+s14+$0x0], $0xffff  }
0x4a4: {  	v43 =	vadd.s32 $0x300, v45;
	v4 =	vld.idx.msk [tilespmem:v54+s14+$0x0], $0xffff;
	[tilespmem:s28+$0x40] =	vst v53  }
0x4a5: {  	v53 =	vadd.s32 v63, v0;
	v55 =	vld.idx.msk [tilespmem:v55+s14+$0x0], $0xffff  }
0x4a6: {  	v0 =	vld [tilespmem:s13+$0x1010];
	[tilespmem:s29+$0xFFFFFFA0] =	vst v37;
	v37 =	vadd.s32 $0x200, v23  }
0x4a7: {  	v57 =	vld.idx.msk [tilespmem:v57+s14+$0x0], $0xffff;
	[tilespmem:s31+$0xFFFFFF00] =	vst v2  }
0x4a8: {  	v2 =	vld.idx.msk [tilespmem:v50+s14+$0x0], $0xffff;
	v50 =	vadd.s32 $0x180, v9;
	[tilespmem:s30+$0xF0] =	vst v1  }
0x4a9: {  	v28 =	vand.u32 $0x7, v28;
	v46 =	vand.u32 $0xFFFFFFF8, v46;
	[tilespmem:s0+$0xFFFFFE60] =	vst v4;
	v4 =	vadd.s32 $0x100, v27;
	v1 =	vld.idx.msk [tilespmem:v43+s14+$0x0], $0xffff  }
0x4aa: {  	v23 =	vor.u32 v28, v46;
	v58 =	vld.idx.msk [tilespmem:v53+s14+$0x0], $0xffff;
	[tilespmem:s28+$0x50] =	vst v55;
	v43 =	vadd.s32 $0x300, v59  }
0x4ab: {  	v59 =	vadd.s32 $0x80, v23;
	v37 =	vld.idx.msk [tilespmem:v37+s14+$0x0], $0xffff  }
0x4ac: {  	v46 =	vld [tilespmem:s13+$0x1020];
	[tilespmem:s29+$0xFFFFFFB0] =	vst v57;
	v57 =	vadd.s32 $0x200, v60  }
0x4ad: {  	v60 =	vld.idx.msk [tilespmem:v50+s14+$0x0], $0xffff;
	[tilespmem:s31+$0xFFFFFF10] =	vst v2  }
0x4ae: {  	v2 =	vld.idx.msk [tilespmem:v4+s14+$0x0], $0xffff;
	v4 =	vadd.s32 $0x180, v19;
	[tilespmem:s30+$0x100] =	vst v1  }
0x4af: {  	v29 =	vand.u32 $0x7, v29;
	v49 =	vand.u32 $0xFFFFFFF8, v49;
	[tilespmem:s0+$0xFFFFFE70] =	vst v58;
	v1 =	vld.idx.msk [tilespmem:v43+s14+$0x0], $0xffff;
	v43 =	vadd.s32 $0x100, v21  }
0x4b0: {  	v29 =	vor.u32 v29, v49;
	v58 =	vld.idx.msk [tilespmem:v59+s14+$0x0], $0xffff;
	[tilespmem:s28+$0x60] =	vst v37;
	v37 =	vadd.s32 $0x300, v5  }
0x4b1: {  	v49 =	vld.idx.msk [tilespmem:v57+s14+$0x0], $0xffff;
	v57 =	vadd.s32 $0x80, v29  }
0x4b2: {  	v50 =	vld [tilespmem:s13+$0x1000];
	[tilespmem:s29+$0xFFFFFFC0] =	vst v60;
	v60 =	vadd.s32 $0x280, v61  }
0x4b3: {  	v56 =	vld.idx.msk [tilespmem:v4+s14+$0x0], $0xffff;
	[tilespmem:s31+$0xFFFFFF20] =	vst v2  }
0x4b4: {  	v2 =	vld.idx.msk [tilespmem:v43+s14+$0x0], $0xffff;
	v43 =	vadd.s32 $0x180, v33;
	[tilespmem:s30+$0x110] =	vst v1  }
0x4b5: {  	v30 =	vand.u32 $0x7, v30;
	v61 =	vand.u32 $0xFFFFFFF8, v52;
	v4 =	vadd.s32 $0x100, v13;
	[tilespmem:s0+$0xFFFFFE80] =	vst v58;
	v1 =	vld.idx.msk [tilespmem:v37+s14+$0x0], $0xffff  }
0x4b6: {  	v5 =	vmov v33;
	v30 =	vor.u32 v30, v61;
	v33 =	vadd.s32 $0x300, v34;
	v57 =	vld.idx.msk [tilespmem:v57+s14+$0x0], $0xffff;
	[tilespmem:s28+$0x70] =	vst v49  }
0x4b7: {  	v49 =	vmov v34;
	v34 =	vadd.s32 $0x80, v30;
	v59 =	vld.idx.msk [tilespmem:v60+s14+$0x0], $0xffff;
	[tilespmem:$0x1FE60] =	vst v0  }
0x4b8: {  	v61 =	vadd.s32 $0x280, v20;
	[tilespmem:s29+$0xFFFFFFD0] =	vst v56  }
0x4b9: {  	v55 =	vld.idx.msk [tilespmem:v43+s14+$0x0], $0xffff;
	[tilespmem:s31+$0xFFFFFF30] =	vst v2  }
0x4ba: {  	v52 =	vadd.s32 v63, v50;
	v2 =	vld.idx.msk [tilespmem:v4+s14+$0x0], $0xffff;
	[tilespmem:s30+$0x120] =	vst v1  }
0x4bb: {  	v43 =	vadd.s32 $0x180, v3;
	[tilespmem:s0+$0xFFFFFE90] =	vst v57;
	v1 =	vld.idx.msk [tilespmem:v33+s14+$0x0], $0xffff  }
0x4bc: {  	v31 =	vand.u32 $0x7, v31;
	v4 =	vand.u32 $0xFFFFFFF8, v51;
	v33 =	vadd.s32 $0x100, v24;
	v57 =	vld.idx.msk [tilespmem:v34+s14+$0x0], $0xffff;
	[tilespmem:s28+$0x80] =	vst v59  }
0x4bd: {  	v4 =	vor.u32 v31, v4;
	v34 =	vadd.s32 $0x300, v16;
	v56 =	vld.idx.msk [tilespmem:v61+s14+$0x0], $0xffff  }
0x4be: {  	v37 =	vadd.s32 $0x80, v4;
	[tilespmem:s29+$0xFFFFFFE0] =	vst v55  }
0x4bf: {  	v61 =	vld.idx.msk [tilespmem:v52+s14+$0x0], $0xffff;
	v55 =	vadd.s32 $0x280, v12;
	[tilespmem:s31+$0xFFFFFF40] =	vst v2  }
0x4c0: {  	v58 =	vld.idx.msk [tilespmem:v43+s14+$0x0], $0xffff;
	v43 =	vadd.s32 v63, v0;
	[tilespmem:s30+$0x130] =	vst v1  }
0x4c1: {  	v2 =	vld.idx.msk [tilespmem:v33+s14+$0x0], $0xffff;
	[tilespmem:s0+$0xFFFFFEA0] =	vst v57  }
0x4c2: {  	v51 =	vadd.s32 $0x200, v39;
	v1 =	vld.idx.msk [tilespmem:v34+s14+$0x0], $0xffff;
	[tilespmem:s28+$0x90] =	vst v56  }
0x4c3: {  	s8 =	simm.s32 $0xB600;
	v32 =	vand.u32 $0x7, v32;
	v47 =	vand.u32 $0xFFFFFFF8, v47;
	v57 =	vadd.s32 $0x100, v11;
	v33 =	vld.idx.msk [tilespmem:v37+s14+$0x0], $0xffff;
	[tilespmem:$0x1FD50] =	vst v62  }
0x4c4: {  	v39 =	vor.u32 v32, v47;
	v34 =	vadd.s32 $0x300, v62;
	[tilespmem:s8+$0xFFFFFE00] =	vst v61;
	v55 =	vld.idx.msk [tilespmem:v55+s14+$0x0], $0xffff  }
0x4c5: {  	v37 =	vadd.s32 $0x80, v39;
	v61 =	vld.idx.msk [tilespmem:v43+s14+$0x0], $0xffff;
	[tilespmem:s29+$0xFFFFFFF0] =	vst v58  }
0x4c6: {  	v58 =	vadd.s32 $0x280, v7;
	[tilespmem:s31+$0xFFFFFF50] =	vst v2  }
0x4c7: {  	v47 =	vadd.s32 v63, v46;
	v51 =	vld.idx.msk [tilespmem:v51+s14+$0x0], $0xffff;
	[tilespmem:s30+$0x140] =	vst v1  }
0x4c8: {  	v2 =	vld.idx.msk [tilespmem:v57+s14+$0x0], $0xffff;
	v57 =	vadd.s32 $0x200, v18;
	[tilespmem:s0+$0xFFFFFEB0] =	vst v33  }
0x4c9: {  	v1 =	vld.idx.msk [tilespmem:v34+s14+$0x0], $0xffff;
	[tilespmem:s28+$0xA0] =	vst v55  }
0x4ca: {  	v48 =	vand.u32 $0xFFFFFFF8, v48;
	v12 =	vmovc v7;
	v7 =	vand.u32 $0x7, v26;
	v59 =	vld.idx.msk [tilespmem:v37+s14+$0x0], $0xffff;
	v37 =	vadd.s32 $0x100, v22;
	[tilespmem:s8+$0xFFFFFE10] =	vst v61  }
0x4cb: {  	v32 =	vor.u32 v7, v48;
	v33 =	vadd.s32 $0x300, v10;
	v55 =	vld.idx.msk [tilespmem:v58+s14+$0x0], $0xffff;
	[tilespmem:$0x1FD60] =	vst v10  }
0x4cc: {  	v34 =	vadd.s32 $0x80, v32;
	v61 =	vld.idx.msk [tilespmem:v47+s14+$0x0], $0xffff;
	[tilespmem:s29+$0x0] =	vst v51  }
0x4cd: {  	s2 =	simm.s32 $0x300;
	[tilespmem:s31+$0xFFFFFF60] =	vst v2;
	v51 =	vld.idx.msk [tilespmem:v57+s14+$0x0], $0xffff;
	v57 =	vadd.s32 $0x280, v36  }
0x4ce: {  	v56 =	vadd.s32 v63, v40;
	v48 =	vld [tilespmem:s2+$0x1030];
	[tilespmem:s30+$0x150] =	vst v1  }
0x4cf: {  	v20 =	vmovc v18;
	v18 =	vmov v11;
	v11 =	vmov v36;
	v2 =	vadd.s32 $0x200, v17;
	v36 =	vld.idx.msk [tilespmem:v37+s14+$0x0], $0xffff;
	[tilespmem:s0+$0xFFFFFEC0] =	vst v59  }
0x4d0: {  	v58 =	vld.idx.msk [tilespmem:v33+s14+$0x0], $0xffff;
	[tilespmem:s28+$0xB0] =	vst v55  }
0x4d1: {  	v35 =	vand.u32 $0x7, v35;
	v54 =	vand.u32 $0xFFFFFFF8, v54;
	v59 =	vld.idx.msk [tilespmem:v34+s14+$0x0], $0xffff;
	[tilespmem:s8+$0xFFFFFE20] =	vst v61  }
0x4d2: {  	v1 =	vor.u32 v35, v54;
	v54 =	vld.idx.msk [tilespmem:v57+s14+$0x0], $0xffff;
	[tilespmem:$0x1FD70] =	vst v44  }
0x4d3: {  	v16 =	vmov v6;
	v37 =	vadd.s32 $0x180, v6;
	v6 =	vld.idx.msk [tilespmem:v56+s14+$0x0], $0xffff;
	[tilespmem:s29+$0x10] =	vst v51  }
0x4d4: {  	v2 =	vld.idx.msk [tilespmem:v2+s14+$0x0], $0xffff;
	[tilespmem:$0x1FD80] =	vst v42  }
0x4d5: {  	[tilespmem:s31+$0xFFFFFF70] =	vst v36  }
0x4d6: {  	v55 =	vld [tilespmem:s2+$0x1040];
	[tilespmem:$0x1FD90] =	vst v25  }
0x4d7: {  	[tilespmem:s30+$0x160] =	vst v58  }
0x4d8: {  	v44 =	vadd.s32 $0x300, v44;
	[tilespmem:s0+$0xFFFFFED0] =	vst v59  }
0x4d9: {  	v35 =	vmov v1;
	v1 =	vadd.s32 $0x80, v1;
	v0 =	vld [tilespmem:$0x1FDA0]  }
0x4da: {  	v34 =	vadd.s32 $0x280, v42;
	_ =	sdelay $0x1  }
0x4db: {  	v58 =	vld.idx.msk [tilespmem:v37+s14+$0x0], $0xffff  }
0x4dc: {  	v59 =	vld.idx.msk [tilespmem:v44+s14+$0x0], $0xffff;
	[tilespmem:s28+$0xC0] =	vst v54  }
0x4dd: {  	v3 =	vand.u32 $0xFFFFFFF8, v53;
	v57 =	vadd.s32 v63, v25;
	v1 =	vld.idx.msk [tilespmem:v1+s14+$0x0], $0xffff;
	[tilespmem:s8+$0xFFFFFE30] =	vst v6;
	v37 =	vand.u32 $0x7, v0  }
0x4de: {  	v36 =	vadd.s32 $0x200, v15;
	v51 =	vld.idx.msk [tilespmem:v34+s14+$0x0], $0xffff;
	[tilespmem:s29+$0x20] =	vst v2;
	v0 =	vor.u32 v37, v3  }
0x4df: {  	v34 =	vmov v0;
	v7 =	vadd.s32 $0x80, v0;
	v0 =	vld [tilespmem:$0x1FDB0]  }
0x4e0: {  	v42 =	vadd.s32 $0x180, v8;
	_ =	sdelay $0x1  }
0x4e1: {  	v45 =	vadd.s32 $0x380, v45;
	v6 =	vld.idx.msk [tilespmem:v57+s14+$0x0], $0xffff;
	[tilespmem:s31+$0xFFFFFF80] =	vst v58  }
0x4e2: {  	v2 =	vld.idx.msk [tilespmem:v36+s14+$0x0], $0xffff;
	[tilespmem:s30+$0x170] =	vst v59  }
0x4e3: {  	v58 =	vld [tilespmem:s2+$0x1050];
	[tilespmem:s0+$0xFFFFFEE0] =	vst v1;
	v36 =	vadd.s32 $0x280, v0  }
0x4e4: {  	[tilespmem:s28+$0xD0] =	vst v51;
	v54 =	vld.idx.msk [tilespmem:v42+s14+$0x0], $0xffff  }
0x4e5: {  	v0 =	vld [tilespmem:$0x1FDC0]  }
0x4e6: {  	v1 =	vld.idx.msk [tilespmem:v45+s14+$0x0], $0xffff  }
0x4e7: {  	v51 =	vld.idx.msk [tilespmem:v7+s14+$0x0], $0xffff;
	[tilespmem:s8+$0xFFFFFE40] =	vst v6  }
0x4e8: {  	v6 =	vld.idx.msk [tilespmem:v36+s14+$0x0], $0xffff;
	[tilespmem:$0x1FDD0] =	vst v23  }
0x4e9: {  	v60 =	vadd.s32 v63, v38;
	[tilespmem:s29+$0x30] =	vst v2  }
0x4ea: {  	v37 =	vadd.s32 $0x200, v9;
	v44 =	vadd.s32 $0x380, v0;
	v0 =	vld [tilespmem:$0x1FDE0]  }
0x4eb: {  	v10 =	vmov v32;
	v32 =	vmov v38;
	v38 =	vadd.s32 $0x180, v27  }
0x4ec: {  	v7 =	vadd.s32 $0x100, v23;
	_ =	sdelay $0x1  }
0x4ed: {  	v2 =	vld.idx.msk [tilespmem:v60+s14+$0x0], $0xffff;
	[tilespmem:s31+$0xFFFFFF90] =	vst v54  }
0x4ee: {  	v37 =	vld.idx.msk [tilespmem:v37+s14+$0x0], $0xffff;
	[tilespmem:s30+$0x180] =	vst v1;
	v36 =	vadd.s32 $0x280, v0  }
0x4ef: {  	[tilespmem:s0+$0xFFFFFEF0] =	vst v51;
	v1 =	vld.idx.msk [tilespmem:v38+s14+$0x0], $0xffff  }
0x4f0: {  	v7 =	vld.idx.msk [tilespmem:v7+s14+$0x0], $0xffff  }
0x4f1: {  	v44 =	vld.idx.msk [tilespmem:v44+s14+$0x0], $0xffff;
	[tilespmem:s28+$0xE0] =	vst v6  }
0x4f2: {  	v3 =	vld [tilespmem:$0x1FDF0];
	[tilespmem:s8+$0xFFFFFE50] =	vst v2  }
0x4f3: {  	v2 =	vld.idx.msk [tilespmem:v36+s14+$0x0], $0xffff;
	[tilespmem:$0x1FE00] =	vst v29  }
0x4f4: {  	v59 =	vadd.s32 v63, v41;
	[tilespmem:s29+$0x40] =	vst v37  }
0x4f5: {  	v38 =	vadd.s32 $0x200, v19;
	[tilespmem:s31+$0xFFFFFFA0] =	vst v1  }
0x4f6: {  	v51 =	vadd.s32 $0x180, v21;
	v1 =	vld [tilespmem:$0x1FE10]  }
0x4f7: {  	v62 =	vadd.s32 $0x100, v29;
	_ =	sdelay $0x1  }
0x4f8: {  	v42 =	vadd.s32 $0x380, v3;
	v6 =	vld.idx.msk [tilespmem:v59+s14+$0x0], $0xffff  }
0x4f9: {  	v61 =	vadd.s32 v63, v14;
	v45 =	vld.idx.msk [tilespmem:v38+s14+$0x0], $0xffff;
	[tilespmem:s30+$0x190] =	vst v44  }
0x4fa: {  	v44 =	vld.idx.msk [tilespmem:v51+s14+$0x0], $0xffff;
	[tilespmem:s0+$0xFFFFFF00] =	vst v7;
	v1 =	vadd.s32 $0x300, v1  }
0x4fb: {  	v7 =	vadd.s32 $0x200, v5;
	v53 =	vld.idx.msk [tilespmem:v62+s14+$0x0], $0xffff  }
0x4fc: {  	v62 =	vld [tilespmem:s2+$0x1060];
	[tilespmem:s28+$0xF0] =	vst v2  }
0x4fd: {  	v0 =	vmov v41;
	v41 =	vadd.s32 $0x180, v13;
	v42 =	vld.idx.msk [tilespmem:v42+s14+$0x0], $0xffff;
	[tilespmem:s8+$0xFFFFFE60] =	vst v6  }
0x4fe: {  	v2 =	vadd.s32 $0x380, v49;
	[tilespmem:s29+$0x50] =	vst v45;
	v45 =	vld.idx.msk [tilespmem:v61+s14+$0x0], $0xffff  }
0x4ff: {  	v50 =	vand.u32 $0x7, v50;
	v25 =	vmovc v9;
	v9 =	vmov v5;
	v5 =	vand.u32 $0xFFFFFFF8, v52;
	v1 =	vld.idx.msk [tilespmem:v1+s14+$0x0], $0xffff;
	[tilespmem:$0x1FE20] =	vst v30  }
0x500: {  	v36 =	vor.u32 v50, v5;
	v50 =	vld.idx.msk [tilespmem:v7+s14+$0x0], $0xffff;
	[tilespmem:s31+$0xFFFFFFB0] =	vst v44  }
0x501: {  	v3 =	vld [tilespmem:$0x1FE30]  }
0x502: {  	[tilespmem:s30+$0x1A0] =	vst v42;
	v37 =	vld.idx.msk [tilespmem:v41+s14+$0x0], $0xffff  }
0x503: {  	v49 =	vld.idx.msk [tilespmem:v2+s14+$0x0], $0xffff  }
0x504: {  	v2 =	vld [tilespmem:$0x1FE40];
	[tilespmem:s0+$0xFFFFFF10] =	vst v53  }
0x505: {  	[tilespmem:s8+$0xFFFFFE70] =	vst v45  }
0x506: {  	[tilespmem:s28+$0x100] =	vst v1  }
0x507: {  	v1 =	vld [tilespmem:$0x1FE50];
	[tilespmem:s29+$0x60] =	vst v50  }
0x508: {  	v6 =	vadd.s32 $0x100, v30;
	[tilespmem:s31+$0xFFFFFFC0] =	vst v37  }
0x509: {  	v7 =	vadd.s32 $0x300, v3;
	[tilespmem:s30+$0x1B0] =	vst v49  }
0x50a: {  	v3 =	vld [tilespmem:$0x1FE60];
	_ =	sdelay $0x2  }
0x50b: {  	v52 =	vld.idx.msk [tilespmem:v6+s14+$0x0], $0xffff  }
0x50c: {  	v44 =	vld.idx.msk [tilespmem:v7+s14+$0x0], $0xffff  }
0x50d: {  	v41 =	vand.u32 $0xFFFFFFF8, v43;
	v43 =	vand.u32 $0x7, v3;
	v3 =	vld [tilespmem:$0x1FE70]  }
0x50e: {  	v6 =	vadd.s32 $0x180, v24  }
0x50f: {  	v63 =	vadd.s32 $0x80, v36;
	v51 =	vld [tilespmem:s2+$0x1020]  }
0x510: {  	v42 =	vld [tilespmem:s2+$0x1070];
	v5 =	vadd.s32 $0x200, v2;
	[tilespmem:s0+$0xFFFFFF20] =	vst v52  }
0x511: {  	v31 =	vmovc v22;
	v22 =	vmov v15;
	v45 =	vld [tilespmem:s2+$0x1000];
	v15 =	vmov v2;
	v2 =	vadd.s32 $0x380, v1;
	[tilespmem:s28+$0x110] =	vst v44  }
0x512: {  	v7 =	vadd.s32 $0x100, v4;
	v54 =	vadd.s32 $0x300, v3;
	v3 =	vld [tilespmem:$0x1FE80]  }
0x513: {  	v49 =	vld.idx.msk [tilespmem:v6+s14+$0x0], $0xffff  }
0x514: {  	v1 =	vld.idx.msk [tilespmem:v63+s14+$0x0], $0xffff  }
0x515: {  	v28 =	vmov v8;
	v26 =	vmov v17;
	v63 =	vld.idx.msk [tilespmem:v5+s14+$0x0], $0xffff  }
0x516: {  	v33 =	vmovc v19;
	v19 =	vmovc v39;
	v39 =	vmov v4;
	v29 =	vmov v13;
	v37 =	vor.u32 v43, v41;
	v53 =	vld.idx.msk [tilespmem:v2+s14+$0x0], $0xffff  }
0x517: {  	s1 =	simm.s32 $0xB600;
	s13 =	simm.s32 $0xE00;
	v38 =	vmovc v14;
	v50 =	vadd.s32 $0x180, v18;
	v2 =	vadd.s32 $0x80, v37;
	v52 =	vld.idx.msk [tilespmem:v7+s14+$0x0], $0xffff;
	v14 =	vmovc v3;
	v44 =	vadd.s32 $0x280, v3  }
.LBB2_5:
0x518: {  	v3 =	vld [tilespmem:$0x1FD50];
	_ =	sdelay $0x2  }
0x519: {  	[tilespmem:s8+$0xFFFFFE80] =	vst v1  }
0x51a: {  	v1 =	vld.idx.msk [tilespmem:v54+s14+$0x0], $0xffff  }
0x51b: {  	v54 =	vadd.s32 $0x380, v3;
	v3 =	vld [tilespmem:$0x1FD80];
	_ =	sdelay $0x2  }
0x51c: {  	v23 =	vld [tilespmem:$0x1FFF0]  }
0x51d: {  	v7 =	vmov v33;
	v33 =	vand.u32 $0xFFFFFFF8, v47;
	v6 =	vand.u32 $0x7, v46;
	v2 =	vld.idx.msk [tilespmem:v2+s14+$0x0], $0xffff;
	[tilespmem:s29+$0x70] =	vst v63  }
0x51e: {  	v43 =	vmovc v51;
	v51 =	vor.u32 v6, v33;
	v33 =	vld.idx.msk [tilespmem:v44+s14+$0x0], $0xffff;
	v13 =	vmov v3;
	v3 =	vadd.s32 $0x100, v19  }
0x51f: {  	v44 =	vld [tilespmem:s2+$0x1010];
	[tilespmem:s31+$0xFFFFFFD0] =	vst v49  }
0x520: {  	v50 =	vld.idx.msk [tilespmem:v50+s14+$0x0], $0xffff;
	[tilespmem:s30+$0x1C0] =	vst v53  }
0x521: {  	[tilespmem:s0+$0xFFFFFF30] =	vst v52  }
0x522: {  	v41 =	vadd.s32 $0x300, v12;
	v53 =	vld.idx.msk [tilespmem:v54+s14+$0x0], $0xffff  }
0x523: {  	v46 =	vadd.s32 $0x80, v51;
	v3 =	vld.idx.msk [tilespmem:v3+s14+$0x0], $0xffff  }
0x524: {  	v4 =	vadd.s32 $0x280, v20;
	[tilespmem:s8+$0xFFFFFE90] =	vst v2;
	v2 =	vld [tilespmem:$0x1FD60]  }
0x525: {  	v49 =	vadd.s32 v23, v45  }
0x526: {  	v5 =	vld [tilespmem:$0x1FDB0];
	v54 =	vadd.s32 $0x180, v31;
	[tilespmem:s28+$0x120] =	vst v1  }
0x527: {  	v8 =	vmov v10;
	v1 =	vld.idx.msk [tilespmem:v41+s14+$0x0], $0xffff  }
0x528: {  	v30 =	vmov v35;
	v63 =	vand.u32 $0xFFFFFFF8, v56;
	v56 =	vadd.s32 $0x100, v8;
	v35 =	vld.idx.msk [tilespmem:v46+s14+$0x0], $0xffff;
	[tilespmem:s29+$0x80] =	vst v33  }
0x529: {  	v4 =	vld.idx.msk [tilespmem:v4+s14+$0x0], $0xffff;
	v2 =	vadd.s32 $0x380, v2  }
0x52a: {  	v47 =	vld.idx.msk [tilespmem:v49+s14+$0x0], $0xffff;
	[tilespmem:s31+$0xFFFFFFE0] =	vst v50  }
0x52b: {  	v10 =	vmov v5;
	v5 =	vand.u32 $0x7, v40;
	v54 =	vld.idx.msk [tilespmem:v54+s14+$0x0], $0xffff;
	[tilespmem:s30+$0x1D0] =	vst v53  }
0x52c: {  	v40 =	vadd.s32 $0x300, v11;
	v52 =	vor.u32 v5, v63;
	[tilespmem:s0+$0xFFFFFF40] =	vst v3  }
0x52d: {  	v46 =	vadd.s32 $0x80, v52;
	v3 =	vld.idx.msk [tilespmem:v56+s14+$0x0], $0xffff  }
0x52e: {  	v2 =	vld.idx.msk [tilespmem:v2+s14+$0x0], $0xffff  }
0x52f: {  	v63 =	vadd.s32 $0x280, v26;
	[tilespmem:s8+$0xFFFFFEA0] =	vst v35;
	v35 =	vld [tilespmem:$0x1FD70]  }
0x530: {  	v17 =	vmovc v27;
	v27 =	vmovc v24;
	v24 =	vmov v21;
	v21 =	vmov v18;
	v18 =	vld [tilespmem:$0x1FD90];
	v50 =	vadd.s32 v23, v44;
	[tilespmem:s28+$0x130] =	vst v1  }
0x531: {  	v56 =	vadd.s32 $0x200, v16;
	v1 =	vld.idx.msk [tilespmem:v40+s14+$0x0], $0xffff  }
0x532: {  	v5 =	vmov v15;
	v15 =	vmov v34;
	s8 =	sadd.s32 $0x400, s8;
	v34 =	vld.idx.msk [tilespmem:v46+s14+$0x0], $0xffff;
	[tilespmem:s29+$0x90] =	vst v4  }
0x533: {  	v46 =	vand.u32 $0xFFFFFFF8, v57;
	v57 =	vadd.s32 $0x100, v30;
	[tilespmem:s8+$0xFFFFFE00] =	vst v47  }
0x534: {  	v4 =	vld.idx.msk [tilespmem:v63+s14+$0x0], $0xffff;
	v33 =	vadd.s32 $0x380, v35  }
0x535: {  	v41 =	vmov v48;
	v53 =	vand.u32 $0x7, v18;
	v48 =	vld.idx.msk [tilespmem:v50+s14+$0x0], $0xffff;
	[tilespmem:s31+$0xFFFFFFF0] =	vst v54  }
0x536: {  	v53 =	vor.u32 v53, v46;
	v54 =	vld.idx.msk [tilespmem:v56+s14+$0x0], $0xffff;
	[tilespmem:s0+$0xFFFFFF50] =	vst v3;
	v35 =	vadd.s32 $0x300, v13  }
0x537: {  	v40 =	vld [tilespmem:$0x1FDE0];
	v63 =	vadd.s32 $0x80, v53;
	[tilespmem:s30+$0x1E0] =	vst v2  }
0x538: {  	v3 =	vld.idx.msk [tilespmem:v57+s14+$0x0], $0xffff  }
0x539: {  	v56 =	vadd.s32 $0x280, v22;
	v2 =	vld.idx.msk [tilespmem:v33+s14+$0x0], $0xffff;
	[tilespmem:s28+$0x140] =	vst v1  }
0x53a: {  	v47 =	vadd.s32 v23, v43;
	[tilespmem:s1+$0xFFFFFEB0] =	vst v34  }
0x53b: {  	v57 =	vadd.s32 $0x200, v28;
	v1 =	vld.idx.msk [tilespmem:v35+s14+$0x0], $0xffff  }
0x53c: {  	v34 =	vld.idx.msk [tilespmem:v63+s14+$0x0], $0xffff;
	[tilespmem:s29+$0xA0] =	vst v4  }
0x53d: {  	v18 =	vmov v55;
	v55 =	vadd.s32 $0x100, v15;
	v63 =	vand.u32 $0x7, v32;
	[tilespmem:s8+$0xFFFFFE10] =	vst v48;
	v32 =	vld [tilespmem:$0x1FDD0]  }
0x53e: {  	v60 =	vand.u32 $0xFFFFFFF8, v60;
	v6 =	vmovc v9;
	[tilespmem:$0x1FD50] =	vst v13;
	v9 =	vmovc v40;
	v40 =	vmov v19;
	v19 =	vmov v31;
	v4 =	vld.idx.msk [tilespmem:v56+s14+$0x0], $0xffff  }
0x53f: {  	v31 =	vmovc v15;
	v15 =	vmov v58;
	v35 =	vadd.s32 $0x300, v10;
	v13 =	vor.u32 v63, v60;
	v58 =	vld.idx.msk [tilespmem:v47+s14+$0x0], $0xffff;
	[tilespmem:s31+$0x0] =	vst v54  }
0x540: {  	s2 =	sshra.s32 s13, $0x2;
	v46 =	vadd.s32 $0x80, v13;
	v54 =	vld.idx.msk [tilespmem:v57+s14+$0x0], $0xffff;
	[tilespmem:s30+$0x1F0] =	vst v2  }
0x541: {  	s30 =	smov.u32 s28;
	s28 =	smov.u32 s29;
	v48 =	vld [tilespmem:s2+$0x1030];
	[tilespmem:s0+$0xFFFFFF60] =	vst v3  }
0x542: {  	v57 =	vadd.s32 $0x280, v25;
	s29 =	smov.u32 s31;
	s31 =	smov.u32 s0;
	s0 =	smov.u32 s1;
	v2 =	vld.idx.msk [tilespmem:v55+s14+$0x0], $0xffff;
	[tilespmem:s30+$0x150] =	vst v1  }
0x543: {  	v56 =	vadd.s32 v23, v41;
	[tilespmem:s0+$0xFFFFFEC0] =	vst v34  }
0x544: {  	v1 =	vld.idx.msk [tilespmem:v35+s14+$0x0], $0xffff  }
0x545: {  	v3 =	vadd.s32 $0x200, v17;
	v34 =	vld.idx.msk [tilespmem:v46+s14+$0x0], $0xffff;
	[tilespmem:s28+$0xB0] =	vst v4  }
0x546: {  	v60 =	vand.u32 $0xFFFFFFF8, v59;
	v63 =	vand.u32 $0x7, v0;
	v0 =	vld [tilespmem:$0x1FE00];
	v59 =	vadd.s32 $0x180, v32;
	[tilespmem:s8+$0xFFFFFE20] =	vst v58  }
0x547: {  	[tilespmem:$0x1FD60] =	vst v10;
	v4 =	vld.idx.msk [tilespmem:v57+s14+$0x0], $0xffff  }
0x548: {  	v10 =	vmov v13;
	v13 =	vor.u32 v63, v60;
	v58 =	vadd.s32 $0x300, v9;
	v60 =	vld.idx.msk [tilespmem:v56+s14+$0x0], $0xffff;
	[tilespmem:s29+$0x10] =	vst v54  }
0x549: {  	[tilespmem:$0x1FD80] =	vst v7;
	v46 =	vadd.s32 $0x80, v13;
	v55 =	vld [tilespmem:s2+$0x1040]  }
0x54a: {  	v3 =	vld.idx.msk [tilespmem:v3+s14+$0x0], $0xffff;
	[tilespmem:s31+$0xFFFFFF70] =	vst v2  }
0x54b: {  	v7 =	vadd.s32 $0x280, v7;
	v2 =	vld.idx.msk [tilespmem:v59+s14+$0x0], $0xffff;
	[tilespmem:s30+$0x160] =	vst v1  }
0x54c: {  	v63 =	vld [tilespmem:$0x1FE10];
	v57 =	vadd.s32 v23, v18;
	[tilespmem:s0+$0xFFFFFED0] =	vst v34  }
0x54d: {  	v1 =	vld.idx.msk [tilespmem:v58+s14+$0x0], $0xffff  }
0x54e: {  	v33 =	vmov v62;
	v59 =	vadd.s32 $0x200, v24;
	v62 =	vld.idx.msk [tilespmem:v46+s14+$0x0], $0xffff;
	[tilespmem:s28+$0xC0] =	vst v4  }
0x54f: {  	v35 =	vmov v13;
	v13 =	vand.u32 $0xFFFFFFF8, v61;
	v61 =	vadd.s32 $0x180, v0;
	[tilespmem:s8+$0xFFFFFE30] =	vst v60  }
0x550: {  	v38 =	vand.u32 $0x7, v38;
	[tilespmem:$0x1FD70] =	vst v9;
	v4 =	vld.idx.msk [tilespmem:v7+s14+$0x0], $0xffff  }
0x551: {  	v9 =	vor.u32 v38, v13;
	v46 =	vmov v42;
	v42 =	vadd.s32 $0x380, v63;
	v54 =	vld.idx.msk [tilespmem:v57+s14+$0x0], $0xffff;
	[tilespmem:s29+$0x20] =	vst v3  }
0x552: {  	v63 =	vadd.s32 $0x80, v9;
	v58 =	vld [tilespmem:s2+$0x1050]  }
0x553: {  	v3 =	vld.idx.msk [tilespmem:v59+s14+$0x0], $0xffff;
	[tilespmem:s31+$0xFFFFFF80] =	vst v2  }
0x554: {  	v2 =	vld.idx.msk [tilespmem:v61+s14+$0x0], $0xffff;
	[tilespmem:s30+$0x170] =	vst v1  }
0x555: {  	v38 =	vld [tilespmem:$0x1FE20];
	[tilespmem:s0+$0xFFFFFEE0] =	vst v62  }
0x556: {  	v1 =	vld.idx.msk [tilespmem:v42+s14+$0x0], $0xffff  }
0x557: {  	[tilespmem:$0x1FDB0] =	vst v6;
	v6 =	vadd.s32 $0x280, v6;
	v42 =	vld.idx.msk [tilespmem:v63+s14+$0x0], $0xffff  }
0x558: {  	v60 =	vadd.s32 v23, v15;
	v63 =	vld [tilespmem:$0x1FE30]  }
0x559: {  	v59 =	vadd.s32 $0x200, v29  }
0x55a: {  	[tilespmem:s28+$0xD0] =	vst v4  }
0x55b: {  	v61 =	vadd.s32 $0x180, v38;
	[tilespmem:s8+$0xFFFFFE40] =	vst v54  }
0x55c: {  	[tilespmem:$0x1FD90] =	vst v18;
	v18 =	vmov v16;
	v4 =	vld.idx.msk [tilespmem:v6+s14+$0x0], $0xffff  }
0x55d: {  	v16 =	vmovc v32;
	v32 =	vmovc v15;
	v13 =	vmov v36;
	v15 =	vmov v37;
	v37 =	vld.idx.msk [tilespmem:v60+s14+$0x0], $0xffff;
	[tilespmem:s29+$0x30] =	vst v3;
	v36 =	vadd.s32 $0x380, v63  }
0x55e: {  	[tilespmem:$0x1FDE0] =	vst v5;
	v54 =	vadd.s32 $0x100, v13;
	v3 =	vld.idx.msk [tilespmem:v59+s14+$0x0], $0xffff  }
0x55f: {  	v62 =	vld [tilespmem:s2+$0x1060];
	[tilespmem:s31+$0xFFFFFF90] =	vst v2  }
0x560: {  	v5 =	vadd.s32 $0x280, v5;
	v2 =	vld.idx.msk [tilespmem:v61+s14+$0x0], $0xffff;
	[tilespmem:s30+$0x180] =	vst v1  }
0x561: {  	v59 =	vadd.s32 v23, v33;
	[tilespmem:s0+$0xFFFFFEF0] =	vst v42;
	v42 =	vld [tilespmem:$0x1FE70]  }
0x562: {  	v61 =	vadd.s32 $0x200, v27;
	v1 =	vld.idx.msk [tilespmem:v36+s14+$0x0], $0xffff  }
0x563: {  	v36 =	vld.idx.msk [tilespmem:v54+s14+$0x0], $0xffff;
	[tilespmem:s28+$0xE0] =	vst v4  }
0x564: {  	v54 =	vadd.s32 $0x180, v39;
	[tilespmem:s8+$0xFFFFFE50] =	vst v37  }
0x565: {  	[tilespmem:$0x1FDD0] =	vst v13;
	v4 =	vld.idx.msk [tilespmem:v5+s14+$0x0], $0xffff  }
0x566: {  	v13 =	vmov v51;
	v37 =	vadd.s32 $0x380, v42;
	v51 =	vld.idx.msk [tilespmem:v59+s14+$0x0], $0xffff;
	[tilespmem:s29+$0x40] =	vst v3  }
0x567: {  	v63 =	vadd.s32 $0x100, v15;
	v3 =	vld.idx.msk [tilespmem:v61+s14+$0x0], $0xffff  }
0x568: {  	v7 =	vmov v14;
	v42 =	vld [tilespmem:s2+$0x1070];
	[tilespmem:s31+$0xFFFFFFA0] =	vst v2  }
0x569: {  	v5 =	vadd.s32 $0x300, v7;
	v2 =	vld.idx.msk [tilespmem:v54+s14+$0x0], $0xffff;
	[tilespmem:s30+$0x190] =	vst v1  }
0x56a: {  	v6 =	vmovc v20;
	v20 =	vmovc v28;
	v28 =	vmov v0;
	v0 =	vmov v33;
	v61 =	vadd.s32 v23, v46;
	[tilespmem:s0+$0xFFFFFF00] =	vst v36  }
0x56b: {  	v33 =	vmovc v27;
	v27 =	vmovc v38;
	v38 =	vmov v46;
	v46 =	vmov v43;
	v43 =	vadd.s32 $0x200, v21;
	v1 =	vld.idx.msk [tilespmem:v37+s14+$0x0], $0xffff  }
0x56c: {  	v37 =	vld.idx.msk [tilespmem:v63+s14+$0x0], $0xffff;
	[tilespmem:s28+$0xF0] =	vst v4  }
0x56d: {  	v63 =	vadd.s32 $0x180, v40;
	[tilespmem:s8+$0xFFFFFE60] =	vst v51  }
0x56e: {  	[tilespmem:$0x1FE10] =	vst v7;
	v4 =	vld.idx.msk [tilespmem:v5+s14+$0x0], $0xffff  }
0x56f: {  	v5 =	vadd.s32 $0x380, v12;
	v12 =	vmovc v22;
	v22 =	vmovc v24;
	v24 =	vmov v8;
	v8 =	vmov v52;
	v52 =	vld.idx.msk [tilespmem:v61+s14+$0x0], $0xffff;
	[tilespmem:s29+$0x50] =	vst v3  }
0x570: {  	[tilespmem:$0x1FE30] =	vst v6;
	v7 =	vand.u32 $0xFFFFFFF8, v49;
	v49 =	vadd.s32 $0x100, v13;
	v3 =	vld.idx.msk [tilespmem:v43+s14+$0x0], $0xffff  }
0x571: {  	v34 =	vmovc v9;
	v9 =	vmov v21;
	v21 =	vmov v39;
	v39 =	vand.u32 $0x7, v45;
	v51 =	vld [tilespmem:s2+$0x1020];
	[tilespmem:s31+$0xFFFFFFB0] =	vst v2  }
0x572: {  	v36 =	vor.u32 v39, v7;
	v43 =	vadd.s32 $0x300, v6;
	v6 =	vld.idx.msk [tilespmem:v63+s14+$0x0], $0xffff;
	[tilespmem:s30+$0x1A0] =	vst v1  }
0x573: {  	v54 =	vadd.s32 $0x80, v36;
	[tilespmem:s0+$0xFFFFFF10] =	vst v37  }
0x574: {  	v5 =	vld.idx.msk [tilespmem:v5+s14+$0x0], $0xffff  }
0x575: {  	v2 =	vadd.s32 $0x200, v19;
	v7 =	vld.idx.msk [tilespmem:v49+s14+$0x0], $0xffff;
	[tilespmem:s28+$0x100] =	vst v4  }
0x576: {  	v49 =	vadd.s32 $0x180, v24;
	[tilespmem:s8+$0xFFFFFE70] =	vst v52  }
0x577: {  	[tilespmem:$0x1FE00] =	vst v15;
	v4 =	vld.idx.msk [tilespmem:v43+s14+$0x0], $0xffff  }
0x578: {  	v44 =	vand.u32 $0x7, v44;
	v63 =	vand.u32 $0xFFFFFFF8, v50;
	v52 =	vadd.s32 $0x380, v11;
	v1 =	vld.idx.msk [tilespmem:v54+s14+$0x0], $0xffff;
	[tilespmem:s29+$0x60] =	vst v3  }
0x579: {  	p0 =	sne.s32 s13, $0x3E00;
	[tilespmem:$0x1FE20] =	vst v13;
	v11 =	vmovc v25;
	v25 =	vmovc v29;
	v29 =	vmov v40;
	v40 =	vmov v41;
	v41 =	vadd.s32 $0x100, v8;
	v45 =	vld [tilespmem:s2+$0x1000]  }
.Ltmp1:
0x57a: {  	v37 =	vor.u32 v44, v63;
	v63 =	vld.idx.msk [tilespmem:v2+s14+$0x0], $0xffff;
	[tilespmem:s31+$0xFFFFFFC0] =	vst v6;
	(pc) =	sbr.rel @p0 .LBB2_5-.Ltmp1, $4  }
0x57b: {  	v14 =	vmov v26;
	v49 =	vld.idx.msk [tilespmem:v49+s14+$0x0], $0xffff;
	[tilespmem:s30+$0x1B0] =	vst v5  }
0x57c: {  	[tilespmem:s0+$0xFFFFFF20] =	vst v7  }
0x57d: {  	v26 =	vmovc v17;
	v15 =	vmovc v19;
	[tilespmem:$0x1FE70] =	vst v14;
	v39 =	vmov v8;
	v19 =	vmov v53;
	v50 =	vadd.s32 $0x180, v30;
	v53 =	vld.idx.msk [tilespmem:v52+s14+$0x0], $0xffff  }
0x57e: {  	s13 =	sadd.s32 $0x200, s13;
	s1 =	smov.u32 s8;
	v44 =	vadd.s32 $0x280, v18;
	v54 =	vadd.s32 $0x300, v14;
	v14 =	vmovc v18;
	v18 =	vmovc v30;
	v2 =	vadd.s32 $0x80, v37;
	v52 =	vld.idx.msk [tilespmem:v41+s14+$0x0], $0xffff;
	[tilespmem:s28+$0x110] =	vst v4  }
0x57f: {  	v30 =	vld [tilespmem:$0x1FFF0];
	_ =	sdelay $0x4  }
0x580: {  	v3 =	vadd.s32 v30, v45  }
0x581: {  	v4 =	vld [tilespmem:s2+$0x1010];
	_ =	sdelay $0x3  }
0x582: {  	v5 =	vld.idx.msk [tilespmem:v3+s14+$0x0], $0xffff  }
0x583: {  	v6 =	vadd.s32 v30, v4;
	_ =	sdelay $0x2  }
0x584: {  	s13 =	sadd.s32 $0x400, s8  }
0x585: {  	[tilespmem:s13+$0xFFFFFE00] =	vst v5  }
0x586: {  	v5 =	vld.idx.msk [tilespmem:v6+s14+$0x0], $0xffff  }
0x587: {  	v7 =	vadd.s32 v30, v51;
	_ =	sdelay $0x3  }
0x588: {  	[tilespmem:s13+$0xFFFFFE10] =	vst v5  }
0x589: {  	v5 =	vld.idx.msk [tilespmem:v7+s14+$0x0], $0xffff  }
0x58a: {  	v43 =	vadd.s32 v30, v48;
	_ =	sdelay $0x3  }
0x58b: {  	[tilespmem:s13+$0xFFFFFE20] =	vst v5  }
0x58c: {  	v5 =	vld.idx.msk [tilespmem:v43+s14+$0x0], $0xffff  }
0x58d: {  	v23 =	vadd.s32 v30, v55;
	_ =	sdelay $0x3  }
0x58e: {  	[tilespmem:s13+$0xFFFFFE30] =	vst v5  }
0x58f: {  	v5 =	vld.idx.msk [tilespmem:v23+s14+$0x0], $0xffff  }
0x590: {  	v41 =	vadd.s32 v30, v58;
	_ =	sdelay $0x3  }
0x591: {  	[tilespmem:s13+$0xFFFFFE40] =	vst v5  }
0x592: {  	v5 =	vld.idx.msk [tilespmem:v41+s14+$0x0], $0xffff  }
0x593: {  	v13 =	vadd.s32 v30, v62;
	_ =	sdelay $0x3  }
0x594: {  	[tilespmem:s13+$0xFFFFFE50] =	vst v5  }
0x595: {  	v5 =	vld.idx.msk [tilespmem:v13+s14+$0x0], $0xffff  }
0x596: {  	v8 =	vadd.s32 v30, v42;
	_ =	sdelay $0x3  }
0x597: {  	v45 =	vand.u32 $0x7, v45;
	v3 =	vand.u32 $0xFFFFFFF8, v3;
	[tilespmem:s13+$0xFFFFFE60] =	vst v5  }
0x598: {  	v45 =	vor.u32 v45, v3;
	v17 =	vld.idx.msk [tilespmem:v8+s14+$0x0], $0xffff  }
0x599: {  	v5 =	vadd.s32 $0x80, v45;
	_ =	sdelay $0x3  }
0x59a: {  	v4 =	vand.u32 $0x7, v4;
	[tilespmem:s13+$0xFFFFFE70] =	vst v17;
	v17 =	vand.u32 $0xFFFFFFF8, v6  }
0x59b: {  	[tilespmem:s8+$0xFFFFFE80] =	vst v1;
	v6 =	vor.u32 v4, v17;
	v3 =	vld.idx.msk [tilespmem:v5+s14+$0x0], $0xffff;
	v17 =	vand.u32 $0xFFFFFFF8, v47;
	v47 =	vand.u32 $0x7, v46  }
0x59c: {  	v1 =	vld.idx.msk [tilespmem:v2+s14+$0x0], $0xffff;
	v4 =	vadd.s32 $0x80, v6;
	v47 =	vor.u32 v47, v17  }
0x59d: {  	v46 =	vand.u32 $0x7, v51;
	v51 =	vadd.s32 $0x80, v47;
	_ =	sdelay $0x2  }
0x59e: {  	[tilespmem:s13+$0xFFFFFE80] =	vst v3  }
0x59f: {  	[tilespmem:s8+$0xFFFFFE90] =	vst v1;
	v2 =	vld.idx.msk [tilespmem:v4+s14+$0x0], $0xffff  }
0x5a0: {  	v17 =	vand.u32 $0xFFFFFFF8, v7;
	v1 =	vld.idx.msk [tilespmem:v51+s14+$0x0], $0xffff  }
0x5a1: {  	v17 =	vor.u32 v46, v17  }
0x5a2: {  	v4 =	vadd.s32 $0x80, v17;
	_ =	sdelay $0x1  }
0x5a3: {  	v56 =	vand.u32 $0xFFFFFFF8, v56;
	[tilespmem:s13+$0xFFFFFE90] =	vst v2  }
0x5a4: {  	v7 =	vand.u32 $0x7, v48;
	v46 =	vand.u32 $0x7, v40;
	v51 =	vand.u32 $0xFFFFFFF8, v43;
	[tilespmem:s8+$0xFFFFFEA0] =	vst v1  }
0x5a5: {  	v56 =	vor.u32 v46, v56;
	v48 =	vor.u32 v7, v51;
	v51 =	vand.u32 $0xFFFFFFF8, v57;
	v57 =	vld [tilespmem:$0x1FD90]  }
0x5a6: {  	v43 =	vadd.s32 $0x80, v56;
	v40 =	vld.idx.msk [tilespmem:v4+s14+$0x0], $0xffff  }
0x5a7: {  	v46 =	vadd.s32 $0x80, v48;
	_ =	sdelay $0x2  }
0x5a8: {  	v5 =	vand.u32 $0x7, v57  }
0x5a9: {  	v1 =	vld.idx.msk [tilespmem:v43+s14+$0x0], $0xffff;
	[tilespmem:s13+$0xFFFFFEA0] =	vst v40;
	v57 =	vor.u32 v5, v51  }
0x5aa: {  	v43 =	vld.idx.msk [tilespmem:v46+s14+$0x0], $0xffff;
	v46 =	vadd.s32 $0x80, v57;
	_ =	sdelay $0x1  }
0x5ab: {  	v23 =	vand.u32 $0xFFFFFFF8, v23;
	v40 =	vand.u32 $0x7, v55  }
0x5ac: {  	v23 =	vor.u32 v40, v23  }
0x5ad: {  	v60 =	vand.u32 $0xFFFFFFF8, v60;
	v32 =	vand.u32 $0x7, v32;
	[tilespmem:s1+$0xFFFFFEB0] =	vst v1;
	v51 =	vadd.s32 $0x80, v23  }
0x5ae: {  	v55 =	vor.u32 v32, v60;
	v40 =	vld.idx.msk [tilespmem:v46+s14+$0x0], $0xffff  }
0x5af: {  	v46 =	vadd.s32 $0x80, v55;
	_ =	sdelay $0x1  }
0x5b0: {  	v41 =	vand.u32 $0xFFFFFFF8, v41;
	[tilespmem:s13+$0xFFFFFEB0] =	vst v43;
	v43 =	vand.u32 $0x7, v58  }
0x5b1: {  	v58 =	vor.u32 v43, v41;
	v2 =	vld.idx.msk [tilespmem:v51+s14+$0x0], $0xffff  }
0x5b2: {  	v0 =	vand.u32 $0x7, v0;
	v60 =	vand.u32 $0xFFFFFFF8, v59;
	v51 =	vadd.s32 $0x80, v58;
	[tilespmem:s1+$0xFFFFFEC0] =	vst v40  }
0x5b3: {  	v40 =	vor.u32 v0, v60;
	v32 =	vld.idx.msk [tilespmem:v46+s14+$0x0], $0xffff  }
0x5b4: {  	v5 =	vadd.s32 $0x80, v40;
	_ =	sdelay $0x1  }
0x5b5: {  	v41 =	vand.u32 $0xFFFFFFF8, v13;
	v43 =	vand.u32 $0x7, v62;
	[tilespmem:s13+$0xFFFFFEC0] =	vst v2  }
0x5b6: {  	v41 =	vor.u32 v43, v41;
	v4 =	vld.idx.msk [tilespmem:v51+s14+$0x0], $0xffff  }
0x5b7: {  	v2 =	vadd.s32 $0x80, v41;
	v51 =	vand.u32 $0x7, v38;
	v46 =	vand.u32 $0xFFFFFFF8, v61;
	[tilespmem:s1+$0xFFFFFED0] =	vst v32  }
0x5b8: {  	v43 =	vor.u32 v51, v46;
	v5 =	vld.idx.msk [tilespmem:v5+s14+$0x0], $0xffff  }
0x5b9: {  	v61 =	vadd.s32 $0x80, v43;
	_ =	sdelay $0x1  }
0x5ba: {  	v59 =	vand.u32 $0xFFFFFFF8, v8;
	v60 =	vand.u32 $0x7, v42;
	[tilespmem:s13+$0xFFFFFED0] =	vst v4  }
0x5bb: {  	v51 =	vor.u32 v60, v59;
	v2 =	vld.idx.msk [tilespmem:v2+s14+$0x0], $0xffff  }
0x5bc: {  	v1 =	vadd.s32 $0x80, v51;
	[tilespmem:s1+$0xFFFFFEE0] =	vst v5  }
0x5bd: {  	v62 =	vld.idx.msk [tilespmem:v61+s14+$0x0], $0xffff  }
0x5be: {  	v8 =	vadd.s32 $0x100, v36;
	_ =	sdelay $0x1  }
0x5bf: {  	[tilespmem:s13+$0xFFFFFEE0] =	vst v2  }
0x5c0: {  	v1 =	vld.idx.msk [tilespmem:v1+s14+$0x0], $0xffff  }
0x5c1: {  	v13 =	vadd.s32 $0x100, v45;
	[tilespmem:s1+$0xFFFFFEF0] =	vst v62  }
0x5c2: {  	v2 =	vld.idx.msk [tilespmem:v8+s14+$0x0], $0xffff  }
0x5c3: {  	v32 =	vadd.s32 $0x100, v37;
	_ =	sdelay $0x1  }
0x5c4: {  	[tilespmem:s13+$0xFFFFFEF0] =	vst v1  }
0x5c5: {  	v38 =	vld.idx.msk [tilespmem:v13+s14+$0x0], $0xffff  }
0x5c6: {  	v42 =	vadd.s32 $0x100, v6;
	[tilespmem:s1+$0xFFFFFF00] =	vst v2  }
0x5c7: {  	v1 =	vld.idx.msk [tilespmem:v32+s14+$0x0], $0xffff  }
0x5c8: {  	v46 =	vadd.s32 $0x100, v47;
	_ =	sdelay $0x1  }
0x5c9: {  	[tilespmem:s13+$0xFFFFFF00] =	vst v38  }
0x5ca: {  	v3 =	vld.idx.msk [tilespmem:v42+s14+$0x0], $0xffff  }
0x5cb: {  	v59 =	vadd.s32 $0x100, v17;
	[tilespmem:s1+$0xFFFFFF10] =	vst v1  }
0x5cc: {  	v1 =	vld.idx.msk [tilespmem:v46+s14+$0x0], $0xffff  }
0x5cd: {  	v60 =	vadd.s32 $0x100, v56;
	_ =	sdelay $0x1  }
0x5ce: {  	[tilespmem:s13+$0xFFFFFF10] =	vst v3  }
0x5cf: {  	v3 =	vld.idx.msk [tilespmem:v59+s14+$0x0], $0xffff  }
0x5d0: {  	v62 =	vadd.s32 $0x100, v48;
	[tilespmem:s1+$0xFFFFFF20] =	vst v1  }
0x5d1: {  	v8 =	vadd.s32 $0x100, v19;
	v2 =	vld.idx.msk [tilespmem:v60+s14+$0x0], $0xffff  }
0x5d2: {  	v13 =	vadd.s32 $0x100, v57;
	_ =	sdelay $0x1  }
0x5d3: {  	[tilespmem:s13+$0xFFFFFF20] =	vst v3  }
0x5d4: {  	[tilespmem:s0+$0xFFFFFF30] =	vst v52;
	v4 =	vld.idx.msk [tilespmem:v62+s14+$0x0], $0xffff  }
0x5d5: {  	v32 =	vadd.s32 $0x100, v23;
	v1 =	vld.idx.msk [tilespmem:v8+s14+$0x0], $0xffff;
	[tilespmem:s1+$0xFFFFFF30] =	vst v2  }
0x5d6: {  	v38 =	vadd.s32 $0x100, v10;
	v3 =	vld.idx.msk [tilespmem:v13+s14+$0x0], $0xffff  }
0x5d7: {  	v42 =	vadd.s32 $0x100, v55;
	_ =	sdelay $0x1  }
0x5d8: {  	[tilespmem:s13+$0xFFFFFF30] =	vst v4  }
0x5d9: {  	[tilespmem:s0+$0xFFFFFF40] =	vst v1;
	v5 =	vld.idx.msk [tilespmem:v32+s14+$0x0], $0xffff  }
0x5da: {  	v46 =	vadd.s32 $0x100, v58;
	v1 =	vld.idx.msk [tilespmem:v38+s14+$0x0], $0xffff;
	[tilespmem:s1+$0xFFFFFF40] =	vst v3  }
0x5db: {  	v52 =	vadd.s32 $0x100, v35;
	v3 =	vld.idx.msk [tilespmem:v42+s14+$0x0], $0xffff  }
0x5dc: {  	v62 =	vadd.s32 $0x100, v40;
	_ =	sdelay $0x1  }
0x5dd: {  	[tilespmem:s13+$0xFFFFFF40] =	vst v5  }
0x5de: {  	[tilespmem:s0+$0xFFFFFF50] =	vst v1;
	v5 =	vld.idx.msk [tilespmem:v46+s14+$0x0], $0xffff  }
0x5df: {  	v13 =	vadd.s32 $0x100, v41;
	v1 =	vld.idx.msk [tilespmem:v52+s14+$0x0], $0xffff;
	[tilespmem:s1+$0xFFFFFF50] =	vst v3  }
0x5e0: {  	v32 =	vadd.s32 $0x100, v34;
	v3 =	vld.idx.msk [tilespmem:v62+s14+$0x0], $0xffff;
	_ =	sdelay $0x1  }
0x5e1: {  	v38 =	vadd.s32 $0x100, v43  }
0x5e2: {  	[tilespmem:s13+$0xFFFFFF50] =	vst v5  }
0x5e3: {  	[tilespmem:s0+$0xFFFFFF60] =	vst v1;
	v5 =	vld.idx.msk [tilespmem:v13+s14+$0x0], $0xffff  }
0x5e4: {  	v1 =	vld.idx.msk [tilespmem:v32+s14+$0x0], $0xffff;
	[tilespmem:s1+$0xFFFFFF60] =	vst v3  }
0x5e5: {  	v32 =	vld [tilespmem:$0x1FDD0]  }
0x5e6: {  	v3 =	vld.idx.msk [tilespmem:v38+s14+$0x0], $0xffff;
	_ =	sdelay $0x1  }
0x5e7: {  	v42 =	vadd.s32 $0x100, v51  }
0x5e8: {  	[tilespmem:s13+$0xFFFFFF60] =	vst v5  }
0x5e9: {  	[tilespmem:s0+$0xFFFFFF70] =	vst v1  }
0x5ea: {  	v46 =	vadd.s32 $0x180, v32;
	[tilespmem:s1+$0xFFFFFF70] =	vst v3  }
0x5eb: {  	v62 =	vadd.s32 $0x180, v36;
	v0 =	vld [tilespmem:$0x1FE00]  }
0x5ec: {  	v5 =	vld.idx.msk [tilespmem:v42+s14+$0x0], $0xffff  }
0x5ed: {  	v13 =	vadd.s32 $0x180, v45;
	_ =	sdelay $0x1  }
0x5ee: {  	v1 =	vld.idx.msk [tilespmem:v46+s14+$0x0], $0xffff  }
0x5ef: {  	v3 =	vld.idx.msk [tilespmem:v62+s14+$0x0], $0xffff;
	v38 =	vadd.s32 $0x180, v0  }
0x5f0: {  	[tilespmem:s13+$0xFFFFFF70] =	vst v5  }
0x5f1: {  	v61 =	vmov v6;
	v5 =	vld.idx.msk [tilespmem:v13+s14+$0x0], $0xffff  }
0x5f2: {  	v46 =	vadd.s32 $0x180, v61  }
0x5f3: {  	v42 =	vadd.s32 $0x180, v37;
	[tilespmem:s0+$0xFFFFFF80] =	vst v1  }
0x5f4: {  	[tilespmem:s1+$0xFFFFFF80] =	vst v3;
	v1 =	vld.idx.msk [tilespmem:v38+s14+$0x0], $0xffff  }
0x5f5: {  	v38 =	vld [tilespmem:$0x1FE20]  }
0x5f6: {  	[tilespmem:s13+$0xFFFFFF80] =	vst v5  }
0x5f7: {  	v5 =	vld.idx.msk [tilespmem:v46+s14+$0x0], $0xffff  }
0x5f8: {  	v3 =	vld.idx.msk [tilespmem:v42+s14+$0x0], $0xffff;
	v42 =	vadd.s32 $0x180, v17  }
0x5f9: {  	v13 =	vadd.s32 $0x180, v47  }
0x5fa: {  	v62 =	vadd.s32 $0x180, v38;
	_ =	sdelay $0x1  }
0x5fb: {  	[tilespmem:s13+$0xFFFFFF90] =	vst v5  }
0x5fc: {  	[tilespmem:s1+$0xFFFFFF90] =	vst v3;
	v5 =	vld.idx.msk [tilespmem:v42+s14+$0x0], $0xffff  }
0x5fd: {  	v3 =	vld.idx.msk [tilespmem:v13+s14+$0x0], $0xffff;
	v13 =	vadd.s32 $0x180, v48;
	[tilespmem:s0+$0xFFFFFF90] =	vst v1  }
0x5fe: {  	v1 =	vld.idx.msk [tilespmem:v62+s14+$0x0], $0xffff;
	v62 =	vadd.s32 $0x180, v56  }
0x5ff: {  	v46 =	vadd.s32 $0x180, v39;
	_ =	sdelay $0x1  }
0x600: {  	[tilespmem:s13+$0xFFFFFFA0] =	vst v5  }
0x601: {  	[tilespmem:s1+$0xFFFFFFA0] =	vst v3;
	v5 =	vld.idx.msk [tilespmem:v13+s14+$0x0], $0xffff  }
0x602: {  	[tilespmem:s0+$0xFFFFFFA0] =	vst v1;
	v3 =	vld.idx.msk [tilespmem:v62+s14+$0x0], $0xffff;
	v62 =	vadd.s32 $0x180, v23  }
0x603: {  	v1 =	vld.idx.msk [tilespmem:v46+s14+$0x0], $0xffff;
	v46 =	vadd.s32 $0x180, v57  }
0x604: {  	v42 =	vadd.s32 $0x180, v19;
	_ =	sdelay $0x1  }
0x605: {  	[tilespmem:s13+$0xFFFFFFB0] =	vst v5  }
0x606: {  	[tilespmem:s1+$0xFFFFFFB0] =	vst v3;
	v5 =	vld.idx.msk [tilespmem:v62+s14+$0x0], $0xffff  }
0x607: {  	[tilespmem:s0+$0xFFFFFFB0] =	vst v1;
	v3 =	vld.idx.msk [tilespmem:v46+s14+$0x0], $0xffff;
	v46 =	vadd.s32 $0x180, v58  }
0x608: {  	v1 =	vld.idx.msk [tilespmem:v42+s14+$0x0], $0xffff;
	v42 =	vadd.s32 $0x180, v55  }
0x609: {  	v13 =	vadd.s32 $0x180, v10;
	_ =	sdelay $0x1  }
0x60a: {  	[tilespmem:s13+$0xFFFFFFC0] =	vst v5  }
0x60b: {  	[tilespmem:s1+$0xFFFFFFC0] =	vst v3;
	v5 =	vld.idx.msk [tilespmem:v46+s14+$0x0], $0xffff  }
0x60c: {  	[tilespmem:s0+$0xFFFFFFC0] =	vst v1;
	v3 =	vld.idx.msk [tilespmem:v42+s14+$0x0], $0xffff;
	v42 =	vadd.s32 $0x180, v41  }
0x60d: {  	v1 =	vld.idx.msk [tilespmem:v13+s14+$0x0], $0xffff;
	v13 =	vadd.s32 $0x180, v40  }
0x60e: {  	v62 =	vadd.s32 $0x180, v35  }
0x60f: {  	[tilespmem:s31+$0xFFFFFFD0] =	vst v49  }
0x610: {  	v46 =	vld.idx.msk [tilespmem:v50+s14+$0x0], $0xffff;
	[tilespmem:s13+$0xFFFFFFD0] =	vst v5  }
0x611: {  	[tilespmem:s1+$0xFFFFFFD0] =	vst v3;
	v6 =	vld.idx.msk [tilespmem:v42+s14+$0x0], $0xffff  }
0x612: {  	v49 =	vadd.s32 $0x180, v31;
	[tilespmem:s0+$0xFFFFFFD0] =	vst v1;
	v4 =	vld.idx.msk [tilespmem:v13+s14+$0x0], $0xffff  }
0x613: {  	v2 =	vld.idx.msk [tilespmem:v62+s14+$0x0], $0xffff;
	v62 =	vadd.s32 $0x180, v43  }
0x614: {  	v13 =	vadd.s32 $0x180, v51  }
0x615: {  	v50 =	vadd.s32 $0x180, v34  }
0x616: {  	[tilespmem:s31+$0xFFFFFFE0] =	vst v46  }
0x617: {  	v1 =	vld.idx.msk [tilespmem:v49+s14+$0x0], $0xffff;
	[tilespmem:s1+$0xFFFFFFE0] =	vst v4  }
0x618: {  	[tilespmem:s13+$0xFFFFFFE0] =	vst v6;
	v5 =	vld.idx.msk [tilespmem:v62+s14+$0x0], $0xffff  }
0x619: {  	v46 =	vadd.s32 $0x200, v16;
	[tilespmem:s0+$0xFFFFFFE0] =	vst v2;
	v62 =	vld.idx.msk [tilespmem:v13+s14+$0x0], $0xffff  }
0x61a: {  	v3 =	vld.idx.msk [tilespmem:v50+s14+$0x0], $0xffff;
	v50 =	vadd.s32 $0x200, v36  }
0x61b: {  	v13 =	vadd.s32 $0x200, v45  }
0x61c: {  	v49 =	vadd.s32 $0x200, v32  }
0x61d: {  	[tilespmem:s31+$0xFFFFFFF0] =	vst v1  }
0x61e: {  	v1 =	vld.idx.msk [tilespmem:v46+s14+$0x0], $0xffff;
	[tilespmem:s1+$0xFFFFFFF0] =	vst v5  }
0x61f: {  	v46 =	vadd.s32 $0x200, v28;
	[tilespmem:s13+$0xFFFFFFF0] =	vst v62;
	v5 =	vld.idx.msk [tilespmem:v50+s14+$0x0], $0xffff  }
0x620: {  	[tilespmem:s0+$0xFFFFFFF0] =	vst v3;
	v50 =	vadd.s32 $0x200, v37;
	v7 =	vld.idx.msk [tilespmem:v13+s14+$0x0], $0xffff  }
0x621: {  	v62 =	vadd.s32 $0x200, v61;
	v3 =	vld.idx.msk [tilespmem:v49+s14+$0x0], $0xffff  }
0x622: {  	v49 =	vadd.s32 $0x200, v0  }
0x623: {  	[tilespmem:s31+$0x0] =	vst v1  }
0x624: {  	v1 =	vld.idx.msk [tilespmem:v46+s14+$0x0], $0xffff;
	[tilespmem:s1+$0x0] =	vst v5  }
0x625: {  	[tilespmem:s13+$0x0] =	vst v7;
	v5 =	vld.idx.msk [tilespmem:v50+s14+$0x0], $0xffff  }
0x626: {  	v13 =	vadd.s32 $0x200, v27;
	[tilespmem:s0+$0x0] =	vst v3;
	v7 =	vld.idx.msk [tilespmem:v62+s14+$0x0], $0xffff  }
0x627: {  	v3 =	vld.idx.msk [tilespmem:v49+s14+$0x0], $0xffff;
	v49 =	vadd.s32 $0x200, v47  }
0x628: {  	v50 =	vadd.s32 $0x200, v17  }
0x629: {  	v46 =	vadd.s32 $0x200, v38  }
0x62a: {  	[tilespmem:s31+$0x10] =	vst v1  }
0x62b: {  	v1 =	vld.idx.msk [tilespmem:v13+s14+$0x0], $0xffff;
	[tilespmem:s1+$0x10] =	vst v5  }
0x62c: {  	[tilespmem:s13+$0x10] =	vst v7;
	v5 =	vld.idx.msk [tilespmem:v49+s14+$0x0], $0xffff  }
0x62d: {  	v62 =	vadd.s32 $0x200, v21;
	[tilespmem:s0+$0x10] =	vst v3;
	v7 =	vld.idx.msk [tilespmem:v50+s14+$0x0], $0xffff  }
0x62e: {  	v3 =	vld.idx.msk [tilespmem:v46+s14+$0x0], $0xffff;
	v46 =	vadd.s32 $0x200, v56  }
0x62f: {  	v49 =	vadd.s32 $0x200, v48  }
0x630: {  	v13 =	vadd.s32 $0x200, v39  }
0x631: {  	[tilespmem:s31+$0x20] =	vst v1  }
0x632: {  	v1 =	vld.idx.msk [tilespmem:v62+s14+$0x0], $0xffff;
	[tilespmem:s1+$0x20] =	vst v5  }
0x633: {  	[tilespmem:s13+$0x20] =	vst v7;
	v5 =	vld.idx.msk [tilespmem:v46+s14+$0x0], $0xffff  }
0x634: {  	v50 =	vadd.s32 $0x200, v29;
	[tilespmem:s0+$0x20] =	vst v3;
	v7 =	vld.idx.msk [tilespmem:v49+s14+$0x0], $0xffff  }
0x635: {  	v3 =	vld.idx.msk [tilespmem:v13+s14+$0x0], $0xffff;
	v13 =	vadd.s32 $0x200, v57  }
0x636: {  	v46 =	vadd.s32 $0x200, v23  }
0x637: {  	v62 =	vadd.s32 $0x200, v19  }
0x638: {  	[tilespmem:s31+$0x30] =	vst v1  }
0x639: {  	v1 =	vld.idx.msk [tilespmem:v50+s14+$0x0], $0xffff;
	[tilespmem:s1+$0x30] =	vst v5  }
0x63a: {  	[tilespmem:s13+$0x30] =	vst v7;
	v5 =	vld.idx.msk [tilespmem:v13+s14+$0x0], $0xffff  }
0x63b: {  	v49 =	vadd.s32 $0x200, v24;
	[tilespmem:s0+$0x30] =	vst v3;
	v7 =	vld.idx.msk [tilespmem:v46+s14+$0x0], $0xffff  }
0x63c: {  	v3 =	vld.idx.msk [tilespmem:v62+s14+$0x0], $0xffff;
	v62 =	vadd.s32 $0x200, v55  }
0x63d: {  	v13 =	vadd.s32 $0x200, v58  }
0x63e: {  	v50 =	vadd.s32 $0x200, v10  }
0x63f: {  	[tilespmem:s31+$0x40] =	vst v1  }
0x640: {  	v1 =	vld.idx.msk [tilespmem:v49+s14+$0x0], $0xffff;
	[tilespmem:s1+$0x40] =	vst v5  }
0x641: {  	[tilespmem:s13+$0x40] =	vst v7;
	v5 =	vld.idx.msk [tilespmem:v62+s14+$0x0], $0xffff  }
0x642: {  	v46 =	vadd.s32 $0x200, v18;
	[tilespmem:s0+$0x40] =	vst v3;
	v7 =	vld.idx.msk [tilespmem:v13+s14+$0x0], $0xffff  }
0x643: {  	v3 =	vld.idx.msk [tilespmem:v50+s14+$0x0], $0xffff;
	v50 =	vadd.s32 $0x200, v40  }
0x644: {  	v62 =	vadd.s32 $0x200, v41  }
0x645: {  	v49 =	vadd.s32 $0x200, v35  }
0x646: {  	[tilespmem:s31+$0x50] =	vst v1  }
0x647: {  	v1 =	vld.idx.msk [tilespmem:v46+s14+$0x0], $0xffff;
	[tilespmem:s1+$0x50] =	vst v5  }
0x648: {  	[tilespmem:s13+$0x50] =	vst v7;
	v5 =	vld.idx.msk [tilespmem:v50+s14+$0x0], $0xffff  }
0x649: {  	v13 =	vadd.s32 $0x200, v31;
	[tilespmem:s0+$0x50] =	vst v3;
	v7 =	vld.idx.msk [tilespmem:v62+s14+$0x0], $0xffff  }
0x64a: {  	v3 =	vld.idx.msk [tilespmem:v49+s14+$0x0], $0xffff;
	v49 =	vadd.s32 $0x200, v43  }
0x64b: {  	v50 =	vadd.s32 $0x200, v51  }
0x64c: {  	v52 =	vmov v34;
	[tilespmem:s29+$0x70] =	vst v63  }
0x64d: {  	v44 =	vld.idx.msk [tilespmem:v44+s14+$0x0], $0xffff;
	v46 =	vadd.s32 $0x200, v52;
	[tilespmem:s31+$0x60] =	vst v1  }
0x64e: {  	v1 =	vld.idx.msk [tilespmem:v13+s14+$0x0], $0xffff;
	[tilespmem:s1+$0x60] =	vst v5  }
0x64f: {  	v62 =	vadd.s32 $0x280, v16;
	[tilespmem:s13+$0x60] =	vst v7;
	v5 =	vld.idx.msk [tilespmem:v49+s14+$0x0], $0xffff  }
0x650: {  	v7 =	vld.idx.msk [tilespmem:v50+s14+$0x0], $0xffff;
	v50 =	vadd.s32 $0x280, v20  }
0x651: {  	v34 =	vmov v16;
	v16 =	vadd.s32 $0x280, v36;
	[tilespmem:s0+$0x60] =	vst v3  }
0x652: {  	v49 =	vadd.s32 $0x280, v45;
	v3 =	vld.idx.msk [tilespmem:v46+s14+$0x0], $0xffff  }
0x653: {  	v13 =	vadd.s32 $0x280, v32;
	[tilespmem:s31+$0x70] =	vst v1  }
0x654: {  	[tilespmem:s29+$0x80] =	vst v44;
	v2 =	vld.idx.msk [tilespmem:v62+s14+$0x0], $0xffff  }
0x655: {  	[tilespmem:s1+$0x70] =	vst v5;
	v1 =	vld.idx.msk [tilespmem:v50+s14+$0x0], $0xffff  }
0x656: {  	v62 =	vadd.s32 $0x280, v28;
	[tilespmem:s13+$0x70] =	vst v7;
	v6 =	vld.idx.msk [tilespmem:v16+s14+$0x0], $0xffff  }
0x657: {  	[tilespmem:s0+$0x70] =	vst v3;
	v42 =	vld.idx.msk [tilespmem:v49+s14+$0x0], $0xffff;
	v49 =	vadd.s32 $0x280, v26  }
0x658: {  	v4 =	vld.idx.msk [tilespmem:v13+s14+$0x0], $0xffff;
	v13 =	vadd.s32 $0x280, v37  }
0x659: {  	v16 =	vadd.s32 $0x280, v61  }
0x65a: {  	v63 =	vadd.s32 $0x280, v0;
	[tilespmem:s31+$0x80] =	vst v2  }
0x65b: {  	v3 =	vld.idx.msk [tilespmem:v62+s14+$0x0], $0xffff;
	[tilespmem:s29+$0x90] =	vst v1  }
0x65c: {  	[tilespmem:s1+$0x80] =	vst v6;
	v2 =	vld.idx.msk [tilespmem:v49+s14+$0x0], $0xffff  }
0x65d: {  	v50 =	vadd.s32 $0x280, v27;
	[tilespmem:s13+$0x80] =	vst v42;
	v7 =	vld.idx.msk [tilespmem:v13+s14+$0x0], $0xffff  }
0x65e: {  	[tilespmem:s0+$0x80] =	vst v4;
	v44 =	vld.idx.msk [tilespmem:v16+s14+$0x0], $0xffff;
	v16 =	vadd.s32 $0x280, v22  }
0x65f: {  	v5 =	vld.idx.msk [tilespmem:v63+s14+$0x0], $0xffff;
	v63 =	vadd.s32 $0x280, v47  }
0x660: {  	v13 =	vadd.s32 $0x280, v17  }
0x661: {  	v62 =	vadd.s32 $0x280, v38;
	[tilespmem:s31+$0x90] =	vst v3  }
0x662: {  	v4 =	vld.idx.msk [tilespmem:v50+s14+$0x0], $0xffff;
	[tilespmem:s29+$0xA0] =	vst v2  }
0x663: {  	v49 =	vadd.s32 $0x280, v21;
	[tilespmem:s1+$0x90] =	vst v7;
	v3 =	vld.idx.msk [tilespmem:v16+s14+$0x0], $0xffff  }
0x664: {  	[tilespmem:s13+$0x90] =	vst v44;
	v42 =	vld.idx.msk [tilespmem:v63+s14+$0x0], $0xffff  }
0x665: {  	[tilespmem:s0+$0x90] =	vst v5;
	v1 =	vld.idx.msk [tilespmem:v13+s14+$0x0], $0xffff;
	v13 =	vadd.s32 $0x280, v25  }
0x666: {  	v6 =	vld.idx.msk [tilespmem:v62+s14+$0x0], $0xffff;
	v62 =	vadd.s32 $0x280, v56  }
0x667: {  	[tilespmem:s31+$0xA0] =	vst v4;
	v63 =	vadd.s32 $0x280, v48  }
0x668: {  	v50 =	vadd.s32 $0x280, v39;
	v5 =	vld.idx.msk [tilespmem:v49+s14+$0x0], $0xffff  }
0x669: {  	v16 =	vadd.s32 $0x280, v29;
	[tilespmem:s29+$0xB0] =	vst v3  }
0x66a: {  	[tilespmem:s1+$0xA0] =	vst v42;
	v4 =	vld.idx.msk [tilespmem:v13+s14+$0x0], $0xffff  }
0x66b: {  	[tilespmem:s13+$0xA0] =	vst v1;
	v44 =	vld.idx.msk [tilespmem:v62+s14+$0x0], $0xffff  }
0x66c: {  	[tilespmem:s0+$0xA0] =	vst v6;
	v2 =	vld.idx.msk [tilespmem:v63+s14+$0x0], $0xffff;
	v63 =	vadd.s32 $0x280, v33  }
0x66d: {  	[tilespmem:s31+$0xB0] =	vst v5;
	v7 =	vld.idx.msk [tilespmem:v50+s14+$0x0], $0xffff;
	v50 =	vadd.s32 $0x280, v57  }
0x66e: {  	v62 =	vadd.s32 $0x280, v23;
	v6 =	vld.idx.msk [tilespmem:v16+s14+$0x0], $0xffff  }
0x66f: {  	v13 =	vadd.s32 $0x280, v24  }
0x670: {  	v49 =	vadd.s32 $0x280, v19;
	[tilespmem:s29+$0xC0] =	vst v4  }
0x671: {  	[tilespmem:s1+$0xB0] =	vst v44;
	v5 =	vld.idx.msk [tilespmem:v63+s14+$0x0], $0xffff  }
0x672: {  	[tilespmem:s13+$0xB0] =	vst v2;
	v63 =	vadd.s32 $0x280, v9;
	v1 =	vld.idx.msk [tilespmem:v50+s14+$0x0], $0xffff  }
0x673: {  	[tilespmem:s31+$0xC0] =	vst v6;
	v50 =	vadd.s32 $0x280, v55;
	v3 =	vld.idx.msk [tilespmem:v62+s14+$0x0], $0xffff  }
0x674: {  	[tilespmem:s0+$0xB0] =	vst v7;
	v62 =	vadd.s32 $0x280, v58;
	v7 =	vld.idx.msk [tilespmem:v13+s14+$0x0], $0xffff  }
0x675: {  	v13 =	vadd.s32 $0x280, v18;
	v42 =	vld.idx.msk [tilespmem:v49+s14+$0x0], $0xffff  }
0x676: {  	v49 =	vadd.s32 $0x280, v10;
	[tilespmem:s29+$0xD0] =	vst v5  }
0x677: {  	[tilespmem:s1+$0xC0] =	vst v1;
	v6 =	vld.idx.msk [tilespmem:v63+s14+$0x0], $0xffff  }
0x678: {  	[tilespmem:s13+$0xC0] =	vst v3;
	v2 =	vld.idx.msk [tilespmem:v50+s14+$0x0], $0xffff  }
0x679: {  	[tilespmem:s31+$0xD0] =	vst v7;
	v4 =	vld.idx.msk [tilespmem:v62+s14+$0x0], $0xffff  }
0x67a: {  	v7 =	vadd.s32 $0x280, v15;
	[tilespmem:s0+$0xC0] =	vst v42;
	v42 =	vld.idx.msk [tilespmem:v13+s14+$0x0], $0xffff  }
0x67b: {  	v44 =	vld.idx.msk [tilespmem:v49+s14+$0x0], $0xffff;
	v49 =	vadd.s32 $0x280, v40  }
0x67c: {  	[tilespmem:s30+$0x1C0] =	vst v53;
	v50 =	vadd.s32 $0x280, v41  }
0x67d: {  	[tilespmem:s29+$0xE0] =	vst v6  }
0x67e: {  	v46 =	vadd.s32 $0x280, v35;
	[tilespmem:s1+$0xD0] =	vst v2  }
0x67f: {  	[tilespmem:s13+$0xD0] =	vst v4;
	v7 =	vld.idx.msk [tilespmem:v7+s14+$0x0], $0xffff  }
0x680: {  	v62 =	vadd.s32 $0x280, v31;
	[tilespmem:s31+$0xE0] =	vst v42;
	v3 =	vld.idx.msk [tilespmem:v49+s14+$0x0], $0xffff  }
0x681: {  	[tilespmem:s0+$0xD0] =	vst v44;
	v5 =	vld.idx.msk [tilespmem:v50+s14+$0x0], $0xffff  }
0x682: {  	v63 =	vadd.s32 $0x280, v43;
	v53 =	vld [tilespmem:$0x1FD50]  }
0x683: {  	v50 =	vadd.s32 $0x280, v51;
	v1 =	vld.idx.msk [tilespmem:v46+s14+$0x0], $0xffff  }
0x684: {  	v46 =	vld.idx.msk [tilespmem:v54+s14+$0x0], $0xffff;
	v54 =	vadd.s32 $0x300, v14  }
0x685: {  	v4 =	vadd.s32 $0x280, v52;
	v2 =	vld.idx.msk [tilespmem:v62+s14+$0x0], $0xffff  }
0x686: {  	v62 =	vadd.s32 $0x300, v34;
	[tilespmem:s1+$0xE0] =	vst v3  }
0x687: {  	[tilespmem:s13+$0xE0] =	vst v5;
	v13 =	vadd.s32 $0x380, v53;
	v63 =	vld.idx.msk [tilespmem:v63+s14+$0x0], $0xffff  }
0x688: {  	[tilespmem:s29+$0xF0] =	vst v7;
	v6 =	vld.idx.msk [tilespmem:v50+s14+$0x0], $0xffff;
	v53 =	vadd.s32 $0x300, v12  }
0x689: {  	v49 =	vadd.s32 $0x300, v36;
	[tilespmem:s0+$0xE0] =	vst v1;
	v1 =	vld.idx.msk [tilespmem:v54+s14+$0x0], $0xffff  }
0x68a: {  	[tilespmem:s31+$0xF0] =	vst v2;
	v50 =	vadd.s32 $0x300, v45;
	v4 =	vld.idx.msk [tilespmem:v4+s14+$0x0], $0xffff  }
0x68b: {  	v5 =	vadd.s32 $0x300, v32;
	[tilespmem:s28+$0x120] =	vst v46;
	v3 =	vld.idx.msk [tilespmem:v62+s14+$0x0], $0xffff  }
0x68c: {  	v54 =	vadd.s32 $0x300, v20;
	v13 =	vld.idx.msk [tilespmem:v13+s14+$0x0], $0xffff;
	[tilespmem:s1+$0xF0] =	vst v63  }
0x68d: {  	[tilespmem:s13+$0xF0] =	vst v6;
	v2 =	vld.idx.msk [tilespmem:v53+s14+$0x0], $0xffff  }
0x68e: {  	v62 =	vadd.s32 $0x300, v28;
	[tilespmem:s29+$0x100] =	vst v1;
	v44 =	vld.idx.msk [tilespmem:v49+s14+$0x0], $0xffff  }
0x68f: {  	[tilespmem:s0+$0xF0] =	vst v4;
	v7 =	vld.idx.msk [tilespmem:v50+s14+$0x0], $0xffff  }
0x690: {  	v46 =	vadd.s32 $0x300, v37;
	[tilespmem:s31+$0x100] =	vst v3;
	v5 =	vld.idx.msk [tilespmem:v5+s14+$0x0], $0xffff  }
0x691: {  	v53 =	vadd.s32 $0x300, v61;
	v4 =	vld.idx.msk [tilespmem:v54+s14+$0x0], $0xffff;
	[tilespmem:s30+$0x1D0] =	vst v13  }
0x692: {  	v63 =	vadd.s32 $0x300, v0;
	v3 =	vld [tilespmem:$0x1FD60]  }
0x693: {  	v54 =	vld.idx.msk [tilespmem:v62+s14+$0x0], $0xffff;
	[tilespmem:s1+$0x100] =	vst v44  }
0x694: {  	v42 =	vadd.s32 $0x300, v27;
	[tilespmem:s13+$0x100] =	vst v7  }
0x695: {  	[tilespmem:s0+$0x100] =	vst v5;
	v5 =	vadd.s32 $0x300, v26;
	v13 =	vld.idx.msk [tilespmem:v46+s14+$0x0], $0xffff  }
0x696: {  	v1 =	vld.idx.msk [tilespmem:v53+s14+$0x0], $0xffff;
	v53 =	vadd.s32 $0x300, v11  }
0x697: {  	v6 =	vld.idx.msk [tilespmem:v63+s14+$0x0], $0xffff;
	v3 =	vadd.s32 $0x380, v3  }
0x698: {  	v62 =	vadd.s32 $0x300, v38;
	[tilespmem:s31+$0x110] =	vst v54  }
0x699: {  	[tilespmem:s29+$0x110] =	vst v4;
	v42 =	vld.idx.msk [tilespmem:v42+s14+$0x0], $0xffff;
	v63 =	vadd.s32 $0x300, v47  }
0x69a: {  	v16 =	vmov v21;
	v50 =	vadd.s32 $0x300, v17;
	[tilespmem:s28+$0x130] =	vst v2;
	v5 =	vld.idx.msk [tilespmem:v5+s14+$0x0], $0xffff  }
0x69b: {  	[tilespmem:s1+$0x110] =	vst v13;
	v13 =	vadd.s32 $0x300, v16;
	v44 =	vld.idx.msk [tilespmem:v53+s14+$0x0], $0xffff  }
0x69c: {  	v54 =	vadd.s32 $0x300, v22;
	[tilespmem:s0+$0x110] =	vst v6;
	v3 =	vld.idx.msk [tilespmem:v3+s14+$0x0], $0xffff  }
0x69d: {  	v7 =	vld.idx.msk [tilespmem:v62+s14+$0x0], $0xffff  }
0x69e: {  	[tilespmem:s13+$0x110] =	vst v1;
	v2 =	vld.idx.msk [tilespmem:v63+s14+$0x0], $0xffff  }
0x69f: {  	[tilespmem:s31+$0x120] =	vst v42;
	v4 =	vld.idx.msk [tilespmem:v50+s14+$0x0], $0xffff  }
0x6a0: {  	v62 =	vadd.s32 $0x300, v39;
	[tilespmem:s29+$0x120] =	vst v5;
	v13 =	vld.idx.msk [tilespmem:v13+s14+$0x0], $0xffff  }
0x6a1: {  	v63 =	vadd.s32 $0x300, v56;
	v6 =	vld.idx.msk [tilespmem:v54+s14+$0x0], $0xffff;
	[tilespmem:s30+$0x1E0] =	vst v3  }
0x6a2: {  	v49 =	vadd.s32 $0x300, v48;
	v50 =	vld [tilespmem:$0x1FD70];
	[tilespmem:s0+$0x120] =	vst v7  }
0x6a3: {  	[tilespmem:s1+$0x120] =	vst v2  }
0x6a4: {  	[tilespmem:s13+$0x120] =	vst v4  }
0x6a5: {  	v54 =	vadd.s32 $0x300, v25;
	[tilespmem:s28+$0x140] =	vst v44;
	v1 =	vld.idx.msk [tilespmem:v62+s14+$0x0], $0xffff  }
0x6a6: {  	v60 =	vmov v35;
	v35 =	vmov v19;
	v2 =	vadd.s32 $0x300, v29;
	[tilespmem:s31+$0x130] =	vst v13;
	v3 =	vld.idx.msk [tilespmem:v63+s14+$0x0], $0xffff  }
0x6a7: {  	v62 =	vadd.s32 $0x300, v35;
	v5 =	vld.idx.msk [tilespmem:v49+s14+$0x0], $0xffff;
	[tilespmem:s29+$0x130] =	vst v6  }
0x6a8: {  	v49 =	vld [tilespmem:$0x1FD80];
	v53 =	vadd.s32 $0x380, v50  }
0x6a9: {  	v63 =	vadd.s32 $0x300, v57  }
0x6aa: {  	v46 =	vadd.s32 $0x300, v23;
	v7 =	vld.idx.msk [tilespmem:v54+s14+$0x0], $0xffff  }
0x6ab: {  	v54 =	vadd.s32 $0x300, v33;
	v2 =	vld.idx.msk [tilespmem:v2+s14+$0x0], $0xffff;
	[tilespmem:s0+$0x130] =	vst v1  }
0x6ac: {  	[tilespmem:s1+$0x130] =	vst v3;
	v3 =	vadd.s32 $0x300, v24;
	v4 =	vld.idx.msk [tilespmem:v62+s14+$0x0], $0xffff  }
0x6ad: {  	v42 =	vld.idx.msk [tilespmem:v53+s14+$0x0], $0xffff;
	v53 =	vadd.s32 $0x300, v49  }
0x6ae: {  	[tilespmem:s13+$0x130] =	vst v5;
	v62 =	vld.idx.msk [tilespmem:v63+s14+$0x0], $0xffff  }
0x6af: {  	v6 =	vld.idx.msk [tilespmem:v46+s14+$0x0], $0xffff;
	[tilespmem:s29+$0x140] =	vst v7  }
0x6b0: {  	v1 =	vld.idx.msk [tilespmem:v54+s14+$0x0], $0xffff;
	[tilespmem:s31+$0x140] =	vst v2  }
0x6b1: {  	v3 =	vld.idx.msk [tilespmem:v3+s14+$0x0], $0xffff  }
0x6b2: {  	[tilespmem:s30+$0x1F0] =	vst v42;
	v13 =	vld.idx.msk [tilespmem:v53+s14+$0x0], $0xffff  }
0x6b3: {  	v5 =	vadd.s32 $0x300, v10;
	v44 =	vld [tilespmem:$0x1FDB0];
	[tilespmem:s0+$0x140] =	vst v4  }
0x6b4: {  	[tilespmem:s1+$0x140] =	vst v62  }
0x6b5: {  	v63 =	vadd.s32 $0x300, v55;
	[tilespmem:s13+$0x140] =	vst v6  }
0x6b6: {  	v50 =	vadd.s32 $0x300, v58;
	[tilespmem:s29+$0x150] =	vst v1  }
0x6b7: {  	v54 =	vadd.s32 $0x300, v9;
	[tilespmem:s31+$0x150] =	vst v3  }
0x6b8: {  	v5 =	vld.idx.msk [tilespmem:v5+s14+$0x0], $0xffff;
	[tilespmem:s28+$0x150] =	vst v13;
	v53 =	vadd.s32 $0x300, v44  }
0x6b9: {  	v62 =	vadd.s32 $0x300, v18;
	v42 =	vld [tilespmem:$0x1FDE0]  }
0x6ba: {  	v63 =	vld.idx.msk [tilespmem:v63+s14+$0x0], $0xffff  }
0x6bb: {  	v6 =	vadd.s32 $0x300, v60;
	v7 =	vld.idx.msk [tilespmem:v50+s14+$0x0], $0xffff  }
0x6bc: {  	v46 =	vadd.s32 $0x300, v40;
	v4 =	vld.idx.msk [tilespmem:v54+s14+$0x0], $0xffff  }
0x6bd: {  	v50 =	vadd.s32 $0x300, v41;
	v2 =	vld.idx.msk [tilespmem:v53+s14+$0x0], $0xffff  }
0x6be: {  	v59 =	vmov v10;
	v10 =	vld.idx.msk [tilespmem:v62+s14+$0x0], $0xffff;
	[tilespmem:s0+$0x150] =	vst v5;
	v53 =	vadd.s32 $0x300, v42  }
0x6bf: {  	v19 =	vmov v15;
	[tilespmem:s1+$0x150] =	vst v63  }
0x6c0: {  	v54 =	vadd.s32 $0x300, v19;
	[tilespmem:s13+$0x150] =	vst v7;
	v6 =	vld.idx.msk [tilespmem:v6+s14+$0x0], $0xffff  }
0x6c1: {  	v62 =	vadd.s32 $0x300, v31;
	[tilespmem:s29+$0x160] =	vst v4;
	v13 =	vld.idx.msk [tilespmem:v46+s14+$0x0], $0xffff  }
0x6c2: {  	v1 =	vld.idx.msk [tilespmem:v50+s14+$0x0], $0xffff;
	[tilespmem:s28+$0x160] =	vst v2  }
0x6c3: {  	v63 =	vadd.s32 $0x300, v52;
	[tilespmem:s31+$0x160] =	vst v10;
	v3 =	vld.idx.msk [tilespmem:v53+s14+$0x0], $0xffff  }
0x6c4: {  	v46 =	vadd.s32 $0x300, v43;
	v53 =	vld [tilespmem:$0x1FE10]  }
0x6c5: {  	v50 =	vadd.s32 $0x300, v51;
	v5 =	vld.idx.msk [tilespmem:v54+s14+$0x0], $0xffff  }
0x6c6: {  	v21 =	vmov v9;
	v54 =	vadd.s32 $0x380, v14;
	v9 =	vld.idx.msk [tilespmem:v62+s14+$0x0], $0xffff  }
0x6c7: {  	v62 =	vadd.s32 $0x380, v34;
	[tilespmem:s0+$0x160] =	vst v6  }
0x6c8: {  	[tilespmem:s1+$0x160] =	vst v13;
	v7 =	vld.idx.msk [tilespmem:v63+s14+$0x0], $0xffff  }
0x6c9: {  	[tilespmem:s13+$0x160] =	vst v1;
	v2 =	vld.idx.msk [tilespmem:v46+s14+$0x0], $0xffff;
	v8 =	vadd.s32 $0x380, v53  }
0x6ca: {  	[tilespmem:s29+$0x170] =	vst v5;
	v4 =	vld.idx.msk [tilespmem:v50+s14+$0x0], $0xffff  }
0x6cb: {  	[tilespmem:s31+$0x170] =	vst v9;
	v63 =	vadd.s32 $0x380, v32;
	v6 =	vld.idx.msk [tilespmem:v54+s14+$0x0], $0xffff  }
0x6cc: {  	v13 =	vadd.s32 $0x380, v36;
	v10 =	vld.idx.msk [tilespmem:v62+s14+$0x0], $0xffff;
	[tilespmem:s28+$0x170] =	vst v3  }
0x6cd: {  	v32 =	vadd.s32 $0x380, v20;
	v9 =	vld [tilespmem:$0x1FE30]  }
0x6ce: {  	v15 =	vadd.s32 $0x380, v45;
	[tilespmem:s0+$0x170] =	vst v7;
	v14 =	vld.idx.msk [tilespmem:v8+s14+$0x0], $0xffff  }
0x6cf: {  	[tilespmem:s1+$0x170] =	vst v2  }
0x6d0: {  	v34 =	vadd.s32 $0x380, v28;
	[tilespmem:s13+$0x170] =	vst v4;
	v1 =	vld.idx.msk [tilespmem:v63+s14+$0x0], $0xffff  }
0x6d1: {  	v36 =	vadd.s32 $0x380, v0;
	[tilespmem:s29+$0x180] =	vst v6;
	v3 =	vld.idx.msk [tilespmem:v13+s14+$0x0], $0xffff  }
0x6d2: {  	v37 =	vadd.s32 $0x380, v37;
	[tilespmem:s31+$0x180] =	vst v10;
	v7 =	vld.idx.msk [tilespmem:v32+s14+$0x0], $0xffff  }
0x6d3: {  	v8 =	vld.idx.msk [tilespmem:v15+s14+$0x0], $0xffff;
	v9 =	vadd.s32 $0x380, v9;
	[tilespmem:s28+$0x180] =	vst v14  }
0x6d4: {  	v46 =	vadd.s32 $0x380, v61;
	v10 =	vld [tilespmem:$0x1FE70]  }
0x6d5: {  	v50 =	vadd.s32 $0x380, v26;
	v2 =	vld.idx.msk [tilespmem:v34+s14+$0x0], $0xffff;
	[tilespmem:s0+$0x180] =	vst v1  }
0x6d6: {  	v53 =	vadd.s32 $0x380, v27;
	[tilespmem:s1+$0x180] =	vst v3;
	v4 =	vld.idx.msk [tilespmem:v36+s14+$0x0], $0xffff  }
0x6d7: {  	v54 =	vadd.s32 $0x380, v38;
	v5 =	vld.idx.msk [tilespmem:v37+s14+$0x0], $0xffff  }
0x6d8: {  	v61 =	vadd.s32 $0x380, v47;
	v45 =	vld.idx.msk [tilespmem:v9+s14+$0x0], $0xffff;
	[tilespmem:s13+$0x180] =	vst v8  }
0x6d9: {  	[tilespmem:s29+$0x190] =	vst v7;
	v9 =	vld.idx.msk [tilespmem:v46+s14+$0x0], $0xffff;
	v10 =	vadd.s32 $0x380, v10  }
0x6da: {  	v63 =	vadd.s32 $0x380, v17;
	[tilespmem:s31+$0x190] =	vst v2;
	v1 =	vld.idx.msk [tilespmem:v50+s14+$0x0], $0xffff  }
0x6db: {  	v13 =	vadd.s32 $0x380, v22;
	v3 =	vld.idx.msk [tilespmem:v53+s14+$0x0], $0xffff;
	[tilespmem:s0+$0x190] =	vst v4  }
0x6dc: {  	v14 =	vadd.s32 $0x380, v16;
	[tilespmem:s1+$0x190] =	vst v5;
	v8 =	vld.idx.msk [tilespmem:v54+s14+$0x0], $0xffff  }
0x6dd: {  	v15 =	vadd.s32 $0x380, v39;
	[tilespmem:s28+$0x190] =	vst v45;
	v6 =	vld.idx.msk [tilespmem:v61+s14+$0x0], $0xffff  }
0x6de: {  	v16 =	vadd.s32 $0x380, v56;
	[tilespmem:s13+$0x190] =	vst v9;
	v62 =	vld.idx.msk [tilespmem:v10+s14+$0x0], $0xffff  }
0x6df: {  	v12 =	vadd.s32 $0x380, v12;
	[tilespmem:s29+$0x1A0] =	vst v1;
	v10 =	vld.idx.msk [tilespmem:v63+s14+$0x0], $0xffff  }
0x6e0: {  	v20 =	vadd.s32 $0x380, v48;
	[tilespmem:s31+$0x1A0] =	vst v3;
	v4 =	vld.idx.msk [tilespmem:v13+s14+$0x0], $0xffff  }
0x6e1: {  	v26 =	vadd.s32 $0x380, v25;
	v5 =	vld.idx.msk [tilespmem:v14+s14+$0x0], $0xffff;
	[tilespmem:s0+$0x1A0] =	vst v8  }
0x6e2: {  	v27 =	vadd.s32 $0x380, v29;
	[tilespmem:s1+$0x1A0] =	vst v6;
	v9 =	vld.idx.msk [tilespmem:v15+s14+$0x0], $0xffff  }
0x6e3: {  	v28 =	vadd.s32 $0x380, v35;
	v7 =	vld.idx.msk [tilespmem:v16+s14+$0x0], $0xffff;
	[tilespmem:s28+$0x1A0] =	vst v62  }
0x6e4: {  	v29 =	vadd.s32 $0x380, v57;
	[tilespmem:s13+$0x1A0] =	vst v10;
	v17 =	vld.idx.msk [tilespmem:v12+s14+$0x0], $0xffff  }
0x6e5: {  	v22 =	vadd.s32 $0x380, v11;
	[tilespmem:s29+$0x1B0] =	vst v4;
	v2 =	vld.idx.msk [tilespmem:v20+s14+$0x0], $0xffff  }
0x6e6: {  	v32 =	vadd.s32 $0x380, v23;
	[tilespmem:s31+$0x1B0] =	vst v5;
	v8 =	vld.idx.msk [tilespmem:v26+s14+$0x0], $0xffff  }
0x6e7: {  	v35 =	vadd.s32 $0x380, v33;
	v6 =	vld.idx.msk [tilespmem:v27+s14+$0x0], $0xffff;
	[tilespmem:s0+$0x1B0] =	vst v9  }
0x6e8: {  	v36 =	vadd.s32 $0x380, v24;
	[tilespmem:s1+$0x1B0] =	vst v7;
	v10 =	vld.idx.msk [tilespmem:v28+s14+$0x0], $0xffff  }
0x6e9: {  	v37 =	vadd.s32 $0x380, v59;
	v1 =	vld.idx.msk [tilespmem:v29+s14+$0x0], $0xffff;
	[tilespmem:s28+$0x1B0] =	vst v17  }
0x6ea: {  	v38 =	vadd.s32 $0x380, v55;
	[tilespmem:s13+$0x1B0] =	vst v2;
	v3 =	vld.idx.msk [tilespmem:v22+s14+$0x0], $0xffff  }
0x6eb: {  	v34 =	vadd.s32 $0x380, v49;
	[tilespmem:s29+$0x1C0] =	vst v8;
	v4 =	vld.idx.msk [tilespmem:v32+s14+$0x0], $0xffff  }
0x6ec: {  	v39 =	vadd.s32 $0x380, v58;
	[tilespmem:s31+$0x1C0] =	vst v6;
	v9 =	vld.idx.msk [tilespmem:v35+s14+$0x0], $0xffff  }
0x6ed: {  	v46 =	vadd.s32 $0x380, v21;
	v7 =	vld.idx.msk [tilespmem:v36+s14+$0x0], $0xffff;
	[tilespmem:s0+$0x1C0] =	vst v10  }
0x6ee: {  	v47 =	vadd.s32 $0x380, v18;
	[tilespmem:s1+$0x1C0] =	vst v1;
	v2 =	vld.idx.msk [tilespmem:v37+s14+$0x0], $0xffff  }
0x6ef: {  	v48 =	vadd.s32 $0x380, v60;
	[tilespmem:s28+$0x1C0] =	vst v3;
	v3 =	vld.idx.msk [tilespmem:v38+s14+$0x0], $0xffff  }
0x6f0: {  	v49 =	vadd.s32 $0x380, v40;
	[tilespmem:s13+$0x1C0] =	vst v4;
	v5 =	vld.idx.msk [tilespmem:v34+s14+$0x0], $0xffff  }
0x6f1: {  	v45 =	vadd.s32 $0x380, v44;
	[tilespmem:s29+$0x1D0] =	vst v9;
	v8 =	vld.idx.msk [tilespmem:v39+s14+$0x0], $0xffff  }
0x6f2: {  	v50 =	vadd.s32 $0x380, v41;
	[tilespmem:s31+$0x1D0] =	vst v7;
	v10 =	vld.idx.msk [tilespmem:v46+s14+$0x0], $0xffff  }
0x6f3: {  	v54 =	vadd.s32 $0x380, v19;
	v1 =	vld.idx.msk [tilespmem:v47+s14+$0x0], $0xffff;
	[tilespmem:s0+$0x1D0] =	vst v2  }
0x6f4: {  	v55 =	vadd.s32 $0x380, v31;
	v4 =	vld.idx.msk [tilespmem:v48+s14+$0x0], $0xffff;
	[tilespmem:s1+$0x1D0] =	vst v3  }
0x6f5: {  	v56 =	vadd.s32 $0x380, v52;
	[tilespmem:s28+$0x1D0] =	vst v5;
	v5 =	vld.idx.msk [tilespmem:v49+s14+$0x0], $0xffff  }
0x6f6: {  	v57 =	vadd.s32 $0x380, v43;
	[tilespmem:s13+$0x1D0] =	vst v8;
	v6 =	vld.idx.msk [tilespmem:v45+s14+$0x0], $0xffff  }
0x6f7: {  	v53 =	vadd.s32 $0x380, v42;
	[tilespmem:s29+$0x1E0] =	vst v10;
	v9 =	vld.idx.msk [tilespmem:v50+s14+$0x0], $0xffff  }
0x6f8: {  	v58 =	vadd.s32 $0x380, v51;
	[tilespmem:s31+$0x1E0] =	vst v1;
	v59 =	vld.idx.msk [tilespmem:v54+s14+$0x0], $0xffff  }
0x6f9: {  	v60 =	vld.idx.msk [tilespmem:v55+s14+$0x0], $0xffff;
	[tilespmem:s0+$0x1E0] =	vst v4  }
0x6fa: {  	v61 =	vld.idx.msk [tilespmem:v56+s14+$0x0], $0xffff;
	[tilespmem:s1+$0x1E0] =	vst v5  }
0x6fb: {  	[tilespmem:s28+$0x1E0] =	vst v6;
	v62 =	vld.idx.msk [tilespmem:v57+s14+$0x0], $0xffff  }
0x6fc: {  	[tilespmem:s13+$0x1E0] =	vst v9;
	v7 =	vld.idx.msk [tilespmem:v53+s14+$0x0], $0xffff  }
0x6fd: {  	[tilespmem:s29+$0x1F0] =	vst v59;
	v63 =	vld.idx.msk [tilespmem:v58+s14+$0x0], $0xffff  }
0x6fe: {  	[tilespmem:s31+$0x1F0] =	vst v60  }
0x6ff: {  	s24 =	sadd.s32 $0x1, s24;
	s31 =	smin.u32 s25, $0xC4;
	[tilespmem:s0+$0x1F0] =	vst v61  }
0x700: {  	p0 =	sne.s32 s24, $0x64;
	s0 =	sshll.u32 s31, $0xE;
	[tilespmem:s1+$0x1F0] =	vst v62  }
.Ltmp2:
0x701: {  	s0 =	sadd.s32 s10, s0;
	[tilespmem:s28+$0x1F0] =	vst v7;
	(pc) =	sbr.rel @p0 .LBB2_2-.Ltmp2, $4  }
0x702: {  	s30 =	sadd.s32 s26, s12;
	s0 =	sshrl.u32 s0, $0x3;
	[tilespmem:s13+$0x1F0] =	vst v63  }
0x703: {  	[hbm4b:s30+s4] =	stream.linear.scatter [tilespmem:s20], [sflag:$0x4], $0x8000, $0x38;
	[tilespmem:$0x14000] =	vst v63  }
0x704: {  	s0 =	sadd.s32 s5, s0  }
0x705: {  	v37 =	vmov v30;
	[tilespmem:s16], [sflag:$0x2] =	stream.linear.gather [hbm4b:s0+s4], $0x1000, $0x38;
	[tilespmem:$0x14000] =	vst v63  }
0x706: {  	_ =	swait.ge [sflag:s17], $0x1000  }
0x707: {  	[sflag:s17] =	ssyncset.done $0x0  }
0x708: {  	[sflag:s17] =	ssyncadd.s32 $0xFFFFF000  }
0x709: {  	_ =	swait.ge [sflag:s21], $0x8000  }
0x70a: {  	[sflag:s21] =	ssyncset.done $0x0  }
0x70b: {  	[sflag:s21] =	ssyncadd.s32 $0xFFFF8000  }
0x70c: {  	_ =	swait.ge [sflag:s19], $0x1000  }
0x70d: {  	[sflag:s19] =	ssyncset.done $0x0  }
0x70e: {  	[sflag:s19] =	ssyncadd.s32 $0xFFFFF000  }
0x70f: {  	_ =	swait.ge [sflag:s22], $0x8000  }
0x710: {  	s23 =	sadd.s32 $0x1, s23;
	s0 =	rddreg [dreg:$0x5]  }
0x711: {  	p0 =	sne.s32 s23, s0  }
.Ltmp3:
0x712: {  	_ = 	snop;
	(pc) =	sbr.rel @p0 .LBB2_1-.Ltmp3, $3  }
0x713: {  	_ =	sdelay $0x1  }
0x714: {  	[sflag:s22] =	ssyncset.done $0x0  }
0x715: {  	[sflag:s22] =	ssyncadd.s32 $0xFFFF8000  }
0x716: {  	_ =	sfence.sel $0x180000  }
0x717: {  	[bflag:$0x0] =	sbarrier.arrive $0xFFFF  }
0x718: {  	_ =	strace $0x90000047  }
0x719: {  	s0 =	stileid.u32;
	[bflag:$0x2] =	sbarrier.arrive $0xFFFF  }
0x71a: {  	p0 =	sne.s32 s0, $0x0;
	s0 =	rddreg [dreg:$0x3]  }
0x71b: {  	s0 =	sadd.s32 @!p0 $0x100000, s0  }
0x71c: {  	[sflag:s0] =	ssyncadd.tile.s32 @!p0 $0x1;
	_ =	shalt  }
.Lfunc_end2:
_tile_overlayer_lowered:
.L_overlay_start_2:
0x71d: {  	(tag) =	ssettag $0x2  }
0x71e: {  	s0 =	rddreg [dreg:$0x0];
	s2 =	stileid.u32  }
0x71f: {  	s1 =	rddreg [dreg:$0x1];
	p0 =	sne.s32 s2, $0x0  }
0x720: {  	s3 =	rddreg [dreg:$0x2];
	[bflag:$0x3] =	sbarrier.arrive $0xFFFF;
	s2 =	simm.s32 @!p0 $0x1C05  }
0x721: {  	[timem:s3], [sflag:s2] =	dma.local @!p0 [hbm:s0], s1  }
0x722: {  	s0 =	simm.s32 @!p0 $0x5  }
0x723: {  	_ =	swait.ge @!p0 [sflag:s0], s1  }
0x724: {  	s1 =	ssub.s32 @!p0 $0x0, s1;
	[sflag:s0] =	ssyncset.done @!p0 $0x0  }
0x725: {  	[sflag:s0] =	ssyncadd.s32 @!p0 s1  }
0x726: {  	[bflag:$0x3] =	sbarrier.arrive $0xFFFF  }
0x727: {  	_ =	shalt  }

</sc_bundles>
